<compile_context>
chip_gen: v7x
topology: tpu7x:2x2x1
jax: 0.10.2.dev20260603
libtpu: 0.0.44.dev20260713+nightly
codegen_flags: <defaults>
</compile_context>

<pallas_src>
import jax
import jax.numpy as jnp
from jax import lax
from jax.experimental import pallas as pl
from jax.experimental.pallas import tpu as pltpu
from jax.experimental.pallas import tpu_sc as plsc

_MAX_ORIGINAL_ID = 99999
_NUM_ORIGINAL = 100000
_EMBED_DIM = 1024
_N_TOKENS = 4 * 4096

_NUM_WORKERS = 32
_PER_WORKER = _N_TOKENS // _NUM_WORKERS
_CHUNK = 40
_SIZES = [40] * 12 + [32]
_OFFS = [sum(_SIZES[:i]) for i in range(len(_SIZES))]
_NUM_CHUNKS = len(_SIZES)
_NBUF = 3
_AHEAD = 1
_LANES = 16


def _body(ids_hbm, w_hbm, aw_hbm, out_hbm, ids_v, safe_v, *scr):
    rows = scr[0:_NBUF]
    gsems = scr[_NBUF:2 * _NBUF]
    psems = scr[2 * _NBUF:3 * _NBUF]

    nc = 2
    wid = lax.axis_index("s") * nc + lax.axis_index("c")
    wpb = 4096 // _PER_WORKER
    bat = wid // wpb
    sbase = (wid % wpb) * _PER_WORKER

    pltpu.sync_copy(ids_hbm.at[bat, pl.ds(sbase, _PER_WORKER)], ids_v)

    for g in range(_PER_WORKER // _LANES):
        idv = ids_v[pl.ds(g * _LANES, _LANES)]
        safe_v[pl.ds(g * _LANES, _LANES)] = jnp.where(
            idv > _MAX_ORIGINAL_ID, 0, idv)

    def fire_gather(c, b):
        off, size = _OFFS[c], _SIZES[c]
        return pltpu.async_copy(
            w_hbm.at[safe_v.at[pl.ds(off, size)]],
            rows[b].at[pl.ds(0, size)], gsems[b])

    def fixup(c, b):
        off, size = _OFFS[c], _SIZES[c]
        g0 = off // _LANES
        g1 = -(-(off + size) // _LANES)
        cnt = jnp.int32(0)
        for g in range(g0, g1):
            idv = ids_v[pl.ds(g * _LANES, _LANES)]
            cnt += plsc.all_reduce_population_count(
                idv > _MAX_ORIGINAL_ID)[0]

        @pl.when(cnt > 0)
        def _():
            def lane_body(j, carry):
                splat = plsc.load_gather(
                    ids_v, [jnp.full((_LANES,), off + j, jnp.int32)])
                aid = splat[0]

                @pl.when(aid > _MAX_ORIGINAL_ID)
                def _():
                    pltpu.sync_copy(
                        aw_hbm.at[pl.ds(aid - _NUM_ORIGINAL, 1)],
                        rows[b].at[pl.ds(j, 1)])
                return carry

            lax.fori_loop(0, size, lane_body, 0)

    def fire_put(c, b):
        off, size = _OFFS[c], _SIZES[c]
        return pltpu.async_copy(
            rows[b].at[pl.ds(0, size)],
            out_hbm.at[bat, pl.ds(sbase + off, size)], psems[b])

    g_h = [None] * _NUM_CHUNKS
    p_h = [None] * _NUM_CHUNKS
    for k in range(min(_AHEAD, _NUM_CHUNKS)):
        g_h[k] = fire_gather(k, k % _NBUF)
    for c in range(_NUM_CHUNKS):
        b = c % _NBUF
        if c + _AHEAD < _NUM_CHUNKS:
            nb = (c + _AHEAD) % _NBUF
            if c + _AHEAD >= _NBUF:
                p_h[c + _AHEAD - _NBUF].wait()
            g_h[c + _AHEAD] = fire_gather(c + _AHEAD, nb)
        g_h[c].wait()
        fixup(c, b)
        p_h[c] = fire_put(c, b)
    for c in range(max(0, _NUM_CHUNKS - _NBUF + _AHEAD), _NUM_CHUNKS):
        p_h[c].wait()


@jax.jit
def _run(ids, weight, additional_weight):
    mesh = plsc.VectorSubcoreMesh(core_axis_name="c", subcore_axis_name="s")
    scratch = [pltpu.VMEM((_PER_WORKER,), jnp.int32),
               pltpu.VMEM((_PER_WORKER,), jnp.int32)]
    scratch += [pltpu.VMEM((_CHUNK, _EMBED_DIM), jnp.float32)
                for _ in range(_NBUF)]
    scratch += [pltpu.SemaphoreType.DMA for _ in range(2 * _NBUF)]
    return pl.kernel(
        _body,
        out_type=jax.ShapeDtypeStruct((4, 4096, _EMBED_DIM), jnp.float32),
        mesh=mesh,
        compiler_params=pltpu.CompilerParams(needs_layout_passes=False),
        scratch_types=scratch,
    )(ids, weight, additional_weight)


def kernel(input_ids, weight, additional_weight):
    return _run(input_ids, weight, additional_weight)

# --- scband reference (transcript-rebuilt; emitter-appended) ---
"""Pipeline reference for scband-vlm-28759101014379 (READ-ONLY COPY).

The authoritative reference and input builder live on the scoring server;
editing this copy changes nothing except your own understanding.
"""

import jax, jax.numpy as jnp
import numpy as np

MAX_ORIGINAL_ID = 99999
NUM_ORIGINAL = 100000
NUM_ADDITIONAL = 128
EMBED_DIM = 1024
BATCH = 4
SEQ = 4096


def setup_inputs(seed: int = 0) -> dict:
    key = jax.random.key(seed)
    k1, k2, k3 = jax.random.split(key, 3)
    input_ids = jax.random.randint(k1, (BATCH, SEQ), 0, NUM_ORIGINAL + NUM_ADDITIONAL, dtype=jnp.int32)
    weight = jax.random.normal(k2, (NUM_ORIGINAL, EMBED_DIM), dtype=jnp.float32) * 0.02
    additional_weight = jax.random.normal(k3, (NUM_ADDITIONAL, EMBED_DIM), dtype=jnp.float32) * 0.02
    return {"input_ids": input_ids, "weight": weight, "additional_weight": additional_weight}


def reference(input_ids, weight, additional_weight):
    # DecoupledEmbedding.forward:
    # 1. find indices belonging to the additional (trainable) embedding
    mask = input_ids > MAX_ORIGINAL_ID
    # 2-3. shift those ids into additional-table space and look them up
    add_ids = jnp.where(mask, input_ids - MAX_ORIGINAL_ID - 1, 0)
    additional_embeddings = jnp.take(additional_weight, add_ids, axis=0)
    # 4-5. overwrite high ids with 0 and look up the regular (frozen) table
    safe_ids = jnp.where(mask, 0, input_ids)
    full_vector = jnp.take(weight, safe_ids, axis=0)
    # 6. overwrite positions belonging to the additional vocab
    out = jnp.where(mask[..., None], additional_embeddings, full_vector)
    return out

if __name__ == "__main__":
    import jax
    _d = setup_inputs()
    print(jax.jit(kernel)(*tuple(_d.values())))

</pallas_src>

<mosaic_0001>
#map = affine_map<(d0, d1) -> (0, 0)>
#map1 = affine_map<(d0, d1) -> (0, 0, 0)>
module attributes {stable_mosaic.version = 14 : i64} {
  func.func @_body(%arg0: i32, %arg1: i32, %arg2: memref<4x4096xi32, #tpu.memory_space<hbm>>, %arg3: memref<100000x1024xf32, #tpu.memory_space<hbm>>, %arg4: memref<128x1024xf32, #tpu.memory_space<hbm>>, %arg5: memref<4x4096x1024xf32, #tpu.memory_space<hbm>>, %arg6: memref<512xi32, #tpu.memory_space<vmem>>, %arg7: memref<512xi32, #tpu.memory_space<vmem>>, %arg8: memref<40x1024xf32, #tpu.memory_space<vmem>>, %arg9: memref<40x1024xf32, #tpu.memory_space<vmem>>, %arg10: memref<40x1024xf32, #tpu.memory_space<vmem>>, %arg11: memref<!tpu.dma_semaphore, #tpu.memory_space<semaphore_mem>>, %arg12: memref<!tpu.dma_semaphore, #tpu.memory_space<semaphore_mem>>, %arg13: memref<!tpu.dma_semaphore, #tpu.memory_space<semaphore_mem>>, %arg14: memref<!tpu.dma_semaphore, #tpu.memory_space<semaphore_mem>>, %arg15: memref<!tpu.dma_semaphore, #tpu.memory_space<semaphore_mem>>, %arg16: memref<!tpu.dma_semaphore, #tpu.memory_space<semaphore_mem>>) attributes {dimension_semantics = [#tpu.dimension_semantics<core_parallel>, #tpu.dimension_semantics<subcore_parallel>], iteration_bounds = array<i64: 2, 16>, scalar_prefetch = 0 : i64, scratch_operands = 11 : i64, tpu.core_type = #tpu.core_type<sc_vector_subcore>, window_params = [{transform_indices = #map}, {transform_indices = #map}, {transform_indices = #map}, {transform_indices = #map1}]} {
    %mul3A = arith.constant 2 : i32
    %mul3A_0 = arith.muli %arg1, %mul3A : i32
    %add3A = arith.addi %mul3A_0, %arg0 : i32
    %jit3A = arith.constant 8 : i32
    %div3A = arith.divsi %add3A, %jit3A : i32
    %sign3A = arith.constant 0 : i32
    %sign3A_1 = arith.cmpi sgt, %add3A, %sign3A : i32
    %sign3A_2 = arith.extui %sign3A_1 : i1 to i32
    %sign3A_3 = arith.constant 0 : i32
    %sign3A_4 = arith.cmpi slt, %add3A, %sign3A_3 : i32
    %sign3A_5 = arith.extui %sign3A_4 : i1 to i32
    %sign3A_6 = arith.subi %sign3A_2, %sign3A_5 : i32
    %sign3A_7 = arith.constant 0 : i32
    %sign3A_8 = arith.cmpi sgt, %jit3A, %sign3A_7 : i32
    %sign3A_9 = arith.extui %sign3A_8 : i1 to i32
    %sign3A_10 = arith.constant 0 : i32
    %sign3A_11 = arith.cmpi slt, %jit3A, %sign3A_10 : i32
    %sign3A_12 = arith.extui %sign3A_11 : i1 to i32
    %sign3A_13 = arith.subi %sign3A_9, %sign3A_12 : i32
    %ne3A = arith.cmpi ne, %sign3A_6, %sign3A_13 : i32
    %rem3A = arith.remsi %add3A, %jit3A : i32
    %ne3A_14 = arith.constant 0 : i32
    %ne3A_15 = arith.cmpi ne, %rem3A, %ne3A_14 : i32
    %and3A = arith.andi %ne3A, %ne3A_15 : i1
    %sub3A = arith.constant 1 : i32
    %sub3A_16 = arith.subi %div3A, %sub3A : i32
    %select_n3A = arith.select %and3A, %sub3A_16, %div3A : i32
    %jit3A_17 = arith.constant 8 : i32
    %eq3A = arith.constant 0 : i32
    %eq3A_18 = arith.cmpi eq, %jit3A_17, %eq3A : i32
    %jit3A_19 = arith.constant 1 : i32
    %select_n3A_20 = arith.select %eq3A_18, %jit3A_19, %jit3A_17 : i32
    %rem3A_21 = arith.remsi %add3A, %select_n3A_20 : i32
    %ne3A_22 = arith.constant 0 : i32
    %ne3A_23 = arith.cmpi ne, %rem3A_21, %ne3A_22 : i32
    %lt3A = arith.constant 0 : i32
    %lt3A_24 = arith.cmpi slt, %rem3A_21, %lt3A : i32
    %lt3A_25 = arith.constant 0 : i32
    %lt3A_26 = arith.cmpi slt, %select_n3A_20, %lt3A_25 : i32
    %ne3A_27 = arith.xori %lt3A_24, %lt3A_26 : i1
    %and3A_28 = arith.andi %ne3A_27, %ne3A_23 : i1
    %add3A_29 = arith.addi %rem3A_21, %select_n3A_20 : i32
    %select_n3A_30 = arith.select %and3A_28, %add3A_29, %rem3A_21 : i32
    %mul3A_31 = arith.constant 512 : i32
    %mul3A_32 = arith.muli %select_n3A_30, %mul3A_31 : i32
    "tpu.region"() ({
      %run_scoped3A = tpu.sem_alloc : memref<!tpu.dma_semaphore, #tpu.memory_space<semaphore_mem>>
      %dma_start3A_1296 = tpu.memref_slice %arg2[%select_n3A, %mul3A_32] : memref<4x4096xi32, #tpu.memory_space<hbm>> -> memref<1x512xi32, #tpu.memory_space<hbm>>
      %dma_start3A_1297 = tpu.memref_squeeze %dma_start3A_1296 : memref<1x512xi32, #tpu.memory_space<hbm>> -> memref<512xi32, #tpu.memory_space<hbm>>
      %dma_start3A_1298 = tpu.memref_slice %arg2[%select_n3A, %mul3A_32] : memref<4x4096xi32, #tpu.memory_space<hbm>> -> memref<1x512xi32, #tpu.memory_space<hbm>>
      %dma_start3A_1299 = tpu.memref_squeeze %dma_start3A_1298 : memref<1x512xi32, #tpu.memory_space<hbm>> -> memref<512xi32, #tpu.memory_space<hbm>>
      tpu.enqueue_dma source(%dma_start3A_1299 : memref<512xi32, #tpu.memory_space<hbm>>) target(%arg6 : memref<512xi32, #tpu.memory_space<vmem>>) target_semaphore(%run_scoped3A : memref<!tpu.dma_semaphore, #tpu.memory_space<semaphore_mem>>)
      %dma_wait3A_1300 = tpu.memref_slice %arg2[%select_n3A, %mul3A_32] : memref<4x4096xi32, #tpu.memory_space<hbm>> -> memref<1x512xi32, #tpu.memory_space<hbm>>
      %dma_wait3A_1301 = tpu.memref_squeeze %dma_wait3A_1300 : memref<1x512xi32, #tpu.memory_space<hbm>> -> memref<512xi32, #tpu.memory_space<hbm>>
      %dma_wait3A_1302 = tpu.memref_slice %arg2[%select_n3A, %mul3A_32] : memref<4x4096xi32, #tpu.memory_space<hbm>> -> memref<1x512xi32, #tpu.memory_space<hbm>>
      %dma_wait3A_1303 = tpu.memref_squeeze %dma_wait3A_1302 : memref<1x512xi32, #tpu.memory_space<hbm>> -> memref<512xi32, #tpu.memory_space<hbm>>
      tpu.wait_dma2 semaphore(%run_scoped3A : memref<!tpu.dma_semaphore, #tpu.memory_space<semaphore_mem>>) src(%dma_wait3A_1303 : memref<512xi32, #tpu.memory_space<hbm>>) dst(%arg6 : memref<512xi32, #tpu.memory_space<vmem>>)
      tpu.yield
    }) : () -> ()
    %get3A = arith.constant 0 : index
    %get3A_33 = tpu.vector_load %arg6[%get3A] {strides = array<i32>} : memref<512xi32, #tpu.memory_space<vmem>>, vector<16xi32>,
    %gt3A = arith.constant 99999 : i32
    %gt3A_34 = vector.broadcast %gt3A : i32 to vector<16xi32>
    %gt3A_35 = arith.cmpi sgt, %get3A_33, %gt3A_34 : vector<16xi32>
    %jit3A_36 = arith.constant 0 : i32
    %broadcast_in_dim3A = vector.broadcast %jit3A_36 : i32 to vector<16xi32>
    %select_n3A_37 = arith.select %gt3A_35, %broadcast_in_dim3A, %get3A_33 : vector<16xi1>, vector<16xi32>
    %swap3A = arith.constant 0 : index
    %swap3A_38 = tpu.vector_load %arg7[%swap3A] {strides = array<i32>} : memref<512xi32, #tpu.memory_space<vmem>>, vector<16xi32>,
    tpu.vector_store %arg7[%swap3A], %select_n3A_37 {strides = array<i32>} : memref<512xi32, #tpu.memory_space<vmem>>, vector<16xi32>,
    %get3A_39 = arith.constant 16 : index
    %get3A_40 = tpu.vector_load %arg6[%get3A_39] {strides = array<i32>} : memref<512xi32, #tpu.memory_space<vmem>>, vector<16xi32>,
    %gt3A_41 = arith.constant 99999 : i32
    %gt3A_42 = vector.broadcast %gt3A_41 : i32 to vector<16xi32>
    %gt3A_43 = arith.cmpi sgt, %get3A_40, %gt3A_42 : vector<16xi32>
    %jit3A_44 = arith.constant 0 : i32
    %broadcast_in_dim3A_45 = vector.broadcast %jit3A_44 : i32 to vector<16xi32>
    %select_n3A_46 = arith.select %gt3A_43, %broadcast_in_dim3A_45, %get3A_40 : vector<16xi1>, vector<16xi32>
    %swap3A_47 = arith.constant 16 : index
    %swap3A_48 = tpu.vector_load %arg7[%swap3A_47] {strides = array<i32>} : memref<512xi32, #tpu.memory_space<vmem>>, vector<16xi32>,
    tpu.vector_store %arg7[%swap3A_47], %select_n3A_46 {strides = array<i32>} : memref<512xi32, #tpu.memory_space<vmem>>, vector<16xi32>,
    %get3A_49 = arith.constant 32 : index
    %get3A_50 = tpu.vector_load %arg6[%get3A_49] {strides = array<i32>} : memref<512xi32, #tpu.memory_space<vmem>>, vector<16xi32>,
    %gt3A_51 = arith.constant 99999 : i32
    %gt3A_52 = vector.broadcast %gt3A_51 : i32 to vector<16xi32>
    %gt3A_53 = arith.cmpi sgt, %get3A_50, %gt3A_52 : vector<16xi32>
    %jit3A_54 = arith.constant 0 : i32
    %broadcast_in_dim3A_55 = vector.broadcast %jit3A_54 : i32 to vector<16xi32>
    %select_n3A_56 = arith.select %gt3A_53, %broadcast_in_dim3A_55, %get3A_50 : vector<16xi1>, vector<16xi32>
    %swap3A_57 = arith.constant 32 : index
    %swap3A_58 = tpu.vector_load %arg7[%swap3A_57] {strides = array<i32>} : memref<512xi32, #tpu.memory_space<vmem>>, vector<16xi32>,
    tpu.vector_store %arg7[%swap3A_57], %select_n3A_56 {strides = array<i32>} : memref<512xi32, #tpu.memory_space<vmem>>, vector<16xi32>,
    %get3A_59 = arith.constant 48 : index
    %get3A_60 = tpu.vector_load %arg6[%get3A_59] {strides = array<i32>} : memref<512xi32, #tpu.memory_space<vmem>>, vector<16xi32>,
    %gt3A_61 = arith.constant 99999 : i32
    %gt3A_62 = vector.broadcast %gt3A_61 : i32 to vector<16xi32>
    %gt3A_63 = arith.cmpi sgt, %get3A_60, %gt3A_62 : vector<16xi32>
    %jit3A_64 = arith.constant 0 : i32
    %broadcast_in_dim3A_65 = vector.broadcast %jit3A_64 : i32 to vector<16xi32>
    %select_n3A_66 = arith.select %gt3A_63, %broadcast_in_dim3A_65, %get3A_60 : vector<16xi1>, vector<16xi32>
    %swap3A_67 = arith.constant 48 : index
    %swap3A_68 = tpu.vector_load %arg7[%swap3A_67] {strides = array<i32>} : memref<512xi32, #tpu.memory_space<vmem>>, vector<16xi32>,
    tpu.vector_store %arg7[%swap3A_67], %select_n3A_66 {strides = array<i32>} : memref<512xi32, #tpu.memory_space<vmem>>, vector<16xi32>,
    %get3A_69 = arith.constant 64 : index
    %get3A_70 = tpu.vector_load %arg6[%get3A_69] {strides = array<i32>} : memref<512xi32, #tpu.memory_space<vmem>>, vector<16xi32>,
    %gt3A_71 = arith.constant 99999 : i32
    %gt3A_72 = vector.broadcast %gt3A_71 : i32 to vector<16xi32>
    %gt3A_73 = arith.cmpi sgt, %get3A_70, %gt3A_72 : vector<16xi32>
    %jit3A_74 = arith.constant 0 : i32
    %broadcast_in_dim3A_75 = vector.broadcast %jit3A_74 : i32 to vector<16xi32>
    %select_n3A_76 = arith.select %gt3A_73, %broadcast_in_dim3A_75, %get3A_70 : vector<16xi1>, vector<16xi32>
    %swap3A_77 = arith.constant 64 : index
    %swap3A_78 = tpu.vector_load %arg7[%swap3A_77] {strides = array<i32>} : memref<512xi32, #tpu.memory_space<vmem>>, vector<16xi32>,
    tpu.vector_store %arg7[%swap3A_77], %select_n3A_76 {strides = array<i32>} : memref<512xi32, #tpu.memory_space<vmem>>, vector<16xi32>,
    %get3A_79 = arith.constant 80 : index
    %get3A_80 = tpu.vector_load %arg6[%get3A_79] {strides = array<i32>} : memref<512xi32, #tpu.memory_space<vmem>>, vector<16xi32>,
    %gt3A_81 = arith.constant 99999 : i32
    %gt3A_82 = vector.broadcast %gt3A_81 : i32 to vector<16xi32>
    %gt3A_83 = arith.cmpi sgt, %get3A_80, %gt3A_82 : vector<16xi32>
    %jit3A_84 = arith.constant 0 : i32
    %broadcast_in_dim3A_85 = vector.broadcast %jit3A_84 : i32 to vector<16xi32>
    %select_n3A_86 = arith.select %gt3A_83, %broadcast_in_dim3A_85, %get3A_80 : vector<16xi1>, vector<16xi32>
    %swap3A_87 = arith.constant 80 : index
    %swap3A_88 = tpu.vector_load %arg7[%swap3A_87] {strides = array<i32>} : memref<512xi32, #tpu.memory_space<vmem>>, vector<16xi32>,
    tpu.vector_store %arg7[%swap3A_87], %select_n3A_86 {strides = array<i32>} : memref<512xi32, #tpu.memory_space<vmem>>, vector<16xi32>,
    %get3A_89 = arith.constant 96 : index
    %get3A_90 = tpu.vector_load %arg6[%get3A_89] {strides = array<i32>} : memref<512xi32, #tpu.memory_space<vmem>>, vector<16xi32>,
    %gt3A_91 = arith.constant 99999 : i32
    %gt3A_92 = vector.broadcast %gt3A_91 : i32 to vector<16xi32>
    %gt3A_93 = arith.cmpi sgt, %get3A_90, %gt3A_92 : vector<16xi32>
    %jit3A_94 = arith.constant 0 : i32
    %broadcast_in_dim3A_95 = vector.broadcast %jit3A_94 : i32 to vector<16xi32>
    %select_n3A_96 = arith.select %gt3A_93, %broadcast_in_dim3A_95, %get3A_90 : vector<16xi1>, vector<16xi32>
    %swap3A_97 = arith.constant 96 : index
    %swap3A_98 = tpu.vector_load %arg7[%swap3A_97] {strides = array<i32>} : memref<512xi32, #tpu.memory_space<vmem>>, vector<16xi32>,
    tpu.vector_store %arg7[%swap3A_97], %select_n3A_96 {strides = array<i32>} : memref<512xi32, #tpu.memory_space<vmem>>, vector<16xi32>,
    %get3A_99 = arith.constant 112 : index
    %get3A_100 = tpu.vector_load %arg6[%get3A_99] {strides = array<i32>} : memref<512xi32, #tpu.memory_space<vmem>>, vector<16xi32>,
    %gt3A_101 = arith.constant 99999 : i32
    %gt3A_102 = vector.broadcast %gt3A_101 : i32 to vector<16xi32>
    %gt3A_103 = arith.cmpi sgt, %get3A_100, %gt3A_102 : vector<16xi32>
    %jit3A_104 = arith.constant 0 : i32
    %broadcast_in_dim3A_105 = vector.broadcast %jit3A_104 : i32 to vector<16xi32>
    %select_n3A_106 = arith.select %gt3A_103, %broadcast_in_dim3A_105, %get3A_100 : vector<16xi1>, vector<16xi32>
    %swap3A_107 = arith.constant 112 : index
    %swap3A_108 = tpu.vector_load %arg7[%swap3A_107] {strides = array<i32>} : memref<512xi32, #tpu.memory_space<vmem>>, vector<16xi32>,
    tpu.vector_store %arg7[%swap3A_107], %select_n3A_106 {strides = array<i32>} : memref<512xi32, #tpu.memory_space<vmem>>, vector<16xi32>,
    %get3A_109 = arith.constant 128 : index
    %get3A_110 = tpu.vector_load %arg6[%get3A_109] {strides = array<i32>} : memref<512xi32, #tpu.memory_space<vmem>>, vector<16xi32>,
    %gt3A_111 = arith.constant 99999 : i32
    %gt3A_112 = vector.broadcast %gt3A_111 : i32 to vector<16xi32>
    %gt3A_113 = arith.cmpi sgt, %get3A_110, %gt3A_112 : vector<16xi32>
    %jit3A_114 = arith.constant 0 : i32
    %broadcast_in_dim3A_115 = vector.broadcast %jit3A_114 : i32 to vector<16xi32>
    %select_n3A_116 = arith.select %gt3A_113, %broadcast_in_dim3A_115, %get3A_110 : vector<16xi1>, vector<16xi32>
    %swap3A_117 = arith.constant 128 : index
    %swap3A_118 = tpu.vector_load %arg7[%swap3A_117] {strides = array<i32>} : memref<512xi32, #tpu.memory_space<vmem>>, vector<16xi32>,
    tpu.vector_store %arg7[%swap3A_117], %select_n3A_116 {strides = array<i32>} : memref<512xi32, #tpu.memory_space<vmem>>, vector<16xi32>,
    %get3A_119 = arith.constant 144 : index
    %get3A_120 = tpu.vector_load %arg6[%get3A_119] {strides = array<i32>} : memref<512xi32, #tpu.memory_space<vmem>>, vector<16xi32>,
    %gt3A_121 = arith.constant 99999 : i32
    %gt3A_122 = vector.broadcast %gt3A_121 : i32 to vector<16xi32>
    %gt3A_123 = arith.cmpi sgt, %get3A_120, %gt3A_122 : vector<16xi32>
    %jit3A_124 = arith.constant 0 : i32
    %broadcast_in_dim3A_125 = vector.broadcast %jit3A_124 : i32 to vector<16xi32>
    %select_n3A_126 = arith.select %gt3A_123, %broadcast_in_dim3A_125, %get3A_120 : vector<16xi1>, vector<16xi32>
    %swap3A_127 = arith.constant 144 : index
    %swap3A_128 = tpu.vector_load %arg7[%swap3A_127] {strides = array<i32>} : memref<512xi32, #tpu.memory_space<vmem>>, vector<16xi32>,
    tpu.vector_store %arg7[%swap3A_127], %select_n3A_126 {strides = array<i32>} : memref<512xi32, #tpu.memory_space<vmem>>, vector<16xi32>,
    %get3A_129 = arith.constant 160 : index
    %get3A_130 = tpu.vector_load %arg6[%get3A_129] {strides = array<i32>} : memref<512xi32, #tpu.memory_space<vmem>>, vector<16xi32>,
    %gt3A_131 = arith.constant 99999 : i32
    %gt3A_132 = vector.broadcast %gt3A_131 : i32 to vector<16xi32>
    %gt3A_133 = arith.cmpi sgt, %get3A_130, %gt3A_132 : vector<16xi32>
    %jit3A_134 = arith.constant 0 : i32
    %broadcast_in_dim3A_135 = vector.broadcast %jit3A_134 : i32 to vector<16xi32>
    %select_n3A_136 = arith.select %gt3A_133, %broadcast_in_dim3A_135, %get3A_130 : vector<16xi1>, vector<16xi32>
    %swap3A_137 = arith.constant 160 : index
    %swap3A_138 = tpu.vector_load %arg7[%swap3A_137] {strides = array<i32>} : memref<512xi32, #tpu.memory_space<vmem>>, vector<16xi32>,
    tpu.vector_store %arg7[%swap3A_137], %select_n3A_136 {strides = array<i32>} : memref<512xi32, #tpu.memory_space<vmem>>, vector<16xi32>,
    %get3A_139 = arith.constant 176 : index
    %get3A_140 = tpu.vector_load %arg6[%get3A_139] {strides = array<i32>} : memref<512xi32, #tpu.memory_space<vmem>>, vector<16xi32>,
    %gt3A_141 = arith.constant 99999 : i32
    %gt3A_142 = vector.broadcast %gt3A_141 : i32 to vector<16xi32>
    %gt3A_143 = arith.cmpi sgt, %get3A_140, %gt3A_142 : vector<16xi32>
    %jit3A_144 = arith.constant 0 : i32
    %broadcast_in_dim3A_145 = vector.broadcast %jit3A_144 : i32 to vector<16xi32>
    %select_n3A_146 = arith.select %gt3A_143, %broadcast_in_dim3A_145, %get3A_140 : vector<16xi1>, vector<16xi32>
    %swap3A_147 = arith.constant 176 : index
    %swap3A_148 = tpu.vector_load %arg7[%swap3A_147] {strides = array<i32>} : memref<512xi32, #tpu.memory_space<vmem>>, vector<16xi32>,
    tpu.vector_store %arg7[%swap3A_147], %select_n3A_146 {strides = array<i32>} : memref<512xi32, #tpu.memory_space<vmem>>, vector<16xi32>,
    %get3A_149 = arith.constant 192 : index
    %get3A_150 = tpu.vector_load %arg6[%get3A_149] {strides = array<i32>} : memref<512xi32, #tpu.memory_space<vmem>>, vector<16xi32>,
    %gt3A_151 = arith.constant 99999 : i32
    %gt3A_152 = vector.broadcast %gt3A_151 : i32 to vector<16xi32>
    %gt3A_153 = arith.cmpi sgt, %get3A_150, %gt3A_152 : vector<16xi32>
    %jit3A_154 = arith.constant 0 : i32
    %broadcast_in_dim3A_155 = vector.broadcast %jit3A_154 : i32 to vector<16xi32>
    %select_n3A_156 = arith.select %gt3A_153, %broadcast_in_dim3A_155, %get3A_150 : vector<16xi1>, vector<16xi32>
    %swap3A_157 = arith.constant 192 : index
    %swap3A_158 = tpu.vector_load %arg7[%swap3A_157] {strides = array<i32>} : memref<512xi32, #tpu.memory_space<vmem>>, vector<16xi32>,
    tpu.vector_store %arg7[%swap3A_157], %select_n3A_156 {strides = array<i32>} : memref<512xi32, #tpu.memory_space<vmem>>, vector<16xi32>,
    %get3A_159 = arith.constant 208 : index
    %get3A_160 = tpu.vector_load %arg6[%get3A_159] {strides = array<i32>} : memref<512xi32, #tpu.memory_space<vmem>>, vector<16xi32>,
    %gt3A_161 = arith.constant 99999 : i32
    %gt3A_162 = vector.broadcast %gt3A_161 : i32 to vector<16xi32>
    %gt3A_163 = arith.cmpi sgt, %get3A_160, %gt3A_162 : vector<16xi32>
    %jit3A_164 = arith.constant 0 : i32
    %broadcast_in_dim3A_165 = vector.broadcast %jit3A_164 : i32 to vector<16xi32>
    %select_n3A_166 = arith.select %gt3A_163, %broadcast_in_dim3A_165, %get3A_160 : vector<16xi1>, vector<16xi32>
    %swap3A_167 = arith.constant 208 : index
    %swap3A_168 = tpu.vector_load %arg7[%swap3A_167] {strides = array<i32>} : memref<512xi32, #tpu.memory_space<vmem>>, vector<16xi32>,
    tpu.vector_store %arg7[%swap3A_167], %select_n3A_166 {strides = array<i32>} : memref<512xi32, #tpu.memory_space<vmem>>, vector<16xi32>,
    %get3A_169 = arith.constant 224 : index
    %get3A_170 = tpu.vector_load %arg6[%get3A_169] {strides = array<i32>} : memref<512xi32, #tpu.memory_space<vmem>>, vector<16xi32>,
    %gt3A_171 = arith.constant 99999 : i32
    %gt3A_172 = vector.broadcast %gt3A_171 : i32 to vector<16xi32>
    %gt3A_173 = arith.cmpi sgt, %get3A_170, %gt3A_172 : vector<16xi32>
    %jit3A_174 = arith.constant 0 : i32
    %broadcast_in_dim3A_175 = vector.broadcast %jit3A_174 : i32 to vector<16xi32>
    %select_n3A_176 = arith.select %gt3A_173, %broadcast_in_dim3A_175, %get3A_170 : vector<16xi1>, vector<16xi32>
    %swap3A_177 = arith.constant 224 : index
    %swap3A_178 = tpu.vector_load %arg7[%swap3A_177] {strides = array<i32>} : memref<512xi32, #tpu.memory_space<vmem>>, vector<16xi32>,
    tpu.vector_store %arg7[%swap3A_177], %select_n3A_176 {strides = array<i32>} : memref<512xi32, #tpu.memory_space<vmem>>, vector<16xi32>,
    %get3A_179 = arith.constant 240 : index
    %get3A_180 = tpu.vector_load %arg6[%get3A_179] {strides = array<i32>} : memref<512xi32, #tpu.memory_space<vmem>>, vector<16xi32>,
    %gt3A_181 = arith.constant 99999 : i32
    %gt3A_182 = vector.broadcast %gt3A_181 : i32 to vector<16xi32>
    %gt3A_183 = arith.cmpi sgt, %get3A_180, %gt3A_182 : vector<16xi32>
    %jit3A_184 = arith.constant 0 : i32
    %broadcast_in_dim3A_185 = vector.broadcast %jit3A_184 : i32 to vector<16xi32>
    %select_n3A_186 = arith.select %gt3A_183, %broadcast_in_dim3A_185, %get3A_180 : vector<16xi1>, vector<16xi32>
    %swap3A_187 = arith.constant 240 : index
    %swap3A_188 = tpu.vector_load %arg7[%swap3A_187] {strides = array<i32>} : memref<512xi32, #tpu.memory_space<vmem>>, vector<16xi32>,
    tpu.vector_store %arg7[%swap3A_187], %select_n3A_186 {strides = array<i32>} : memref<512xi32, #tpu.memory_space<vmem>>, vector<16xi32>,
    %get3A_189 = arith.constant 256 : index
    %get3A_190 = tpu.vector_load %arg6[%get3A_189] {strides = array<i32>} : memref<512xi32, #tpu.memory_space<vmem>>, vector<16xi32>,
    %gt3A_191 = arith.constant 99999 : i32
    %gt3A_192 = vector.broadcast %gt3A_191 : i32 to vector<16xi32>
    %gt3A_193 = arith.cmpi sgt, %get3A_190, %gt3A_192 : vector<16xi32>
    %jit3A_194 = arith.constant 0 : i32
    %broadcast_in_dim3A_195 = vector.broadcast %jit3A_194 : i32 to vector<16xi32>
    %select_n3A_196 = arith.select %gt3A_193, %broadcast_in_dim3A_195, %get3A_190 : vector<16xi1>, vector<16xi32>
    %swap3A_197 = arith.constant 256 : index
    %swap3A_198 = tpu.vector_load %arg7[%swap3A_197] {strides = array<i32>} : memref<512xi32, #tpu.memory_space<vmem>>, vector<16xi32>,
    tpu.vector_store %arg7[%swap3A_197], %select_n3A_196 {strides = array<i32>} : memref<512xi32, #tpu.memory_space<vmem>>, vector<16xi32>,
    %get3A_199 = arith.constant 272 : index
    %get3A_200 = tpu.vector_load %arg6[%get3A_199] {strides = array<i32>} : memref<512xi32, #tpu.memory_space<vmem>>, vector<16xi32>,
    %gt3A_201 = arith.constant 99999 : i32
    %gt3A_202 = vector.broadcast %gt3A_201 : i32 to vector<16xi32>
    %gt3A_203 = arith.cmpi sgt, %get3A_200, %gt3A_202 : vector<16xi32>
    %jit3A_204 = arith.constant 0 : i32
    %broadcast_in_dim3A_205 = vector.broadcast %jit3A_204 : i32 to vector<16xi32>
    %select_n3A_206 = arith.select %gt3A_203, %broadcast_in_dim3A_205, %get3A_200 : vector<16xi1>, vector<16xi32>
    %swap3A_207 = arith.constant 272 : index
    %swap3A_208 = tpu.vector_load %arg7[%swap3A_207] {strides = array<i32>} : memref<512xi32, #tpu.memory_space<vmem>>, vector<16xi32>,
    tpu.vector_store %arg7[%swap3A_207], %select_n3A_206 {strides = array<i32>} : memref<512xi32, #tpu.memory_space<vmem>>, vector<16xi32>,
    %get3A_209 = arith.constant 288 : index
    %get3A_210 = tpu.vector_load %arg6[%get3A_209] {strides = array<i32>} : memref<512xi32, #tpu.memory_space<vmem>>, vector<16xi32>,
    %gt3A_211 = arith.constant 99999 : i32
    %gt3A_212 = vector.broadcast %gt3A_211 : i32 to vector<16xi32>
    %gt3A_213 = arith.cmpi sgt, %get3A_210, %gt3A_212 : vector<16xi32>
    %jit3A_214 = arith.constant 0 : i32
    %broadcast_in_dim3A_215 = vector.broadcast %jit3A_214 : i32 to vector<16xi32>
    %select_n3A_216 = arith.select %gt3A_213, %broadcast_in_dim3A_215, %get3A_210 : vector<16xi1>, vector<16xi32>
    %swap3A_217 = arith.constant 288 : index
    %swap3A_218 = tpu.vector_load %arg7[%swap3A_217] {strides = array<i32>} : memref<512xi32, #tpu.memory_space<vmem>>, vector<16xi32>,
    tpu.vector_store %arg7[%swap3A_217], %select_n3A_216 {strides = array<i32>} : memref<512xi32, #tpu.memory_space<vmem>>, vector<16xi32>,
    %get3A_219 = arith.constant 304 : index
    %get3A_220 = tpu.vector_load %arg6[%get3A_219] {strides = array<i32>} : memref<512xi32, #tpu.memory_space<vmem>>, vector<16xi32>,
    %gt3A_221 = arith.constant 99999 : i32
    %gt3A_222 = vector.broadcast %gt3A_221 : i32 to vector<16xi32>
    %gt3A_223 = arith.cmpi sgt, %get3A_220, %gt3A_222 : vector<16xi32>
    %jit3A_224 = arith.constant 0 : i32
    %broadcast_in_dim3A_225 = vector.broadcast %jit3A_224 : i32 to vector<16xi32>
    %select_n3A_226 = arith.select %gt3A_223, %broadcast_in_dim3A_225, %get3A_220 : vector<16xi1>, vector<16xi32>
    %swap3A_227 = arith.constant 304 : index
    %swap3A_228 = tpu.vector_load %arg7[%swap3A_227] {strides = array<i32>} : memref<512xi32, #tpu.memory_space<vmem>>, vector<16xi32>,
    tpu.vector_store %arg7[%swap3A_227], %select_n3A_226 {strides = array<i32>} : memref<512xi32, #tpu.memory_space<vmem>>, vector<16xi32>,
    %get3A_229 = arith.constant 320 : index
    %get3A_230 = tpu.vector_load %arg6[%get3A_229] {strides = array<i32>} : memref<512xi32, #tpu.memory_space<vmem>>, vector<16xi32>,
    %gt3A_231 = arith.constant 99999 : i32
    %gt3A_232 = vector.broadcast %gt3A_231 : i32 to vector<16xi32>
    %gt3A_233 = arith.cmpi sgt, %get3A_230, %gt3A_232 : vector<16xi32>
    %jit3A_234 = arith.constant 0 : i32
    %broadcast_in_dim3A_235 = vector.broadcast %jit3A_234 : i32 to vector<16xi32>
    %select_n3A_236 = arith.select %gt3A_233, %broadcast_in_dim3A_235, %get3A_230 : vector<16xi1>, vector<16xi32>
    %swap3A_237 = arith.constant 320 : index
    %swap3A_238 = tpu.vector_load %arg7[%swap3A_237] {strides = array<i32>} : memref<512xi32, #tpu.memory_space<vmem>>, vector<16xi32>,
    tpu.vector_store %arg7[%swap3A_237], %select_n3A_236 {strides = array<i32>} : memref<512xi32, #tpu.memory_space<vmem>>, vector<16xi32>,
    %get3A_239 = arith.constant 336 : index
    %get3A_240 = tpu.vector_load %arg6[%get3A_239] {strides = array<i32>} : memref<512xi32, #tpu.memory_space<vmem>>, vector<16xi32>,
    %gt3A_241 = arith.constant 99999 : i32
    %gt3A_242 = vector.broadcast %gt3A_241 : i32 to vector<16xi32>
    %gt3A_243 = arith.cmpi sgt, %get3A_240, %gt3A_242 : vector<16xi32>
    %jit3A_244 = arith.constant 0 : i32
    %broadcast_in_dim3A_245 = vector.broadcast %jit3A_244 : i32 to vector<16xi32>
    %select_n3A_246 = arith.select %gt3A_243, %broadcast_in_dim3A_245, %get3A_240 : vector<16xi1>, vector<16xi32>
    %swap3A_247 = arith.constant 336 : index
    %swap3A_248 = tpu.vector_load %arg7[%swap3A_247] {strides = array<i32>} : memref<512xi32, #tpu.memory_space<vmem>>, vector<16xi32>,
    tpu.vector_store %arg7[%swap3A_247], %select_n3A_246 {strides = array<i32>} : memref<512xi32, #tpu.memory_space<vmem>>, vector<16xi32>,
    %get3A_249 = arith.constant 352 : index
    %get3A_250 = tpu.vector_load %arg6[%get3A_249] {strides = array<i32>} : memref<512xi32, #tpu.memory_space<vmem>>, vector<16xi32>,
    %gt3A_251 = arith.constant 99999 : i32
    %gt3A_252 = vector.broadcast %gt3A_251 : i32 to vector<16xi32>
    %gt3A_253 = arith.cmpi sgt, %get3A_250, %gt3A_252 : vector<16xi32>
    %jit3A_254 = arith.constant 0 : i32
    %broadcast_in_dim3A_255 = vector.broadcast %jit3A_254 : i32 to vector<16xi32>
    %select_n3A_256 = arith.select %gt3A_253, %broadcast_in_dim3A_255, %get3A_250 : vector<16xi1>, vector<16xi32>
    %swap3A_257 = arith.constant 352 : index
    %swap3A_258 = tpu.vector_load %arg7[%swap3A_257] {strides = array<i32>} : memref<512xi32, #tpu.memory_space<vmem>>, vector<16xi32>,
    tpu.vector_store %arg7[%swap3A_257], %select_n3A_256 {strides = array<i32>} : memref<512xi32, #tpu.memory_space<vmem>>, vector<16xi32>,
    %get3A_259 = arith.constant 368 : index
    %get3A_260 = tpu.vector_load %arg6[%get3A_259] {strides = array<i32>} : memref<512xi32, #tpu.memory_space<vmem>>, vector<16xi32>,
    %gt3A_261 = arith.constant 99999 : i32
    %gt3A_262 = vector.broadcast %gt3A_261 : i32 to vector<16xi32>
    %gt3A_263 = arith.cmpi sgt, %get3A_260, %gt3A_262 : vector<16xi32>
    %jit3A_264 = arith.constant 0 : i32
    %broadcast_in_dim3A_265 = vector.broadcast %jit3A_264 : i32 to vector<16xi32>
    %select_n3A_266 = arith.select %gt3A_263, %broadcast_in_dim3A_265, %get3A_260 : vector<16xi1>, vector<16xi32>
    %swap3A_267 = arith.constant 368 : index
    %swap3A_268 = tpu.vector_load %arg7[%swap3A_267] {strides = array<i32>} : memref<512xi32, #tpu.memory_space<vmem>>, vector<16xi32>,
    tpu.vector_store %arg7[%swap3A_267], %select_n3A_266 {strides = array<i32>} : memref<512xi32, #tpu.memory_space<vmem>>, vector<16xi32>,
    %get3A_269 = arith.constant 384 : index
    %get3A_270 = tpu.vector_load %arg6[%get3A_269] {strides = array<i32>} : memref<512xi32, #tpu.memory_space<vmem>>, vector<16xi32>,
    %gt3A_271 = arith.constant 99999 : i32
    %gt3A_272 = vector.broadcast %gt3A_271 : i32 to vector<16xi32>
    %gt3A_273 = arith.cmpi sgt, %get3A_270, %gt3A_272 : vector<16xi32>
    %jit3A_274 = arith.constant 0 : i32
    %broadcast_in_dim3A_275 = vector.broadcast %jit3A_274 : i32 to vector<16xi32>
    %select_n3A_276 = arith.select %gt3A_273, %broadcast_in_dim3A_275, %get3A_270 : vector<16xi1>, vector<16xi32>
    %swap3A_277 = arith.constant 384 : index
    %swap3A_278 = tpu.vector_load %arg7[%swap3A_277] {strides = array<i32>} : memref<512xi32, #tpu.memory_space<vmem>>, vector<16xi32>,
    tpu.vector_store %arg7[%swap3A_277], %select_n3A_276 {strides = array<i32>} : memref<512xi32, #tpu.memory_space<vmem>>, vector<16xi32>,
    %get3A_279 = arith.constant 400 : index
    %get3A_280 = tpu.vector_load %arg6[%get3A_279] {strides = array<i32>} : memref<512xi32, #tpu.memory_space<vmem>>, vector<16xi32>,
    %gt3A_281 = arith.constant 99999 : i32
    %gt3A_282 = vector.broadcast %gt3A_281 : i32 to vector<16xi32>
    %gt3A_283 = arith.cmpi sgt, %get3A_280, %gt3A_282 : vector<16xi32>
    %jit3A_284 = arith.constant 0 : i32
    %broadcast_in_dim3A_285 = vector.broadcast %jit3A_284 : i32 to vector<16xi32>
    %select_n3A_286 = arith.select %gt3A_283, %broadcast_in_dim3A_285, %get3A_280 : vector<16xi1>, vector<16xi32>
    %swap3A_287 = arith.constant 400 : index
    %swap3A_288 = tpu.vector_load %arg7[%swap3A_287] {strides = array<i32>} : memref<512xi32, #tpu.memory_space<vmem>>, vector<16xi32>,
    tpu.vector_store %arg7[%swap3A_287], %select_n3A_286 {strides = array<i32>} : memref<512xi32, #tpu.memory_space<vmem>>, vector<16xi32>,
    %get3A_289 = arith.constant 416 : index
    %get3A_290 = tpu.vector_load %arg6[%get3A_289] {strides = array<i32>} : memref<512xi32, #tpu.memory_space<vmem>>, vector<16xi32>,
    %gt3A_291 = arith.constant 99999 : i32
    %gt3A_292 = vector.broadcast %gt3A_291 : i32 to vector<16xi32>
    %gt3A_293 = arith.cmpi sgt, %get3A_290, %gt3A_292 : vector<16xi32>
    %jit3A_294 = arith.constant 0 : i32
    %broadcast_in_dim3A_295 = vector.broadcast %jit3A_294 : i32 to vector<16xi32>
    %select_n3A_296 = arith.select %gt3A_293, %broadcast_in_dim3A_295, %get3A_290 : vector<16xi1>, vector<16xi32>
    %swap3A_297 = arith.constant 416 : index
    %swap3A_298 = tpu.vector_load %arg7[%swap3A_297] {strides = array<i32>} : memref<512xi32, #tpu.memory_space<vmem>>, vector<16xi32>,
    tpu.vector_store %arg7[%swap3A_297], %select_n3A_296 {strides = array<i32>} : memref<512xi32, #tpu.memory_space<vmem>>, vector<16xi32>,
    %get3A_299 = arith.constant 432 : index
    %get3A_300 = tpu.vector_load %arg6[%get3A_299] {strides = array<i32>} : memref<512xi32, #tpu.memory_space<vmem>>, vector<16xi32>,
    %gt3A_301 = arith.constant 99999 : i32
    %gt3A_302 = vector.broadcast %gt3A_301 : i32 to vector<16xi32>
    %gt3A_303 = arith.cmpi sgt, %get3A_300, %gt3A_302 : vector<16xi32>
    %jit3A_304 = arith.constant 0 : i32
    %broadcast_in_dim3A_305 = vector.broadcast %jit3A_304 : i32 to vector<16xi32>
    %select_n3A_306 = arith.select %gt3A_303, %broadcast_in_dim3A_305, %get3A_300 : vector<16xi1>, vector<16xi32>
    %swap3A_307 = arith.constant 432 : index
    %swap3A_308 = tpu.vector_load %arg7[%swap3A_307] {strides = array<i32>} : memref<512xi32, #tpu.memory_space<vmem>>, vector<16xi32>,
    tpu.vector_store %arg7[%swap3A_307], %select_n3A_306 {strides = array<i32>} : memref<512xi32, #tpu.memory_space<vmem>>, vector<16xi32>,
    %get3A_309 = arith.constant 448 : index
    %get3A_310 = tpu.vector_load %arg6[%get3A_309] {strides = array<i32>} : memref<512xi32, #tpu.memory_space<vmem>>, vector<16xi32>,
    %gt3A_311 = arith.constant 99999 : i32
    %gt3A_312 = vector.broadcast %gt3A_311 : i32 to vector<16xi32>
    %gt3A_313 = arith.cmpi sgt, %get3A_310, %gt3A_312 : vector<16xi32>
    %jit3A_314 = arith.constant 0 : i32
    %broadcast_in_dim3A_315 = vector.broadcast %jit3A_314 : i32 to vector<16xi32>
    %select_n3A_316 = arith.select %gt3A_313, %broadcast_in_dim3A_315, %get3A_310 : vector<16xi1>, vector<16xi32>
    %swap3A_317 = arith.constant 448 : index
    %swap3A_318 = tpu.vector_load %arg7[%swap3A_317] {strides = array<i32>} : memref<512xi32, #tpu.memory_space<vmem>>, vector<16xi32>,
    tpu.vector_store %arg7[%swap3A_317], %select_n3A_316 {strides = array<i32>} : memref<512xi32, #tpu.memory_space<vmem>>, vector<16xi32>,
    %get3A_319 = arith.constant 464 : index
    %get3A_320 = tpu.vector_load %arg6[%get3A_319] {strides = array<i32>} : memref<512xi32, #tpu.memory_space<vmem>>, vector<16xi32>,
    %gt3A_321 = arith.constant 99999 : i32
    %gt3A_322 = vector.broadcast %gt3A_321 : i32 to vector<16xi32>
    %gt3A_323 = arith.cmpi sgt, %get3A_320, %gt3A_322 : vector<16xi32>
    %jit3A_324 = arith.constant 0 : i32
    %broadcast_in_dim3A_325 = vector.broadcast %jit3A_324 : i32 to vector<16xi32>
    %select_n3A_326 = arith.select %gt3A_323, %broadcast_in_dim3A_325, %get3A_320 : vector<16xi1>, vector<16xi32>
    %swap3A_327 = arith.constant 464 : index
    %swap3A_328 = tpu.vector_load %arg7[%swap3A_327] {strides = array<i32>} : memref<512xi32, #tpu.memory_space<vmem>>, vector<16xi32>,
    tpu.vector_store %arg7[%swap3A_327], %select_n3A_326 {strides = array<i32>} : memref<512xi32, #tpu.memory_space<vmem>>, vector<16xi32>,
    %get3A_329 = arith.constant 480 : index
    %get3A_330 = tpu.vector_load %arg6[%get3A_329] {strides = array<i32>} : memref<512xi32, #tpu.memory_space<vmem>>, vector<16xi32>,
    %gt3A_331 = arith.constant 99999 : i32
    %gt3A_332 = vector.broadcast %gt3A_331 : i32 to vector<16xi32>
    %gt3A_333 = arith.cmpi sgt, %get3A_330, %gt3A_332 : vector<16xi32>
    %jit3A_334 = arith.constant 0 : i32
    %broadcast_in_dim3A_335 = vector.broadcast %jit3A_334 : i32 to vector<16xi32>
    %select_n3A_336 = arith.select %gt3A_333, %broadcast_in_dim3A_335, %get3A_330 : vector<16xi1>, vector<16xi32>
    %swap3A_337 = arith.constant 480 : index
    %swap3A_338 = tpu.vector_load %arg7[%swap3A_337] {strides = array<i32>} : memref<512xi32, #tpu.memory_space<vmem>>, vector<16xi32>,
    tpu.vector_store %arg7[%swap3A_337], %select_n3A_336 {strides = array<i32>} : memref<512xi32, #tpu.memory_space<vmem>>, vector<16xi32>,
    %get3A_339 = arith.constant 496 : index
    %get3A_340 = tpu.vector_load %arg6[%get3A_339] {strides = array<i32>} : memref<512xi32, #tpu.memory_space<vmem>>, vector<16xi32>,
    %gt3A_341 = arith.constant 99999 : i32
    %gt3A_342 = vector.broadcast %gt3A_341 : i32 to vector<16xi32>
    %gt3A_343 = arith.cmpi sgt, %get3A_340, %gt3A_342 : vector<16xi32>
    %jit3A_344 = arith.constant 0 : i32
    %broadcast_in_dim3A_345 = vector.broadcast %jit3A_344 : i32 to vector<16xi32>
    %select_n3A_346 = arith.select %gt3A_343, %broadcast_in_dim3A_345, %get3A_340 : vector<16xi1>, vector<16xi32>
    %swap3A_347 = arith.constant 496 : index
    %swap3A_348 = tpu.vector_load %arg7[%swap3A_347] {strides = array<i32>} : memref<512xi32, #tpu.memory_space<vmem>>, vector<16xi32>,
    tpu.vector_store %arg7[%swap3A_347], %select_n3A_346 {strides = array<i32>} : memref<512xi32, #tpu.memory_space<vmem>>, vector<16xi32>,
    %dma_start3A = arith.constant 0 : i32
    %dma_start3A_349 = arith.constant 0 : i32
    %dma_start3A_350 = tpu.memref_slice %arg8[%dma_start3A, %dma_start3A_349] : memref<40x1024xf32, #tpu.memory_space<vmem>> -> memref<40x1024xf32, #tpu.memory_space<vmem>>
    %dma_start3A_351 = arith.constant 0 : i32
    %dma_start3A_352 = tpu.memref_slice %arg7[%dma_start3A_351] : memref<512xi32, #tpu.memory_space<vmem>> -> memref<40xi32, #tpu.memory_space<vmem>>
    %dma_start3A_353 = arith.constant 0 : i32
    %dma_start3A_354 = arith.constant 0 : i32
    %dma_start3A_355 = tpu.memref_slice %arg3[%dma_start3A_353, %dma_start3A_354] : memref<100000x1024xf32, #tpu.memory_space<hbm>> -> memref<100000x1024xf32, #tpu.memory_space<hbm>>
    tpu.enqueue_indirect_dma source(%dma_start3A_355 : memref<100000x1024xf32, #tpu.memory_space<hbm>>) target(%dma_start3A_350 : memref<40x1024xf32, #tpu.memory_space<vmem>>) offsets(%dma_start3A_352 : memref<40xi32, #tpu.memory_space<vmem>>) semaphore(%arg11 : memref<!tpu.dma_semaphore, #tpu.memory_space<semaphore_mem>>)
    %dma_start3A_356 = arith.constant 0 : i32
    %dma_start3A_357 = arith.constant 0 : i32
    %dma_start3A_358 = tpu.memref_slice %arg9[%dma_start3A_356, %dma_start3A_357] : memref<40x1024xf32, #tpu.memory_space<vmem>> -> memref<40x1024xf32, #tpu.memory_space<vmem>>
    %dma_start3A_359 = arith.constant 40 : i32
    %dma_start3A_360 = tpu.memref_slice %arg7[%dma_start3A_359] : memref<512xi32, #tpu.memory_space<vmem>> -> memref<40xi32, #tpu.memory_space<vmem>>
    %dma_start3A_361 = arith.constant 0 : i32
    %dma_start3A_362 = arith.constant 0 : i32
    %dma_start3A_363 = tpu.memref_slice %arg3[%dma_start3A_361, %dma_start3A_362] : memref<100000x1024xf32, #tpu.memory_space<hbm>> -> memref<100000x1024xf32, #tpu.memory_space<hbm>>
    tpu.enqueue_indirect_dma source(%dma_start3A_363 : memref<100000x1024xf32, #tpu.memory_space<hbm>>) target(%dma_start3A_358 : memref<40x1024xf32, #tpu.memory_space<vmem>>) offsets(%dma_start3A_360 : memref<40xi32, #tpu.memory_space<vmem>>) semaphore(%arg12 : memref<!tpu.dma_semaphore, #tpu.memory_space<semaphore_mem>>)
    %dma_wait3A = arith.constant 0 : i32
    %dma_wait3A_364 = arith.constant 0 : i32
    %dma_wait3A_365 = tpu.memref_slice %arg8[%dma_wait3A, %dma_wait3A_364] : memref<40x1024xf32, #tpu.memory_space<vmem>> -> memref<40x1024xf32, #tpu.memory_space<vmem>>
    %dma_wait3A_366 = arith.constant 0 : i32
    %dma_wait3A_367 = tpu.memref_slice %arg7[%dma_wait3A_366] : memref<512xi32, #tpu.memory_space<vmem>> -> memref<40xi32, #tpu.memory_space<vmem>>
    %dma_wait3A_368 = arith.constant 0 : i32
    %dma_wait3A_369 = arith.constant 0 : i32
    %dma_wait3A_370 = tpu.memref_slice %arg3[%dma_wait3A_368, %dma_wait3A_369] : memref<100000x1024xf32, #tpu.memory_space<hbm>> -> memref<100000x1024xf32, #tpu.memory_space<hbm>>
    tpu.wait_indirect_dma semaphore(%arg11 : memref<!tpu.dma_semaphore, #tpu.memory_space<semaphore_mem>>) src(%dma_wait3A_370 : memref<100000x1024xf32, #tpu.memory_space<hbm>>) dst(%dma_wait3A_365 : memref<40x1024xf32, #tpu.memory_space<vmem>>)
    %get3A_371 = arith.constant 0 : index
    %get3A_372 = tpu.vector_load %arg6[%get3A_371] {strides = array<i32>} : memref<512xi32, #tpu.memory_space<vmem>>, vector<16xi32>,
    %gt3A_373 = arith.constant 99999 : i32
    %gt3A_374 = vector.broadcast %gt3A_373 : i32 to vector<16xi32>
    %gt3A_375 = arith.cmpi sgt, %get3A_372, %gt3A_374 : vector<16xi32>
    %all_reduce_population_count3A = tpu.all_reduce %gt3A_375 {dim = 0 : i64, kind = #tpu.reduction_kind<sum>} : vector<16xi1> -> vector<16xi32>
    %slice3A = vector.extract_strided_slice %all_reduce_population_count3A {offsets = [0], sizes = [1], strides = [1]} : vector<16xi32> to vector<1xi32>
    %squeeze3A = vector.extract %slice3A[0] : i32 from vector<1xi32>
    %add3A_376 = arith.constant 0 : i32
    %add3A_377 = arith.addi %add3A_376, %squeeze3A : i32
    %get3A_378 = arith.constant 16 : index
    %get3A_379 = tpu.vector_load %arg6[%get3A_378] {strides = array<i32>} : memref<512xi32, #tpu.memory_space<vmem>>, vector<16xi32>,
    %gt3A_380 = arith.constant 99999 : i32
    %gt3A_381 = vector.broadcast %gt3A_380 : i32 to vector<16xi32>
    %gt3A_382 = arith.cmpi sgt, %get3A_379, %gt3A_381 : vector<16xi32>
    %all_reduce_population_count3A_383 = tpu.all_reduce %gt3A_382 {dim = 0 : i64, kind = #tpu.reduction_kind<sum>} : vector<16xi1> -> vector<16xi32>
    %slice3A_384 = vector.extract_strided_slice %all_reduce_population_count3A_383 {offsets = [0], sizes = [1], strides = [1]} : vector<16xi32> to vector<1xi32>
    %squeeze3A_385 = vector.extract %slice3A_384[0] : i32 from vector<1xi32>
    %add3A_386 = arith.addi %add3A_377, %squeeze3A_385 : i32
    %get3A_387 = arith.constant 32 : index
    %get3A_388 = tpu.vector_load %arg6[%get3A_387] {strides = array<i32>} : memref<512xi32, #tpu.memory_space<vmem>>, vector<16xi32>,
    %gt3A_389 = arith.constant 99999 : i32
    %gt3A_390 = vector.broadcast %gt3A_389 : i32 to vector<16xi32>
    %gt3A_391 = arith.cmpi sgt, %get3A_388, %gt3A_390 : vector<16xi32>
    %all_reduce_population_count3A_392 = tpu.all_reduce %gt3A_391 {dim = 0 : i64, kind = #tpu.reduction_kind<sum>} : vector<16xi1> -> vector<16xi32>
    %slice3A_393 = vector.extract_strided_slice %all_reduce_population_count3A_392 {offsets = [0], sizes = [1], strides = [1]} : vector<16xi32> to vector<1xi32>
    %squeeze3A_394 = vector.extract %slice3A_393[0] : i32 from vector<1xi32>
    %add3A_395 = arith.addi %add3A_386, %squeeze3A_394 : i32
    %gt3A_396 = arith.constant 0 : i32
    %gt3A_397 = arith.cmpi sgt, %add3A_395, %gt3A_396 : i32
    %convert_element_type3A = arith.extui %gt3A_397 : i1 to i32
    %cond3A = arith.constant 0 : i32
    %cond3A_398 = arith.cmpi ne, %convert_element_type3A, %cond3A : i32
    scf.if %cond3A_398 {
      %scan3A = arith.constant 0 : i32
      %scan3A_1296 = arith.constant 0 : i32
      %scan3A_1297 = arith.constant 40 : i32
      %scan3A_1298 = arith.addi %scan3A_1296, %scan3A_1297 : i32
      %scan3A_1299 = arith.constant 1 : i32
      scf.for %scan3A_1301 = %scan3A_1296 to %scan3A_1298 step %scan3A_1299  : i32 {
        %add3A_1302 = arith.constant 0 : i32
        %add3A_1303 = arith.addi %add3A_1302, %scan3A_1301 : i32
        %broadcast_in_dim3A_1304 = vector.broadcast %add3A_1303 : i32 to vector<16xi32>
        %gather3A = tpu.vector_load_idx %arg6[%broadcast_in_dim3A_1304] : memref<512xi32, #tpu.memory_space<vmem>>[vector<16xi32>], vector<16xi32>,
        %slice3A_1305 = vector.extract_strided_slice %gather3A {offsets = [0], sizes = [1], strides = [1]} : vector<16xi32> to vector<1xi32>
        %squeeze3A_1306 = vector.extract %slice3A_1305[0] : i32 from vector<1xi32>
        %gt3A_1307 = arith.constant 99999 : i32
        %gt3A_1308 = arith.cmpi sgt, %squeeze3A_1306, %gt3A_1307 : i32
        %convert_element_type3A_1309 = arith.extui %gt3A_1308 : i1 to i32
        %cond3A_1310 = arith.constant 0 : i32
        %cond3A_1311 = arith.cmpi ne, %convert_element_type3A_1309, %cond3A_1310 : i32
        scf.if %cond3A_1311 {
          %sub3A_1312 = arith.constant 100000 : i32
          %sub3A_1313 = arith.subi %squeeze3A_1306, %sub3A_1312 : i32
          "tpu.region"() ({
            %run_scoped3A = tpu.sem_alloc : memref<!tpu.dma_semaphore, #tpu.memory_space<semaphore_mem>>
            %dma_start3A_1314 = arith.constant 0 : i32
            %dma_start3A_1315 = tpu.memref_slice %arg8[%scan3A_1301, %dma_start3A_1314] : memref<40x1024xf32, #tpu.memory_space<vmem>> -> memref<1x1024xf32, #tpu.memory_space<vmem>>
            %dma_start3A_1316 = arith.constant 0 : i32
            %dma_start3A_1317 = tpu.memref_slice %arg4[%sub3A_1313, %dma_start3A_1316] : memref<128x1024xf32, #tpu.memory_space<hbm>> -> memref<1x1024xf32, #tpu.memory_space<hbm>>
            %dma_start3A_1318 = arith.constant 0 : i32
            %dma_start3A_1319 = tpu.memref_slice %arg8[%scan3A_1301, %dma_start3A_1318] : memref<40x1024xf32, #tpu.memory_space<vmem>> -> memref<1x1024xf32, #tpu.memory_space<vmem>>
            %dma_start3A_1320 = arith.constant 0 : i32
            %dma_start3A_1321 = tpu.memref_slice %arg4[%sub3A_1313, %dma_start3A_1320] : memref<128x1024xf32, #tpu.memory_space<hbm>> -> memref<1x1024xf32, #tpu.memory_space<hbm>>
            tpu.enqueue_dma source(%dma_start3A_1321 : memref<1x1024xf32, #tpu.memory_space<hbm>>) target(%dma_start3A_1319 : memref<1x1024xf32, #tpu.memory_space<vmem>>) target_semaphore(%run_scoped3A : memref<!tpu.dma_semaphore, #tpu.memory_space<semaphore_mem>>)
            %dma_wait3A_1322 = arith.constant 0 : i32
            %dma_wait3A_1323 = tpu.memref_slice %arg8[%scan3A_1301, %dma_wait3A_1322] : memref<40x1024xf32, #tpu.memory_space<vmem>> -> memref<1x1024xf32, #tpu.memory_space<vmem>>
            %dma_wait3A_1324 = arith.constant 0 : i32
            %dma_wait3A_1325 = tpu.memref_slice %arg4[%sub3A_1313, %dma_wait3A_1324] : memref<128x1024xf32, #tpu.memory_space<hbm>> -> memref<1x1024xf32, #tpu.memory_space<hbm>>
            %dma_wait3A_1326 = arith.constant 0 : i32
            %dma_wait3A_1327 = tpu.memref_slice %arg8[%scan3A_1301, %dma_wait3A_1326] : memref<40x1024xf32, #tpu.memory_space<vmem>> -> memref<1x1024xf32, #tpu.memory_space<vmem>>
            %dma_wait3A_1328 = arith.constant 0 : i32
            %dma_wait3A_1329 = tpu.memref_slice %arg4[%sub3A_1313, %dma_wait3A_1328] : memref<128x1024xf32, #tpu.memory_space<hbm>> -> memref<1x1024xf32, #tpu.memory_space<hbm>>
            tpu.wait_dma2 semaphore(%run_scoped3A : memref<!tpu.dma_semaphore, #tpu.memory_space<semaphore_mem>>) src(%dma_wait3A_1329 : memref<1x1024xf32, #tpu.memory_space<hbm>>) dst(%dma_wait3A_1327 : memref<1x1024xf32, #tpu.memory_space<vmem>>)
            tpu.yield
          }) : () -> ()
        } else {
        }
      }
      %scan3A_1300 = arith.constant 40 : i32
    } else {
    }
    %add3A_399 = arith.constant 0 : i32
    %add3A_400 = arith.addi %mul3A_32, %add3A_399 : i32
    %dma_start3A_401 = arith.constant 0 : i32
    %dma_start3A_402 = arith.constant 0 : i32
    %dma_start3A_403 = tpu.memref_slice %arg8[%dma_start3A_401, %dma_start3A_402] : memref<40x1024xf32, #tpu.memory_space<vmem>> -> memref<40x1024xf32, #tpu.memory_space<vmem>>
    %dma_start3A_404 = arith.constant 0 : i32
    %dma_start3A_405 = tpu.memref_slice %arg5[%select_n3A, %add3A_400, %dma_start3A_404] : memref<4x4096x1024xf32, #tpu.memory_space<hbm>> -> memref<1x40x1024xf32, #tpu.memory_space<hbm>>
    %dma_start3A_406 = tpu.memref_squeeze %dma_start3A_405 : memref<1x40x1024xf32, #tpu.memory_space<hbm>> -> memref<40x1024xf32, #tpu.memory_space<hbm>>
    %dma_start3A_407 = arith.constant 0 : i32
    %dma_start3A_408 = tpu.memref_slice %arg5[%select_n3A, %add3A_400, %dma_start3A_407] : memref<4x4096x1024xf32, #tpu.memory_space<hbm>> -> memref<1x40x1024xf32, #tpu.memory_space<hbm>>
    %dma_start3A_409 = tpu.memref_squeeze %dma_start3A_408 : memref<1x40x1024xf32, #tpu.memory_space<hbm>> -> memref<40x1024xf32, #tpu.memory_space<hbm>>
    %dma_start3A_410 = arith.constant 0 : i32
    %dma_start3A_411 = arith.constant 0 : i32
    %dma_start3A_412 = tpu.memref_slice %arg8[%dma_start3A_410, %dma_start3A_411] : memref<40x1024xf32, #tpu.memory_space<vmem>> -> memref<40x1024xf32, #tpu.memory_space<vmem>>
    tpu.enqueue_dma source(%dma_start3A_412 : memref<40x1024xf32, #tpu.memory_space<vmem>>) target(%dma_start3A_409 : memref<40x1024xf32, #tpu.memory_space<hbm>>) target_semaphore(%arg14 : memref<!tpu.dma_semaphore, #tpu.memory_space<semaphore_mem>>)
    %dma_start3A_413 = arith.constant 0 : i32
    %dma_start3A_414 = arith.constant 0 : i32
    %dma_start3A_415 = tpu.memref_slice %arg10[%dma_start3A_413, %dma_start3A_414] : memref<40x1024xf32, #tpu.memory_space<vmem>> -> memref<40x1024xf32, #tpu.memory_space<vmem>>
    %dma_start3A_416 = arith.constant 80 : i32
    %dma_start3A_417 = tpu.memref_slice %arg7[%dma_start3A_416] : memref<512xi32, #tpu.memory_space<vmem>> -> memref<40xi32, #tpu.memory_space<vmem>>
    %dma_start3A_418 = arith.constant 0 : i32
    %dma_start3A_419 = arith.constant 0 : i32
    %dma_start3A_420 = tpu.memref_slice %arg3[%dma_start3A_418, %dma_start3A_419] : memref<100000x1024xf32, #tpu.memory_space<hbm>> -> memref<100000x1024xf32, #tpu.memory_space<hbm>>
    tpu.enqueue_indirect_dma source(%dma_start3A_420 : memref<100000x1024xf32, #tpu.memory_space<hbm>>) target(%dma_start3A_415 : memref<40x1024xf32, #tpu.memory_space<vmem>>) offsets(%dma_start3A_417 : memref<40xi32, #tpu.memory_space<vmem>>) semaphore(%arg13 : memref<!tpu.dma_semaphore, #tpu.memory_space<semaphore_mem>>)
    %dma_wait3A_421 = arith.constant 0 : i32
    %dma_wait3A_422 = arith.constant 0 : i32
    %dma_wait3A_423 = tpu.memref_slice %arg9[%dma_wait3A_421, %dma_wait3A_422] : memref<40x1024xf32, #tpu.memory_space<vmem>> -> memref<40x1024xf32, #tpu.memory_space<vmem>>
    %dma_wait3A_424 = arith.constant 40 : i32
    %dma_wait3A_425 = tpu.memref_slice %arg7[%dma_wait3A_424] : memref<512xi32, #tpu.memory_space<vmem>> -> memref<40xi32, #tpu.memory_space<vmem>>
    %dma_wait3A_426 = arith.constant 0 : i32
    %dma_wait3A_427 = arith.constant 0 : i32
    %dma_wait3A_428 = tpu.memref_slice %arg3[%dma_wait3A_426, %dma_wait3A_427] : memref<100000x1024xf32, #tpu.memory_space<hbm>> -> memref<100000x1024xf32, #tpu.memory_space<hbm>>
    tpu.wait_indirect_dma semaphore(%arg12 : memref<!tpu.dma_semaphore, #tpu.memory_space<semaphore_mem>>) src(%dma_wait3A_428 : memref<100000x1024xf32, #tpu.memory_space<hbm>>) dst(%dma_wait3A_423 : memref<40x1024xf32, #tpu.memory_space<vmem>>)
    %get3A_429 = arith.constant 32 : index
    %get3A_430 = tpu.vector_load %arg6[%get3A_429] {strides = array<i32>} : memref<512xi32, #tpu.memory_space<vmem>>, vector<16xi32>,
    %gt3A_431 = arith.constant 99999 : i32
    %gt3A_432 = vector.broadcast %gt3A_431 : i32 to vector<16xi32>
    %gt3A_433 = arith.cmpi sgt, %get3A_430, %gt3A_432 : vector<16xi32>
    %all_reduce_population_count3A_434 = tpu.all_reduce %gt3A_433 {dim = 0 : i64, kind = #tpu.reduction_kind<sum>} : vector<16xi1> -> vector<16xi32>
    %slice3A_435 = vector.extract_strided_slice %all_reduce_population_count3A_434 {offsets = [0], sizes = [1], strides = [1]} : vector<16xi32> to vector<1xi32>
    %squeeze3A_436 = vector.extract %slice3A_435[0] : i32 from vector<1xi32>
    %add3A_437 = arith.constant 0 : i32
    %add3A_438 = arith.addi %add3A_437, %squeeze3A_436 : i32
    %get3A_439 = arith.constant 48 : index
    %get3A_440 = tpu.vector_load %arg6[%get3A_439] {strides = array<i32>} : memref<512xi32, #tpu.memory_space<vmem>>, vector<16xi32>,
    %gt3A_441 = arith.constant 99999 : i32
    %gt3A_442 = vector.broadcast %gt3A_441 : i32 to vector<16xi32>
    %gt3A_443 = arith.cmpi sgt, %get3A_440, %gt3A_442 : vector<16xi32>
    %all_reduce_population_count3A_444 = tpu.all_reduce %gt3A_443 {dim = 0 : i64, kind = #tpu.reduction_kind<sum>} : vector<16xi1> -> vector<16xi32>
    %slice3A_445 = vector.extract_strided_slice %all_reduce_population_count3A_444 {offsets = [0], sizes = [1], strides = [1]} : vector<16xi32> to vector<1xi32>
    %squeeze3A_446 = vector.extract %slice3A_445[0] : i32 from vector<1xi32>
    %add3A_447 = arith.addi %add3A_438, %squeeze3A_446 : i32
    %get3A_448 = arith.constant 64 : index
    %get3A_449 = tpu.vector_load %arg6[%get3A_448] {strides = array<i32>} : memref<512xi32, #tpu.memory_space<vmem>>, vector<16xi32>,
    %gt3A_450 = arith.constant 99999 : i32
    %gt3A_451 = vector.broadcast %gt3A_450 : i32 to vector<16xi32>
    %gt3A_452 = arith.cmpi sgt, %get3A_449, %gt3A_451 : vector<16xi32>
    %all_reduce_population_count3A_453 = tpu.all_reduce %gt3A_452 {dim = 0 : i64, kind = #tpu.reduction_kind<sum>} : vector<16xi1> -> vector<16xi32>
    %slice3A_454 = vector.extract_strided_slice %all_reduce_population_count3A_453 {offsets = [0], sizes = [1], strides = [1]} : vector<16xi32> to vector<1xi32>
    %squeeze3A_455 = vector.extract %slice3A_454[0] : i32 from vector<1xi32>
    %add3A_456 = arith.addi %add3A_447, %squeeze3A_455 : i32
    %gt3A_457 = arith.constant 0 : i32
    %gt3A_458 = arith.cmpi sgt, %add3A_456, %gt3A_457 : i32
    %convert_element_type3A_459 = arith.extui %gt3A_458 : i1 to i32
    %cond3A_460 = arith.constant 0 : i32
    %cond3A_461 = arith.cmpi ne, %convert_element_type3A_459, %cond3A_460 : i32
    scf.if %cond3A_461 {
      %scan3A = arith.constant 0 : i32
      %scan3A_1296 = arith.constant 0 : i32
      %scan3A_1297 = arith.constant 40 : i32
      %scan3A_1298 = arith.addi %scan3A_1296, %scan3A_1297 : i32
      %scan3A_1299 = arith.constant 1 : i32
      scf.for %scan3A_1301 = %scan3A_1296 to %scan3A_1298 step %scan3A_1299  : i32 {
        %add3A_1302 = arith.constant 40 : i32
        %add3A_1303 = arith.addi %add3A_1302, %scan3A_1301 : i32
        %broadcast_in_dim3A_1304 = vector.broadcast %add3A_1303 : i32 to vector<16xi32>
        %gather3A = tpu.vector_load_idx %arg6[%broadcast_in_dim3A_1304] : memref<512xi32, #tpu.memory_space<vmem>>[vector<16xi32>], vector<16xi32>,
        %slice3A_1305 = vector.extract_strided_slice %gather3A {offsets = [0], sizes = [1], strides = [1]} : vector<16xi32> to vector<1xi32>
        %squeeze3A_1306 = vector.extract %slice3A_1305[0] : i32 from vector<1xi32>
        %gt3A_1307 = arith.constant 99999 : i32
        %gt3A_1308 = arith.cmpi sgt, %squeeze3A_1306, %gt3A_1307 : i32
        %convert_element_type3A_1309 = arith.extui %gt3A_1308 : i1 to i32
        %cond3A_1310 = arith.constant 0 : i32
        %cond3A_1311 = arith.cmpi ne, %convert_element_type3A_1309, %cond3A_1310 : i32
        scf.if %cond3A_1311 {
          %sub3A_1312 = arith.constant 100000 : i32
          %sub3A_1313 = arith.subi %squeeze3A_1306, %sub3A_1312 : i32
          "tpu.region"() ({
            %run_scoped3A = tpu.sem_alloc : memref<!tpu.dma_semaphore, #tpu.memory_space<semaphore_mem>>
            %dma_start3A_1314 = arith.constant 0 : i32
            %dma_start3A_1315 = tpu.memref_slice %arg9[%scan3A_1301, %dma_start3A_1314] : memref<40x1024xf32, #tpu.memory_space<vmem>> -> memref<1x1024xf32, #tpu.memory_space<vmem>>
            %dma_start3A_1316 = arith.constant 0 : i32
            %dma_start3A_1317 = tpu.memref_slice %arg4[%sub3A_1313, %dma_start3A_1316] : memref<128x1024xf32, #tpu.memory_space<hbm>> -> memref<1x1024xf32, #tpu.memory_space<hbm>>
            %dma_start3A_1318 = arith.constant 0 : i32
            %dma_start3A_1319 = tpu.memref_slice %arg9[%scan3A_1301, %dma_start3A_1318] : memref<40x1024xf32, #tpu.memory_space<vmem>> -> memref<1x1024xf32, #tpu.memory_space<vmem>>
            %dma_start3A_1320 = arith.constant 0 : i32
            %dma_start3A_1321 = tpu.memref_slice %arg4[%sub3A_1313, %dma_start3A_1320] : memref<128x1024xf32, #tpu.memory_space<hbm>> -> memref<1x1024xf32, #tpu.memory_space<hbm>>
            tpu.enqueue_dma source(%dma_start3A_1321 : memref<1x1024xf32, #tpu.memory_space<hbm>>) target(%dma_start3A_1319 : memref<1x1024xf32, #tpu.memory_space<vmem>>) target_semaphore(%run_scoped3A : memref<!tpu.dma_semaphore, #tpu.memory_space<semaphore_mem>>)
            %dma_wait3A_1322 = arith.constant 0 : i32
            %dma_wait3A_1323 = tpu.memref_slice %arg9[%scan3A_1301, %dma_wait3A_1322] : memref<40x1024xf32, #tpu.memory_space<vmem>> -> memref<1x1024xf32, #tpu.memory_space<vmem>>
            %dma_wait3A_1324 = arith.constant 0 : i32
            %dma_wait3A_1325 = tpu.memref_slice %arg4[%sub3A_1313, %dma_wait3A_1324] : memref<128x1024xf32, #tpu.memory_space<hbm>> -> memref<1x1024xf32, #tpu.memory_space<hbm>>
            %dma_wait3A_1326 = arith.constant 0 : i32
            %dma_wait3A_1327 = tpu.memref_slice %arg9[%scan3A_1301, %dma_wait3A_1326] : memref<40x1024xf32, #tpu.memory_space<vmem>> -> memref<1x1024xf32, #tpu.memory_space<vmem>>
            %dma_wait3A_1328 = arith.constant 0 : i32
            %dma_wait3A_1329 = tpu.memref_slice %arg4[%sub3A_1313, %dma_wait3A_1328] : memref<128x1024xf32, #tpu.memory_space<hbm>> -> memref<1x1024xf32, #tpu.memory_space<hbm>>
            tpu.wait_dma2 semaphore(%run_scoped3A : memref<!tpu.dma_semaphore, #tpu.memory_space<semaphore_mem>>) src(%dma_wait3A_1329 : memref<1x1024xf32, #tpu.memory_space<hbm>>) dst(%dma_wait3A_1327 : memref<1x1024xf32, #tpu.memory_space<vmem>>)
            tpu.yield
          }) : () -> ()
        } else {
        }
      }
      %scan3A_1300 = arith.constant 40 : i32
    } else {
    }
    %add3A_462 = arith.constant 40 : i32
    %add3A_463 = arith.addi %mul3A_32, %add3A_462 : i32
    %dma_start3A_464 = arith.constant 0 : i32
    %dma_start3A_465 = arith.constant 0 : i32
    %dma_start3A_466 = tpu.memref_slice %arg9[%dma_start3A_464, %dma_start3A_465] : memref<40x1024xf32, #tpu.memory_space<vmem>> -> memref<40x1024xf32, #tpu.memory_space<vmem>>
    %dma_start3A_467 = arith.constant 0 : i32
    %dma_start3A_468 = tpu.memref_slice %arg5[%select_n3A, %add3A_463, %dma_start3A_467] : memref<4x4096x1024xf32, #tpu.memory_space<hbm>> -> memref<1x40x1024xf32, #tpu.memory_space<hbm>>
    %dma_start3A_469 = tpu.memref_squeeze %dma_start3A_468 : memref<1x40x1024xf32, #tpu.memory_space<hbm>> -> memref<40x1024xf32, #tpu.memory_space<hbm>>
    %dma_start3A_470 = arith.constant 0 : i32
    %dma_start3A_471 = tpu.memref_slice %arg5[%select_n3A, %add3A_463, %dma_start3A_470] : memref<4x4096x1024xf32, #tpu.memory_space<hbm>> -> memref<1x40x1024xf32, #tpu.memory_space<hbm>>
    %dma_start3A_472 = tpu.memref_squeeze %dma_start3A_471 : memref<1x40x1024xf32, #tpu.memory_space<hbm>> -> memref<40x1024xf32, #tpu.memory_space<hbm>>
    %dma_start3A_473 = arith.constant 0 : i32
    %dma_start3A_474 = arith.constant 0 : i32
    %dma_start3A_475 = tpu.memref_slice %arg9[%dma_start3A_473, %dma_start3A_474] : memref<40x1024xf32, #tpu.memory_space<vmem>> -> memref<40x1024xf32, #tpu.memory_space<vmem>>
    tpu.enqueue_dma source(%dma_start3A_475 : memref<40x1024xf32, #tpu.memory_space<vmem>>) target(%dma_start3A_472 : memref<40x1024xf32, #tpu.memory_space<hbm>>) target_semaphore(%arg15 : memref<!tpu.dma_semaphore, #tpu.memory_space<semaphore_mem>>)
    %dma_wait3A_476 = arith.constant 0 : i32
    %dma_wait3A_477 = arith.constant 0 : i32
    %dma_wait3A_478 = tpu.memref_slice %arg8[%dma_wait3A_476, %dma_wait3A_477] : memref<40x1024xf32, #tpu.memory_space<vmem>> -> memref<40x1024xf32, #tpu.memory_space<vmem>>
    %dma_wait3A_479 = arith.constant 0 : i32
    %dma_wait3A_480 = tpu.memref_slice %arg5[%select_n3A, %add3A_400, %dma_wait3A_479] : memref<4x4096x1024xf32, #tpu.memory_space<hbm>> -> memref<1x40x1024xf32, #tpu.memory_space<hbm>>
    %dma_wait3A_481 = tpu.memref_squeeze %dma_wait3A_480 : memref<1x40x1024xf32, #tpu.memory_space<hbm>> -> memref<40x1024xf32, #tpu.memory_space<hbm>>
    %dma_wait3A_482 = arith.constant 0 : i32
    %dma_wait3A_483 = tpu.memref_slice %arg5[%select_n3A, %add3A_400, %dma_wait3A_482] : memref<4x4096x1024xf32, #tpu.memory_space<hbm>> -> memref<1x40x1024xf32, #tpu.memory_space<hbm>>
    %dma_wait3A_484 = tpu.memref_squeeze %dma_wait3A_483 : memref<1x40x1024xf32, #tpu.memory_space<hbm>> -> memref<40x1024xf32, #tpu.memory_space<hbm>>
    %dma_wait3A_485 = arith.constant 0 : i32
    %dma_wait3A_486 = arith.constant 0 : i32
    %dma_wait3A_487 = tpu.memref_slice %arg8[%dma_wait3A_485, %dma_wait3A_486] : memref<40x1024xf32, #tpu.memory_space<vmem>> -> memref<40x1024xf32, #tpu.memory_space<vmem>>
    tpu.wait_dma2 semaphore(%arg14 : memref<!tpu.dma_semaphore, #tpu.memory_space<semaphore_mem>>) src(%dma_wait3A_487 : memref<40x1024xf32, #tpu.memory_space<vmem>>) dst(%dma_wait3A_484 : memref<40x1024xf32, #tpu.memory_space<hbm>>)
    %dma_start3A_488 = arith.constant 0 : i32
    %dma_start3A_489 = arith.constant 0 : i32
    %dma_start3A_490 = tpu.memref_slice %arg8[%dma_start3A_488, %dma_start3A_489] : memref<40x1024xf32, #tpu.memory_space<vmem>> -> memref<40x1024xf32, #tpu.memory_space<vmem>>
    %dma_start3A_491 = arith.constant 120 : i32
    %dma_start3A_492 = tpu.memref_slice %arg7[%dma_start3A_491] : memref<512xi32, #tpu.memory_space<vmem>> -> memref<40xi32, #tpu.memory_space<vmem>>
    %dma_start3A_493 = arith.constant 0 : i32
    %dma_start3A_494 = arith.constant 0 : i32
    %dma_start3A_495 = tpu.memref_slice %arg3[%dma_start3A_493, %dma_start3A_494] : memref<100000x1024xf32, #tpu.memory_space<hbm>> -> memref<100000x1024xf32, #tpu.memory_space<hbm>>
    tpu.enqueue_indirect_dma source(%dma_start3A_495 : memref<100000x1024xf32, #tpu.memory_space<hbm>>) target(%dma_start3A_490 : memref<40x1024xf32, #tpu.memory_space<vmem>>) offsets(%dma_start3A_492 : memref<40xi32, #tpu.memory_space<vmem>>) semaphore(%arg11 : memref<!tpu.dma_semaphore, #tpu.memory_space<semaphore_mem>>)
    %dma_wait3A_496 = arith.constant 0 : i32
    %dma_wait3A_497 = arith.constant 0 : i32
    %dma_wait3A_498 = tpu.memref_slice %arg10[%dma_wait3A_496, %dma_wait3A_497] : memref<40x1024xf32, #tpu.memory_space<vmem>> -> memref<40x1024xf32, #tpu.memory_space<vmem>>
    %dma_wait3A_499 = arith.constant 80 : i32
    %dma_wait3A_500 = tpu.memref_slice %arg7[%dma_wait3A_499] : memref<512xi32, #tpu.memory_space<vmem>> -> memref<40xi32, #tpu.memory_space<vmem>>
    %dma_wait3A_501 = arith.constant 0 : i32
    %dma_wait3A_502 = arith.constant 0 : i32
    %dma_wait3A_503 = tpu.memref_slice %arg3[%dma_wait3A_501, %dma_wait3A_502] : memref<100000x1024xf32, #tpu.memory_space<hbm>> -> memref<100000x1024xf32, #tpu.memory_space<hbm>>
    tpu.wait_indirect_dma semaphore(%arg13 : memref<!tpu.dma_semaphore, #tpu.memory_space<semaphore_mem>>) src(%dma_wait3A_503 : memref<100000x1024xf32, #tpu.memory_space<hbm>>) dst(%dma_wait3A_498 : memref<40x1024xf32, #tpu.memory_space<vmem>>)
    %get3A_504 = arith.constant 80 : index
    %get3A_505 = tpu.vector_load %arg6[%get3A_504] {strides = array<i32>} : memref<512xi32, #tpu.memory_space<vmem>>, vector<16xi32>,
    %gt3A_506 = arith.constant 99999 : i32
    %gt3A_507 = vector.broadcast %gt3A_506 : i32 to vector<16xi32>
    %gt3A_508 = arith.cmpi sgt, %get3A_505, %gt3A_507 : vector<16xi32>
    %all_reduce_population_count3A_509 = tpu.all_reduce %gt3A_508 {dim = 0 : i64, kind = #tpu.reduction_kind<sum>} : vector<16xi1> -> vector<16xi32>
    %slice3A_510 = vector.extract_strided_slice %all_reduce_population_count3A_509 {offsets = [0], sizes = [1], strides = [1]} : vector<16xi32> to vector<1xi32>
    %squeeze3A_511 = vector.extract %slice3A_510[0] : i32 from vector<1xi32>
    %add3A_512 = arith.constant 0 : i32
    %add3A_513 = arith.addi %add3A_512, %squeeze3A_511 : i32
    %get3A_514 = arith.constant 96 : index
    %get3A_515 = tpu.vector_load %arg6[%get3A_514] {strides = array<i32>} : memref<512xi32, #tpu.memory_space<vmem>>, vector<16xi32>,
    %gt3A_516 = arith.constant 99999 : i32
    %gt3A_517 = vector.broadcast %gt3A_516 : i32 to vector<16xi32>
    %gt3A_518 = arith.cmpi sgt, %get3A_515, %gt3A_517 : vector<16xi32>
    %all_reduce_population_count3A_519 = tpu.all_reduce %gt3A_518 {dim = 0 : i64, kind = #tpu.reduction_kind<sum>} : vector<16xi1> -> vector<16xi32>
    %slice3A_520 = vector.extract_strided_slice %all_reduce_population_count3A_519 {offsets = [0], sizes = [1], strides = [1]} : vector<16xi32> to vector<1xi32>
    %squeeze3A_521 = vector.extract %slice3A_520[0] : i32 from vector<1xi32>
    %add3A_522 = arith.addi %add3A_513, %squeeze3A_521 : i32
    %get3A_523 = arith.constant 112 : index
    %get3A_524 = tpu.vector_load %arg6[%get3A_523] {strides = array<i32>} : memref<512xi32, #tpu.memory_space<vmem>>, vector<16xi32>,
    %gt3A_525 = arith.constant 99999 : i32
    %gt3A_526 = vector.broadcast %gt3A_525 : i32 to vector<16xi32>
    %gt3A_527 = arith.cmpi sgt, %get3A_524, %gt3A_526 : vector<16xi32>
    %all_reduce_population_count3A_528 = tpu.all_reduce %gt3A_527 {dim = 0 : i64, kind = #tpu.reduction_kind<sum>} : vector<16xi1> -> vector<16xi32>
    %slice3A_529 = vector.extract_strided_slice %all_reduce_population_count3A_528 {offsets = [0], sizes = [1], strides = [1]} : vector<16xi32> to vector<1xi32>
    %squeeze3A_530 = vector.extract %slice3A_529[0] : i32 from vector<1xi32>
    %add3A_531 = arith.addi %add3A_522, %squeeze3A_530 : i32
    %gt3A_532 = arith.constant 0 : i32
    %gt3A_533 = arith.cmpi sgt, %add3A_531, %gt3A_532 : i32
    %convert_element_type3A_534 = arith.extui %gt3A_533 : i1 to i32
    %cond3A_535 = arith.constant 0 : i32
    %cond3A_536 = arith.cmpi ne, %convert_element_type3A_534, %cond3A_535 : i32
    scf.if %cond3A_536 {
      %scan3A = arith.constant 0 : i32
      %scan3A_1296 = arith.constant 0 : i32
      %scan3A_1297 = arith.constant 40 : i32
      %scan3A_1298 = arith.addi %scan3A_1296, %scan3A_1297 : i32
      %scan3A_1299 = arith.constant 1 : i32
      scf.for %scan3A_1301 = %scan3A_1296 to %scan3A_1298 step %scan3A_1299  : i32 {
        %add3A_1302 = arith.constant 80 : i32
        %add3A_1303 = arith.addi %add3A_1302, %scan3A_1301 : i32
        %broadcast_in_dim3A_1304 = vector.broadcast %add3A_1303 : i32 to vector<16xi32>
        %gather3A = tpu.vector_load_idx %arg6[%broadcast_in_dim3A_1304] : memref<512xi32, #tpu.memory_space<vmem>>[vector<16xi32>], vector<16xi32>,
        %slice3A_1305 = vector.extract_strided_slice %gather3A {offsets = [0], sizes = [1], strides = [1]} : vector<16xi32> to vector<1xi32>
        %squeeze3A_1306 = vector.extract %slice3A_1305[0] : i32 from vector<1xi32>
        %gt3A_1307 = arith.constant 99999 : i32
        %gt3A_1308 = arith.cmpi sgt, %squeeze3A_1306, %gt3A_1307 : i32
        %convert_element_type3A_1309 = arith.extui %gt3A_1308 : i1 to i32
        %cond3A_1310 = arith.constant 0 : i32
        %cond3A_1311 = arith.cmpi ne, %convert_element_type3A_1309, %cond3A_1310 : i32
        scf.if %cond3A_1311 {
          %sub3A_1312 = arith.constant 100000 : i32
          %sub3A_1313 = arith.subi %squeeze3A_1306, %sub3A_1312 : i32
          "tpu.region"() ({
            %run_scoped3A = tpu.sem_alloc : memref<!tpu.dma_semaphore, #tpu.memory_space<semaphore_mem>>
            %dma_start3A_1314 = arith.constant 0 : i32
            %dma_start3A_1315 = tpu.memref_slice %arg10[%scan3A_1301, %dma_start3A_1314] : memref<40x1024xf32, #tpu.memory_space<vmem>> -> memref<1x1024xf32, #tpu.memory_space<vmem>>
            %dma_start3A_1316 = arith.constant 0 : i32
            %dma_start3A_1317 = tpu.memref_slice %arg4[%sub3A_1313, %dma_start3A_1316] : memref<128x1024xf32, #tpu.memory_space<hbm>> -> memref<1x1024xf32, #tpu.memory_space<hbm>>
            %dma_start3A_1318 = arith.constant 0 : i32
            %dma_start3A_1319 = tpu.memref_slice %arg10[%scan3A_1301, %dma_start3A_1318] : memref<40x1024xf32, #tpu.memory_space<vmem>> -> memref<1x1024xf32, #tpu.memory_space<vmem>>
            %dma_start3A_1320 = arith.constant 0 : i32
            %dma_start3A_1321 = tpu.memref_slice %arg4[%sub3A_1313, %dma_start3A_1320] : memref<128x1024xf32, #tpu.memory_space<hbm>> -> memref<1x1024xf32, #tpu.memory_space<hbm>>
            tpu.enqueue_dma source(%dma_start3A_1321 : memref<1x1024xf32, #tpu.memory_space<hbm>>) target(%dma_start3A_1319 : memref<1x1024xf32, #tpu.memory_space<vmem>>) target_semaphore(%run_scoped3A : memref<!tpu.dma_semaphore, #tpu.memory_space<semaphore_mem>>)
            %dma_wait3A_1322 = arith.constant 0 : i32
            %dma_wait3A_1323 = tpu.memref_slice %arg10[%scan3A_1301, %dma_wait3A_1322] : memref<40x1024xf32, #tpu.memory_space<vmem>> -> memref<1x1024xf32, #tpu.memory_space<vmem>>
            %dma_wait3A_1324 = arith.constant 0 : i32
            %dma_wait3A_1325 = tpu.memref_slice %arg4[%sub3A_1313, %dma_wait3A_1324] : memref<128x1024xf32, #tpu.memory_space<hbm>> -> memref<1x1024xf32, #tpu.memory_space<hbm>>
            %dma_wait3A_1326 = arith.constant 0 : i32
            %dma_wait3A_1327 = tpu.memref_slice %arg10[%scan3A_1301, %dma_wait3A_1326] : memref<40x1024xf32, #tpu.memory_space<vmem>> -> memref<1x1024xf32, #tpu.memory_space<vmem>>
            %dma_wait3A_1328 = arith.constant 0 : i32
            %dma_wait3A_1329 = tpu.memref_slice %arg4[%sub3A_1313, %dma_wait3A_1328] : memref<128x1024xf32, #tpu.memory_space<hbm>> -> memref<1x1024xf32, #tpu.memory_space<hbm>>
            tpu.wait_dma2 semaphore(%run_scoped3A : memref<!tpu.dma_semaphore, #tpu.memory_space<semaphore_mem>>) src(%dma_wait3A_1329 : memref<1x1024xf32, #tpu.memory_space<hbm>>) dst(%dma_wait3A_1327 : memref<1x1024xf32, #tpu.memory_space<vmem>>)
            tpu.yield
          }) : () -> ()
        } else {
        }
      }
      %scan3A_1300 = arith.constant 40 : i32
    } else {
    }
    %add3A_537 = arith.constant 80 : i32
    %add3A_538 = arith.addi %mul3A_32, %add3A_537 : i32
    %dma_start3A_539 = arith.constant 0 : i32
    %dma_start3A_540 = arith.constant 0 : i32
    %dma_start3A_541 = tpu.memref_slice %arg10[%dma_start3A_539, %dma_start3A_540] : memref<40x1024xf32, #tpu.memory_space<vmem>> -> memref<40x1024xf32, #tpu.memory_space<vmem>>
    %dma_start3A_542 = arith.constant 0 : i32
    %dma_start3A_543 = tpu.memref_slice %arg5[%select_n3A, %add3A_538, %dma_start3A_542] : memref<4x4096x1024xf32, #tpu.memory_space<hbm>> -> memref<1x40x1024xf32, #tpu.memory_space<hbm>>
    %dma_start3A_544 = tpu.memref_squeeze %dma_start3A_543 : memref<1x40x1024xf32, #tpu.memory_space<hbm>> -> memref<40x1024xf32, #tpu.memory_space<hbm>>
    %dma_start3A_545 = arith.constant 0 : i32
    %dma_start3A_546 = tpu.memref_slice %arg5[%select_n3A, %add3A_538, %dma_start3A_545] : memref<4x4096x1024xf32, #tpu.memory_space<hbm>> -> memref<1x40x1024xf32, #tpu.memory_space<hbm>>
    %dma_start3A_547 = tpu.memref_squeeze %dma_start3A_546 : memref<1x40x1024xf32, #tpu.memory_space<hbm>> -> memref<40x1024xf32, #tpu.memory_space<hbm>>
    %dma_start3A_548 = arith.constant 0 : i32
    %dma_start3A_549 = arith.constant 0 : i32
    %dma_start3A_550 = tpu.memref_slice %arg10[%dma_start3A_548, %dma_start3A_549] : memref<40x1024xf32, #tpu.memory_space<vmem>> -> memref<40x1024xf32, #tpu.memory_space<vmem>>
    tpu.enqueue_dma source(%dma_start3A_550 : memref<40x1024xf32, #tpu.memory_space<vmem>>) target(%dma_start3A_547 : memref<40x1024xf32, #tpu.memory_space<hbm>>) target_semaphore(%arg16 : memref<!tpu.dma_semaphore, #tpu.memory_space<semaphore_mem>>)
    %dma_wait3A_551 = arith.constant 0 : i32
    %dma_wait3A_552 = arith.constant 0 : i32
    %dma_wait3A_553 = tpu.memref_slice %arg9[%dma_wait3A_551, %dma_wait3A_552] : memref<40x1024xf32, #tpu.memory_space<vmem>> -> memref<40x1024xf32, #tpu.memory_space<vmem>>
    %dma_wait3A_554 = arith.constant 0 : i32
    %dma_wait3A_555 = tpu.memref_slice %arg5[%select_n3A, %add3A_463, %dma_wait3A_554] : memref<4x4096x1024xf32, #tpu.memory_space<hbm>> -> memref<1x40x1024xf32, #tpu.memory_space<hbm>>
    %dma_wait3A_556 = tpu.memref_squeeze %dma_wait3A_555 : memref<1x40x1024xf32, #tpu.memory_space<hbm>> -> memref<40x1024xf32, #tpu.memory_space<hbm>>
    %dma_wait3A_557 = arith.constant 0 : i32
    %dma_wait3A_558 = tpu.memref_slice %arg5[%select_n3A, %add3A_463, %dma_wait3A_557] : memref<4x4096x1024xf32, #tpu.memory_space<hbm>> -> memref<1x40x1024xf32, #tpu.memory_space<hbm>>
    %dma_wait3A_559 = tpu.memref_squeeze %dma_wait3A_558 : memref<1x40x1024xf32, #tpu.memory_space<hbm>> -> memref<40x1024xf32, #tpu.memory_space<hbm>>
    %dma_wait3A_560 = arith.constant 0 : i32
    %dma_wait3A_561 = arith.constant 0 : i32
    %dma_wait3A_562 = tpu.memref_slice %arg9[%dma_wait3A_560, %dma_wait3A_561] : memref<40x1024xf32, #tpu.memory_space<vmem>> -> memref<40x1024xf32, #tpu.memory_space<vmem>>
    tpu.wait_dma2 semaphore(%arg15 : memref<!tpu.dma_semaphore, #tpu.memory_space<semaphore_mem>>) src(%dma_wait3A_562 : memref<40x1024xf32, #tpu.memory_space<vmem>>) dst(%dma_wait3A_559 : memref<40x1024xf32, #tpu.memory_space<hbm>>)
    %dma_start3A_563 = arith.constant 0 : i32
    %dma_start3A_564 = arith.constant 0 : i32
    %dma_start3A_565 = tpu.memref_slice %arg9[%dma_start3A_563, %dma_start3A_564] : memref<40x1024xf32, #tpu.memory_space<vmem>> -> memref<40x1024xf32, #tpu.memory_space<vmem>>
    %dma_start3A_566 = arith.constant 160 : i32
    %dma_start3A_567 = tpu.memref_slice %arg7[%dma_start3A_566] : memref<512xi32, #tpu.memory_space<vmem>> -> memref<40xi32, #tpu.memory_space<vmem>>
    %dma_start3A_568 = arith.constant 0 : i32
    %dma_start3A_569 = arith.constant 0 : i32
    %dma_start3A_570 = tpu.memref_slice %arg3[%dma_start3A_568, %dma_start3A_569] : memref<100000x1024xf32, #tpu.memory_space<hbm>> -> memref<100000x1024xf32, #tpu.memory_space<hbm>>
    tpu.enqueue_indirect_dma source(%dma_start3A_570 : memref<100000x1024xf32, #tpu.memory_space<hbm>>) target(%dma_start3A_565 : memref<40x1024xf32, #tpu.memory_space<vmem>>) offsets(%dma_start3A_567 : memref<40xi32, #tpu.memory_space<vmem>>) semaphore(%arg12 : memref<!tpu.dma_semaphore, #tpu.memory_space<semaphore_mem>>)
    %dma_wait3A_571 = arith.constant 0 : i32
    %dma_wait3A_572 = arith.constant 0 : i32
    %dma_wait3A_573 = tpu.memref_slice %arg8[%dma_wait3A_571, %dma_wait3A_572] : memref<40x1024xf32, #tpu.memory_space<vmem>> -> memref<40x1024xf32, #tpu.memory_space<vmem>>
    %dma_wait3A_574 = arith.constant 120 : i32
    %dma_wait3A_575 = tpu.memref_slice %arg7[%dma_wait3A_574] : memref<512xi32, #tpu.memory_space<vmem>> -> memref<40xi32, #tpu.memory_space<vmem>>
    %dma_wait3A_576 = arith.constant 0 : i32
    %dma_wait3A_577 = arith.constant 0 : i32
    %dma_wait3A_578 = tpu.memref_slice %arg3[%dma_wait3A_576, %dma_wait3A_577] : memref<100000x1024xf32, #tpu.memory_space<hbm>> -> memref<100000x1024xf32, #tpu.memory_space<hbm>>
    tpu.wait_indirect_dma semaphore(%arg11 : memref<!tpu.dma_semaphore, #tpu.memory_space<semaphore_mem>>) src(%dma_wait3A_578 : memref<100000x1024xf32, #tpu.memory_space<hbm>>) dst(%dma_wait3A_573 : memref<40x1024xf32, #tpu.memory_space<vmem>>)
    %get3A_579 = arith.constant 112 : index
    %get3A_580 = tpu.vector_load %arg6[%get3A_579] {strides = array<i32>} : memref<512xi32, #tpu.memory_space<vmem>>, vector<16xi32>,
    %gt3A_581 = arith.constant 99999 : i32
    %gt3A_582 = vector.broadcast %gt3A_581 : i32 to vector<16xi32>
    %gt3A_583 = arith.cmpi sgt, %get3A_580, %gt3A_582 : vector<16xi32>
    %all_reduce_population_count3A_584 = tpu.all_reduce %gt3A_583 {dim = 0 : i64, kind = #tpu.reduction_kind<sum>} : vector<16xi1> -> vector<16xi32>
    %slice3A_585 = vector.extract_strided_slice %all_reduce_population_count3A_584 {offsets = [0], sizes = [1], strides = [1]} : vector<16xi32> to vector<1xi32>
    %squeeze3A_586 = vector.extract %slice3A_585[0] : i32 from vector<1xi32>
    %add3A_587 = arith.constant 0 : i32
    %add3A_588 = arith.addi %add3A_587, %squeeze3A_586 : i32
    %get3A_589 = arith.constant 128 : index
    %get3A_590 = tpu.vector_load %arg6[%get3A_589] {strides = array<i32>} : memref<512xi32, #tpu.memory_space<vmem>>, vector<16xi32>,
    %gt3A_591 = arith.constant 99999 : i32
    %gt3A_592 = vector.broadcast %gt3A_591 : i32 to vector<16xi32>
    %gt3A_593 = arith.cmpi sgt, %get3A_590, %gt3A_592 : vector<16xi32>
    %all_reduce_population_count3A_594 = tpu.all_reduce %gt3A_593 {dim = 0 : i64, kind = #tpu.reduction_kind<sum>} : vector<16xi1> -> vector<16xi32>
    %slice3A_595 = vector.extract_strided_slice %all_reduce_population_count3A_594 {offsets = [0], sizes = [1], strides = [1]} : vector<16xi32> to vector<1xi32>
    %squeeze3A_596 = vector.extract %slice3A_595[0] : i32 from vector<1xi32>
    %add3A_597 = arith.addi %add3A_588, %squeeze3A_596 : i32
    %get3A_598 = arith.constant 144 : index
    %get3A_599 = tpu.vector_load %arg6[%get3A_598] {strides = array<i32>} : memref<512xi32, #tpu.memory_space<vmem>>, vector<16xi32>,
    %gt3A_600 = arith.constant 99999 : i32
    %gt3A_601 = vector.broadcast %gt3A_600 : i32 to vector<16xi32>
    %gt3A_602 = arith.cmpi sgt, %get3A_599, %gt3A_601 : vector<16xi32>
    %all_reduce_population_count3A_603 = tpu.all_reduce %gt3A_602 {dim = 0 : i64, kind = #tpu.reduction_kind<sum>} : vector<16xi1> -> vector<16xi32>
    %slice3A_604 = vector.extract_strided_slice %all_reduce_population_count3A_603 {offsets = [0], sizes = [1], strides = [1]} : vector<16xi32> to vector<1xi32>
    %squeeze3A_605 = vector.extract %slice3A_604[0] : i32 from vector<1xi32>
    %add3A_606 = arith.addi %add3A_597, %squeeze3A_605 : i32
    %gt3A_607 = arith.constant 0 : i32
    %gt3A_608 = arith.cmpi sgt, %add3A_606, %gt3A_607 : i32
    %convert_element_type3A_609 = arith.extui %gt3A_608 : i1 to i32
    %cond3A_610 = arith.constant 0 : i32
    %cond3A_611 = arith.cmpi ne, %convert_element_type3A_609, %cond3A_610 : i32
    scf.if %cond3A_611 {
      %scan3A = arith.constant 0 : i32
      %scan3A_1296 = arith.constant 0 : i32
      %scan3A_1297 = arith.constant 40 : i32
      %scan3A_1298 = arith.addi %scan3A_1296, %scan3A_1297 : i32
      %scan3A_1299 = arith.constant 1 : i32
      scf.for %scan3A_1301 = %scan3A_1296 to %scan3A_1298 step %scan3A_1299  : i32 {
        %add3A_1302 = arith.constant 120 : i32
        %add3A_1303 = arith.addi %add3A_1302, %scan3A_1301 : i32
        %broadcast_in_dim3A_1304 = vector.broadcast %add3A_1303 : i32 to vector<16xi32>
        %gather3A = tpu.vector_load_idx %arg6[%broadcast_in_dim3A_1304] : memref<512xi32, #tpu.memory_space<vmem>>[vector<16xi32>], vector<16xi32>,
        %slice3A_1305 = vector.extract_strided_slice %gather3A {offsets = [0], sizes = [1], strides = [1]} : vector<16xi32> to vector<1xi32>
        %squeeze3A_1306 = vector.extract %slice3A_1305[0] : i32 from vector<1xi32>
        %gt3A_1307 = arith.constant 99999 : i32
        %gt3A_1308 = arith.cmpi sgt, %squeeze3A_1306, %gt3A_1307 : i32
        %convert_element_type3A_1309 = arith.extui %gt3A_1308 : i1 to i32
        %cond3A_1310 = arith.constant 0 : i32
        %cond3A_1311 = arith.cmpi ne, %convert_element_type3A_1309, %cond3A_1310 : i32
        scf.if %cond3A_1311 {
          %sub3A_1312 = arith.constant 100000 : i32
          %sub3A_1313 = arith.subi %squeeze3A_1306, %sub3A_1312 : i32
          "tpu.region"() ({
            %run_scoped3A = tpu.sem_alloc : memref<!tpu.dma_semaphore, #tpu.memory_space<semaphore_mem>>
            %dma_start3A_1314 = arith.constant 0 : i32
            %dma_start3A_1315 = tpu.memref_slice %arg8[%scan3A_1301, %dma_start3A_1314] : memref<40x1024xf32, #tpu.memory_space<vmem>> -> memref<1x1024xf32, #tpu.memory_space<vmem>>
            %dma_start3A_1316 = arith.constant 0 : i32
            %dma_start3A_1317 = tpu.memref_slice %arg4[%sub3A_1313, %dma_start3A_1316] : memref<128x1024xf32, #tpu.memory_space<hbm>> -> memref<1x1024xf32, #tpu.memory_space<hbm>>
            %dma_start3A_1318 = arith.constant 0 : i32
            %dma_start3A_1319 = tpu.memref_slice %arg8[%scan3A_1301, %dma_start3A_1318] : memref<40x1024xf32, #tpu.memory_space<vmem>> -> memref<1x1024xf32, #tpu.memory_space<vmem>>
            %dma_start3A_1320 = arith.constant 0 : i32
            %dma_start3A_1321 = tpu.memref_slice %arg4[%sub3A_1313, %dma_start3A_1320] : memref<128x1024xf32, #tpu.memory_space<hbm>> -> memref<1x1024xf32, #tpu.memory_space<hbm>>
            tpu.enqueue_dma source(%dma_start3A_1321 : memref<1x1024xf32, #tpu.memory_space<hbm>>) target(%dma_start3A_1319 : memref<1x1024xf32, #tpu.memory_space<vmem>>) target_semaphore(%run_scoped3A : memref<!tpu.dma_semaphore, #tpu.memory_space<semaphore_mem>>)
            %dma_wait3A_1322 = arith.constant 0 : i32
            %dma_wait3A_1323 = tpu.memref_slice %arg8[%scan3A_1301, %dma_wait3A_1322] : memref<40x1024xf32, #tpu.memory_space<vmem>> -> memref<1x1024xf32, #tpu.memory_space<vmem>>
            %dma_wait3A_1324 = arith.constant 0 : i32
            %dma_wait3A_1325 = tpu.memref_slice %arg4[%sub3A_1313, %dma_wait3A_1324] : memref<128x1024xf32, #tpu.memory_space<hbm>> -> memref<1x1024xf32, #tpu.memory_space<hbm>>
            %dma_wait3A_1326 = arith.constant 0 : i32
            %dma_wait3A_1327 = tpu.memref_slice %arg8[%scan3A_1301, %dma_wait3A_1326] : memref<40x1024xf32, #tpu.memory_space<vmem>> -> memref<1x1024xf32, #tpu.memory_space<vmem>>
            %dma_wait3A_1328 = arith.constant 0 : i32
            %dma_wait3A_1329 = tpu.memref_slice %arg4[%sub3A_1313, %dma_wait3A_1328] : memref<128x1024xf32, #tpu.memory_space<hbm>> -> memref<1x1024xf32, #tpu.memory_space<hbm>>
            tpu.wait_dma2 semaphore(%run_scoped3A : memref<!tpu.dma_semaphore, #tpu.memory_space<semaphore_mem>>) src(%dma_wait3A_1329 : memref<1x1024xf32, #tpu.memory_space<hbm>>) dst(%dma_wait3A_1327 : memref<1x1024xf32, #tpu.memory_space<vmem>>)
            tpu.yield
          }) : () -> ()
        } else {
        }
      }
      %scan3A_1300 = arith.constant 40 : i32
    } else {
    }
    %add3A_612 = arith.constant 120 : i32
    %add3A_613 = arith.addi %mul3A_32, %add3A_612 : i32
    %dma_start3A_614 = arith.constant 0 : i32
    %dma_start3A_615 = arith.constant 0 : i32
    %dma_start3A_616 = tpu.memref_slice %arg8[%dma_start3A_614, %dma_start3A_615] : memref<40x1024xf32, #tpu.memory_space<vmem>> -> memref<40x1024xf32, #tpu.memory_space<vmem>>
    %dma_start3A_617 = arith.constant 0 : i32
    %dma_start3A_618 = tpu.memref_slice %arg5[%select_n3A, %add3A_613, %dma_start3A_617] : memref<4x4096x1024xf32, #tpu.memory_space<hbm>> -> memref<1x40x1024xf32, #tpu.memory_space<hbm>>
    %dma_start3A_619 = tpu.memref_squeeze %dma_start3A_618 : memref<1x40x1024xf32, #tpu.memory_space<hbm>> -> memref<40x1024xf32, #tpu.memory_space<hbm>>
    %dma_start3A_620 = arith.constant 0 : i32
    %dma_start3A_621 = tpu.memref_slice %arg5[%select_n3A, %add3A_613, %dma_start3A_620] : memref<4x4096x1024xf32, #tpu.memory_space<hbm>> -> memref<1x40x1024xf32, #tpu.memory_space<hbm>>
    %dma_start3A_622 = tpu.memref_squeeze %dma_start3A_621 : memref<1x40x1024xf32, #tpu.memory_space<hbm>> -> memref<40x1024xf32, #tpu.memory_space<hbm>>
    %dma_start3A_623 = arith.constant 0 : i32
    %dma_start3A_624 = arith.constant 0 : i32
    %dma_start3A_625 = tpu.memref_slice %arg8[%dma_start3A_623, %dma_start3A_624] : memref<40x1024xf32, #tpu.memory_space<vmem>> -> memref<40x1024xf32, #tpu.memory_space<vmem>>
    tpu.enqueue_dma source(%dma_start3A_625 : memref<40x1024xf32, #tpu.memory_space<vmem>>) target(%dma_start3A_622 : memref<40x1024xf32, #tpu.memory_space<hbm>>) target_semaphore(%arg14 : memref<!tpu.dma_semaphore, #tpu.memory_space<semaphore_mem>>)
    %dma_wait3A_626 = arith.constant 0 : i32
    %dma_wait3A_627 = arith.constant 0 : i32
    %dma_wait3A_628 = tpu.memref_slice %arg10[%dma_wait3A_626, %dma_wait3A_627] : memref<40x1024xf32, #tpu.memory_space<vmem>> -> memref<40x1024xf32, #tpu.memory_space<vmem>>
    %dma_wait3A_629 = arith.constant 0 : i32
    %dma_wait3A_630 = tpu.memref_slice %arg5[%select_n3A, %add3A_538, %dma_wait3A_629] : memref<4x4096x1024xf32, #tpu.memory_space<hbm>> -> memref<1x40x1024xf32, #tpu.memory_space<hbm>>
    %dma_wait3A_631 = tpu.memref_squeeze %dma_wait3A_630 : memref<1x40x1024xf32, #tpu.memory_space<hbm>> -> memref<40x1024xf32, #tpu.memory_space<hbm>>
    %dma_wait3A_632 = arith.constant 0 : i32
    %dma_wait3A_633 = tpu.memref_slice %arg5[%select_n3A, %add3A_538, %dma_wait3A_632] : memref<4x4096x1024xf32, #tpu.memory_space<hbm>> -> memref<1x40x1024xf32, #tpu.memory_space<hbm>>
    %dma_wait3A_634 = tpu.memref_squeeze %dma_wait3A_633 : memref<1x40x1024xf32, #tpu.memory_space<hbm>> -> memref<40x1024xf32, #tpu.memory_space<hbm>>
    %dma_wait3A_635 = arith.constant 0 : i32
    %dma_wait3A_636 = arith.constant 0 : i32
    %dma_wait3A_637 = tpu.memref_slice %arg10[%dma_wait3A_635, %dma_wait3A_636] : memref<40x1024xf32, #tpu.memory_space<vmem>> -> memref<40x1024xf32, #tpu.memory_space<vmem>>
    tpu.wait_dma2 semaphore(%arg16 : memref<!tpu.dma_semaphore, #tpu.memory_space<semaphore_mem>>) src(%dma_wait3A_637 : memref<40x1024xf32, #tpu.memory_space<vmem>>) dst(%dma_wait3A_634 : memref<40x1024xf32, #tpu.memory_space<hbm>>)
    %dma_start3A_638 = arith.constant 0 : i32
    %dma_start3A_639 = arith.constant 0 : i32
    %dma_start3A_640 = tpu.memref_slice %arg10[%dma_start3A_638, %dma_start3A_639] : memref<40x1024xf32, #tpu.memory_space<vmem>> -> memref<40x1024xf32, #tpu.memory_space<vmem>>
    %dma_start3A_641 = arith.constant 200 : i32
    %dma_start3A_642 = tpu.memref_slice %arg7[%dma_start3A_641] : memref<512xi32, #tpu.memory_space<vmem>> -> memref<40xi32, #tpu.memory_space<vmem>>
    %dma_start3A_643 = arith.constant 0 : i32
    %dma_start3A_644 = arith.constant 0 : i32
    %dma_start3A_645 = tpu.memref_slice %arg3[%dma_start3A_643, %dma_start3A_644] : memref<100000x1024xf32, #tpu.memory_space<hbm>> -> memref<100000x1024xf32, #tpu.memory_space<hbm>>
    tpu.enqueue_indirect_dma source(%dma_start3A_645 : memref<100000x1024xf32, #tpu.memory_space<hbm>>) target(%dma_start3A_640 : memref<40x1024xf32, #tpu.memory_space<vmem>>) offsets(%dma_start3A_642 : memref<40xi32, #tpu.memory_space<vmem>>) semaphore(%arg13 : memref<!tpu.dma_semaphore, #tpu.memory_space<semaphore_mem>>)
    %dma_wait3A_646 = arith.constant 0 : i32
    %dma_wait3A_647 = arith.constant 0 : i32
    %dma_wait3A_648 = tpu.memref_slice %arg9[%dma_wait3A_646, %dma_wait3A_647] : memref<40x1024xf32, #tpu.memory_space<vmem>> -> memref<40x1024xf32, #tpu.memory_space<vmem>>
    %dma_wait3A_649 = arith.constant 160 : i32
    %dma_wait3A_650 = tpu.memref_slice %arg7[%dma_wait3A_649] : memref<512xi32, #tpu.memory_space<vmem>> -> memref<40xi32, #tpu.memory_space<vmem>>
    %dma_wait3A_651 = arith.constant 0 : i32
    %dma_wait3A_652 = arith.constant 0 : i32
    %dma_wait3A_653 = tpu.memref_slice %arg3[%dma_wait3A_651, %dma_wait3A_652] : memref<100000x1024xf32, #tpu.memory_space<hbm>> -> memref<100000x1024xf32, #tpu.memory_space<hbm>>
    tpu.wait_indirect_dma semaphore(%arg12 : memref<!tpu.dma_semaphore, #tpu.memory_space<semaphore_mem>>) src(%dma_wait3A_653 : memref<100000x1024xf32, #tpu.memory_space<hbm>>) dst(%dma_wait3A_648 : memref<40x1024xf32, #tpu.memory_space<vmem>>)
    %get3A_654 = arith.constant 160 : index
    %get3A_655 = tpu.vector_load %arg6[%get3A_654] {strides = array<i32>} : memref<512xi32, #tpu.memory_space<vmem>>, vector<16xi32>,
    %gt3A_656 = arith.constant 99999 : i32
    %gt3A_657 = vector.broadcast %gt3A_656 : i32 to vector<16xi32>
    %gt3A_658 = arith.cmpi sgt, %get3A_655, %gt3A_657 : vector<16xi32>
    %all_reduce_population_count3A_659 = tpu.all_reduce %gt3A_658 {dim = 0 : i64, kind = #tpu.reduction_kind<sum>} : vector<16xi1> -> vector<16xi32>
    %slice3A_660 = vector.extract_strided_slice %all_reduce_population_count3A_659 {offsets = [0], sizes = [1], strides = [1]} : vector<16xi32> to vector<1xi32>
    %squeeze3A_661 = vector.extract %slice3A_660[0] : i32 from vector<1xi32>
    %add3A_662 = arith.constant 0 : i32
    %add3A_663 = arith.addi %add3A_662, %squeeze3A_661 : i32
    %get3A_664 = arith.constant 176 : index
    %get3A_665 = tpu.vector_load %arg6[%get3A_664] {strides = array<i32>} : memref<512xi32, #tpu.memory_space<vmem>>, vector<16xi32>,
    %gt3A_666 = arith.constant 99999 : i32
    %gt3A_667 = vector.broadcast %gt3A_666 : i32 to vector<16xi32>
    %gt3A_668 = arith.cmpi sgt, %get3A_665, %gt3A_667 : vector<16xi32>
    %all_reduce_population_count3A_669 = tpu.all_reduce %gt3A_668 {dim = 0 : i64, kind = #tpu.reduction_kind<sum>} : vector<16xi1> -> vector<16xi32>
    %slice3A_670 = vector.extract_strided_slice %all_reduce_population_count3A_669 {offsets = [0], sizes = [1], strides = [1]} : vector<16xi32> to vector<1xi32>
    %squeeze3A_671 = vector.extract %slice3A_670[0] : i32 from vector<1xi32>
    %add3A_672 = arith.addi %add3A_663, %squeeze3A_671 : i32
    %get3A_673 = arith.constant 192 : index
    %get3A_674 = tpu.vector_load %arg6[%get3A_673] {strides = array<i32>} : memref<512xi32, #tpu.memory_space<vmem>>, vector<16xi32>,
    %gt3A_675 = arith.constant 99999 : i32
    %gt3A_676 = vector.broadcast %gt3A_675 : i32 to vector<16xi32>
    %gt3A_677 = arith.cmpi sgt, %get3A_674, %gt3A_676 : vector<16xi32>
    %all_reduce_population_count3A_678 = tpu.all_reduce %gt3A_677 {dim = 0 : i64, kind = #tpu.reduction_kind<sum>} : vector<16xi1> -> vector<16xi32>
    %slice3A_679 = vector.extract_strided_slice %all_reduce_population_count3A_678 {offsets = [0], sizes = [1], strides = [1]} : vector<16xi32> to vector<1xi32>
    %squeeze3A_680 = vector.extract %slice3A_679[0] : i32 from vector<1xi32>
    %add3A_681 = arith.addi %add3A_672, %squeeze3A_680 : i32
    %gt3A_682 = arith.constant 0 : i32
    %gt3A_683 = arith.cmpi sgt, %add3A_681, %gt3A_682 : i32
    %convert_element_type3A_684 = arith.extui %gt3A_683 : i1 to i32
    %cond3A_685 = arith.constant 0 : i32
    %cond3A_686 = arith.cmpi ne, %convert_element_type3A_684, %cond3A_685 : i32
    scf.if %cond3A_686 {
      %scan3A = arith.constant 0 : i32
      %scan3A_1296 = arith.constant 0 : i32
      %scan3A_1297 = arith.constant 40 : i32
      %scan3A_1298 = arith.addi %scan3A_1296, %scan3A_1297 : i32
      %scan3A_1299 = arith.constant 1 : i32
      scf.for %scan3A_1301 = %scan3A_1296 to %scan3A_1298 step %scan3A_1299  : i32 {
        %add3A_1302 = arith.constant 160 : i32
        %add3A_1303 = arith.addi %add3A_1302, %scan3A_1301 : i32
        %broadcast_in_dim3A_1304 = vector.broadcast %add3A_1303 : i32 to vector<16xi32>
        %gather3A = tpu.vector_load_idx %arg6[%broadcast_in_dim3A_1304] : memref<512xi32, #tpu.memory_space<vmem>>[vector<16xi32>], vector<16xi32>,
        %slice3A_1305 = vector.extract_strided_slice %gather3A {offsets = [0], sizes = [1], strides = [1]} : vector<16xi32> to vector<1xi32>
        %squeeze3A_1306 = vector.extract %slice3A_1305[0] : i32 from vector<1xi32>
        %gt3A_1307 = arith.constant 99999 : i32
        %gt3A_1308 = arith.cmpi sgt, %squeeze3A_1306, %gt3A_1307 : i32
        %convert_element_type3A_1309 = arith.extui %gt3A_1308 : i1 to i32
        %cond3A_1310 = arith.constant 0 : i32
        %cond3A_1311 = arith.cmpi ne, %convert_element_type3A_1309, %cond3A_1310 : i32
        scf.if %cond3A_1311 {
          %sub3A_1312 = arith.constant 100000 : i32
          %sub3A_1313 = arith.subi %squeeze3A_1306, %sub3A_1312 : i32
          "tpu.region"() ({
            %run_scoped3A = tpu.sem_alloc : memref<!tpu.dma_semaphore, #tpu.memory_space<semaphore_mem>>
            %dma_start3A_1314 = arith.constant 0 : i32
            %dma_start3A_1315 = tpu.memref_slice %arg9[%scan3A_1301, %dma_start3A_1314] : memref<40x1024xf32, #tpu.memory_space<vmem>> -> memref<1x1024xf32, #tpu.memory_space<vmem>>
            %dma_start3A_1316 = arith.constant 0 : i32
            %dma_start3A_1317 = tpu.memref_slice %arg4[%sub3A_1313, %dma_start3A_1316] : memref<128x1024xf32, #tpu.memory_space<hbm>> -> memref<1x1024xf32, #tpu.memory_space<hbm>>
            %dma_start3A_1318 = arith.constant 0 : i32
            %dma_start3A_1319 = tpu.memref_slice %arg9[%scan3A_1301, %dma_start3A_1318] : memref<40x1024xf32, #tpu.memory_space<vmem>> -> memref<1x1024xf32, #tpu.memory_space<vmem>>
            %dma_start3A_1320 = arith.constant 0 : i32
            %dma_start3A_1321 = tpu.memref_slice %arg4[%sub3A_1313, %dma_start3A_1320] : memref<128x1024xf32, #tpu.memory_space<hbm>> -> memref<1x1024xf32, #tpu.memory_space<hbm>>
            tpu.enqueue_dma source(%dma_start3A_1321 : memref<1x1024xf32, #tpu.memory_space<hbm>>) target(%dma_start3A_1319 : memref<1x1024xf32, #tpu.memory_space<vmem>>) target_semaphore(%run_scoped3A : memref<!tpu.dma_semaphore, #tpu.memory_space<semaphore_mem>>)
            %dma_wait3A_1322 = arith.constant 0 : i32
            %dma_wait3A_1323 = tpu.memref_slice %arg9[%scan3A_1301, %dma_wait3A_1322] : memref<40x1024xf32, #tpu.memory_space<vmem>> -> memref<1x1024xf32, #tpu.memory_space<vmem>>
            %dma_wait3A_1324 = arith.constant 0 : i32
            %dma_wait3A_1325 = tpu.memref_slice %arg4[%sub3A_1313, %dma_wait3A_1324] : memref<128x1024xf32, #tpu.memory_space<hbm>> -> memref<1x1024xf32, #tpu.memory_space<hbm>>
            %dma_wait3A_1326 = arith.constant 0 : i32
            %dma_wait3A_1327 = tpu.memref_slice %arg9[%scan3A_1301, %dma_wait3A_1326] : memref<40x1024xf32, #tpu.memory_space<vmem>> -> memref<1x1024xf32, #tpu.memory_space<vmem>>
            %dma_wait3A_1328 = arith.constant 0 : i32
            %dma_wait3A_1329 = tpu.memref_slice %arg4[%sub3A_1313, %dma_wait3A_1328] : memref<128x1024xf32, #tpu.memory_space<hbm>> -> memref<1x1024xf32, #tpu.memory_space<hbm>>
            tpu.wait_dma2 semaphore(%run_scoped3A : memref<!tpu.dma_semaphore, #tpu.memory_space<semaphore_mem>>) src(%dma_wait3A_1329 : memref<1x1024xf32, #tpu.memory_space<hbm>>) dst(%dma_wait3A_1327 : memref<1x1024xf32, #tpu.memory_space<vmem>>)
            tpu.yield
          }) : () -> ()
        } else {
        }
      }
      %scan3A_1300 = arith.constant 40 : i32
    } else {
    }
    %add3A_687 = arith.constant 160 : i32
    %add3A_688 = arith.addi %mul3A_32, %add3A_687 : i32
    %dma_start3A_689 = arith.constant 0 : i32
    %dma_start3A_690 = arith.constant 0 : i32
    %dma_start3A_691 = tpu.memref_slice %arg9[%dma_start3A_689, %dma_start3A_690] : memref<40x1024xf32, #tpu.memory_space<vmem>> -> memref<40x1024xf32, #tpu.memory_space<vmem>>
    %dma_start3A_692 = arith.constant 0 : i32
    %dma_start3A_693 = tpu.memref_slice %arg5[%select_n3A, %add3A_688, %dma_start3A_692] : memref<4x4096x1024xf32, #tpu.memory_space<hbm>> -> memref<1x40x1024xf32, #tpu.memory_space<hbm>>
    %dma_start3A_694 = tpu.memref_squeeze %dma_start3A_693 : memref<1x40x1024xf32, #tpu.memory_space<hbm>> -> memref<40x1024xf32, #tpu.memory_space<hbm>>
    %dma_start3A_695 = arith.constant 0 : i32
    %dma_start3A_696 = tpu.memref_slice %arg5[%select_n3A, %add3A_688, %dma_start3A_695] : memref<4x4096x1024xf32, #tpu.memory_space<hbm>> -> memref<1x40x1024xf32, #tpu.memory_space<hbm>>
    %dma_start3A_697 = tpu.memref_squeeze %dma_start3A_696 : memref<1x40x1024xf32, #tpu.memory_space<hbm>> -> memref<40x1024xf32, #tpu.memory_space<hbm>>
    %dma_start3A_698 = arith.constant 0 : i32
    %dma_start3A_699 = arith.constant 0 : i32
    %dma_start3A_700 = tpu.memref_slice %arg9[%dma_start3A_698, %dma_start3A_699] : memref<40x1024xf32, #tpu.memory_space<vmem>> -> memref<40x1024xf32, #tpu.memory_space<vmem>>
    tpu.enqueue_dma source(%dma_start3A_700 : memref<40x1024xf32, #tpu.memory_space<vmem>>) target(%dma_start3A_697 : memref<40x1024xf32, #tpu.memory_space<hbm>>) target_semaphore(%arg15 : memref<!tpu.dma_semaphore, #tpu.memory_space<semaphore_mem>>)
    %dma_wait3A_701 = arith.constant 0 : i32
    %dma_wait3A_702 = arith.constant 0 : i32
    %dma_wait3A_703 = tpu.memref_slice %arg8[%dma_wait3A_701, %dma_wait3A_702] : memref<40x1024xf32, #tpu.memory_space<vmem>> -> memref<40x1024xf32, #tpu.memory_space<vmem>>
    %dma_wait3A_704 = arith.constant 0 : i32
    %dma_wait3A_705 = tpu.memref_slice %arg5[%select_n3A, %add3A_613, %dma_wait3A_704] : memref<4x4096x1024xf32, #tpu.memory_space<hbm>> -> memref<1x40x1024xf32, #tpu.memory_space<hbm>>
    %dma_wait3A_706 = tpu.memref_squeeze %dma_wait3A_705 : memref<1x40x1024xf32, #tpu.memory_space<hbm>> -> memref<40x1024xf32, #tpu.memory_space<hbm>>
    %dma_wait3A_707 = arith.constant 0 : i32
    %dma_wait3A_708 = tpu.memref_slice %arg5[%select_n3A, %add3A_613, %dma_wait3A_707] : memref<4x4096x1024xf32, #tpu.memory_space<hbm>> -> memref<1x40x1024xf32, #tpu.memory_space<hbm>>
    %dma_wait3A_709 = tpu.memref_squeeze %dma_wait3A_708 : memref<1x40x1024xf32, #tpu.memory_space<hbm>> -> memref<40x1024xf32, #tpu.memory_space<hbm>>
    %dma_wait3A_710 = arith.constant 0 : i32
    %dma_wait3A_711 = arith.constant 0 : i32
    %dma_wait3A_712 = tpu.memref_slice %arg8[%dma_wait3A_710, %dma_wait3A_711] : memref<40x1024xf32, #tpu.memory_space<vmem>> -> memref<40x1024xf32, #tpu.memory_space<vmem>>
    tpu.wait_dma2 semaphore(%arg14 : memref<!tpu.dma_semaphore, #tpu.memory_space<semaphore_mem>>) src(%dma_wait3A_712 : memref<40x1024xf32, #tpu.memory_space<vmem>>) dst(%dma_wait3A_709 : memref<40x1024xf32, #tpu.memory_space<hbm>>)
    %dma_start3A_713 = arith.constant 0 : i32
    %dma_start3A_714 = arith.constant 0 : i32
    %dma_start3A_715 = tpu.memref_slice %arg8[%dma_start3A_713, %dma_start3A_714] : memref<40x1024xf32, #tpu.memory_space<vmem>> -> memref<40x1024xf32, #tpu.memory_space<vmem>>
    %dma_start3A_716 = arith.constant 240 : i32
    %dma_start3A_717 = tpu.memref_slice %arg7[%dma_start3A_716] : memref<512xi32, #tpu.memory_space<vmem>> -> memref<40xi32, #tpu.memory_space<vmem>>
    %dma_start3A_718 = arith.constant 0 : i32
    %dma_start3A_719 = arith.constant 0 : i32
    %dma_start3A_720 = tpu.memref_slice %arg3[%dma_start3A_718, %dma_start3A_719] : memref<100000x1024xf32, #tpu.memory_space<hbm>> -> memref<100000x1024xf32, #tpu.memory_space<hbm>>
    tpu.enqueue_indirect_dma source(%dma_start3A_720 : memref<100000x1024xf32, #tpu.memory_space<hbm>>) target(%dma_start3A_715 : memref<40x1024xf32, #tpu.memory_space<vmem>>) offsets(%dma_start3A_717 : memref<40xi32, #tpu.memory_space<vmem>>) semaphore(%arg11 : memref<!tpu.dma_semaphore, #tpu.memory_space<semaphore_mem>>)
    %dma_wait3A_721 = arith.constant 0 : i32
    %dma_wait3A_722 = arith.constant 0 : i32
    %dma_wait3A_723 = tpu.memref_slice %arg10[%dma_wait3A_721, %dma_wait3A_722] : memref<40x1024xf32, #tpu.memory_space<vmem>> -> memref<40x1024xf32, #tpu.memory_space<vmem>>
    %dma_wait3A_724 = arith.constant 200 : i32
    %dma_wait3A_725 = tpu.memref_slice %arg7[%dma_wait3A_724] : memref<512xi32, #tpu.memory_space<vmem>> -> memref<40xi32, #tpu.memory_space<vmem>>
    %dma_wait3A_726 = arith.constant 0 : i32
    %dma_wait3A_727 = arith.constant 0 : i32
    %dma_wait3A_728 = tpu.memref_slice %arg3[%dma_wait3A_726, %dma_wait3A_727] : memref<100000x1024xf32, #tpu.memory_space<hbm>> -> memref<100000x1024xf32, #tpu.memory_space<hbm>>
    tpu.wait_indirect_dma semaphore(%arg13 : memref<!tpu.dma_semaphore, #tpu.memory_space<semaphore_mem>>) src(%dma_wait3A_728 : memref<100000x1024xf32, #tpu.memory_space<hbm>>) dst(%dma_wait3A_723 : memref<40x1024xf32, #tpu.memory_space<vmem>>)
    %get3A_729 = arith.constant 192 : index
    %get3A_730 = tpu.vector_load %arg6[%get3A_729] {strides = array<i32>} : memref<512xi32, #tpu.memory_space<vmem>>, vector<16xi32>,
    %gt3A_731 = arith.constant 99999 : i32
    %gt3A_732 = vector.broadcast %gt3A_731 : i32 to vector<16xi32>
    %gt3A_733 = arith.cmpi sgt, %get3A_730, %gt3A_732 : vector<16xi32>
    %all_reduce_population_count3A_734 = tpu.all_reduce %gt3A_733 {dim = 0 : i64, kind = #tpu.reduction_kind<sum>} : vector<16xi1> -> vector<16xi32>
    %slice3A_735 = vector.extract_strided_slice %all_reduce_population_count3A_734 {offsets = [0], sizes = [1], strides = [1]} : vector<16xi32> to vector<1xi32>
    %squeeze3A_736 = vector.extract %slice3A_735[0] : i32 from vector<1xi32>
    %add3A_737 = arith.constant 0 : i32
    %add3A_738 = arith.addi %add3A_737, %squeeze3A_736 : i32
    %get3A_739 = arith.constant 208 : index
    %get3A_740 = tpu.vector_load %arg6[%get3A_739] {strides = array<i32>} : memref<512xi32, #tpu.memory_space<vmem>>, vector<16xi32>,
    %gt3A_741 = arith.constant 99999 : i32
    %gt3A_742 = vector.broadcast %gt3A_741 : i32 to vector<16xi32>
    %gt3A_743 = arith.cmpi sgt, %get3A_740, %gt3A_742 : vector<16xi32>
    %all_reduce_population_count3A_744 = tpu.all_reduce %gt3A_743 {dim = 0 : i64, kind = #tpu.reduction_kind<sum>} : vector<16xi1> -> vector<16xi32>
    %slice3A_745 = vector.extract_strided_slice %all_reduce_population_count3A_744 {offsets = [0], sizes = [1], strides = [1]} : vector<16xi32> to vector<1xi32>
    %squeeze3A_746 = vector.extract %slice3A_745[0] : i32 from vector<1xi32>
    %add3A_747 = arith.addi %add3A_738, %squeeze3A_746 : i32
    %get3A_748 = arith.constant 224 : index
    %get3A_749 = tpu.vector_load %arg6[%get3A_748] {strides = array<i32>} : memref<512xi32, #tpu.memory_space<vmem>>, vector<16xi32>,
    %gt3A_750 = arith.constant 99999 : i32
    %gt3A_751 = vector.broadcast %gt3A_750 : i32 to vector<16xi32>
    %gt3A_752 = arith.cmpi sgt, %get3A_749, %gt3A_751 : vector<16xi32>
    %all_reduce_population_count3A_753 = tpu.all_reduce %gt3A_752 {dim = 0 : i64, kind = #tpu.reduction_kind<sum>} : vector<16xi1> -> vector<16xi32>
    %slice3A_754 = vector.extract_strided_slice %all_reduce_population_count3A_753 {offsets = [0], sizes = [1], strides = [1]} : vector<16xi32> to vector<1xi32>
    %squeeze3A_755 = vector.extract %slice3A_754[0] : i32 from vector<1xi32>
    %add3A_756 = arith.addi %add3A_747, %squeeze3A_755 : i32
    %gt3A_757 = arith.constant 0 : i32
    %gt3A_758 = arith.cmpi sgt, %add3A_756, %gt3A_757 : i32
    %convert_element_type3A_759 = arith.extui %gt3A_758 : i1 to i32
    %cond3A_760 = arith.constant 0 : i32
    %cond3A_761 = arith.cmpi ne, %convert_element_type3A_759, %cond3A_760 : i32
    scf.if %cond3A_761 {
      %scan3A = arith.constant 0 : i32
      %scan3A_1296 = arith.constant 0 : i32
      %scan3A_1297 = arith.constant 40 : i32
      %scan3A_1298 = arith.addi %scan3A_1296, %scan3A_1297 : i32
      %scan3A_1299 = arith.constant 1 : i32
      scf.for %scan3A_1301 = %scan3A_1296 to %scan3A_1298 step %scan3A_1299  : i32 {
        %add3A_1302 = arith.constant 200 : i32
        %add3A_1303 = arith.addi %add3A_1302, %scan3A_1301 : i32
        %broadcast_in_dim3A_1304 = vector.broadcast %add3A_1303 : i32 to vector<16xi32>
        %gather3A = tpu.vector_load_idx %arg6[%broadcast_in_dim3A_1304] : memref<512xi32, #tpu.memory_space<vmem>>[vector<16xi32>], vector<16xi32>,
        %slice3A_1305 = vector.extract_strided_slice %gather3A {offsets = [0], sizes = [1], strides = [1]} : vector<16xi32> to vector<1xi32>
        %squeeze3A_1306 = vector.extract %slice3A_1305[0] : i32 from vector<1xi32>
        %gt3A_1307 = arith.constant 99999 : i32
        %gt3A_1308 = arith.cmpi sgt, %squeeze3A_1306, %gt3A_1307 : i32
        %convert_element_type3A_1309 = arith.extui %gt3A_1308 : i1 to i32
        %cond3A_1310 = arith.constant 0 : i32
        %cond3A_1311 = arith.cmpi ne, %convert_element_type3A_1309, %cond3A_1310 : i32
        scf.if %cond3A_1311 {
          %sub3A_1312 = arith.constant 100000 : i32
          %sub3A_1313 = arith.subi %squeeze3A_1306, %sub3A_1312 : i32
          "tpu.region"() ({
            %run_scoped3A = tpu.sem_alloc : memref<!tpu.dma_semaphore, #tpu.memory_space<semaphore_mem>>
            %dma_start3A_1314 = arith.constant 0 : i32
            %dma_start3A_1315 = tpu.memref_slice %arg10[%scan3A_1301, %dma_start3A_1314] : memref<40x1024xf32, #tpu.memory_space<vmem>> -> memref<1x1024xf32, #tpu.memory_space<vmem>>
            %dma_start3A_1316 = arith.constant 0 : i32
            %dma_start3A_1317 = tpu.memref_slice %arg4[%sub3A_1313, %dma_start3A_1316] : memref<128x1024xf32, #tpu.memory_space<hbm>> -> memref<1x1024xf32, #tpu.memory_space<hbm>>
            %dma_start3A_1318 = arith.constant 0 : i32
            %dma_start3A_1319 = tpu.memref_slice %arg10[%scan3A_1301, %dma_start3A_1318] : memref<40x1024xf32, #tpu.memory_space<vmem>> -> memref<1x1024xf32, #tpu.memory_space<vmem>>
            %dma_start3A_1320 = arith.constant 0 : i32
            %dma_start3A_1321 = tpu.memref_slice %arg4[%sub3A_1313, %dma_start3A_1320] : memref<128x1024xf32, #tpu.memory_space<hbm>> -> memref<1x1024xf32, #tpu.memory_space<hbm>>
            tpu.enqueue_dma source(%dma_start3A_1321 : memref<1x1024xf32, #tpu.memory_space<hbm>>) target(%dma_start3A_1319 : memref<1x1024xf32, #tpu.memory_space<vmem>>) target_semaphore(%run_scoped3A : memref<!tpu.dma_semaphore, #tpu.memory_space<semaphore_mem>>)
            %dma_wait3A_1322 = arith.constant 0 : i32
            %dma_wait3A_1323 = tpu.memref_slice %arg10[%scan3A_1301, %dma_wait3A_1322] : memref<40x1024xf32, #tpu.memory_space<vmem>> -> memref<1x1024xf32, #tpu.memory_space<vmem>>
            %dma_wait3A_1324 = arith.constant 0 : i32
            %dma_wait3A_1325 = tpu.memref_slice %arg4[%sub3A_1313, %dma_wait3A_1324] : memref<128x1024xf32, #tpu.memory_space<hbm>> -> memref<1x1024xf32, #tpu.memory_space<hbm>>
            %dma_wait3A_1326 = arith.constant 0 : i32
            %dma_wait3A_1327 = tpu.memref_slice %arg10[%scan3A_1301, %dma_wait3A_1326] : memref<40x1024xf32, #tpu.memory_space<vmem>> -> memref<1x1024xf32, #tpu.memory_space<vmem>>
            %dma_wait3A_1328 = arith.constant 0 : i32
            %dma_wait3A_1329 = tpu.memref_slice %arg4[%sub3A_1313, %dma_wait3A_1328] : memref<128x1024xf32, #tpu.memory_space<hbm>> -> memref<1x1024xf32, #tpu.memory_space<hbm>>
            tpu.wait_dma2 semaphore(%run_scoped3A : memref<!tpu.dma_semaphore, #tpu.memory_space<semaphore_mem>>) src(%dma_wait3A_1329 : memref<1x1024xf32, #tpu.memory_space<hbm>>) dst(%dma_wait3A_1327 : memref<1x1024xf32, #tpu.memory_space<vmem>>)
            tpu.yield
          }) : () -> ()
        } else {
        }
      }
      %scan3A_1300 = arith.constant 40 : i32
    } else {
    }
    %add3A_762 = arith.constant 200 : i32
    %add3A_763 = arith.addi %mul3A_32, %add3A_762 : i32
    %dma_start3A_764 = arith.constant 0 : i32
    %dma_start3A_765 = arith.constant 0 : i32
    %dma_start3A_766 = tpu.memref_slice %arg10[%dma_start3A_764, %dma_start3A_765] : memref<40x1024xf32, #tpu.memory_space<vmem>> -> memref<40x1024xf32, #tpu.memory_space<vmem>>
    %dma_start3A_767 = arith.constant 0 : i32
    %dma_start3A_768 = tpu.memref_slice %arg5[%select_n3A, %add3A_763, %dma_start3A_767] : memref<4x4096x1024xf32, #tpu.memory_space<hbm>> -> memref<1x40x1024xf32, #tpu.memory_space<hbm>>
    %dma_start3A_769 = tpu.memref_squeeze %dma_start3A_768 : memref<1x40x1024xf32, #tpu.memory_space<hbm>> -> memref<40x1024xf32, #tpu.memory_space<hbm>>
    %dma_start3A_770 = arith.constant 0 : i32
    %dma_start3A_771 = tpu.memref_slice %arg5[%select_n3A, %add3A_763, %dma_start3A_770] : memref<4x4096x1024xf32, #tpu.memory_space<hbm>> -> memref<1x40x1024xf32, #tpu.memory_space<hbm>>
    %dma_start3A_772 = tpu.memref_squeeze %dma_start3A_771 : memref<1x40x1024xf32, #tpu.memory_space<hbm>> -> memref<40x1024xf32, #tpu.memory_space<hbm>>
    %dma_start3A_773 = arith.constant 0 : i32
    %dma_start3A_774 = arith.constant 0 : i32
    %dma_start3A_775 = tpu.memref_slice %arg10[%dma_start3A_773, %dma_start3A_774] : memref<40x1024xf32, #tpu.memory_space<vmem>> -> memref<40x1024xf32, #tpu.memory_space<vmem>>
    tpu.enqueue_dma source(%dma_start3A_775 : memref<40x1024xf32, #tpu.memory_space<vmem>>) target(%dma_start3A_772 : memref<40x1024xf32, #tpu.memory_space<hbm>>) target_semaphore(%arg16 : memref<!tpu.dma_semaphore, #tpu.memory_space<semaphore_mem>>)
    %dma_wait3A_776 = arith.constant 0 : i32
    %dma_wait3A_777 = arith.constant 0 : i32
    %dma_wait3A_778 = tpu.memref_slice %arg9[%dma_wait3A_776, %dma_wait3A_777] : memref<40x1024xf32, #tpu.memory_space<vmem>> -> memref<40x1024xf32, #tpu.memory_space<vmem>>
    %dma_wait3A_779 = arith.constant 0 : i32
    %dma_wait3A_780 = tpu.memref_slice %arg5[%select_n3A, %add3A_688, %dma_wait3A_779] : memref<4x4096x1024xf32, #tpu.memory_space<hbm>> -> memref<1x40x1024xf32, #tpu.memory_space<hbm>>
    %dma_wait3A_781 = tpu.memref_squeeze %dma_wait3A_780 : memref<1x40x1024xf32, #tpu.memory_space<hbm>> -> memref<40x1024xf32, #tpu.memory_space<hbm>>
    %dma_wait3A_782 = arith.constant 0 : i32
    %dma_wait3A_783 = tpu.memref_slice %arg5[%select_n3A, %add3A_688, %dma_wait3A_782] : memref<4x4096x1024xf32, #tpu.memory_space<hbm>> -> memref<1x40x1024xf32, #tpu.memory_space<hbm>>
    %dma_wait3A_784 = tpu.memref_squeeze %dma_wait3A_783 : memref<1x40x1024xf32, #tpu.memory_space<hbm>> -> memref<40x1024xf32, #tpu.memory_space<hbm>>
    %dma_wait3A_785 = arith.constant 0 : i32
    %dma_wait3A_786 = arith.constant 0 : i32
    %dma_wait3A_787 = tpu.memref_slice %arg9[%dma_wait3A_785, %dma_wait3A_786] : memref<40x1024xf32, #tpu.memory_space<vmem>> -> memref<40x1024xf32, #tpu.memory_space<vmem>>
    tpu.wait_dma2 semaphore(%arg15 : memref<!tpu.dma_semaphore, #tpu.memory_space<semaphore_mem>>) src(%dma_wait3A_787 : memref<40x1024xf32, #tpu.memory_space<vmem>>) dst(%dma_wait3A_784 : memref<40x1024xf32, #tpu.memory_space<hbm>>)
    %dma_start3A_788 = arith.constant 0 : i32
    %dma_start3A_789 = arith.constant 0 : i32
    %dma_start3A_790 = tpu.memref_slice %arg9[%dma_start3A_788, %dma_start3A_789] : memref<40x1024xf32, #tpu.memory_space<vmem>> -> memref<40x1024xf32, #tpu.memory_space<vmem>>
    %dma_start3A_791 = arith.constant 280 : i32
    %dma_start3A_792 = tpu.memref_slice %arg7[%dma_start3A_791] : memref<512xi32, #tpu.memory_space<vmem>> -> memref<40xi32, #tpu.memory_space<vmem>>
    %dma_start3A_793 = arith.constant 0 : i32
    %dma_start3A_794 = arith.constant 0 : i32
    %dma_start3A_795 = tpu.memref_slice %arg3[%dma_start3A_793, %dma_start3A_794] : memref<100000x1024xf32, #tpu.memory_space<hbm>> -> memref<100000x1024xf32, #tpu.memory_space<hbm>>
    tpu.enqueue_indirect_dma source(%dma_start3A_795 : memref<100000x1024xf32, #tpu.memory_space<hbm>>) target(%dma_start3A_790 : memref<40x1024xf32, #tpu.memory_space<vmem>>) offsets(%dma_start3A_792 : memref<40xi32, #tpu.memory_space<vmem>>) semaphore(%arg12 : memref<!tpu.dma_semaphore, #tpu.memory_space<semaphore_mem>>)
    %dma_wait3A_796 = arith.constant 0 : i32
    %dma_wait3A_797 = arith.constant 0 : i32
    %dma_wait3A_798 = tpu.memref_slice %arg8[%dma_wait3A_796, %dma_wait3A_797] : memref<40x1024xf32, #tpu.memory_space<vmem>> -> memref<40x1024xf32, #tpu.memory_space<vmem>>
    %dma_wait3A_799 = arith.constant 240 : i32
    %dma_wait3A_800 = tpu.memref_slice %arg7[%dma_wait3A_799] : memref<512xi32, #tpu.memory_space<vmem>> -> memref<40xi32, #tpu.memory_space<vmem>>
    %dma_wait3A_801 = arith.constant 0 : i32
    %dma_wait3A_802 = arith.constant 0 : i32
    %dma_wait3A_803 = tpu.memref_slice %arg3[%dma_wait3A_801, %dma_wait3A_802] : memref<100000x1024xf32, #tpu.memory_space<hbm>> -> memref<100000x1024xf32, #tpu.memory_space<hbm>>
    tpu.wait_indirect_dma semaphore(%arg11 : memref<!tpu.dma_semaphore, #tpu.memory_space<semaphore_mem>>) src(%dma_wait3A_803 : memref<100000x1024xf32, #tpu.memory_space<hbm>>) dst(%dma_wait3A_798 : memref<40x1024xf32, #tpu.memory_space<vmem>>)
    %get3A_804 = arith.constant 240 : index
    %get3A_805 = tpu.vector_load %arg6[%get3A_804] {strides = array<i32>} : memref<512xi32, #tpu.memory_space<vmem>>, vector<16xi32>,
    %gt3A_806 = arith.constant 99999 : i32
    %gt3A_807 = vector.broadcast %gt3A_806 : i32 to vector<16xi32>
    %gt3A_808 = arith.cmpi sgt, %get3A_805, %gt3A_807 : vector<16xi32>
    %all_reduce_population_count3A_809 = tpu.all_reduce %gt3A_808 {dim = 0 : i64, kind = #tpu.reduction_kind<sum>} : vector<16xi1> -> vector<16xi32>
    %slice3A_810 = vector.extract_strided_slice %all_reduce_population_count3A_809 {offsets = [0], sizes = [1], strides = [1]} : vector<16xi32> to vector<1xi32>
    %squeeze3A_811 = vector.extract %slice3A_810[0] : i32 from vector<1xi32>
    %add3A_812 = arith.constant 0 : i32
    %add3A_813 = arith.addi %add3A_812, %squeeze3A_811 : i32
    %get3A_814 = arith.constant 256 : index
    %get3A_815 = tpu.vector_load %arg6[%get3A_814] {strides = array<i32>} : memref<512xi32, #tpu.memory_space<vmem>>, vector<16xi32>,
    %gt3A_816 = arith.constant 99999 : i32
    %gt3A_817 = vector.broadcast %gt3A_816 : i32 to vector<16xi32>
    %gt3A_818 = arith.cmpi sgt, %get3A_815, %gt3A_817 : vector<16xi32>
    %all_reduce_population_count3A_819 = tpu.all_reduce %gt3A_818 {dim = 0 : i64, kind = #tpu.reduction_kind<sum>} : vector<16xi1> -> vector<16xi32>
    %slice3A_820 = vector.extract_strided_slice %all_reduce_population_count3A_819 {offsets = [0], sizes = [1], strides = [1]} : vector<16xi32> to vector<1xi32>
    %squeeze3A_821 = vector.extract %slice3A_820[0] : i32 from vector<1xi32>
    %add3A_822 = arith.addi %add3A_813, %squeeze3A_821 : i32
    %get3A_823 = arith.constant 272 : index
    %get3A_824 = tpu.vector_load %arg6[%get3A_823] {strides = array<i32>} : memref<512xi32, #tpu.memory_space<vmem>>, vector<16xi32>,
    %gt3A_825 = arith.constant 99999 : i32
    %gt3A_826 = vector.broadcast %gt3A_825 : i32 to vector<16xi32>
    %gt3A_827 = arith.cmpi sgt, %get3A_824, %gt3A_826 : vector<16xi32>
    %all_reduce_population_count3A_828 = tpu.all_reduce %gt3A_827 {dim = 0 : i64, kind = #tpu.reduction_kind<sum>} : vector<16xi1> -> vector<16xi32>
    %slice3A_829 = vector.extract_strided_slice %all_reduce_population_count3A_828 {offsets = [0], sizes = [1], strides = [1]} : vector<16xi32> to vector<1xi32>
    %squeeze3A_830 = vector.extract %slice3A_829[0] : i32 from vector<1xi32>
    %add3A_831 = arith.addi %add3A_822, %squeeze3A_830 : i32
    %gt3A_832 = arith.constant 0 : i32
    %gt3A_833 = arith.cmpi sgt, %add3A_831, %gt3A_832 : i32
    %convert_element_type3A_834 = arith.extui %gt3A_833 : i1 to i32
    %cond3A_835 = arith.constant 0 : i32
    %cond3A_836 = arith.cmpi ne, %convert_element_type3A_834, %cond3A_835 : i32
    scf.if %cond3A_836 {
      %scan3A = arith.constant 0 : i32
      %scan3A_1296 = arith.constant 0 : i32
      %scan3A_1297 = arith.constant 40 : i32
      %scan3A_1298 = arith.addi %scan3A_1296, %scan3A_1297 : i32
      %scan3A_1299 = arith.constant 1 : i32
      scf.for %scan3A_1301 = %scan3A_1296 to %scan3A_1298 step %scan3A_1299  : i32 {
        %add3A_1302 = arith.constant 240 : i32
        %add3A_1303 = arith.addi %add3A_1302, %scan3A_1301 : i32
        %broadcast_in_dim3A_1304 = vector.broadcast %add3A_1303 : i32 to vector<16xi32>
        %gather3A = tpu.vector_load_idx %arg6[%broadcast_in_dim3A_1304] : memref<512xi32, #tpu.memory_space<vmem>>[vector<16xi32>], vector<16xi32>,
        %slice3A_1305 = vector.extract_strided_slice %gather3A {offsets = [0], sizes = [1], strides = [1]} : vector<16xi32> to vector<1xi32>
        %squeeze3A_1306 = vector.extract %slice3A_1305[0] : i32 from vector<1xi32>
        %gt3A_1307 = arith.constant 99999 : i32
        %gt3A_1308 = arith.cmpi sgt, %squeeze3A_1306, %gt3A_1307 : i32
        %convert_element_type3A_1309 = arith.extui %gt3A_1308 : i1 to i32
        %cond3A_1310 = arith.constant 0 : i32
        %cond3A_1311 = arith.cmpi ne, %convert_element_type3A_1309, %cond3A_1310 : i32
        scf.if %cond3A_1311 {
          %sub3A_1312 = arith.constant 100000 : i32
          %sub3A_1313 = arith.subi %squeeze3A_1306, %sub3A_1312 : i32
          "tpu.region"() ({
            %run_scoped3A = tpu.sem_alloc : memref<!tpu.dma_semaphore, #tpu.memory_space<semaphore_mem>>
            %dma_start3A_1314 = arith.constant 0 : i32
            %dma_start3A_1315 = tpu.memref_slice %arg8[%scan3A_1301, %dma_start3A_1314] : memref<40x1024xf32, #tpu.memory_space<vmem>> -> memref<1x1024xf32, #tpu.memory_space<vmem>>
            %dma_start3A_1316 = arith.constant 0 : i32
            %dma_start3A_1317 = tpu.memref_slice %arg4[%sub3A_1313, %dma_start3A_1316] : memref<128x1024xf32, #tpu.memory_space<hbm>> -> memref<1x1024xf32, #tpu.memory_space<hbm>>
            %dma_start3A_1318 = arith.constant 0 : i32
            %dma_start3A_1319 = tpu.memref_slice %arg8[%scan3A_1301, %dma_start3A_1318] : memref<40x1024xf32, #tpu.memory_space<vmem>> -> memref<1x1024xf32, #tpu.memory_space<vmem>>
            %dma_start3A_1320 = arith.constant 0 : i32
            %dma_start3A_1321 = tpu.memref_slice %arg4[%sub3A_1313, %dma_start3A_1320] : memref<128x1024xf32, #tpu.memory_space<hbm>> -> memref<1x1024xf32, #tpu.memory_space<hbm>>
            tpu.enqueue_dma source(%dma_start3A_1321 : memref<1x1024xf32, #tpu.memory_space<hbm>>) target(%dma_start3A_1319 : memref<1x1024xf32, #tpu.memory_space<vmem>>) target_semaphore(%run_scoped3A : memref<!tpu.dma_semaphore, #tpu.memory_space<semaphore_mem>>)
            %dma_wait3A_1322 = arith.constant 0 : i32
            %dma_wait3A_1323 = tpu.memref_slice %arg8[%scan3A_1301, %dma_wait3A_1322] : memref<40x1024xf32, #tpu.memory_space<vmem>> -> memref<1x1024xf32, #tpu.memory_space<vmem>>
            %dma_wait3A_1324 = arith.constant 0 : i32
            %dma_wait3A_1325 = tpu.memref_slice %arg4[%sub3A_1313, %dma_wait3A_1324] : memref<128x1024xf32, #tpu.memory_space<hbm>> -> memref<1x1024xf32, #tpu.memory_space<hbm>>
            %dma_wait3A_1326 = arith.constant 0 : i32
            %dma_wait3A_1327 = tpu.memref_slice %arg8[%scan3A_1301, %dma_wait3A_1326] : memref<40x1024xf32, #tpu.memory_space<vmem>> -> memref<1x1024xf32, #tpu.memory_space<vmem>>
            %dma_wait3A_1328 = arith.constant 0 : i32
            %dma_wait3A_1329 = tpu.memref_slice %arg4[%sub3A_1313, %dma_wait3A_1328] : memref<128x1024xf32, #tpu.memory_space<hbm>> -> memref<1x1024xf32, #tpu.memory_space<hbm>>
            tpu.wait_dma2 semaphore(%run_scoped3A : memref<!tpu.dma_semaphore, #tpu.memory_space<semaphore_mem>>) src(%dma_wait3A_1329 : memref<1x1024xf32, #tpu.memory_space<hbm>>) dst(%dma_wait3A_1327 : memref<1x1024xf32, #tpu.memory_space<vmem>>)
            tpu.yield
          }) : () -> ()
        } else {
        }
      }
      %scan3A_1300 = arith.constant 40 : i32
    } else {
    }
    %add3A_837 = arith.constant 240 : i32
    %add3A_838 = arith.addi %mul3A_32, %add3A_837 : i32
    %dma_start3A_839 = arith.constant 0 : i32
    %dma_start3A_840 = arith.constant 0 : i32
    %dma_start3A_841 = tpu.memref_slice %arg8[%dma_start3A_839, %dma_start3A_840] : memref<40x1024xf32, #tpu.memory_space<vmem>> -> memref<40x1024xf32, #tpu.memory_space<vmem>>
    %dma_start3A_842 = arith.constant 0 : i32
    %dma_start3A_843 = tpu.memref_slice %arg5[%select_n3A, %add3A_838, %dma_start3A_842] : memref<4x4096x1024xf32, #tpu.memory_space<hbm>> -> memref<1x40x1024xf32, #tpu.memory_space<hbm>>
    %dma_start3A_844 = tpu.memref_squeeze %dma_start3A_843 : memref<1x40x1024xf32, #tpu.memory_space<hbm>> -> memref<40x1024xf32, #tpu.memory_space<hbm>>
    %dma_start3A_845 = arith.constant 0 : i32
    %dma_start3A_846 = tpu.memref_slice %arg5[%select_n3A, %add3A_838, %dma_start3A_845] : memref<4x4096x1024xf32, #tpu.memory_space<hbm>> -> memref<1x40x1024xf32, #tpu.memory_space<hbm>>
    %dma_start3A_847 = tpu.memref_squeeze %dma_start3A_846 : memref<1x40x1024xf32, #tpu.memory_space<hbm>> -> memref<40x1024xf32, #tpu.memory_space<hbm>>
    %dma_start3A_848 = arith.constant 0 : i32
    %dma_start3A_849 = arith.constant 0 : i32
    %dma_start3A_850 = tpu.memref_slice %arg8[%dma_start3A_848, %dma_start3A_849] : memref<40x1024xf32, #tpu.memory_space<vmem>> -> memref<40x1024xf32, #tpu.memory_space<vmem>>
    tpu.enqueue_dma source(%dma_start3A_850 : memref<40x1024xf32, #tpu.memory_space<vmem>>) target(%dma_start3A_847 : memref<40x1024xf32, #tpu.memory_space<hbm>>) target_semaphore(%arg14 : memref<!tpu.dma_semaphore, #tpu.memory_space<semaphore_mem>>)
    %dma_wait3A_851 = arith.constant 0 : i32
    %dma_wait3A_852 = arith.constant 0 : i32
    %dma_wait3A_853 = tpu.memref_slice %arg10[%dma_wait3A_851, %dma_wait3A_852] : memref<40x1024xf32, #tpu.memory_space<vmem>> -> memref<40x1024xf32, #tpu.memory_space<vmem>>
    %dma_wait3A_854 = arith.constant 0 : i32
    %dma_wait3A_855 = tpu.memref_slice %arg5[%select_n3A, %add3A_763, %dma_wait3A_854] : memref<4x4096x1024xf32, #tpu.memory_space<hbm>> -> memref<1x40x1024xf32, #tpu.memory_space<hbm>>
    %dma_wait3A_856 = tpu.memref_squeeze %dma_wait3A_855 : memref<1x40x1024xf32, #tpu.memory_space<hbm>> -> memref<40x1024xf32, #tpu.memory_space<hbm>>
    %dma_wait3A_857 = arith.constant 0 : i32
    %dma_wait3A_858 = tpu.memref_slice %arg5[%select_n3A, %add3A_763, %dma_wait3A_857] : memref<4x4096x1024xf32, #tpu.memory_space<hbm>> -> memref<1x40x1024xf32, #tpu.memory_space<hbm>>
    %dma_wait3A_859 = tpu.memref_squeeze %dma_wait3A_858 : memref<1x40x1024xf32, #tpu.memory_space<hbm>> -> memref<40x1024xf32, #tpu.memory_space<hbm>>
    %dma_wait3A_860 = arith.constant 0 : i32
    %dma_wait3A_861 = arith.constant 0 : i32
    %dma_wait3A_862 = tpu.memref_slice %arg10[%dma_wait3A_860, %dma_wait3A_861] : memref<40x1024xf32, #tpu.memory_space<vmem>> -> memref<40x1024xf32, #tpu.memory_space<vmem>>
    tpu.wait_dma2 semaphore(%arg16 : memref<!tpu.dma_semaphore, #tpu.memory_space<semaphore_mem>>) src(%dma_wait3A_862 : memref<40x1024xf32, #tpu.memory_space<vmem>>) dst(%dma_wait3A_859 : memref<40x1024xf32, #tpu.memory_space<hbm>>)
    %dma_start3A_863 = arith.constant 0 : i32
    %dma_start3A_864 = arith.constant 0 : i32
    %dma_start3A_865 = tpu.memref_slice %arg10[%dma_start3A_863, %dma_start3A_864] : memref<40x1024xf32, #tpu.memory_space<vmem>> -> memref<40x1024xf32, #tpu.memory_space<vmem>>
    %dma_start3A_866 = arith.constant 320 : i32
    %dma_start3A_867 = tpu.memref_slice %arg7[%dma_start3A_866] : memref<512xi32, #tpu.memory_space<vmem>> -> memref<40xi32, #tpu.memory_space<vmem>>
    %dma_start3A_868 = arith.constant 0 : i32
    %dma_start3A_869 = arith.constant 0 : i32
    %dma_start3A_870 = tpu.memref_slice %arg3[%dma_start3A_868, %dma_start3A_869] : memref<100000x1024xf32, #tpu.memory_space<hbm>> -> memref<100000x1024xf32, #tpu.memory_space<hbm>>
    tpu.enqueue_indirect_dma source(%dma_start3A_870 : memref<100000x1024xf32, #tpu.memory_space<hbm>>) target(%dma_start3A_865 : memref<40x1024xf32, #tpu.memory_space<vmem>>) offsets(%dma_start3A_867 : memref<40xi32, #tpu.memory_space<vmem>>) semaphore(%arg13 : memref<!tpu.dma_semaphore, #tpu.memory_space<semaphore_mem>>)
    %dma_wait3A_871 = arith.constant 0 : i32
    %dma_wait3A_872 = arith.constant 0 : i32
    %dma_wait3A_873 = tpu.memref_slice %arg9[%dma_wait3A_871, %dma_wait3A_872] : memref<40x1024xf32, #tpu.memory_space<vmem>> -> memref<40x1024xf32, #tpu.memory_space<vmem>>
    %dma_wait3A_874 = arith.constant 280 : i32
    %dma_wait3A_875 = tpu.memref_slice %arg7[%dma_wait3A_874] : memref<512xi32, #tpu.memory_space<vmem>> -> memref<40xi32, #tpu.memory_space<vmem>>
    %dma_wait3A_876 = arith.constant 0 : i32
    %dma_wait3A_877 = arith.constant 0 : i32
    %dma_wait3A_878 = tpu.memref_slice %arg3[%dma_wait3A_876, %dma_wait3A_877] : memref<100000x1024xf32, #tpu.memory_space<hbm>> -> memref<100000x1024xf32, #tpu.memory_space<hbm>>
    tpu.wait_indirect_dma semaphore(%arg12 : memref<!tpu.dma_semaphore, #tpu.memory_space<semaphore_mem>>) src(%dma_wait3A_878 : memref<100000x1024xf32, #tpu.memory_space<hbm>>) dst(%dma_wait3A_873 : memref<40x1024xf32, #tpu.memory_space<vmem>>)
    %get3A_879 = arith.constant 272 : index
    %get3A_880 = tpu.vector_load %arg6[%get3A_879] {strides = array<i32>} : memref<512xi32, #tpu.memory_space<vmem>>, vector<16xi32>,
    %gt3A_881 = arith.constant 99999 : i32
    %gt3A_882 = vector.broadcast %gt3A_881 : i32 to vector<16xi32>
    %gt3A_883 = arith.cmpi sgt, %get3A_880, %gt3A_882 : vector<16xi32>
    %all_reduce_population_count3A_884 = tpu.all_reduce %gt3A_883 {dim = 0 : i64, kind = #tpu.reduction_kind<sum>} : vector<16xi1> -> vector<16xi32>
    %slice3A_885 = vector.extract_strided_slice %all_reduce_population_count3A_884 {offsets = [0], sizes = [1], strides = [1]} : vector<16xi32> to vector<1xi32>
    %squeeze3A_886 = vector.extract %slice3A_885[0] : i32 from vector<1xi32>
    %add3A_887 = arith.constant 0 : i32
    %add3A_888 = arith.addi %add3A_887, %squeeze3A_886 : i32
    %get3A_889 = arith.constant 288 : index
    %get3A_890 = tpu.vector_load %arg6[%get3A_889] {strides = array<i32>} : memref<512xi32, #tpu.memory_space<vmem>>, vector<16xi32>,
    %gt3A_891 = arith.constant 99999 : i32
    %gt3A_892 = vector.broadcast %gt3A_891 : i32 to vector<16xi32>
    %gt3A_893 = arith.cmpi sgt, %get3A_890, %gt3A_892 : vector<16xi32>
    %all_reduce_population_count3A_894 = tpu.all_reduce %gt3A_893 {dim = 0 : i64, kind = #tpu.reduction_kind<sum>} : vector<16xi1> -> vector<16xi32>
    %slice3A_895 = vector.extract_strided_slice %all_reduce_population_count3A_894 {offsets = [0], sizes = [1], strides = [1]} : vector<16xi32> to vector<1xi32>
    %squeeze3A_896 = vector.extract %slice3A_895[0] : i32 from vector<1xi32>
    %add3A_897 = arith.addi %add3A_888, %squeeze3A_896 : i32
    %get3A_898 = arith.constant 304 : index
    %get3A_899 = tpu.vector_load %arg6[%get3A_898] {strides = array<i32>} : memref<512xi32, #tpu.memory_space<vmem>>, vector<16xi32>,
    %gt3A_900 = arith.constant 99999 : i32
    %gt3A_901 = vector.broadcast %gt3A_900 : i32 to vector<16xi32>
    %gt3A_902 = arith.cmpi sgt, %get3A_899, %gt3A_901 : vector<16xi32>
    %all_reduce_population_count3A_903 = tpu.all_reduce %gt3A_902 {dim = 0 : i64, kind = #tpu.reduction_kind<sum>} : vector<16xi1> -> vector<16xi32>
    %slice3A_904 = vector.extract_strided_slice %all_reduce_population_count3A_903 {offsets = [0], sizes = [1], strides = [1]} : vector<16xi32> to vector<1xi32>
    %squeeze3A_905 = vector.extract %slice3A_904[0] : i32 from vector<1xi32>
    %add3A_906 = arith.addi %add3A_897, %squeeze3A_905 : i32
    %gt3A_907 = arith.constant 0 : i32
    %gt3A_908 = arith.cmpi sgt, %add3A_906, %gt3A_907 : i32
    %convert_element_type3A_909 = arith.extui %gt3A_908 : i1 to i32
    %cond3A_910 = arith.constant 0 : i32
    %cond3A_911 = arith.cmpi ne, %convert_element_type3A_909, %cond3A_910 : i32
    scf.if %cond3A_911 {
      %scan3A = arith.constant 0 : i32
      %scan3A_1296 = arith.constant 0 : i32
      %scan3A_1297 = arith.constant 40 : i32
      %scan3A_1298 = arith.addi %scan3A_1296, %scan3A_1297 : i32
      %scan3A_1299 = arith.constant 1 : i32
      scf.for %scan3A_1301 = %scan3A_1296 to %scan3A_1298 step %scan3A_1299  : i32 {
        %add3A_1302 = arith.constant 280 : i32
        %add3A_1303 = arith.addi %add3A_1302, %scan3A_1301 : i32
        %broadcast_in_dim3A_1304 = vector.broadcast %add3A_1303 : i32 to vector<16xi32>
        %gather3A = tpu.vector_load_idx %arg6[%broadcast_in_dim3A_1304] : memref<512xi32, #tpu.memory_space<vmem>>[vector<16xi32>], vector<16xi32>,
        %slice3A_1305 = vector.extract_strided_slice %gather3A {offsets = [0], sizes = [1], strides = [1]} : vector<16xi32> to vector<1xi32>
        %squeeze3A_1306 = vector.extract %slice3A_1305[0] : i32 from vector<1xi32>
        %gt3A_1307 = arith.constant 99999 : i32
        %gt3A_1308 = arith.cmpi sgt, %squeeze3A_1306, %gt3A_1307 : i32
        %convert_element_type3A_1309 = arith.extui %gt3A_1308 : i1 to i32
        %cond3A_1310 = arith.constant 0 : i32
        %cond3A_1311 = arith.cmpi ne, %convert_element_type3A_1309, %cond3A_1310 : i32
        scf.if %cond3A_1311 {
          %sub3A_1312 = arith.constant 100000 : i32
          %sub3A_1313 = arith.subi %squeeze3A_1306, %sub3A_1312 : i32
          "tpu.region"() ({
            %run_scoped3A = tpu.sem_alloc : memref<!tpu.dma_semaphore, #tpu.memory_space<semaphore_mem>>
            %dma_start3A_1314 = arith.constant 0 : i32
            %dma_start3A_1315 = tpu.memref_slice %arg9[%scan3A_1301, %dma_start3A_1314] : memref<40x1024xf32, #tpu.memory_space<vmem>> -> memref<1x1024xf32, #tpu.memory_space<vmem>>
            %dma_start3A_1316 = arith.constant 0 : i32
            %dma_start3A_1317 = tpu.memref_slice %arg4[%sub3A_1313, %dma_start3A_1316] : memref<128x1024xf32, #tpu.memory_space<hbm>> -> memref<1x1024xf32, #tpu.memory_space<hbm>>
            %dma_start3A_1318 = arith.constant 0 : i32
            %dma_start3A_1319 = tpu.memref_slice %arg9[%scan3A_1301, %dma_start3A_1318] : memref<40x1024xf32, #tpu.memory_space<vmem>> -> memref<1x1024xf32, #tpu.memory_space<vmem>>
            %dma_start3A_1320 = arith.constant 0 : i32
            %dma_start3A_1321 = tpu.memref_slice %arg4[%sub3A_1313, %dma_start3A_1320] : memref<128x1024xf32, #tpu.memory_space<hbm>> -> memref<1x1024xf32, #tpu.memory_space<hbm>>
            tpu.enqueue_dma source(%dma_start3A_1321 : memref<1x1024xf32, #tpu.memory_space<hbm>>) target(%dma_start3A_1319 : memref<1x1024xf32, #tpu.memory_space<vmem>>) target_semaphore(%run_scoped3A : memref<!tpu.dma_semaphore, #tpu.memory_space<semaphore_mem>>)
            %dma_wait3A_1322 = arith.constant 0 : i32
            %dma_wait3A_1323 = tpu.memref_slice %arg9[%scan3A_1301, %dma_wait3A_1322] : memref<40x1024xf32, #tpu.memory_space<vmem>> -> memref<1x1024xf32, #tpu.memory_space<vmem>>
            %dma_wait3A_1324 = arith.constant 0 : i32
            %dma_wait3A_1325 = tpu.memref_slice %arg4[%sub3A_1313, %dma_wait3A_1324] : memref<128x1024xf32, #tpu.memory_space<hbm>> -> memref<1x1024xf32, #tpu.memory_space<hbm>>
            %dma_wait3A_1326 = arith.constant 0 : i32
            %dma_wait3A_1327 = tpu.memref_slice %arg9[%scan3A_1301, %dma_wait3A_1326] : memref<40x1024xf32, #tpu.memory_space<vmem>> -> memref<1x1024xf32, #tpu.memory_space<vmem>>
            %dma_wait3A_1328 = arith.constant 0 : i32
            %dma_wait3A_1329 = tpu.memref_slice %arg4[%sub3A_1313, %dma_wait3A_1328] : memref<128x1024xf32, #tpu.memory_space<hbm>> -> memref<1x1024xf32, #tpu.memory_space<hbm>>
            tpu.wait_dma2 semaphore(%run_scoped3A : memref<!tpu.dma_semaphore, #tpu.memory_space<semaphore_mem>>) src(%dma_wait3A_1329 : memref<1x1024xf32, #tpu.memory_space<hbm>>) dst(%dma_wait3A_1327 : memref<1x1024xf32, #tpu.memory_space<vmem>>)
            tpu.yield
          }) : () -> ()
        } else {
        }
      }
      %scan3A_1300 = arith.constant 40 : i32
    } else {
    }
    %add3A_912 = arith.constant 280 : i32
    %add3A_913 = arith.addi %mul3A_32, %add3A_912 : i32
    %dma_start3A_914 = arith.constant 0 : i32
    %dma_start3A_915 = arith.constant 0 : i32
    %dma_start3A_916 = tpu.memref_slice %arg9[%dma_start3A_914, %dma_start3A_915] : memref<40x1024xf32, #tpu.memory_space<vmem>> -> memref<40x1024xf32, #tpu.memory_space<vmem>>
    %dma_start3A_917 = arith.constant 0 : i32
    %dma_start3A_918 = tpu.memref_slice %arg5[%select_n3A, %add3A_913, %dma_start3A_917] : memref<4x4096x1024xf32, #tpu.memory_space<hbm>> -> memref<1x40x1024xf32, #tpu.memory_space<hbm>>
    %dma_start3A_919 = tpu.memref_squeeze %dma_start3A_918 : memref<1x40x1024xf32, #tpu.memory_space<hbm>> -> memref<40x1024xf32, #tpu.memory_space<hbm>>
    %dma_start3A_920 = arith.constant 0 : i32
    %dma_start3A_921 = tpu.memref_slice %arg5[%select_n3A, %add3A_913, %dma_start3A_920] : memref<4x4096x1024xf32, #tpu.memory_space<hbm>> -> memref<1x40x1024xf32, #tpu.memory_space<hbm>>
    %dma_start3A_922 = tpu.memref_squeeze %dma_start3A_921 : memref<1x40x1024xf32, #tpu.memory_space<hbm>> -> memref<40x1024xf32, #tpu.memory_space<hbm>>
    %dma_start3A_923 = arith.constant 0 : i32
    %dma_start3A_924 = arith.constant 0 : i32
    %dma_start3A_925 = tpu.memref_slice %arg9[%dma_start3A_923, %dma_start3A_924] : memref<40x1024xf32, #tpu.memory_space<vmem>> -> memref<40x1024xf32, #tpu.memory_space<vmem>>
    tpu.enqueue_dma source(%dma_start3A_925 : memref<40x1024xf32, #tpu.memory_space<vmem>>) target(%dma_start3A_922 : memref<40x1024xf32, #tpu.memory_space<hbm>>) target_semaphore(%arg15 : memref<!tpu.dma_semaphore, #tpu.memory_space<semaphore_mem>>)
    %dma_wait3A_926 = arith.constant 0 : i32
    %dma_wait3A_927 = arith.constant 0 : i32
    %dma_wait3A_928 = tpu.memref_slice %arg8[%dma_wait3A_926, %dma_wait3A_927] : memref<40x1024xf32, #tpu.memory_space<vmem>> -> memref<40x1024xf32, #tpu.memory_space<vmem>>
    %dma_wait3A_929 = arith.constant 0 : i32
    %dma_wait3A_930 = tpu.memref_slice %arg5[%select_n3A, %add3A_838, %dma_wait3A_929] : memref<4x4096x1024xf32, #tpu.memory_space<hbm>> -> memref<1x40x1024xf32, #tpu.memory_space<hbm>>
    %dma_wait3A_931 = tpu.memref_squeeze %dma_wait3A_930 : memref<1x40x1024xf32, #tpu.memory_space<hbm>> -> memref<40x1024xf32, #tpu.memory_space<hbm>>
    %dma_wait3A_932 = arith.constant 0 : i32
    %dma_wait3A_933 = tpu.memref_slice %arg5[%select_n3A, %add3A_838, %dma_wait3A_932] : memref<4x4096x1024xf32, #tpu.memory_space<hbm>> -> memref<1x40x1024xf32, #tpu.memory_space<hbm>>
    %dma_wait3A_934 = tpu.memref_squeeze %dma_wait3A_933 : memref<1x40x1024xf32, #tpu.memory_space<hbm>> -> memref<40x1024xf32, #tpu.memory_space<hbm>>
    %dma_wait3A_935 = arith.constant 0 : i32
    %dma_wait3A_936 = arith.constant 0 : i32
    %dma_wait3A_937 = tpu.memref_slice %arg8[%dma_wait3A_935, %dma_wait3A_936] : memref<40x1024xf32, #tpu.memory_space<vmem>> -> memref<40x1024xf32, #tpu.memory_space<vmem>>
    tpu.wait_dma2 semaphore(%arg14 : memref<!tpu.dma_semaphore, #tpu.memory_space<semaphore_mem>>) src(%dma_wait3A_937 : memref<40x1024xf32, #tpu.memory_space<vmem>>) dst(%dma_wait3A_934 : memref<40x1024xf32, #tpu.memory_space<hbm>>)
    %dma_start3A_938 = arith.constant 0 : i32
    %dma_start3A_939 = arith.constant 0 : i32
    %dma_start3A_940 = tpu.memref_slice %arg8[%dma_start3A_938, %dma_start3A_939] : memref<40x1024xf32, #tpu.memory_space<vmem>> -> memref<40x1024xf32, #tpu.memory_space<vmem>>
    %dma_start3A_941 = arith.constant 360 : i32
    %dma_start3A_942 = tpu.memref_slice %arg7[%dma_start3A_941] : memref<512xi32, #tpu.memory_space<vmem>> -> memref<40xi32, #tpu.memory_space<vmem>>
    %dma_start3A_943 = arith.constant 0 : i32
    %dma_start3A_944 = arith.constant 0 : i32
    %dma_start3A_945 = tpu.memref_slice %arg3[%dma_start3A_943, %dma_start3A_944] : memref<100000x1024xf32, #tpu.memory_space<hbm>> -> memref<100000x1024xf32, #tpu.memory_space<hbm>>
    tpu.enqueue_indirect_dma source(%dma_start3A_945 : memref<100000x1024xf32, #tpu.memory_space<hbm>>) target(%dma_start3A_940 : memref<40x1024xf32, #tpu.memory_space<vmem>>) offsets(%dma_start3A_942 : memref<40xi32, #tpu.memory_space<vmem>>) semaphore(%arg11 : memref<!tpu.dma_semaphore, #tpu.memory_space<semaphore_mem>>)
    %dma_wait3A_946 = arith.constant 0 : i32
    %dma_wait3A_947 = arith.constant 0 : i32
    %dma_wait3A_948 = tpu.memref_slice %arg10[%dma_wait3A_946, %dma_wait3A_947] : memref<40x1024xf32, #tpu.memory_space<vmem>> -> memref<40x1024xf32, #tpu.memory_space<vmem>>
    %dma_wait3A_949 = arith.constant 320 : i32
    %dma_wait3A_950 = tpu.memref_slice %arg7[%dma_wait3A_949] : memref<512xi32, #tpu.memory_space<vmem>> -> memref<40xi32, #tpu.memory_space<vmem>>
    %dma_wait3A_951 = arith.constant 0 : i32
    %dma_wait3A_952 = arith.constant 0 : i32
    %dma_wait3A_953 = tpu.memref_slice %arg3[%dma_wait3A_951, %dma_wait3A_952] : memref<100000x1024xf32, #tpu.memory_space<hbm>> -> memref<100000x1024xf32, #tpu.memory_space<hbm>>
    tpu.wait_indirect_dma semaphore(%arg13 : memref<!tpu.dma_semaphore, #tpu.memory_space<semaphore_mem>>) src(%dma_wait3A_953 : memref<100000x1024xf32, #tpu.memory_space<hbm>>) dst(%dma_wait3A_948 : memref<40x1024xf32, #tpu.memory_space<vmem>>)
    %get3A_954 = arith.constant 320 : index
    %get3A_955 = tpu.vector_load %arg6[%get3A_954] {strides = array<i32>} : memref<512xi32, #tpu.memory_space<vmem>>, vector<16xi32>,
    %gt3A_956 = arith.constant 99999 : i32
    %gt3A_957 = vector.broadcast %gt3A_956 : i32 to vector<16xi32>
    %gt3A_958 = arith.cmpi sgt, %get3A_955, %gt3A_957 : vector<16xi32>
    %all_reduce_population_count3A_959 = tpu.all_reduce %gt3A_958 {dim = 0 : i64, kind = #tpu.reduction_kind<sum>} : vector<16xi1> -> vector<16xi32>
    %slice3A_960 = vector.extract_strided_slice %all_reduce_population_count3A_959 {offsets = [0], sizes = [1], strides = [1]} : vector<16xi32> to vector<1xi32>
    %squeeze3A_961 = vector.extract %slice3A_960[0] : i32 from vector<1xi32>
    %add3A_962 = arith.constant 0 : i32
    %add3A_963 = arith.addi %add3A_962, %squeeze3A_961 : i32
    %get3A_964 = arith.constant 336 : index
    %get3A_965 = tpu.vector_load %arg6[%get3A_964] {strides = array<i32>} : memref<512xi32, #tpu.memory_space<vmem>>, vector<16xi32>,
    %gt3A_966 = arith.constant 99999 : i32
    %gt3A_967 = vector.broadcast %gt3A_966 : i32 to vector<16xi32>
    %gt3A_968 = arith.cmpi sgt, %get3A_965, %gt3A_967 : vector<16xi32>
    %all_reduce_population_count3A_969 = tpu.all_reduce %gt3A_968 {dim = 0 : i64, kind = #tpu.reduction_kind<sum>} : vector<16xi1> -> vector<16xi32>
    %slice3A_970 = vector.extract_strided_slice %all_reduce_population_count3A_969 {offsets = [0], sizes = [1], strides = [1]} : vector<16xi32> to vector<1xi32>
    %squeeze3A_971 = vector.extract %slice3A_970[0] : i32 from vector<1xi32>
    %add3A_972 = arith.addi %add3A_963, %squeeze3A_971 : i32
    %get3A_973 = arith.constant 352 : index
    %get3A_974 = tpu.vector_load %arg6[%get3A_973] {strides = array<i32>} : memref<512xi32, #tpu.memory_space<vmem>>, vector<16xi32>,
    %gt3A_975 = arith.constant 99999 : i32
    %gt3A_976 = vector.broadcast %gt3A_975 : i32 to vector<16xi32>
    %gt3A_977 = arith.cmpi sgt, %get3A_974, %gt3A_976 : vector<16xi32>
    %all_reduce_population_count3A_978 = tpu.all_reduce %gt3A_977 {dim = 0 : i64, kind = #tpu.reduction_kind<sum>} : vector<16xi1> -> vector<16xi32>
    %slice3A_979 = vector.extract_strided_slice %all_reduce_population_count3A_978 {offsets = [0], sizes = [1], strides = [1]} : vector<16xi32> to vector<1xi32>
    %squeeze3A_980 = vector.extract %slice3A_979[0] : i32 from vector<1xi32>
    %add3A_981 = arith.addi %add3A_972, %squeeze3A_980 : i32
    %gt3A_982 = arith.constant 0 : i32
    %gt3A_983 = arith.cmpi sgt, %add3A_981, %gt3A_982 : i32
    %convert_element_type3A_984 = arith.extui %gt3A_983 : i1 to i32
    %cond3A_985 = arith.constant 0 : i32
    %cond3A_986 = arith.cmpi ne, %convert_element_type3A_984, %cond3A_985 : i32
    scf.if %cond3A_986 {
      %scan3A = arith.constant 0 : i32
      %scan3A_1296 = arith.constant 0 : i32
      %scan3A_1297 = arith.constant 40 : i32
      %scan3A_1298 = arith.addi %scan3A_1296, %scan3A_1297 : i32
      %scan3A_1299 = arith.constant 1 : i32
      scf.for %scan3A_1301 = %scan3A_1296 to %scan3A_1298 step %scan3A_1299  : i32 {
        %add3A_1302 = arith.constant 320 : i32
        %add3A_1303 = arith.addi %add3A_1302, %scan3A_1301 : i32
        %broadcast_in_dim3A_1304 = vector.broadcast %add3A_1303 : i32 to vector<16xi32>
        %gather3A = tpu.vector_load_idx %arg6[%broadcast_in_dim3A_1304] : memref<512xi32, #tpu.memory_space<vmem>>[vector<16xi32>], vector<16xi32>,
        %slice3A_1305 = vector.extract_strided_slice %gather3A {offsets = [0], sizes = [1], strides = [1]} : vector<16xi32> to vector<1xi32>
        %squeeze3A_1306 = vector.extract %slice3A_1305[0] : i32 from vector<1xi32>
        %gt3A_1307 = arith.constant 99999 : i32
        %gt3A_1308 = arith.cmpi sgt, %squeeze3A_1306, %gt3A_1307 : i32
        %convert_element_type3A_1309 = arith.extui %gt3A_1308 : i1 to i32
        %cond3A_1310 = arith.constant 0 : i32
        %cond3A_1311 = arith.cmpi ne, %convert_element_type3A_1309, %cond3A_1310 : i32
        scf.if %cond3A_1311 {
          %sub3A_1312 = arith.constant 100000 : i32
          %sub3A_1313 = arith.subi %squeeze3A_1306, %sub3A_1312 : i32
          "tpu.region"() ({
            %run_scoped3A = tpu.sem_alloc : memref<!tpu.dma_semaphore, #tpu.memory_space<semaphore_mem>>
            %dma_start3A_1314 = arith.constant 0 : i32
            %dma_start3A_1315 = tpu.memref_slice %arg10[%scan3A_1301, %dma_start3A_1314] : memref<40x1024xf32, #tpu.memory_space<vmem>> -> memref<1x1024xf32, #tpu.memory_space<vmem>>
            %dma_start3A_1316 = arith.constant 0 : i32
            %dma_start3A_1317 = tpu.memref_slice %arg4[%sub3A_1313, %dma_start3A_1316] : memref<128x1024xf32, #tpu.memory_space<hbm>> -> memref<1x1024xf32, #tpu.memory_space<hbm>>
            %dma_start3A_1318 = arith.constant 0 : i32
            %dma_start3A_1319 = tpu.memref_slice %arg10[%scan3A_1301, %dma_start3A_1318] : memref<40x1024xf32, #tpu.memory_space<vmem>> -> memref<1x1024xf32, #tpu.memory_space<vmem>>
            %dma_start3A_1320 = arith.constant 0 : i32
            %dma_start3A_1321 = tpu.memref_slice %arg4[%sub3A_1313, %dma_start3A_1320] : memref<128x1024xf32, #tpu.memory_space<hbm>> -> memref<1x1024xf32, #tpu.memory_space<hbm>>
            tpu.enqueue_dma source(%dma_start3A_1321 : memref<1x1024xf32, #tpu.memory_space<hbm>>) target(%dma_start3A_1319 : memref<1x1024xf32, #tpu.memory_space<vmem>>) target_semaphore(%run_scoped3A : memref<!tpu.dma_semaphore, #tpu.memory_space<semaphore_mem>>)
            %dma_wait3A_1322 = arith.constant 0 : i32
            %dma_wait3A_1323 = tpu.memref_slice %arg10[%scan3A_1301, %dma_wait3A_1322] : memref<40x1024xf32, #tpu.memory_space<vmem>> -> memref<1x1024xf32, #tpu.memory_space<vmem>>
            %dma_wait3A_1324 = arith.constant 0 : i32
            %dma_wait3A_1325 = tpu.memref_slice %arg4[%sub3A_1313, %dma_wait3A_1324] : memref<128x1024xf32, #tpu.memory_space<hbm>> -> memref<1x1024xf32, #tpu.memory_space<hbm>>
            %dma_wait3A_1326 = arith.constant 0 : i32
            %dma_wait3A_1327 = tpu.memref_slice %arg10[%scan3A_1301, %dma_wait3A_1326] : memref<40x1024xf32, #tpu.memory_space<vmem>> -> memref<1x1024xf32, #tpu.memory_space<vmem>>
            %dma_wait3A_1328 = arith.constant 0 : i32
            %dma_wait3A_1329 = tpu.memref_slice %arg4[%sub3A_1313, %dma_wait3A_1328] : memref<128x1024xf32, #tpu.memory_space<hbm>> -> memref<1x1024xf32, #tpu.memory_space<hbm>>
            tpu.wait_dma2 semaphore(%run_scoped3A : memref<!tpu.dma_semaphore, #tpu.memory_space<semaphore_mem>>) src(%dma_wait3A_1329 : memref<1x1024xf32, #tpu.memory_space<hbm>>) dst(%dma_wait3A_1327 : memref<1x1024xf32, #tpu.memory_space<vmem>>)
            tpu.yield
          }) : () -> ()
        } else {
        }
      }
      %scan3A_1300 = arith.constant 40 : i32
    } else {
    }
    %add3A_987 = arith.constant 320 : i32
    %add3A_988 = arith.addi %mul3A_32, %add3A_987 : i32
    %dma_start3A_989 = arith.constant 0 : i32
    %dma_start3A_990 = arith.constant 0 : i32
    %dma_start3A_991 = tpu.memref_slice %arg10[%dma_start3A_989, %dma_start3A_990] : memref<40x1024xf32, #tpu.memory_space<vmem>> -> memref<40x1024xf32, #tpu.memory_space<vmem>>
    %dma_start3A_992 = arith.constant 0 : i32
    %dma_start3A_993 = tpu.memref_slice %arg5[%select_n3A, %add3A_988, %dma_start3A_992] : memref<4x4096x1024xf32, #tpu.memory_space<hbm>> -> memref<1x40x1024xf32, #tpu.memory_space<hbm>>
    %dma_start3A_994 = tpu.memref_squeeze %dma_start3A_993 : memref<1x40x1024xf32, #tpu.memory_space<hbm>> -> memref<40x1024xf32, #tpu.memory_space<hbm>>
    %dma_start3A_995 = arith.constant 0 : i32
    %dma_start3A_996 = tpu.memref_slice %arg5[%select_n3A, %add3A_988, %dma_start3A_995] : memref<4x4096x1024xf32, #tpu.memory_space<hbm>> -> memref<1x40x1024xf32, #tpu.memory_space<hbm>>
    %dma_start3A_997 = tpu.memref_squeeze %dma_start3A_996 : memref<1x40x1024xf32, #tpu.memory_space<hbm>> -> memref<40x1024xf32, #tpu.memory_space<hbm>>
    %dma_start3A_998 = arith.constant 0 : i32
    %dma_start3A_999 = arith.constant 0 : i32
    %dma_start3A_1000 = tpu.memref_slice %arg10[%dma_start3A_998, %dma_start3A_999] : memref<40x1024xf32, #tpu.memory_space<vmem>> -> memref<40x1024xf32, #tpu.memory_space<vmem>>
    tpu.enqueue_dma source(%dma_start3A_1000 : memref<40x1024xf32, #tpu.memory_space<vmem>>) target(%dma_start3A_997 : memref<40x1024xf32, #tpu.memory_space<hbm>>) target_semaphore(%arg16 : memref<!tpu.dma_semaphore, #tpu.memory_space<semaphore_mem>>)
    %dma_wait3A_1001 = arith.constant 0 : i32
    %dma_wait3A_1002 = arith.constant 0 : i32
    %dma_wait3A_1003 = tpu.memref_slice %arg9[%dma_wait3A_1001, %dma_wait3A_1002] : memref<40x1024xf32, #tpu.memory_space<vmem>> -> memref<40x1024xf32, #tpu.memory_space<vmem>>
    %dma_wait3A_1004 = arith.constant 0 : i32
    %dma_wait3A_1005 = tpu.memref_slice %arg5[%select_n3A, %add3A_913, %dma_wait3A_1004] : memref<4x4096x1024xf32, #tpu.memory_space<hbm>> -> memref<1x40x1024xf32, #tpu.memory_space<hbm>>
    %dma_wait3A_1006 = tpu.memref_squeeze %dma_wait3A_1005 : memref<1x40x1024xf32, #tpu.memory_space<hbm>> -> memref<40x1024xf32, #tpu.memory_space<hbm>>
    %dma_wait3A_1007 = arith.constant 0 : i32
    %dma_wait3A_1008 = tpu.memref_slice %arg5[%select_n3A, %add3A_913, %dma_wait3A_1007] : memref<4x4096x1024xf32, #tpu.memory_space<hbm>> -> memref<1x40x1024xf32, #tpu.memory_space<hbm>>
    %dma_wait3A_1009 = tpu.memref_squeeze %dma_wait3A_1008 : memref<1x40x1024xf32, #tpu.memory_space<hbm>> -> memref<40x1024xf32, #tpu.memory_space<hbm>>
    %dma_wait3A_1010 = arith.constant 0 : i32
    %dma_wait3A_1011 = arith.constant 0 : i32
    %dma_wait3A_1012 = tpu.memref_slice %arg9[%dma_wait3A_1010, %dma_wait3A_1011] : memref<40x1024xf32, #tpu.memory_space<vmem>> -> memref<40x1024xf32, #tpu.memory_space<vmem>>
    tpu.wait_dma2 semaphore(%arg15 : memref<!tpu.dma_semaphore, #tpu.memory_space<semaphore_mem>>) src(%dma_wait3A_1012 : memref<40x1024xf32, #tpu.memory_space<vmem>>) dst(%dma_wait3A_1009 : memref<40x1024xf32, #tpu.memory_space<hbm>>)
    %dma_start3A_1013 = arith.constant 0 : i32
    %dma_start3A_1014 = arith.constant 0 : i32
    %dma_start3A_1015 = tpu.memref_slice %arg9[%dma_start3A_1013, %dma_start3A_1014] : memref<40x1024xf32, #tpu.memory_space<vmem>> -> memref<40x1024xf32, #tpu.memory_space<vmem>>
    %dma_start3A_1016 = arith.constant 400 : i32
    %dma_start3A_1017 = tpu.memref_slice %arg7[%dma_start3A_1016] : memref<512xi32, #tpu.memory_space<vmem>> -> memref<40xi32, #tpu.memory_space<vmem>>
    %dma_start3A_1018 = arith.constant 0 : i32
    %dma_start3A_1019 = arith.constant 0 : i32
    %dma_start3A_1020 = tpu.memref_slice %arg3[%dma_start3A_1018, %dma_start3A_1019] : memref<100000x1024xf32, #tpu.memory_space<hbm>> -> memref<100000x1024xf32, #tpu.memory_space<hbm>>
    tpu.enqueue_indirect_dma source(%dma_start3A_1020 : memref<100000x1024xf32, #tpu.memory_space<hbm>>) target(%dma_start3A_1015 : memref<40x1024xf32, #tpu.memory_space<vmem>>) offsets(%dma_start3A_1017 : memref<40xi32, #tpu.memory_space<vmem>>) semaphore(%arg12 : memref<!tpu.dma_semaphore, #tpu.memory_space<semaphore_mem>>)
    %dma_wait3A_1021 = arith.constant 0 : i32
    %dma_wait3A_1022 = arith.constant 0 : i32
    %dma_wait3A_1023 = tpu.memref_slice %arg8[%dma_wait3A_1021, %dma_wait3A_1022] : memref<40x1024xf32, #tpu.memory_space<vmem>> -> memref<40x1024xf32, #tpu.memory_space<vmem>>
    %dma_wait3A_1024 = arith.constant 360 : i32
    %dma_wait3A_1025 = tpu.memref_slice %arg7[%dma_wait3A_1024] : memref<512xi32, #tpu.memory_space<vmem>> -> memref<40xi32, #tpu.memory_space<vmem>>
    %dma_wait3A_1026 = arith.constant 0 : i32
    %dma_wait3A_1027 = arith.constant 0 : i32
    %dma_wait3A_1028 = tpu.memref_slice %arg3[%dma_wait3A_1026, %dma_wait3A_1027] : memref<100000x1024xf32, #tpu.memory_space<hbm>> -> memref<100000x1024xf32, #tpu.memory_space<hbm>>
    tpu.wait_indirect_dma semaphore(%arg11 : memref<!tpu.dma_semaphore, #tpu.memory_space<semaphore_mem>>) src(%dma_wait3A_1028 : memref<100000x1024xf32, #tpu.memory_space<hbm>>) dst(%dma_wait3A_1023 : memref<40x1024xf32, #tpu.memory_space<vmem>>)
    %get3A_1029 = arith.constant 352 : index
    %get3A_1030 = tpu.vector_load %arg6[%get3A_1029] {strides = array<i32>} : memref<512xi32, #tpu.memory_space<vmem>>, vector<16xi32>,
    %gt3A_1031 = arith.constant 99999 : i32
    %gt3A_1032 = vector.broadcast %gt3A_1031 : i32 to vector<16xi32>
    %gt3A_1033 = arith.cmpi sgt, %get3A_1030, %gt3A_1032 : vector<16xi32>
    %all_reduce_population_count3A_1034 = tpu.all_reduce %gt3A_1033 {dim = 0 : i64, kind = #tpu.reduction_kind<sum>} : vector<16xi1> -> vector<16xi32>
    %slice3A_1035 = vector.extract_strided_slice %all_reduce_population_count3A_1034 {offsets = [0], sizes = [1], strides = [1]} : vector<16xi32> to vector<1xi32>
    %squeeze3A_1036 = vector.extract %slice3A_1035[0] : i32 from vector<1xi32>
    %add3A_1037 = arith.constant 0 : i32
    %add3A_1038 = arith.addi %add3A_1037, %squeeze3A_1036 : i32
    %get3A_1039 = arith.constant 368 : index
    %get3A_1040 = tpu.vector_load %arg6[%get3A_1039] {strides = array<i32>} : memref<512xi32, #tpu.memory_space<vmem>>, vector<16xi32>,
    %gt3A_1041 = arith.constant 99999 : i32
    %gt3A_1042 = vector.broadcast %gt3A_1041 : i32 to vector<16xi32>
    %gt3A_1043 = arith.cmpi sgt, %get3A_1040, %gt3A_1042 : vector<16xi32>
    %all_reduce_population_count3A_1044 = tpu.all_reduce %gt3A_1043 {dim = 0 : i64, kind = #tpu.reduction_kind<sum>} : vector<16xi1> -> vector<16xi32>
    %slice3A_1045 = vector.extract_strided_slice %all_reduce_population_count3A_1044 {offsets = [0], sizes = [1], strides = [1]} : vector<16xi32> to vector<1xi32>
    %squeeze3A_1046 = vector.extract %slice3A_1045[0] : i32 from vector<1xi32>
    %add3A_1047 = arith.addi %add3A_1038, %squeeze3A_1046 : i32
    %get3A_1048 = arith.constant 384 : index
    %get3A_1049 = tpu.vector_load %arg6[%get3A_1048] {strides = array<i32>} : memref<512xi32, #tpu.memory_space<vmem>>, vector<16xi32>,
    %gt3A_1050 = arith.constant 99999 : i32
    %gt3A_1051 = vector.broadcast %gt3A_1050 : i32 to vector<16xi32>
    %gt3A_1052 = arith.cmpi sgt, %get3A_1049, %gt3A_1051 : vector<16xi32>
    %all_reduce_population_count3A_1053 = tpu.all_reduce %gt3A_1052 {dim = 0 : i64, kind = #tpu.reduction_kind<sum>} : vector<16xi1> -> vector<16xi32>
    %slice3A_1054 = vector.extract_strided_slice %all_reduce_population_count3A_1053 {offsets = [0], sizes = [1], strides = [1]} : vector<16xi32> to vector<1xi32>
    %squeeze3A_1055 = vector.extract %slice3A_1054[0] : i32 from vector<1xi32>
    %add3A_1056 = arith.addi %add3A_1047, %squeeze3A_1055 : i32
    %gt3A_1057 = arith.constant 0 : i32
    %gt3A_1058 = arith.cmpi sgt, %add3A_1056, %gt3A_1057 : i32
    %convert_element_type3A_1059 = arith.extui %gt3A_1058 : i1 to i32
    %cond3A_1060 = arith.constant 0 : i32
    %cond3A_1061 = arith.cmpi ne, %convert_element_type3A_1059, %cond3A_1060 : i32
    scf.if %cond3A_1061 {
      %scan3A = arith.constant 0 : i32
      %scan3A_1296 = arith.constant 0 : i32
      %scan3A_1297 = arith.constant 40 : i32
      %scan3A_1298 = arith.addi %scan3A_1296, %scan3A_1297 : i32
      %scan3A_1299 = arith.constant 1 : i32
      scf.for %scan3A_1301 = %scan3A_1296 to %scan3A_1298 step %scan3A_1299  : i32 {
        %add3A_1302 = arith.constant 360 : i32
        %add3A_1303 = arith.addi %add3A_1302, %scan3A_1301 : i32
        %broadcast_in_dim3A_1304 = vector.broadcast %add3A_1303 : i32 to vector<16xi32>
        %gather3A = tpu.vector_load_idx %arg6[%broadcast_in_dim3A_1304] : memref<512xi32, #tpu.memory_space<vmem>>[vector<16xi32>], vector<16xi32>,
        %slice3A_1305 = vector.extract_strided_slice %gather3A {offsets = [0], sizes = [1], strides = [1]} : vector<16xi32> to vector<1xi32>
        %squeeze3A_1306 = vector.extract %slice3A_1305[0] : i32 from vector<1xi32>
        %gt3A_1307 = arith.constant 99999 : i32
        %gt3A_1308 = arith.cmpi sgt, %squeeze3A_1306, %gt3A_1307 : i32
        %convert_element_type3A_1309 = arith.extui %gt3A_1308 : i1 to i32
        %cond3A_1310 = arith.constant 0 : i32
        %cond3A_1311 = arith.cmpi ne, %convert_element_type3A_1309, %cond3A_1310 : i32
        scf.if %cond3A_1311 {
          %sub3A_1312 = arith.constant 100000 : i32
          %sub3A_1313 = arith.subi %squeeze3A_1306, %sub3A_1312 : i32
          "tpu.region"() ({
            %run_scoped3A = tpu.sem_alloc : memref<!tpu.dma_semaphore, #tpu.memory_space<semaphore_mem>>
            %dma_start3A_1314 = arith.constant 0 : i32
            %dma_start3A_1315 = tpu.memref_slice %arg8[%scan3A_1301, %dma_start3A_1314] : memref<40x1024xf32, #tpu.memory_space<vmem>> -> memref<1x1024xf32, #tpu.memory_space<vmem>>
            %dma_start3A_1316 = arith.constant 0 : i32
            %dma_start3A_1317 = tpu.memref_slice %arg4[%sub3A_1313, %dma_start3A_1316] : memref<128x1024xf32, #tpu.memory_space<hbm>> -> memref<1x1024xf32, #tpu.memory_space<hbm>>
            %dma_start3A_1318 = arith.constant 0 : i32
            %dma_start3A_1319 = tpu.memref_slice %arg8[%scan3A_1301, %dma_start3A_1318] : memref<40x1024xf32, #tpu.memory_space<vmem>> -> memref<1x1024xf32, #tpu.memory_space<vmem>>
            %dma_start3A_1320 = arith.constant 0 : i32
            %dma_start3A_1321 = tpu.memref_slice %arg4[%sub3A_1313, %dma_start3A_1320] : memref<128x1024xf32, #tpu.memory_space<hbm>> -> memref<1x1024xf32, #tpu.memory_space<hbm>>
            tpu.enqueue_dma source(%dma_start3A_1321 : memref<1x1024xf32, #tpu.memory_space<hbm>>) target(%dma_start3A_1319 : memref<1x1024xf32, #tpu.memory_space<vmem>>) target_semaphore(%run_scoped3A : memref<!tpu.dma_semaphore, #tpu.memory_space<semaphore_mem>>)
            %dma_wait3A_1322 = arith.constant 0 : i32
            %dma_wait3A_1323 = tpu.memref_slice %arg8[%scan3A_1301, %dma_wait3A_1322] : memref<40x1024xf32, #tpu.memory_space<vmem>> -> memref<1x1024xf32, #tpu.memory_space<vmem>>
            %dma_wait3A_1324 = arith.constant 0 : i32
            %dma_wait3A_1325 = tpu.memref_slice %arg4[%sub3A_1313, %dma_wait3A_1324] : memref<128x1024xf32, #tpu.memory_space<hbm>> -> memref<1x1024xf32, #tpu.memory_space<hbm>>
            %dma_wait3A_1326 = arith.constant 0 : i32
            %dma_wait3A_1327 = tpu.memref_slice %arg8[%scan3A_1301, %dma_wait3A_1326] : memref<40x1024xf32, #tpu.memory_space<vmem>> -> memref<1x1024xf32, #tpu.memory_space<vmem>>
            %dma_wait3A_1328 = arith.constant 0 : i32
            %dma_wait3A_1329 = tpu.memref_slice %arg4[%sub3A_1313, %dma_wait3A_1328] : memref<128x1024xf32, #tpu.memory_space<hbm>> -> memref<1x1024xf32, #tpu.memory_space<hbm>>
            tpu.wait_dma2 semaphore(%run_scoped3A : memref<!tpu.dma_semaphore, #tpu.memory_space<semaphore_mem>>) src(%dma_wait3A_1329 : memref<1x1024xf32, #tpu.memory_space<hbm>>) dst(%dma_wait3A_1327 : memref<1x1024xf32, #tpu.memory_space<vmem>>)
            tpu.yield
          }) : () -> ()
        } else {
        }
      }
      %scan3A_1300 = arith.constant 40 : i32
    } else {
    }
    %add3A_1062 = arith.constant 360 : i32
    %add3A_1063 = arith.addi %mul3A_32, %add3A_1062 : i32
    %dma_start3A_1064 = arith.constant 0 : i32
    %dma_start3A_1065 = arith.constant 0 : i32
    %dma_start3A_1066 = tpu.memref_slice %arg8[%dma_start3A_1064, %dma_start3A_1065] : memref<40x1024xf32, #tpu.memory_space<vmem>> -> memref<40x1024xf32, #tpu.memory_space<vmem>>
    %dma_start3A_1067 = arith.constant 0 : i32
    %dma_start3A_1068 = tpu.memref_slice %arg5[%select_n3A, %add3A_1063, %dma_start3A_1067] : memref<4x4096x1024xf32, #tpu.memory_space<hbm>> -> memref<1x40x1024xf32, #tpu.memory_space<hbm>>
    %dma_start3A_1069 = tpu.memref_squeeze %dma_start3A_1068 : memref<1x40x1024xf32, #tpu.memory_space<hbm>> -> memref<40x1024xf32, #tpu.memory_space<hbm>>
    %dma_start3A_1070 = arith.constant 0 : i32
    %dma_start3A_1071 = tpu.memref_slice %arg5[%select_n3A, %add3A_1063, %dma_start3A_1070] : memref<4x4096x1024xf32, #tpu.memory_space<hbm>> -> memref<1x40x1024xf32, #tpu.memory_space<hbm>>
    %dma_start3A_1072 = tpu.memref_squeeze %dma_start3A_1071 : memref<1x40x1024xf32, #tpu.memory_space<hbm>> -> memref<40x1024xf32, #tpu.memory_space<hbm>>
    %dma_start3A_1073 = arith.constant 0 : i32
    %dma_start3A_1074 = arith.constant 0 : i32
    %dma_start3A_1075 = tpu.memref_slice %arg8[%dma_start3A_1073, %dma_start3A_1074] : memref<40x1024xf32, #tpu.memory_space<vmem>> -> memref<40x1024xf32, #tpu.memory_space<vmem>>
    tpu.enqueue_dma source(%dma_start3A_1075 : memref<40x1024xf32, #tpu.memory_space<vmem>>) target(%dma_start3A_1072 : memref<40x1024xf32, #tpu.memory_space<hbm>>) target_semaphore(%arg14 : memref<!tpu.dma_semaphore, #tpu.memory_space<semaphore_mem>>)
    %dma_wait3A_1076 = arith.constant 0 : i32
    %dma_wait3A_1077 = arith.constant 0 : i32
    %dma_wait3A_1078 = tpu.memref_slice %arg10[%dma_wait3A_1076, %dma_wait3A_1077] : memref<40x1024xf32, #tpu.memory_space<vmem>> -> memref<40x1024xf32, #tpu.memory_space<vmem>>
    %dma_wait3A_1079 = arith.constant 0 : i32
    %dma_wait3A_1080 = tpu.memref_slice %arg5[%select_n3A, %add3A_988, %dma_wait3A_1079] : memref<4x4096x1024xf32, #tpu.memory_space<hbm>> -> memref<1x40x1024xf32, #tpu.memory_space<hbm>>
    %dma_wait3A_1081 = tpu.memref_squeeze %dma_wait3A_1080 : memref<1x40x1024xf32, #tpu.memory_space<hbm>> -> memref<40x1024xf32, #tpu.memory_space<hbm>>
    %dma_wait3A_1082 = arith.constant 0 : i32
    %dma_wait3A_1083 = tpu.memref_slice %arg5[%select_n3A, %add3A_988, %dma_wait3A_1082] : memref<4x4096x1024xf32, #tpu.memory_space<hbm>> -> memref<1x40x1024xf32, #tpu.memory_space<hbm>>
    %dma_wait3A_1084 = tpu.memref_squeeze %dma_wait3A_1083 : memref<1x40x1024xf32, #tpu.memory_space<hbm>> -> memref<40x1024xf32, #tpu.memory_space<hbm>>
    %dma_wait3A_1085 = arith.constant 0 : i32
    %dma_wait3A_1086 = arith.constant 0 : i32
    %dma_wait3A_1087 = tpu.memref_slice %arg10[%dma_wait3A_1085, %dma_wait3A_1086] : memref<40x1024xf32, #tpu.memory_space<vmem>> -> memref<40x1024xf32, #tpu.memory_space<vmem>>
    tpu.wait_dma2 semaphore(%arg16 : memref<!tpu.dma_semaphore, #tpu.memory_space<semaphore_mem>>) src(%dma_wait3A_1087 : memref<40x1024xf32, #tpu.memory_space<vmem>>) dst(%dma_wait3A_1084 : memref<40x1024xf32, #tpu.memory_space<hbm>>)
    %dma_start3A_1088 = arith.constant 0 : i32
    %dma_start3A_1089 = arith.constant 0 : i32
    %dma_start3A_1090 = tpu.memref_slice %arg10[%dma_start3A_1088, %dma_start3A_1089] : memref<40x1024xf32, #tpu.memory_space<vmem>> -> memref<40x1024xf32, #tpu.memory_space<vmem>>
    %dma_start3A_1091 = arith.constant 440 : i32
    %dma_start3A_1092 = tpu.memref_slice %arg7[%dma_start3A_1091] : memref<512xi32, #tpu.memory_space<vmem>> -> memref<40xi32, #tpu.memory_space<vmem>>
    %dma_start3A_1093 = arith.constant 0 : i32
    %dma_start3A_1094 = arith.constant 0 : i32
    %dma_start3A_1095 = tpu.memref_slice %arg3[%dma_start3A_1093, %dma_start3A_1094] : memref<100000x1024xf32, #tpu.memory_space<hbm>> -> memref<100000x1024xf32, #tpu.memory_space<hbm>>
    tpu.enqueue_indirect_dma source(%dma_start3A_1095 : memref<100000x1024xf32, #tpu.memory_space<hbm>>) target(%dma_start3A_1090 : memref<40x1024xf32, #tpu.memory_space<vmem>>) offsets(%dma_start3A_1092 : memref<40xi32, #tpu.memory_space<vmem>>) semaphore(%arg13 : memref<!tpu.dma_semaphore, #tpu.memory_space<semaphore_mem>>)
    %dma_wait3A_1096 = arith.constant 0 : i32
    %dma_wait3A_1097 = arith.constant 0 : i32
    %dma_wait3A_1098 = tpu.memref_slice %arg9[%dma_wait3A_1096, %dma_wait3A_1097] : memref<40x1024xf32, #tpu.memory_space<vmem>> -> memref<40x1024xf32, #tpu.memory_space<vmem>>
    %dma_wait3A_1099 = arith.constant 400 : i32
    %dma_wait3A_1100 = tpu.memref_slice %arg7[%dma_wait3A_1099] : memref<512xi32, #tpu.memory_space<vmem>> -> memref<40xi32, #tpu.memory_space<vmem>>
    %dma_wait3A_1101 = arith.constant 0 : i32
    %dma_wait3A_1102 = arith.constant 0 : i32
    %dma_wait3A_1103 = tpu.memref_slice %arg3[%dma_wait3A_1101, %dma_wait3A_1102] : memref<100000x1024xf32, #tpu.memory_space<hbm>> -> memref<100000x1024xf32, #tpu.memory_space<hbm>>
    tpu.wait_indirect_dma semaphore(%arg12 : memref<!tpu.dma_semaphore, #tpu.memory_space<semaphore_mem>>) src(%dma_wait3A_1103 : memref<100000x1024xf32, #tpu.memory_space<hbm>>) dst(%dma_wait3A_1098 : memref<40x1024xf32, #tpu.memory_space<vmem>>)
    %get3A_1104 = arith.constant 400 : index
    %get3A_1105 = tpu.vector_load %arg6[%get3A_1104] {strides = array<i32>} : memref<512xi32, #tpu.memory_space<vmem>>, vector<16xi32>,
    %gt3A_1106 = arith.constant 99999 : i32
    %gt3A_1107 = vector.broadcast %gt3A_1106 : i32 to vector<16xi32>
    %gt3A_1108 = arith.cmpi sgt, %get3A_1105, %gt3A_1107 : vector<16xi32>
    %all_reduce_population_count3A_1109 = tpu.all_reduce %gt3A_1108 {dim = 0 : i64, kind = #tpu.reduction_kind<sum>} : vector<16xi1> -> vector<16xi32>
    %slice3A_1110 = vector.extract_strided_slice %all_reduce_population_count3A_1109 {offsets = [0], sizes = [1], strides = [1]} : vector<16xi32> to vector<1xi32>
    %squeeze3A_1111 = vector.extract %slice3A_1110[0] : i32 from vector<1xi32>
    %add3A_1112 = arith.constant 0 : i32
    %add3A_1113 = arith.addi %add3A_1112, %squeeze3A_1111 : i32
    %get3A_1114 = arith.constant 416 : index
    %get3A_1115 = tpu.vector_load %arg6[%get3A_1114] {strides = array<i32>} : memref<512xi32, #tpu.memory_space<vmem>>, vector<16xi32>,
    %gt3A_1116 = arith.constant 99999 : i32
    %gt3A_1117 = vector.broadcast %gt3A_1116 : i32 to vector<16xi32>
    %gt3A_1118 = arith.cmpi sgt, %get3A_1115, %gt3A_1117 : vector<16xi32>
    %all_reduce_population_count3A_1119 = tpu.all_reduce %gt3A_1118 {dim = 0 : i64, kind = #tpu.reduction_kind<sum>} : vector<16xi1> -> vector<16xi32>
    %slice3A_1120 = vector.extract_strided_slice %all_reduce_population_count3A_1119 {offsets = [0], sizes = [1], strides = [1]} : vector<16xi32> to vector<1xi32>
    %squeeze3A_1121 = vector.extract %slice3A_1120[0] : i32 from vector<1xi32>
    %add3A_1122 = arith.addi %add3A_1113, %squeeze3A_1121 : i32
    %get3A_1123 = arith.constant 432 : index
    %get3A_1124 = tpu.vector_load %arg6[%get3A_1123] {strides = array<i32>} : memref<512xi32, #tpu.memory_space<vmem>>, vector<16xi32>,
    %gt3A_1125 = arith.constant 99999 : i32
    %gt3A_1126 = vector.broadcast %gt3A_1125 : i32 to vector<16xi32>
    %gt3A_1127 = arith.cmpi sgt, %get3A_1124, %gt3A_1126 : vector<16xi32>
    %all_reduce_population_count3A_1128 = tpu.all_reduce %gt3A_1127 {dim = 0 : i64, kind = #tpu.reduction_kind<sum>} : vector<16xi1> -> vector<16xi32>
    %slice3A_1129 = vector.extract_strided_slice %all_reduce_population_count3A_1128 {offsets = [0], sizes = [1], strides = [1]} : vector<16xi32> to vector<1xi32>
    %squeeze3A_1130 = vector.extract %slice3A_1129[0] : i32 from vector<1xi32>
    %add3A_1131 = arith.addi %add3A_1122, %squeeze3A_1130 : i32
    %gt3A_1132 = arith.constant 0 : i32
    %gt3A_1133 = arith.cmpi sgt, %add3A_1131, %gt3A_1132 : i32
    %convert_element_type3A_1134 = arith.extui %gt3A_1133 : i1 to i32
    %cond3A_1135 = arith.constant 0 : i32
    %cond3A_1136 = arith.cmpi ne, %convert_element_type3A_1134, %cond3A_1135 : i32
    scf.if %cond3A_1136 {
      %scan3A = arith.constant 0 : i32
      %scan3A_1296 = arith.constant 0 : i32
      %scan3A_1297 = arith.constant 40 : i32
      %scan3A_1298 = arith.addi %scan3A_1296, %scan3A_1297 : i32
      %scan3A_1299 = arith.constant 1 : i32
      scf.for %scan3A_1301 = %scan3A_1296 to %scan3A_1298 step %scan3A_1299  : i32 {
        %add3A_1302 = arith.constant 400 : i32
        %add3A_1303 = arith.addi %add3A_1302, %scan3A_1301 : i32
        %broadcast_in_dim3A_1304 = vector.broadcast %add3A_1303 : i32 to vector<16xi32>
        %gather3A = tpu.vector_load_idx %arg6[%broadcast_in_dim3A_1304] : memref<512xi32, #tpu.memory_space<vmem>>[vector<16xi32>], vector<16xi32>,
        %slice3A_1305 = vector.extract_strided_slice %gather3A {offsets = [0], sizes = [1], strides = [1]} : vector<16xi32> to vector<1xi32>
        %squeeze3A_1306 = vector.extract %slice3A_1305[0] : i32 from vector<1xi32>
        %gt3A_1307 = arith.constant 99999 : i32
        %gt3A_1308 = arith.cmpi sgt, %squeeze3A_1306, %gt3A_1307 : i32
        %convert_element_type3A_1309 = arith.extui %gt3A_1308 : i1 to i32
        %cond3A_1310 = arith.constant 0 : i32
        %cond3A_1311 = arith.cmpi ne, %convert_element_type3A_1309, %cond3A_1310 : i32
        scf.if %cond3A_1311 {
          %sub3A_1312 = arith.constant 100000 : i32
          %sub3A_1313 = arith.subi %squeeze3A_1306, %sub3A_1312 : i32
          "tpu.region"() ({
            %run_scoped3A = tpu.sem_alloc : memref<!tpu.dma_semaphore, #tpu.memory_space<semaphore_mem>>
            %dma_start3A_1314 = arith.constant 0 : i32
            %dma_start3A_1315 = tpu.memref_slice %arg9[%scan3A_1301, %dma_start3A_1314] : memref<40x1024xf32, #tpu.memory_space<vmem>> -> memref<1x1024xf32, #tpu.memory_space<vmem>>
            %dma_start3A_1316 = arith.constant 0 : i32
            %dma_start3A_1317 = tpu.memref_slice %arg4[%sub3A_1313, %dma_start3A_1316] : memref<128x1024xf32, #tpu.memory_space<hbm>> -> memref<1x1024xf32, #tpu.memory_space<hbm>>
            %dma_start3A_1318 = arith.constant 0 : i32
            %dma_start3A_1319 = tpu.memref_slice %arg9[%scan3A_1301, %dma_start3A_1318] : memref<40x1024xf32, #tpu.memory_space<vmem>> -> memref<1x1024xf32, #tpu.memory_space<vmem>>
            %dma_start3A_1320 = arith.constant 0 : i32
            %dma_start3A_1321 = tpu.memref_slice %arg4[%sub3A_1313, %dma_start3A_1320] : memref<128x1024xf32, #tpu.memory_space<hbm>> -> memref<1x1024xf32, #tpu.memory_space<hbm>>
            tpu.enqueue_dma source(%dma_start3A_1321 : memref<1x1024xf32, #tpu.memory_space<hbm>>) target(%dma_start3A_1319 : memref<1x1024xf32, #tpu.memory_space<vmem>>) target_semaphore(%run_scoped3A : memref<!tpu.dma_semaphore, #tpu.memory_space<semaphore_mem>>)
            %dma_wait3A_1322 = arith.constant 0 : i32
            %dma_wait3A_1323 = tpu.memref_slice %arg9[%scan3A_1301, %dma_wait3A_1322] : memref<40x1024xf32, #tpu.memory_space<vmem>> -> memref<1x1024xf32, #tpu.memory_space<vmem>>
            %dma_wait3A_1324 = arith.constant 0 : i32
            %dma_wait3A_1325 = tpu.memref_slice %arg4[%sub3A_1313, %dma_wait3A_1324] : memref<128x1024xf32, #tpu.memory_space<hbm>> -> memref<1x1024xf32, #tpu.memory_space<hbm>>
            %dma_wait3A_1326 = arith.constant 0 : i32
            %dma_wait3A_1327 = tpu.memref_slice %arg9[%scan3A_1301, %dma_wait3A_1326] : memref<40x1024xf32, #tpu.memory_space<vmem>> -> memref<1x1024xf32, #tpu.memory_space<vmem>>
            %dma_wait3A_1328 = arith.constant 0 : i32
            %dma_wait3A_1329 = tpu.memref_slice %arg4[%sub3A_1313, %dma_wait3A_1328] : memref<128x1024xf32, #tpu.memory_space<hbm>> -> memref<1x1024xf32, #tpu.memory_space<hbm>>
            tpu.wait_dma2 semaphore(%run_scoped3A : memref<!tpu.dma_semaphore, #tpu.memory_space<semaphore_mem>>) src(%dma_wait3A_1329 : memref<1x1024xf32, #tpu.memory_space<hbm>>) dst(%dma_wait3A_1327 : memref<1x1024xf32, #tpu.memory_space<vmem>>)
            tpu.yield
          }) : () -> ()
        } else {
        }
      }
      %scan3A_1300 = arith.constant 40 : i32
    } else {
    }
    %add3A_1137 = arith.constant 400 : i32
    %add3A_1138 = arith.addi %mul3A_32, %add3A_1137 : i32
    %dma_start3A_1139 = arith.constant 0 : i32
    %dma_start3A_1140 = arith.constant 0 : i32
    %dma_start3A_1141 = tpu.memref_slice %arg9[%dma_start3A_1139, %dma_start3A_1140] : memref<40x1024xf32, #tpu.memory_space<vmem>> -> memref<40x1024xf32, #tpu.memory_space<vmem>>
    %dma_start3A_1142 = arith.constant 0 : i32
    %dma_start3A_1143 = tpu.memref_slice %arg5[%select_n3A, %add3A_1138, %dma_start3A_1142] : memref<4x4096x1024xf32, #tpu.memory_space<hbm>> -> memref<1x40x1024xf32, #tpu.memory_space<hbm>>
    %dma_start3A_1144 = tpu.memref_squeeze %dma_start3A_1143 : memref<1x40x1024xf32, #tpu.memory_space<hbm>> -> memref<40x1024xf32, #tpu.memory_space<hbm>>
    %dma_start3A_1145 = arith.constant 0 : i32
    %dma_start3A_1146 = tpu.memref_slice %arg5[%select_n3A, %add3A_1138, %dma_start3A_1145] : memref<4x4096x1024xf32, #tpu.memory_space<hbm>> -> memref<1x40x1024xf32, #tpu.memory_space<hbm>>
    %dma_start3A_1147 = tpu.memref_squeeze %dma_start3A_1146 : memref<1x40x1024xf32, #tpu.memory_space<hbm>> -> memref<40x1024xf32, #tpu.memory_space<hbm>>
    %dma_start3A_1148 = arith.constant 0 : i32
    %dma_start3A_1149 = arith.constant 0 : i32
    %dma_start3A_1150 = tpu.memref_slice %arg9[%dma_start3A_1148, %dma_start3A_1149] : memref<40x1024xf32, #tpu.memory_space<vmem>> -> memref<40x1024xf32, #tpu.memory_space<vmem>>
    tpu.enqueue_dma source(%dma_start3A_1150 : memref<40x1024xf32, #tpu.memory_space<vmem>>) target(%dma_start3A_1147 : memref<40x1024xf32, #tpu.memory_space<hbm>>) target_semaphore(%arg15 : memref<!tpu.dma_semaphore, #tpu.memory_space<semaphore_mem>>)
    %dma_wait3A_1151 = arith.constant 0 : i32
    %dma_wait3A_1152 = arith.constant 0 : i32
    %dma_wait3A_1153 = tpu.memref_slice %arg8[%dma_wait3A_1151, %dma_wait3A_1152] : memref<40x1024xf32, #tpu.memory_space<vmem>> -> memref<40x1024xf32, #tpu.memory_space<vmem>>
    %dma_wait3A_1154 = arith.constant 0 : i32
    %dma_wait3A_1155 = tpu.memref_slice %arg5[%select_n3A, %add3A_1063, %dma_wait3A_1154] : memref<4x4096x1024xf32, #tpu.memory_space<hbm>> -> memref<1x40x1024xf32, #tpu.memory_space<hbm>>
    %dma_wait3A_1156 = tpu.memref_squeeze %dma_wait3A_1155 : memref<1x40x1024xf32, #tpu.memory_space<hbm>> -> memref<40x1024xf32, #tpu.memory_space<hbm>>
    %dma_wait3A_1157 = arith.constant 0 : i32
    %dma_wait3A_1158 = tpu.memref_slice %arg5[%select_n3A, %add3A_1063, %dma_wait3A_1157] : memref<4x4096x1024xf32, #tpu.memory_space<hbm>> -> memref<1x40x1024xf32, #tpu.memory_space<hbm>>
    %dma_wait3A_1159 = tpu.memref_squeeze %dma_wait3A_1158 : memref<1x40x1024xf32, #tpu.memory_space<hbm>> -> memref<40x1024xf32, #tpu.memory_space<hbm>>
    %dma_wait3A_1160 = arith.constant 0 : i32
    %dma_wait3A_1161 = arith.constant 0 : i32
    %dma_wait3A_1162 = tpu.memref_slice %arg8[%dma_wait3A_1160, %dma_wait3A_1161] : memref<40x1024xf32, #tpu.memory_space<vmem>> -> memref<40x1024xf32, #tpu.memory_space<vmem>>
    tpu.wait_dma2 semaphore(%arg14 : memref<!tpu.dma_semaphore, #tpu.memory_space<semaphore_mem>>) src(%dma_wait3A_1162 : memref<40x1024xf32, #tpu.memory_space<vmem>>) dst(%dma_wait3A_1159 : memref<40x1024xf32, #tpu.memory_space<hbm>>)
    %dma_start3A_1163 = arith.constant 0 : i32
    %dma_start3A_1164 = arith.constant 0 : i32
    %dma_start3A_1165 = tpu.memref_slice %arg8[%dma_start3A_1163, %dma_start3A_1164] : memref<40x1024xf32, #tpu.memory_space<vmem>> -> memref<32x1024xf32, #tpu.memory_space<vmem>>
    %dma_start3A_1166 = arith.constant 480 : i32
    %dma_start3A_1167 = tpu.memref_slice %arg7[%dma_start3A_1166] : memref<512xi32, #tpu.memory_space<vmem>> -> memref<32xi32, #tpu.memory_space<vmem>>
    %dma_start3A_1168 = arith.constant 0 : i32
    %dma_start3A_1169 = arith.constant 0 : i32
    %dma_start3A_1170 = tpu.memref_slice %arg3[%dma_start3A_1168, %dma_start3A_1169] : memref<100000x1024xf32, #tpu.memory_space<hbm>> -> memref<100000x1024xf32, #tpu.memory_space<hbm>>
    tpu.enqueue_indirect_dma source(%dma_start3A_1170 : memref<100000x1024xf32, #tpu.memory_space<hbm>>) target(%dma_start3A_1165 : memref<32x1024xf32, #tpu.memory_space<vmem>>) offsets(%dma_start3A_1167 : memref<32xi32, #tpu.memory_space<vmem>>) semaphore(%arg11 : memref<!tpu.dma_semaphore, #tpu.memory_space<semaphore_mem>>)
    %dma_wait3A_1171 = arith.constant 0 : i32
    %dma_wait3A_1172 = arith.constant 0 : i32
    %dma_wait3A_1173 = tpu.memref_slice %arg10[%dma_wait3A_1171, %dma_wait3A_1172] : memref<40x1024xf32, #tpu.memory_space<vmem>> -> memref<40x1024xf32, #tpu.memory_space<vmem>>
    %dma_wait3A_1174 = arith.constant 440 : i32
    %dma_wait3A_1175 = tpu.memref_slice %arg7[%dma_wait3A_1174] : memref<512xi32, #tpu.memory_space<vmem>> -> memref<40xi32, #tpu.memory_space<vmem>>
    %dma_wait3A_1176 = arith.constant 0 : i32
    %dma_wait3A_1177 = arith.constant 0 : i32
    %dma_wait3A_1178 = tpu.memref_slice %arg3[%dma_wait3A_1176, %dma_wait3A_1177] : memref<100000x1024xf32, #tpu.memory_space<hbm>> -> memref<100000x1024xf32, #tpu.memory_space<hbm>>
    tpu.wait_indirect_dma semaphore(%arg13 : memref<!tpu.dma_semaphore, #tpu.memory_space<semaphore_mem>>) src(%dma_wait3A_1178 : memref<100000x1024xf32, #tpu.memory_space<hbm>>) dst(%dma_wait3A_1173 : memref<40x1024xf32, #tpu.memory_space<vmem>>)
    %get3A_1179 = arith.constant 432 : index
    %get3A_1180 = tpu.vector_load %arg6[%get3A_1179] {strides = array<i32>} : memref<512xi32, #tpu.memory_space<vmem>>, vector<16xi32>,
    %gt3A_1181 = arith.constant 99999 : i32
    %gt3A_1182 = vector.broadcast %gt3A_1181 : i32 to vector<16xi32>
    %gt3A_1183 = arith.cmpi sgt, %get3A_1180, %gt3A_1182 : vector<16xi32>
    %all_reduce_population_count3A_1184 = tpu.all_reduce %gt3A_1183 {dim = 0 : i64, kind = #tpu.reduction_kind<sum>} : vector<16xi1> -> vector<16xi32>
    %slice3A_1185 = vector.extract_strided_slice %all_reduce_population_count3A_1184 {offsets = [0], sizes = [1], strides = [1]} : vector<16xi32> to vector<1xi32>
    %squeeze3A_1186 = vector.extract %slice3A_1185[0] : i32 from vector<1xi32>
    %add3A_1187 = arith.constant 0 : i32
    %add3A_1188 = arith.addi %add3A_1187, %squeeze3A_1186 : i32
    %get3A_1189 = arith.constant 448 : index
    %get3A_1190 = tpu.vector_load %arg6[%get3A_1189] {strides = array<i32>} : memref<512xi32, #tpu.memory_space<vmem>>, vector<16xi32>,
    %gt3A_1191 = arith.constant 99999 : i32
    %gt3A_1192 = vector.broadcast %gt3A_1191 : i32 to vector<16xi32>
    %gt3A_1193 = arith.cmpi sgt, %get3A_1190, %gt3A_1192 : vector<16xi32>
    %all_reduce_population_count3A_1194 = tpu.all_reduce %gt3A_1193 {dim = 0 : i64, kind = #tpu.reduction_kind<sum>} : vector<16xi1> -> vector<16xi32>
    %slice3A_1195 = vector.extract_strided_slice %all_reduce_population_count3A_1194 {offsets = [0], sizes = [1], strides = [1]} : vector<16xi32> to vector<1xi32>
    %squeeze3A_1196 = vector.extract %slice3A_1195[0] : i32 from vector<1xi32>
    %add3A_1197 = arith.addi %add3A_1188, %squeeze3A_1196 : i32
    %get3A_1198 = arith.constant 464 : index
    %get3A_1199 = tpu.vector_load %arg6[%get3A_1198] {strides = array<i32>} : memref<512xi32, #tpu.memory_space<vmem>>, vector<16xi32>,
    %gt3A_1200 = arith.constant 99999 : i32
    %gt3A_1201 = vector.broadcast %gt3A_1200 : i32 to vector<16xi32>
    %gt3A_1202 = arith.cmpi sgt, %get3A_1199, %gt3A_1201 : vector<16xi32>
    %all_reduce_population_count3A_1203 = tpu.all_reduce %gt3A_1202 {dim = 0 : i64, kind = #tpu.reduction_kind<sum>} : vector<16xi1> -> vector<16xi32>
    %slice3A_1204 = vector.extract_strided_slice %all_reduce_population_count3A_1203 {offsets = [0], sizes = [1], strides = [1]} : vector<16xi32> to vector<1xi32>
    %squeeze3A_1205 = vector.extract %slice3A_1204[0] : i32 from vector<1xi32>
    %add3A_1206 = arith.addi %add3A_1197, %squeeze3A_1205 : i32
    %gt3A_1207 = arith.constant 0 : i32
    %gt3A_1208 = arith.cmpi sgt, %add3A_1206, %gt3A_1207 : i32
    %convert_element_type3A_1209 = arith.extui %gt3A_1208 : i1 to i32
    %cond3A_1210 = arith.constant 0 : i32
    %cond3A_1211 = arith.cmpi ne, %convert_element_type3A_1209, %cond3A_1210 : i32
    scf.if %cond3A_1211 {
      %scan3A = arith.constant 0 : i32
      %scan3A_1296 = arith.constant 0 : i32
      %scan3A_1297 = arith.constant 40 : i32
      %scan3A_1298 = arith.addi %scan3A_1296, %scan3A_1297 : i32
      %scan3A_1299 = arith.constant 1 : i32
      scf.for %scan3A_1301 = %scan3A_1296 to %scan3A_1298 step %scan3A_1299  : i32 {
        %add3A_1302 = arith.constant 440 : i32
        %add3A_1303 = arith.addi %add3A_1302, %scan3A_1301 : i32
        %broadcast_in_dim3A_1304 = vector.broadcast %add3A_1303 : i32 to vector<16xi32>
        %gather3A = tpu.vector_load_idx %arg6[%broadcast_in_dim3A_1304] : memref<512xi32, #tpu.memory_space<vmem>>[vector<16xi32>], vector<16xi32>,
        %slice3A_1305 = vector.extract_strided_slice %gather3A {offsets = [0], sizes = [1], strides = [1]} : vector<16xi32> to vector<1xi32>
        %squeeze3A_1306 = vector.extract %slice3A_1305[0] : i32 from vector<1xi32>
        %gt3A_1307 = arith.constant 99999 : i32
        %gt3A_1308 = arith.cmpi sgt, %squeeze3A_1306, %gt3A_1307 : i32
        %convert_element_type3A_1309 = arith.extui %gt3A_1308 : i1 to i32
        %cond3A_1310 = arith.constant 0 : i32
        %cond3A_1311 = arith.cmpi ne, %convert_element_type3A_1309, %cond3A_1310 : i32
        scf.if %cond3A_1311 {
          %sub3A_1312 = arith.constant 100000 : i32
          %sub3A_1313 = arith.subi %squeeze3A_1306, %sub3A_1312 : i32
          "tpu.region"() ({
            %run_scoped3A = tpu.sem_alloc : memref<!tpu.dma_semaphore, #tpu.memory_space<semaphore_mem>>
            %dma_start3A_1314 = arith.constant 0 : i32
            %dma_start3A_1315 = tpu.memref_slice %arg10[%scan3A_1301, %dma_start3A_1314] : memref<40x1024xf32, #tpu.memory_space<vmem>> -> memref<1x1024xf32, #tpu.memory_space<vmem>>
            %dma_start3A_1316 = arith.constant 0 : i32
            %dma_start3A_1317 = tpu.memref_slice %arg4[%sub3A_1313, %dma_start3A_1316] : memref<128x1024xf32, #tpu.memory_space<hbm>> -> memref<1x1024xf32, #tpu.memory_space<hbm>>
            %dma_start3A_1318 = arith.constant 0 : i32
            %dma_start3A_1319 = tpu.memref_slice %arg10[%scan3A_1301, %dma_start3A_1318] : memref<40x1024xf32, #tpu.memory_space<vmem>> -> memref<1x1024xf32, #tpu.memory_space<vmem>>
            %dma_start3A_1320 = arith.constant 0 : i32
            %dma_start3A_1321 = tpu.memref_slice %arg4[%sub3A_1313, %dma_start3A_1320] : memref<128x1024xf32, #tpu.memory_space<hbm>> -> memref<1x1024xf32, #tpu.memory_space<hbm>>
            tpu.enqueue_dma source(%dma_start3A_1321 : memref<1x1024xf32, #tpu.memory_space<hbm>>) target(%dma_start3A_1319 : memref<1x1024xf32, #tpu.memory_space<vmem>>) target_semaphore(%run_scoped3A : memref<!tpu.dma_semaphore, #tpu.memory_space<semaphore_mem>>)
            %dma_wait3A_1322 = arith.constant 0 : i32
            %dma_wait3A_1323 = tpu.memref_slice %arg10[%scan3A_1301, %dma_wait3A_1322] : memref<40x1024xf32, #tpu.memory_space<vmem>> -> memref<1x1024xf32, #tpu.memory_space<vmem>>
            %dma_wait3A_1324 = arith.constant 0 : i32
            %dma_wait3A_1325 = tpu.memref_slice %arg4[%sub3A_1313, %dma_wait3A_1324] : memref<128x1024xf32, #tpu.memory_space<hbm>> -> memref<1x1024xf32, #tpu.memory_space<hbm>>
            %dma_wait3A_1326 = arith.constant 0 : i32
            %dma_wait3A_1327 = tpu.memref_slice %arg10[%scan3A_1301, %dma_wait3A_1326] : memref<40x1024xf32, #tpu.memory_space<vmem>> -> memref<1x1024xf32, #tpu.memory_space<vmem>>
            %dma_wait3A_1328 = arith.constant 0 : i32
            %dma_wait3A_1329 = tpu.memref_slice %arg4[%sub3A_1313, %dma_wait3A_1328] : memref<128x1024xf32, #tpu.memory_space<hbm>> -> memref<1x1024xf32, #tpu.memory_space<hbm>>
            tpu.wait_dma2 semaphore(%run_scoped3A : memref<!tpu.dma_semaphore, #tpu.memory_space<semaphore_mem>>) src(%dma_wait3A_1329 : memref<1x1024xf32, #tpu.memory_space<hbm>>) dst(%dma_wait3A_1327 : memref<1x1024xf32, #tpu.memory_space<vmem>>)
            tpu.yield
          }) : () -> ()
        } else {
        }
      }
      %scan3A_1300 = arith.constant 40 : i32
    } else {
    }
    %add3A_1212 = arith.constant 440 : i32
    %add3A_1213 = arith.addi %mul3A_32, %add3A_1212 : i32
    %dma_start3A_1214 = arith.constant 0 : i32
    %dma_start3A_1215 = arith.constant 0 : i32
    %dma_start3A_1216 = tpu.memref_slice %arg10[%dma_start3A_1214, %dma_start3A_1215] : memref<40x1024xf32, #tpu.memory_space<vmem>> -> memref<40x1024xf32, #tpu.memory_space<vmem>>
    %dma_start3A_1217 = arith.constant 0 : i32
    %dma_start3A_1218 = tpu.memref_slice %arg5[%select_n3A, %add3A_1213, %dma_start3A_1217] : memref<4x4096x1024xf32, #tpu.memory_space<hbm>> -> memref<1x40x1024xf32, #tpu.memory_space<hbm>>
    %dma_start3A_1219 = tpu.memref_squeeze %dma_start3A_1218 : memref<1x40x1024xf32, #tpu.memory_space<hbm>> -> memref<40x1024xf32, #tpu.memory_space<hbm>>
    %dma_start3A_1220 = arith.constant 0 : i32
    %dma_start3A_1221 = tpu.memref_slice %arg5[%select_n3A, %add3A_1213, %dma_start3A_1220] : memref<4x4096x1024xf32, #tpu.memory_space<hbm>> -> memref<1x40x1024xf32, #tpu.memory_space<hbm>>
    %dma_start3A_1222 = tpu.memref_squeeze %dma_start3A_1221 : memref<1x40x1024xf32, #tpu.memory_space<hbm>> -> memref<40x1024xf32, #tpu.memory_space<hbm>>
    %dma_start3A_1223 = arith.constant 0 : i32
    %dma_start3A_1224 = arith.constant 0 : i32
    %dma_start3A_1225 = tpu.memref_slice %arg10[%dma_start3A_1223, %dma_start3A_1224] : memref<40x1024xf32, #tpu.memory_space<vmem>> -> memref<40x1024xf32, #tpu.memory_space<vmem>>
    tpu.enqueue_dma source(%dma_start3A_1225 : memref<40x1024xf32, #tpu.memory_space<vmem>>) target(%dma_start3A_1222 : memref<40x1024xf32, #tpu.memory_space<hbm>>) target_semaphore(%arg16 : memref<!tpu.dma_semaphore, #tpu.memory_space<semaphore_mem>>)
    %dma_wait3A_1226 = arith.constant 0 : i32
    %dma_wait3A_1227 = arith.constant 0 : i32
    %dma_wait3A_1228 = tpu.memref_slice %arg8[%dma_wait3A_1226, %dma_wait3A_1227] : memref<40x1024xf32, #tpu.memory_space<vmem>> -> memref<32x1024xf32, #tpu.memory_space<vmem>>
    %dma_wait3A_1229 = arith.constant 480 : i32
    %dma_wait3A_1230 = tpu.memref_slice %arg7[%dma_wait3A_1229] : memref<512xi32, #tpu.memory_space<vmem>> -> memref<32xi32, #tpu.memory_space<vmem>>
    %dma_wait3A_1231 = arith.constant 0 : i32
    %dma_wait3A_1232 = arith.constant 0 : i32
    %dma_wait3A_1233 = tpu.memref_slice %arg3[%dma_wait3A_1231, %dma_wait3A_1232] : memref<100000x1024xf32, #tpu.memory_space<hbm>> -> memref<100000x1024xf32, #tpu.memory_space<hbm>>
    tpu.wait_indirect_dma semaphore(%arg11 : memref<!tpu.dma_semaphore, #tpu.memory_space<semaphore_mem>>) src(%dma_wait3A_1233 : memref<100000x1024xf32, #tpu.memory_space<hbm>>) dst(%dma_wait3A_1228 : memref<32x1024xf32, #tpu.memory_space<vmem>>)
    %get3A_1234 = arith.constant 480 : index
    %get3A_1235 = tpu.vector_load %arg6[%get3A_1234] {strides = array<i32>} : memref<512xi32, #tpu.memory_space<vmem>>, vector<16xi32>,
    %gt3A_1236 = arith.constant 99999 : i32
    %gt3A_1237 = vector.broadcast %gt3A_1236 : i32 to vector<16xi32>
    %gt3A_1238 = arith.cmpi sgt, %get3A_1235, %gt3A_1237 : vector<16xi32>
    %all_reduce_population_count3A_1239 = tpu.all_reduce %gt3A_1238 {dim = 0 : i64, kind = #tpu.reduction_kind<sum>} : vector<16xi1> -> vector<16xi32>
    %slice3A_1240 = vector.extract_strided_slice %all_reduce_population_count3A_1239 {offsets = [0], sizes = [1], strides = [1]} : vector<16xi32> to vector<1xi32>
    %squeeze3A_1241 = vector.extract %slice3A_1240[0] : i32 from vector<1xi32>
    %add3A_1242 = arith.constant 0 : i32
    %add3A_1243 = arith.addi %add3A_1242, %squeeze3A_1241 : i32
    %get3A_1244 = arith.constant 496 : index
    %get3A_1245 = tpu.vector_load %arg6[%get3A_1244] {strides = array<i32>} : memref<512xi32, #tpu.memory_space<vmem>>, vector<16xi32>,
    %gt3A_1246 = arith.constant 99999 : i32
    %gt3A_1247 = vector.broadcast %gt3A_1246 : i32 to vector<16xi32>
    %gt3A_1248 = arith.cmpi sgt, %get3A_1245, %gt3A_1247 : vector<16xi32>
    %all_reduce_population_count3A_1249 = tpu.all_reduce %gt3A_1248 {dim = 0 : i64, kind = #tpu.reduction_kind<sum>} : vector<16xi1> -> vector<16xi32>
    %slice3A_1250 = vector.extract_strided_slice %all_reduce_population_count3A_1249 {offsets = [0], sizes = [1], strides = [1]} : vector<16xi32> to vector<1xi32>
    %squeeze3A_1251 = vector.extract %slice3A_1250[0] : i32 from vector<1xi32>
    %add3A_1252 = arith.addi %add3A_1243, %squeeze3A_1251 : i32
    %gt3A_1253 = arith.constant 0 : i32
    %gt3A_1254 = arith.cmpi sgt, %add3A_1252, %gt3A_1253 : i32
    %convert_element_type3A_1255 = arith.extui %gt3A_1254 : i1 to i32
    %cond3A_1256 = arith.constant 0 : i32
    %cond3A_1257 = arith.cmpi ne, %convert_element_type3A_1255, %cond3A_1256 : i32
    scf.if %cond3A_1257 {
      %scan3A = arith.constant 0 : i32
      %scan3A_1296 = arith.constant 0 : i32
      %scan3A_1297 = arith.constant 32 : i32
      %scan3A_1298 = arith.addi %scan3A_1296, %scan3A_1297 : i32
      %scan3A_1299 = arith.constant 1 : i32
      scf.for %scan3A_1301 = %scan3A_1296 to %scan3A_1298 step %scan3A_1299  : i32 {
        %add3A_1302 = arith.constant 480 : i32
        %add3A_1303 = arith.addi %add3A_1302, %scan3A_1301 : i32
        %broadcast_in_dim3A_1304 = vector.broadcast %add3A_1303 : i32 to vector<16xi32>
        %gather3A = tpu.vector_load_idx %arg6[%broadcast_in_dim3A_1304] : memref<512xi32, #tpu.memory_space<vmem>>[vector<16xi32>], vector<16xi32>,
        %slice3A_1305 = vector.extract_strided_slice %gather3A {offsets = [0], sizes = [1], strides = [1]} : vector<16xi32> to vector<1xi32>
        %squeeze3A_1306 = vector.extract %slice3A_1305[0] : i32 from vector<1xi32>
        %gt3A_1307 = arith.constant 99999 : i32
        %gt3A_1308 = arith.cmpi sgt, %squeeze3A_1306, %gt3A_1307 : i32
        %convert_element_type3A_1309 = arith.extui %gt3A_1308 : i1 to i32
        %cond3A_1310 = arith.constant 0 : i32
        %cond3A_1311 = arith.cmpi ne, %convert_element_type3A_1309, %cond3A_1310 : i32
        scf.if %cond3A_1311 {
          %sub3A_1312 = arith.constant 100000 : i32
          %sub3A_1313 = arith.subi %squeeze3A_1306, %sub3A_1312 : i32
          "tpu.region"() ({
            %run_scoped3A = tpu.sem_alloc : memref<!tpu.dma_semaphore, #tpu.memory_space<semaphore_mem>>
            %dma_start3A_1314 = arith.constant 0 : i32
            %dma_start3A_1315 = tpu.memref_slice %arg8[%scan3A_1301, %dma_start3A_1314] : memref<40x1024xf32, #tpu.memory_space<vmem>> -> memref<1x1024xf32, #tpu.memory_space<vmem>>
            %dma_start3A_1316 = arith.constant 0 : i32
            %dma_start3A_1317 = tpu.memref_slice %arg4[%sub3A_1313, %dma_start3A_1316] : memref<128x1024xf32, #tpu.memory_space<hbm>> -> memref<1x1024xf32, #tpu.memory_space<hbm>>
            %dma_start3A_1318 = arith.constant 0 : i32
            %dma_start3A_1319 = tpu.memref_slice %arg8[%scan3A_1301, %dma_start3A_1318] : memref<40x1024xf32, #tpu.memory_space<vmem>> -> memref<1x1024xf32, #tpu.memory_space<vmem>>
            %dma_start3A_1320 = arith.constant 0 : i32
            %dma_start3A_1321 = tpu.memref_slice %arg4[%sub3A_1313, %dma_start3A_1320] : memref<128x1024xf32, #tpu.memory_space<hbm>> -> memref<1x1024xf32, #tpu.memory_space<hbm>>
            tpu.enqueue_dma source(%dma_start3A_1321 : memref<1x1024xf32, #tpu.memory_space<hbm>>) target(%dma_start3A_1319 : memref<1x1024xf32, #tpu.memory_space<vmem>>) target_semaphore(%run_scoped3A : memref<!tpu.dma_semaphore, #tpu.memory_space<semaphore_mem>>)
            %dma_wait3A_1322 = arith.constant 0 : i32
            %dma_wait3A_1323 = tpu.memref_slice %arg8[%scan3A_1301, %dma_wait3A_1322] : memref<40x1024xf32, #tpu.memory_space<vmem>> -> memref<1x1024xf32, #tpu.memory_space<vmem>>
            %dma_wait3A_1324 = arith.constant 0 : i32
            %dma_wait3A_1325 = tpu.memref_slice %arg4[%sub3A_1313, %dma_wait3A_1324] : memref<128x1024xf32, #tpu.memory_space<hbm>> -> memref<1x1024xf32, #tpu.memory_space<hbm>>
            %dma_wait3A_1326 = arith.constant 0 : i32
            %dma_wait3A_1327 = tpu.memref_slice %arg8[%scan3A_1301, %dma_wait3A_1326] : memref<40x1024xf32, #tpu.memory_space<vmem>> -> memref<1x1024xf32, #tpu.memory_space<vmem>>
            %dma_wait3A_1328 = arith.constant 0 : i32
            %dma_wait3A_1329 = tpu.memref_slice %arg4[%sub3A_1313, %dma_wait3A_1328] : memref<128x1024xf32, #tpu.memory_space<hbm>> -> memref<1x1024xf32, #tpu.memory_space<hbm>>
            tpu.wait_dma2 semaphore(%run_scoped3A : memref<!tpu.dma_semaphore, #tpu.memory_space<semaphore_mem>>) src(%dma_wait3A_1329 : memref<1x1024xf32, #tpu.memory_space<hbm>>) dst(%dma_wait3A_1327 : memref<1x1024xf32, #tpu.memory_space<vmem>>)
            tpu.yield
          }) : () -> ()
        } else {
        }
      }
      %scan3A_1300 = arith.constant 32 : i32
    } else {
    }
    %add3A_1258 = arith.constant 480 : i32
    %add3A_1259 = arith.addi %mul3A_32, %add3A_1258 : i32
    %dma_start3A_1260 = arith.constant 0 : i32
    %dma_start3A_1261 = arith.constant 0 : i32
    %dma_start3A_1262 = tpu.memref_slice %arg8[%dma_start3A_1260, %dma_start3A_1261] : memref<40x1024xf32, #tpu.memory_space<vmem>> -> memref<32x1024xf32, #tpu.memory_space<vmem>>
    %dma_start3A_1263 = arith.constant 0 : i32
    %dma_start3A_1264 = tpu.memref_slice %arg5[%select_n3A, %add3A_1259, %dma_start3A_1263] : memref<4x4096x1024xf32, #tpu.memory_space<hbm>> -> memref<1x32x1024xf32, #tpu.memory_space<hbm>>
    %dma_start3A_1265 = tpu.memref_squeeze %dma_start3A_1264 : memref<1x32x1024xf32, #tpu.memory_space<hbm>> -> memref<32x1024xf32, #tpu.memory_space<hbm>>
    %dma_start3A_1266 = arith.constant 0 : i32
    %dma_start3A_1267 = tpu.memref_slice %arg5[%select_n3A, %add3A_1259, %dma_start3A_1266] : memref<4x4096x1024xf32, #tpu.memory_space<hbm>> -> memref<1x32x1024xf32, #tpu.memory_space<hbm>>
    %dma_start3A_1268 = tpu.memref_squeeze %dma_start3A_1267 : memref<1x32x1024xf32, #tpu.memory_space<hbm>> -> memref<32x1024xf32, #tpu.memory_space<hbm>>
    %dma_start3A_1269 = arith.constant 0 : i32
    %dma_start3A_1270 = arith.constant 0 : i32
    %dma_start3A_1271 = tpu.memref_slice %arg8[%dma_start3A_1269, %dma_start3A_1270] : memref<40x1024xf32, #tpu.memory_space<vmem>> -> memref<32x1024xf32, #tpu.memory_space<vmem>>
    tpu.enqueue_dma source(%dma_start3A_1271 : memref<32x1024xf32, #tpu.memory_space<vmem>>) target(%dma_start3A_1268 : memref<32x1024xf32, #tpu.memory_space<hbm>>) target_semaphore(%arg14 : memref<!tpu.dma_semaphore, #tpu.memory_space<semaphore_mem>>)
    %dma_wait3A_1272 = arith.constant 0 : i32
    %dma_wait3A_1273 = arith.constant 0 : i32
    %dma_wait3A_1274 = tpu.memref_slice %arg10[%dma_wait3A_1272, %dma_wait3A_1273] : memref<40x1024xf32, #tpu.memory_space<vmem>> -> memref<40x1024xf32, #tpu.memory_space<vmem>>
    %dma_wait3A_1275 = arith.constant 0 : i32
    %dma_wait3A_1276 = tpu.memref_slice %arg5[%select_n3A, %add3A_1213, %dma_wait3A_1275] : memref<4x4096x1024xf32, #tpu.memory_space<hbm>> -> memref<1x40x1024xf32, #tpu.memory_space<hbm>>
    %dma_wait3A_1277 = tpu.memref_squeeze %dma_wait3A_1276 : memref<1x40x1024xf32, #tpu.memory_space<hbm>> -> memref<40x1024xf32, #tpu.memory_space<hbm>>
    %dma_wait3A_1278 = arith.constant 0 : i32
    %dma_wait3A_1279 = tpu.memref_slice %arg5[%select_n3A, %add3A_1213, %dma_wait3A_1278] : memref<4x4096x1024xf32, #tpu.memory_space<hbm>> -> memref<1x40x1024xf32, #tpu.memory_space<hbm>>
    %dma_wait3A_1280 = tpu.memref_squeeze %dma_wait3A_1279 : memref<1x40x1024xf32, #tpu.memory_space<hbm>> -> memref<40x1024xf32, #tpu.memory_space<hbm>>
    %dma_wait3A_1281 = arith.constant 0 : i32
    %dma_wait3A_1282 = arith.constant 0 : i32
    %dma_wait3A_1283 = tpu.memref_slice %arg10[%dma_wait3A_1281, %dma_wait3A_1282] : memref<40x1024xf32, #tpu.memory_space<vmem>> -> memref<40x1024xf32, #tpu.memory_space<vmem>>
    tpu.wait_dma2 semaphore(%arg16 : memref<!tpu.dma_semaphore, #tpu.memory_space<semaphore_mem>>) src(%dma_wait3A_1283 : memref<40x1024xf32, #tpu.memory_space<vmem>>) dst(%dma_wait3A_1280 : memref<40x1024xf32, #tpu.memory_space<hbm>>)
    %dma_wait3A_1284 = arith.constant 0 : i32
    %dma_wait3A_1285 = arith.constant 0 : i32
    %dma_wait3A_1286 = tpu.memref_slice %arg8[%dma_wait3A_1284, %dma_wait3A_1285] : memref<40x1024xf32, #tpu.memory_space<vmem>> -> memref<32x1024xf32, #tpu.memory_space<vmem>>
    %dma_wait3A_1287 = arith.constant 0 : i32
    %dma_wait3A_1288 = tpu.memref_slice %arg5[%select_n3A, %add3A_1259, %dma_wait3A_1287] : memref<4x4096x1024xf32, #tpu.memory_space<hbm>> -> memref<1x32x1024xf32, #tpu.memory_space<hbm>>
    %dma_wait3A_1289 = tpu.memref_squeeze %dma_wait3A_1288 : memref<1x32x1024xf32, #tpu.memory_space<hbm>> -> memref<32x1024xf32, #tpu.memory_space<hbm>>
    %dma_wait3A_1290 = arith.constant 0 : i32
    %dma_wait3A_1291 = tpu.memref_slice %arg5[%select_n3A, %add3A_1259, %dma_wait3A_1290] : memref<4x4096x1024xf32, #tpu.memory_space<hbm>> -> memref<1x32x1024xf32, #tpu.memory_space<hbm>>
    %dma_wait3A_1292 = tpu.memref_squeeze %dma_wait3A_1291 : memref<1x32x1024xf32, #tpu.memory_space<hbm>> -> memref<32x1024xf32, #tpu.memory_space<hbm>>
    %dma_wait3A_1293 = arith.constant 0 : i32
    %dma_wait3A_1294 = arith.constant 0 : i32
    %dma_wait3A_1295 = tpu.memref_slice %arg8[%dma_wait3A_1293, %dma_wait3A_1294] : memref<40x1024xf32, #tpu.memory_space<vmem>> -> memref<32x1024xf32, #tpu.memory_space<vmem>>
    tpu.wait_dma2 semaphore(%arg14 : memref<!tpu.dma_semaphore, #tpu.memory_space<semaphore_mem>>) src(%dma_wait3A_1295 : memref<32x1024xf32, #tpu.memory_space<vmem>>) dst(%dma_wait3A_1292 : memref<32x1024xf32, #tpu.memory_space<hbm>>)
    return
  }
}

</mosaic_0001>

<sc_bundles>
// kernel: _run.3.cloned.1.call-start
scs
__scs_entry_jumppad:
0x0: {  	(pc) =	sbr.rel $0x88, $3  }
0x1: {  	(tag) =	ssettag $0x0;
	lr =	simm.s32 $0x1  }
0x2: {  	[smem:$0x3F9E] =	sst lr;
	_ =	strace $0xD0000000  }
0x3: {  	_ = 	snop  }
0x4: {  	_ = 	snop  }
0x5: {  	_ = 	snop  }
0x6: {  	_ = 	snop  }
0x7: {  	_ = 	snop  }
__scs_overlays_trampoline_lowered:
0x8: {  	[smem:$0x3FAD] =	sst s0  }
0x9: {  	[smem:$0x3FAE] =	sst s1  }
0xa: {  	[smem:$0x3FAF] =	sst s2  }
0xb: {  	[smem:$0x3FB0] =	sst s3  }
0xc: {  	[smem:$0x3FB1] =	sst s4  }
0xd: {  	[smem:$0x3FB2] =	sst s5  }
0xe: {  	[smem:$0x3FB3] =	sst s6  }
0xf: {  	[smem:$0x3FB4] =	sst s7  }
0x10: {  	[smem:$0x3FB5] =	sst s8  }
0x11: {  	[smem:$0x3FB6] =	sst s9;
	s0 =	simm.s32 @!p0 $0x0  }
0x12: {  	s1 =	sld [smem:$0x3F9C];
	s0 =	simm.s32 @p0 $0x1  }
0x13: {  	[smem:$0x3FB7] =	sst s0;
	s0 =	simm.s32 @!p1 $0x0  }
0x14: {  	s2 =	sld [smem:$0x3F9B];
	s0 =	simm.s32 @p1 $0x1  }
0x15: {  	[smem:$0x3FB8] =	sst s0;
	s0 =	simm.s32 @!p2 $0x0  }
0x16: {  	s3 =	sld [smem:$0x3FDB];
	s0 =	simm.s32 @p2 $0x1  }
0x17: {  	s4 =	simm.s32 $0x1BF5;
	[smem:$0x3FBA] =	sst s0  }
0x18: {  	s0 =	sld [smem:$0x3F9D];
	_ =	swait.ge [sflag:s4], $0x0  }
0x19: {  	s7 =	sld [smem:$0x3F9E]  }
0x1a: {  	s8 =	sadd.s32 $0xFFFFE003, lr  }
0x1b: {  	s9 =	sadd.s32 $0xFFFFFEF7, lr;
	s5 =	simm.s32 $0xFFFFFFFF;
	p2 =	slt.u32 s8, $0xFFFFF086  }
0x1c: {  	p1 =	slt.u32 s9, $0xF7A;
	s5 =	simm.s32 @!p2 $0x0  }
0x1d: {  	s5 =	simm.s32 @p1 $0x1;
	p0 =	seq.s32 s7, s2  }
0x1e: {  	s7 =	smul.u32 @!p0 $0xF7A, s2;
	p2 =	seq.s32 @!p0 s5, $0x0  }
0x1f: {  	s9 =	smul.u32 $0xF7A, s1;
	s8 =	simm.s32 @!p0 $0x1BF5;
	p2 =	por !p2, p0  }
0x20: {  	[sflag:s8] =	ssyncset.s32 @!p0 $0xFFFFF086;
	s6 =	sadd.s32 @!p0 s3, s7;
	s7 =	simm.s32 @!p0 $0x108  }
0x21: {  	s3 =	sadd.s32 s3, s9;
	s6 =	sadd.s32 @!p0 $0x88, s6;
	s7 =	simm.s32 @p2 $0x1082  }
0x22: {  	[simem:s7], [sflag:s8] =	dma.local @!p0 [hbm:s6], $0xF7A  }
0x23: {  	s9 =	sor.u32 $0xD0000000, s2;
	s6 =	simm.s32 $0x108;
	_ =	swait.ge @!p0 [sflag:s8], $0x0  }
0x24: {  	s3 =	sadd.s32 $0x88, s3;
	s6 =	simm.s32 @!p1 $0x1082;
	[sflag:s4] =	ssyncset.s32 $0xFFFFF086  }
0x25: {  	[simem:s6], [sflag:s4] =	dma.local [hbm:s3], $0xF7A  }
0x26: {  	[smem:$0x3F9E] =	sst s1;
	(tag) =	ssettag s2;
	_ =	strace s9  }
0x27: {  	s1 =	sld [smem:$0x3FAE]  }
0x28: {  	s2 =	sld [smem:$0x3FAF]  }
0x29: {  	s4 =	sld [smem:$0x3FB1]  }
0x2a: {  	p0 =	seq.s32 s5, $0x0;
	s5 =	sld [smem:$0x3FB2]  }
0x2b: {  	s6 =	sld [smem:$0x3FB3]  }
0x2c: {  	s7 =	sld [smem:$0x3FB4]  }
0x2d: {  	s3 =	simm.s32 $0x108;
	s8 =	sld [smem:$0x3FB5]  }
0x2e: {  	s3 =	simm.s32 @!p0 $0x1082;
	s9 =	sld [smem:$0x3FB6]  }
0x2f: {  	lr =	sadd.s32 s0, s3;
	s0 =	sld [smem:$0x3FAD]  }
0x30: {  	s3 =	sld [smem:$0x3FB0]  }
0x31: {  	[smem:$0x3FB9] =	sst s10  }
0x32: {  	s10 =	sld [smem:$0x3FB7];
	_ =	sdelay $0x3  }
0x33: {  	p0 =	seq.s32 s10, $0x1;
	s10 =	sld [smem:$0x3FB9];
	_ =	sdelay $0x3  }
0x34: {  	[smem:$0x3FB9] =	sst s10  }
0x35: {  	s10 =	sld [smem:$0x3FB8];
	_ =	sdelay $0x3  }
0x36: {  	p1 =	seq.s32 s10, $0x1;
	s10 =	sld [smem:$0x3FB9];
	_ =	sdelay $0x3  }
0x37: {  	[smem:$0x3FB9] =	sst s10  }
0x38: {  	s10 =	sld [smem:$0x3FBA]  }
0x39: {  	_ = 	snop;
	(pc) =	sbr.ind lr, $3  }
0x3a: {  	_ = 	snop  }
0x3b: {  	_ = 	snop  }
0x3c: {  	p2 =	seq.s32 s10, $0x1;
	s10 =	sld [smem:$0x3FB9]  }
0x3d: {  	_ =	shalt  }
0x3e: {  	_ =	shalt  }
0x3f: {  	_ =	shalt  }
0x40: {  	_ =	shalt  }
0x41: {  	_ =	shalt  }
0x42: {  	_ =	shalt  }
0x43: {  	_ =	shalt  }
0x44: {  	_ =	shalt  }
0x45: {  	_ =	shalt  }
0x46: {  	_ =	shalt  }
0x47: {  	_ =	shalt  }
0x48: {  	_ =	shalt  }
0x49: {  	_ =	shalt  }
0x4a: {  	_ =	shalt  }
0x4b: {  	_ =	shalt  }
0x4c: {  	_ =	shalt  }
0x4d: {  	_ =	shalt  }
0x4e: {  	_ =	shalt  }
0x4f: {  	_ =	shalt  }
0x50: {  	_ =	shalt  }
0x51: {  	_ =	shalt  }
0x52: {  	_ =	shalt  }
0x53: {  	_ =	shalt  }
0x54: {  	_ =	shalt  }
0x55: {  	_ =	shalt  }
0x56: {  	_ =	shalt  }
0x57: {  	_ =	shalt  }
0x58: {  	_ =	shalt  }
0x59: {  	_ =	shalt  }
0x5a: {  	_ =	shalt  }
0x5b: {  	_ =	shalt  }
0x5c: {  	_ =	shalt  }
0x5d: {  	_ =	shalt  }
0x5e: {  	_ =	shalt  }
0x5f: {  	_ =	shalt  }
0x60: {  	_ =	shalt  }
0x61: {  	_ =	shalt  }
0x62: {  	_ =	shalt  }
0x63: {  	_ =	shalt  }
0x64: {  	_ =	shalt  }
0x65: {  	_ =	shalt  }
0x66: {  	_ =	shalt  }
0x67: {  	_ =	shalt  }
0x68: {  	_ =	shalt  }
0x69: {  	_ =	shalt  }
0x6a: {  	_ =	shalt  }
0x6b: {  	_ =	shalt  }
0x6c: {  	_ =	shalt  }
0x6d: {  	_ =	shalt  }
0x6e: {  	_ =	shalt  }
0x6f: {  	_ =	shalt  }
0x70: {  	_ =	shalt  }
0x71: {  	_ =	shalt  }
0x72: {  	_ =	shalt  }
0x73: {  	_ =	shalt  }
0x74: {  	_ =	shalt  }
0x75: {  	_ =	shalt  }
0x76: {  	_ =	shalt  }
0x77: {  	_ =	shalt  }
0x78: {  	_ =	shalt  }
0x79: {  	_ =	shalt  }
0x7a: {  	_ =	shalt  }
0x7b: {  	_ =	shalt  }
0x7c: {  	_ =	shalt  }
0x7d: {  	_ =	shalt  }
0x7e: {  	_ =	shalt  }
0x7f: {  	_ =	shalt  }
0x80: {  	_ =	shalt  }
0x81: {  	_ =	shalt  }
0x82: {  	_ =	shalt  }
0x83: {  	_ =	shalt  }
0x84: {  	_ =	shalt  }
0x85: {  	_ =	shalt  }
0x86: {  	_ =	shalt  }
0x87: {  	_ =	shalt  }
.Lfunc_end0:
.L_simem_size_0:
called_computation_lowered:
.L_overlay_start_0:
0x88: {  	s2 =	sld [smem:$0x3FD9]  }
0x89: {  	s3 =	sld [smem:$0x3FFE];
	_ =	sdelay $0x1  }
0x8a: {  	s1 =	srdreg.scid  }
0x8b: {  	s0 =	sand.u32 $0x1, s1  }
0x8c: {  	s18 =	sshll.u32 s0, $0xA;
	s2 =	sadd.s32 s3, s2  }
0x8d: {  	s2 =	sadd.s32 s2, s18  }
0x8e: {  	[smem:$0x3FC5] =	sst s2  }
0x8f: {  	_ = 	snop  }
0x90: {  	s2 =	sld [smem:$0x3FC9]  }
0x91: {  	s19 =	sld [smem:$0x3FC8]  }
0x92: {  	s4 =	sld [smem:$0x3FC7]  }
0x93: {  	s5 =	sld [smem:$0x3FD0];
	(tm) =	ssettm $0x1  }
0x94: {  	s6 =	sld [smem:$0x3FFB];
	_ =	sdelay $0x3  }
0x95: {  	_ =	strace s6  }
0x96: {  	s6 =	sld [smem:$0x3FFC];
	_ =	sdelay $0x3  }
0x97: {  	_ =	strace s6  }
0x98: {  	s6 =	sld [smem:$0x3FFD];
	_ =	sdelay $0x3  }
0x99: {  	_ =	strace s6  }
0x9a: {  	_ =	strace $0x8FFFFFFF  }
0x9b: {  	s20 =	sld [smem:$0x3FDB];
	_ =	sdelay $0x1  }
0x9c: {  	s7 =	simm.s32 $_scs_section_size  }
0x9d: {  	s8 =	simm.s32 $_size__tile_overlayer_lowered;
	s9 =	simm.s32 $_tile_overlayer_lowered  }
0x9e: {  	s23 =	simm.s32 $0x1BFF;
	s22 =	sshll.u32 s9, $0x1;
	s6 =	sadd.s32 s7, s20  }
0x9f: {  	s10 =	simm.s32 $0x0;
	s21 =	sshll.u32 s8, $0x1;
	s8 =	sadd.s32 s22, s6  }
0xa0: {  	[timem:s10], [sflag:s23] =	dma.local [hbm:s8], s21  }
0xa1: {  	_ =	swait.ge [sflag:s23], s21  }
0xa2: {  	s7 =	ssub.s32 $0x0, s21;
	[sflag:s23] =	ssyncset.done $0x0  }
0xa3: {  	[sflag:s23] =	ssyncadd.s32 s7;
	_ =	sdelay $0x1  }
0xa4: {  	s24 =	simm.s32 $0x1B8B  }
0xa5: {  	_ =	swait.ge [sflag:s24], $0x1  }
0xa6: {  	[sflag:s24] =	ssyncset.done $0x0  }
0xa7: {  	s25 =	simm.s32 $0x1B8E;
	[sflag:s24] =	ssyncadd.s32 $0xFFFFFFFF  }
0xa8: {  	s26 =	simm.s32 $execute0_lowered;
	[smem:$0x3FD2] =	sst s25  }
0xa9: {  	s7 =	sshll.u32 s26, $0x1;
	_ =	strace $0x80000046;
	[dreg:$0x1] =	wrdreg $0xFFFFFFFF  }
0xaa: {  	s28 =	simm.s32 $_size_execute0_lowered;
	s6 =	sadd.s32 s6, s7;
	[dreg:$0x0] =	wrdreg $0x0  }
0xab: {  	s7 =	sshll.u32 s28, $0x1;
	[dreg:$0x2] =	wrdreg s6  }
0xac: {  	[dreg:$0x3] =	wrdreg s7  }
0xad: {  	[dreg:$0x4] =	wrdreg $0xC0  }
0xae: {  	_ =	task [dreg:s10], $0x5FFFF  }
0xaf: {  	[dreg:$0x1] =	wrdreg $0xFFFFFFFF  }
0xb0: {  	[dreg:$0x0] =	wrdreg $0x60  }
0xb1: {  	[dreg:$0x2] =	wrdreg s2  }
0xb2: {  	[dreg:$0x3] =	wrdreg s19  }
0xb3: {  	[dreg:$0x4] =	wrdreg s4  }
0xb4: {  	[dreg:$0x5] =	wrdreg s5  }
0xb5: {  	[dreg:$0x6] =	wrdreg $0x9  }
0xb6: {  	_ =	task.clear_ibuf [dreg:s10], $0x7FFFF;
	_ =	strace $0x90000046  }
0xb7: {  	s29 =	simm.s32 $0x9;
	_ =	strace $0x80000048  }
0xb8: {  	_ =	swait.ge [sflag:s29], $0x1  }
0xb9: {  	[sflag:s29] =	ssyncadd.s32 $0xFFFFFFFF  }
0xba: {  	_ =	strace $0x90000048  }
0xbb: {  	_ =	sfence  }
0xbc: {  	s30 =	sld [smem:$0x0];
	_ =	sdelay $0x2  }
0xbd: {  	s31 =	sshll.u32 s1, $0xD;
	s1 =	sshrl.u32 s1, $0x2  }
0xbe: {  	s3 =	sand.u32 $0x4000, s31;
	s1 =	sadd.s32 s1, s30  }
0xbf: {  	s0 =	sor.u32 s3, s0;
	s1 =	sshll.u32 s1, $0x11  }
0xc0: {  	s0 =	sor.u32 s1, s0  }
0xc1: {  	s0 =	sadd.s32 $0x8F2B, s0  }
0xc2: {  	[sflag:s0] =	ssyncadd.remote.s32 $0x1  }
0xc3: {  	_ =	sfence.sel $0xFFFF  }
0xc4: {  	[dreg:$0x0] =	wrdreg $0xFFFFFFFF;
	(pc) =	sbr.abs _section_cstart, $3  }
0xc5: {  	[dreg:$0x1] =	wrdreg $0xFFFFFFFF  }
0xc6: {  	_ =	task.clear_ibuf [dreg:s10], $0x2FFFF;
	_ =	strace $0x9FFFFFFF  }
0xc7: {  	(tm) =	ssettm $0x7FFFFFFF  }
tec
execute0_lowered:
.L_overlay_start_1:
0x0: {  	(tag) =	ssettag $0x1  }
0x1: {  	s0 =	rddreg [dreg:$0x0]  }
0x2: {  	s1 =	rddreg [dreg:$0x1]  }
0x3: {  	s3 =	rddreg [dreg:$0x2]  }
0x4: {  	s2 =	rddreg [dreg:$0x3];
	s4 =	simm.s32 $0x0;
	s8 =	stileid.u32  }
0x5: {  	s5 =	srdreg.scid;
	[smem:$0x7FF] =	sst s4  }
0x6: {  	s6 =	sshll.u32 s8, $0x1;
	s5 =	sand.u32 $0x1, s5;
	s8 =	sshrl.u32 s8, $0x2  }
0x7: {  	_ =	strace $0x80000047;
	s6 =	sand.u32 $0x6, s6;
	s7 =	ssub.s32 $0x2, s5  }
0x8: {  	s10 =	sshll.u32 s8, $0x4;
	s5 =	sor.u32 s5, s6;
	s17 =	sshrl.u32 s7, $0x1  }
0x9: {  	s0 =	sadd.s32 s0, s10;
	s9 =	sshll.u32 s5, $0x10;
	s5 =	sshll.u32 s5, $0x8  }
0xa: {  	s8 =	sshll.u32 s8, $0x13;
	s18 =	ssub.s32 s7, s17;
	s0 =	sadd.s32 s5, s0  }
0xb: {  	s19 =	sor.u32 s8, s9;
	s31 =	smax.u32 s18, $0x1;
	[dreg:$0x5] =	wrdreg s0  }
0xc: {  	s0 =	sadd.s32 s2, s19;
	[dreg:$0x13] =	wrdreg s31  }
0xd: {  	s2 =	sadd.s32 $0x1400, s0;
	[dreg:$0x6] =	wrdreg s0  }
0xe: {  	s20 =	sadd.s32 $0x2800, s0;
	[dreg:$0x7] =	wrdreg s2  }
0xf: {  	s21 =	sadd.s32 $0x3C00, s0;
	[dreg:$0x8] =	wrdreg s20  }
0x10: {  	s22 =	sadd.s32 $0x5000, s0;
	[dreg:$0x9] =	wrdreg s21  }
0x11: {  	s16 =	simm.s32 $0x14400;
	s23 =	sadd.s32 $0x6400, s0;
	[dreg:$0xa] =	wrdreg s22  }
0x12: {  	s6 =	sadd.s32 $0x100, s1;
	s24 =	sadd.s32 $0x7800, s0;
	[dreg:$0xb] =	wrdreg s23  }
0x13: {  	s7 =	sadd.s32 $0x200, s1;
	s25 =	sadd.s32 $0x8C00, s0;
	[dreg:$0xc] =	wrdreg s24  }
0x14: {  	s17 =	simm.s32 $0x0;
	s26 =	sadd.s32 $0xA000, s0;
	[dreg:$0xd] =	wrdreg s25  }
0x15: {  	s9 =	sadd.s32 $0x300, s1;
	s28 =	sadd.s32 $0xB400, s0;
	[dreg:$0xe] =	wrdreg s26  }
.Ltmp0:
0x16: {  	s29 =	sadd.s32 $0xC800, s0;
	[dreg:$0xf] =	wrdreg s28;
	(pc) =	sbr.rel .LBB2_1-.Ltmp0, $4  }
0x17: {  	s18 =	simm.s32 $0x2;
	s30 =	sadd.s32 $0xDC00, s0;
	[dreg:$0x10] =	wrdreg s29  }
0x18: {  	v2 =	vlaneseq.u32;
	s8 =	simm.s32 $0x6;
	s0 =	sadd.s32 $0xF000, s0;
	[dreg:$0x11] =	wrdreg s30  }
0x19: {  	vm0 =	vmmov $0xffff;
	v1 =	vshrl.u32 v2, $0x3;
	s19 =	simm.s32 $0x4;
	[dreg:$0x12] =	wrdreg s0;
	s26 =	simm.s32 $0x400  }
0x1a: {  	v0 =	vand.u32 $0x7, v2;
	v2 =	vor.u32 $0x8, v2;
	v1 =	vmul.u32 $0x8, v1;
	s25 =	simm.s32 $0x1;
	s21 =	simm.s32 $0x3;
	s22 =	simm.s32 $0x5  }
.LBB2_53:
0x1b: {  	s0 =	rddreg [dreg:$0x12]  }
0x1c: {  	[hbm4b:s0+s4] =	stream.linear.scatter [tilespmem:s26], [sflag:$0x4], $0x8000, $0x38;
	[tilespmem:$0x1E400] =	vst v63  }
0x1d: {  	_ =	swait.ge [sflag:s8], $0xA000  }
0x1e: {  	[sflag:s8] =	ssyncset.done $0x0  }
0x1f: {  	[sflag:s8] =	ssyncadd.s32 $0xFFFF6000  }
0x20: {  	_ =	swait.ge [sflag:s19], $0x8000  }
0x21: {  	s17 =	sadd.s32 $0x1, s17;
	s31 =	rddreg [dreg:$0x13]  }
0x22: {  	p0 =	sne.s32 s17, s31  }
.Ltmp1:
0x23: {  	_ = 	snop;
	(pc) =	sbr.rel @!p0 .LBB2_54-.Ltmp1, $3  }
0x24: {  	_ =	sdelay $0x1  }
0x25: {  	[sflag:s19] =	ssyncset.done $0x0  }
0x26: {  	[sflag:s19] =	ssyncadd.s32 $0xFFFF8000  }
.LBB2_1:
0x27: {  	s0 =	rddreg [dreg:$0x5]  }
0x28: {  	s2 =	simm.s32 $0x80;
	s5 =	simm.s32 $0x200;
	s11 =	simm.s32 $0x7  }
0x29: {  	[tilespmem:s4], [sflag:$0x7] =	stream.strided.gather [hbm4b:s0+s2], $0x200, s5, s2, $0x38;
	[tilespmem:$0x1E400] =	vst v63  }
0x2a: {  	_ =	swait.ge [sflag:s11], $0x200  }
0x2b: {  	[sflag:s11] =	ssyncset.done $0x0  }
0x2c: {  	[sflag:s11] =	ssyncadd.s32 $0xFFFFFE00  }
0x2d: {  	v3 =	vld [tilespmem:$0x0]  }
0x2e: {  	v34 =	vld [tilespmem:$0x180]  }
0x2f: {  	v4 =	vld [tilespmem:$0x10]  }
0x30: {  	v5 =	vld [tilespmem:$0x20]  }
0x31: {  	v6 =	vld [tilespmem:$0x30]  }
0x32: {  	v7 =	vld [tilespmem:$0x40];
	vm1 =	vgt.s32 v3, $0x1869F  }
0x33: {  	v8 =	vld [tilespmem:$0x50];
	vm2 =	vgt.s32 v34, $0x1869F;
	v3 =	vsel vm1, $0x0, v3  }
0x34: {  	v9 =	vld [tilespmem:$0x60];
	vm1 =	vgt.s32 v4, $0x1869F;
	v44 =	vsel vm2, $0x0, v34;
	[tilespmem:$0x200] =	vst v3  }
0x35: {  	v10 =	vld [tilespmem:$0x70];
	v4 =	vsel vm1, $0x0, v4;
	vm1 =	vgt.s32 v5, $0x1869F;
	[tilespmem:$0x380] =	vst v44  }
0x36: {  	v11 =	vld [tilespmem:$0x80];
	[tilespmem:$0x210] =	vst v4;
	v55 =	vsel vm1, $0x0, v5;
	vm1 =	vgt.s32 v6, $0x1869F  }
0x37: {  	v56 =	vld [tilespmem:$0x90];
	[tilespmem:$0x220] =	vst v55;
	v57 =	vsel vm1, $0x0, v6;
	vm1 =	vgt.s32 v7, $0x1869F  }
0x38: {  	v58 =	vld [tilespmem:$0xA0];
	[tilespmem:$0x230] =	vst v57;
	v59 =	vsel vm1, $0x0, v7;
	vm1 =	vgt.s32 v8, $0x1869F  }
0x39: {  	v60 =	vld [tilespmem:$0xB0];
	[tilespmem:$0x240] =	vst v59;
	v61 =	vsel vm1, $0x0, v8;
	vm1 =	vgt.s32 v9, $0x1869F  }
0x3a: {  	v62 =	vld [tilespmem:$0xC0];
	[tilespmem:$0x250] =	vst v61;
	v63 =	vsel vm1, $0x0, v9;
	vm1 =	vgt.s32 v10, $0x1869F  }
0x3b: {  	v12 =	vld [tilespmem:$0xD0];
	[tilespmem:$0x260] =	vst v63;
	v13 =	vsel vm1, $0x0, v10;
	vm1 =	vgt.s32 v11, $0x1869F  }
0x3c: {  	v14 =	vld [tilespmem:$0xE0];
	[tilespmem:$0x270] =	vst v13;
	v15 =	vsel vm1, $0x0, v11;
	vm1 =	vgt.s32 v56, $0x1869F  }
0x3d: {  	v16 =	vld [tilespmem:$0xF0];
	[tilespmem:$0x280] =	vst v15;
	v17 =	vsel vm1, $0x0, v56;
	vm1 =	vgt.s32 v58, $0x1869F  }
0x3e: {  	v18 =	vld [tilespmem:$0x100];
	[tilespmem:$0x290] =	vst v17;
	v19 =	vsel vm1, $0x0, v58;
	vm1 =	vgt.s32 v60, $0x1869F  }
0x3f: {  	v20 =	vld [tilespmem:$0x110];
	[tilespmem:$0x2A0] =	vst v19;
	v21 =	vsel vm1, $0x0, v60;
	vm1 =	vgt.s32 v62, $0x1869F  }
0x40: {  	v22 =	vld [tilespmem:$0x120];
	[tilespmem:$0x2B0] =	vst v21;
	v23 =	vsel vm1, $0x0, v62;
	vm1 =	vgt.s32 v12, $0x1869F  }
0x41: {  	v24 =	vld [tilespmem:$0x130];
	[tilespmem:$0x2C0] =	vst v23;
	v25 =	vsel vm1, $0x0, v12;
	vm1 =	vgt.s32 v14, $0x1869F  }
0x42: {  	v26 =	vld [tilespmem:$0x140];
	[tilespmem:$0x2D0] =	vst v25;
	v27 =	vsel vm1, $0x0, v14;
	vm1 =	vgt.s32 v16, $0x1869F  }
0x43: {  	v28 =	vld [tilespmem:$0x150];
	[tilespmem:$0x2E0] =	vst v27;
	v29 =	vsel vm1, $0x0, v16;
	vm1 =	vgt.s32 v18, $0x1869F  }
0x44: {  	v30 =	vld [tilespmem:$0x160];
	[tilespmem:$0x2F0] =	vst v29;
	v31 =	vsel vm1, $0x0, v18;
	vm1 =	vgt.s32 v20, $0x1869F  }
0x45: {  	v32 =	vld [tilespmem:$0x170];
	[tilespmem:$0x300] =	vst v31;
	v33 =	vsel vm1, $0x0, v20;
	vm1 =	vgt.s32 v22, $0x1869F  }
0x46: {  	v37 =	vld [tilespmem:$0x190];
	[tilespmem:$0x310] =	vst v33;
	v35 =	vsel vm1, $0x0, v22;
	vm1 =	vgt.s32 v24, $0x1869F  }
0x47: {  	v39 =	vld [tilespmem:$0x1A0];
	[tilespmem:$0x320] =	vst v35;
	v36 =	vsel vm1, $0x0, v24;
	vm1 =	vgt.s32 v26, $0x1869F  }
0x48: {  	v41 =	vld [tilespmem:$0x1B0];
	[tilespmem:$0x330] =	vst v36;
	v38 =	vsel vm1, $0x0, v26;
	vm1 =	vgt.s32 v28, $0x1869F  }
0x49: {  	v43 =	vld [tilespmem:$0x1C0];
	v46 =	vshll.u32 v3, $0x3;
	[tilespmem:$0x340] =	vst v38;
	v40 =	vsel vm1, $0x0, v28;
	vm1 =	vgt.s32 v30, $0x1869F  }
0x4a: {  	v45 =	vld [tilespmem:$0x1D0];
	v3 =	vand.u32 $0x7, v3;
	[tilespmem:$0x350] =	vst v40;
	v42 =	vsel vm1, $0x0, v30;
	vm1 =	vgt.s32 v32, $0x1869F  }
0x4b: {  	v47 =	vld [tilespmem:$0x1E0];
	v11 =	vand.u32 $0xFFFFFFC0, v46;
	v5 =	vsel vm1, $0x0, v32;
	[tilespmem:$0x360] =	vst v42;
	vm1 =	vgt.s32 v37, $0x1869F  }
0x4c: {  	v49 =	vld [tilespmem:$0x1F0];
	v3 =	vor.u32 v3, v11;
	[tilespmem:$0x370] =	vst v5;
	v48 =	vsel vm1, $0x0, v37;
	vm1 =	vgt.s32 v39, $0x1869F  }
0x4d: {  	v51 =	vperm.xlane v3, v0;
	[tilespmem:$0x390] =	vst v48;
	v50 =	vsel vm1, $0x0, v39;
	vm1 =	vgt.s32 v41, $0x1869F  }
0x4e: {  	[tilespmem:$0x3A0] =	vst v50;
	v52 =	vsel vm1, $0x0, v41;
	vm1 =	vgt.s32 v43, $0x1869F  }
0x4f: {  	v8 =	vadd.s32 v1, v51;
	[tilespmem:$0x3B0] =	vst v52;
	v53 =	vsel vm1, $0x0, v43;
	vm1 =	vgt.s32 v45, $0x1869F  }
0x50: {  	[tilespmem:$0x3C0] =	vst v53;
	v54 =	vsel vm1, $0x0, v45;
	vm1 =	vgt.s32 v47, $0x1869F  }
0x51: {  	[tilespmem:$0x3D0] =	vst v54;
	v55 =	vsel vm1, $0x0, v47;
	vm1 =	vgt.s32 v49, $0x1869F  }
0x52: {  	[tilespmem:$0x3E0] =	vst v55;
	v56 =	vsel vm1, $0x0, v49  }
0x53: {  	[tilespmem:$0x3F0] =	vst v56  }
0x54: {  	[tilespmem:s26], [sflag:$0x1] =	stream.indirect_vreg.gather [hbm4b:s1+s4], $0x80, v8, vm0, $0xb8;
	[tilespmem:$0x1E400] =	vst v63  }
0x55: {  	s12 =	simm.s32 $0xC00;
	v3 =	vperm.xlane v3, v2  }
0x56: {  	[tilespmem:s12], [sflag:$0x1] =	stream.indirect_vreg.gather [hbm4b:s6+s4], $0x80, v8, vm0, $0xb8;
	[tilespmem:$0x1E400] =	vst v63  }
0x57: {  	s13 =	simm.s32 $0x1400;
	v3 =	vadd.s32 v1, v3  }
0x58: {  	[tilespmem:s13], [sflag:$0x1] =	stream.indirect_vreg.gather [hbm4b:s7+s4], $0x80, v8, vm0, $0xb8;
	[tilespmem:$0x1E400] =	vst v63  }
0x59: {  	s14 =	simm.s32 $0x1C00  }
0x5a: {  	[tilespmem:s14], [sflag:$0x1] =	stream.indirect_vreg.gather [hbm4b:s9+s4], $0x80, v8, vm0, $0xb8;
	[tilespmem:$0x1E400] =	vst v63  }
0x5b: {  	s15 =	simm.s32 $0x2400  }
0x5c: {  	[tilespmem:s15], [sflag:$0x1] =	stream.indirect_vreg.gather [hbm4b:s1+s4], $0x80, v3, vm0, $0xb8;
	[tilespmem:$0x1E400] =	vst v63  }
0x5d: {  	s20 =	simm.s32 $0x2C00  }
0x5e: {  	[tilespmem:s20], [sflag:$0x1] =	stream.indirect_vreg.gather [hbm4b:s6+s4], $0x80, v3, vm0, $0xb8;
	[tilespmem:$0x1E400] =	vst v63  }
0x5f: {  	s23 =	simm.s32 $0x3400  }
0x60: {  	[tilespmem:s23], [sflag:$0x1] =	stream.indirect_vreg.gather [hbm4b:s7+s4], $0x80, v3, vm0, $0xb8;
	[tilespmem:$0x1E400] =	vst v63  }
0x61: {  	s24 =	simm.s32 $0x3C00  }
0x62: {  	[tilespmem:s24], [sflag:$0x1] =	stream.indirect_vreg.gather [hbm4b:s9+s4], $0x80, v3, vm0, $0xb8;
	[tilespmem:$0x1E400] =	vst v63  }
0x63: {  	v3 =	vld [tilespmem:$0x210];
	_ =	sdelay $0x4  }
0x64: {  	v57 =	vshll.u32 v3, $0x3  }
0x65: {  	v3 =	vand.u32 $0x7, v3;
	v4 =	vand.u32 $0xFFFFFFC0, v57  }
0x66: {  	v3 =	vor.u32 v3, v4  }
0x67: {  	v4 =	vperm.xlane v3, v0;
	_ =	sdelay $0x1  }
0x68: {  	v4 =	vadd.s32 v1, v4;
	_ =	sdelay $0x3  }
0x69: {  	s28 =	simm.s32 $0x4400  }
0x6a: {  	[tilespmem:s28], [sflag:$0x1] =	stream.indirect_vreg.gather [hbm4b:s1+s4], $0x80, v4, vm0, $0xb8;
	[tilespmem:$0x1E400] =	vst v63  }
0x6b: {  	s29 =	simm.s32 $0x4C00;
	v3 =	vperm.xlane v3, v2  }
0x6c: {  	[tilespmem:s29], [sflag:$0x1] =	stream.indirect_vreg.gather [hbm4b:s6+s4], $0x80, v4, vm0, $0xb8;
	[tilespmem:$0x1E400] =	vst v63  }
0x6d: {  	s30 =	simm.s32 $0x5400;
	v3 =	vadd.s32 v1, v3  }
0x6e: {  	[tilespmem:s30], [sflag:$0x1] =	stream.indirect_vreg.gather [hbm4b:s7+s4], $0x80, v4, vm0, $0xb8;
	[tilespmem:$0x1E400] =	vst v63  }
0x6f: {  	s31 =	simm.s32 $0x5C00  }
0x70: {  	[tilespmem:s31], [sflag:$0x1] =	stream.indirect_vreg.gather [hbm4b:s9+s4], $0x80, v4, vm0, $0xb8;
	[tilespmem:$0x1E400] =	vst v63  }
0x71: {  	s2 =	simm.s32 $0x6400  }
0x72: {  	[tilespmem:s2], [sflag:$0x1] =	stream.indirect_vreg.gather [hbm4b:s1+s4], $0x80, v3, vm0, $0xb8;
	[tilespmem:$0x1E400] =	vst v63  }
0x73: {  	s5 =	simm.s32 $0x6C00  }
0x74: {  	[tilespmem:s5], [sflag:$0x1] =	stream.indirect_vreg.gather [hbm4b:s6+s4], $0x80, v3, vm0, $0xb8;
	[tilespmem:$0x1E400] =	vst v63  }
0x75: {  	s10 =	simm.s32 $0x7400  }
0x76: {  	[tilespmem:s10], [sflag:$0x1] =	stream.indirect_vreg.gather [hbm4b:s7+s4], $0x80, v3, vm0, $0xb8;
	[tilespmem:$0x1E400] =	vst v63  }
0x77: {  	s11 =	simm.s32 $0x7C00  }
0x78: {  	[tilespmem:s11], [sflag:$0x1] =	stream.indirect_vreg.gather [hbm4b:s9+s4], $0x80, v3, vm0, $0xb8;
	[tilespmem:$0x1E400] =	vst v63  }
0x79: {  	v3 =	vld.msk [tilespmem:$0x220], $0xff;
	_ =	sdelay $0x4  }
0x7a: {  	v58 =	vshll.u32 v3, $0x3  }
0x7b: {  	v3 =	vand.u32 $0x7, v3;
	v4 =	vand.u32 $0xFFFFFFC0, v58  }
0x7c: {  	v3 =	vor.u32 v3, v4  }
0x7d: {  	v3 =	vperm.xlane v3, v0;
	_ =	sdelay $0x1  }
0x7e: {  	v3 =	vadd.s32 v1, v3;
	_ =	sdelay $0x3  }
0x7f: {  	s12 =	simm.s32 $0x8400  }
0x80: {  	[tilespmem:s12], [sflag:$0x1] =	stream.indirect_vreg.gather [hbm4b:s1+s4], $0x80, v3, vm0, $0xb8;
	[tilespmem:$0x1E400] =	vst v63  }
0x81: {  	s13 =	simm.s32 $0x8C00  }
0x82: {  	[tilespmem:s13], [sflag:$0x1] =	stream.indirect_vreg.gather [hbm4b:s6+s4], $0x80, v3, vm0, $0xb8;
	[tilespmem:$0x1E400] =	vst v63  }
0x83: {  	s14 =	simm.s32 $0x9400  }
0x84: {  	[tilespmem:s14], [sflag:$0x1] =	stream.indirect_vreg.gather [hbm4b:s7+s4], $0x80, v3, vm0, $0xb8;
	[tilespmem:$0x1E400] =	vst v63  }
0x85: {  	s15 =	simm.s32 $0x9C00  }
0x86: {  	[tilespmem:s15], [sflag:$0x1] =	stream.indirect_vreg.gather [hbm4b:s9+s4], $0x80, v3, vm0, $0xb8;
	[tilespmem:$0x1E400] =	vst v63  }
0x87: {  	v3 =	vld [tilespmem:$0x228];
	_ =	sdelay $0x4  }
0x88: {  	v59 =	vshll.u32 v3, $0x3  }
0x89: {  	v3 =	vand.u32 $0x7, v3;
	v4 =	vand.u32 $0xFFFFFFC0, v59  }
0x8a: {  	v3 =	vor.u32 v3, v4  }
0x8b: {  	v4 =	vperm.xlane v3, v0;
	_ =	sdelay $0x1  }
0x8c: {  	v4 =	vadd.s32 v1, v4;
	_ =	sdelay $0x3  }
0x8d: {  	s20 =	simm.s32 $0xA400  }
0x8e: {  	[tilespmem:s20], [sflag:$0x2] =	stream.indirect_vreg.gather [hbm4b:s1+s4], $0x80, v4, vm0, $0xb8;
	[tilespmem:$0x1E400] =	vst v63  }
0x8f: {  	s23 =	simm.s32 $0xAC00;
	v3 =	vperm.xlane v3, v2  }
0x90: {  	[tilespmem:s23], [sflag:$0x2] =	stream.indirect_vreg.gather [hbm4b:s6+s4], $0x80, v4, vm0, $0xb8;
	[tilespmem:$0x1E400] =	vst v63  }
0x91: {  	s24 =	simm.s32 $0xB400;
	v3 =	vadd.s32 v1, v3  }
0x92: {  	[tilespmem:s24], [sflag:$0x2] =	stream.indirect_vreg.gather [hbm4b:s7+s4], $0x80, v4, vm0, $0xb8;
	[tilespmem:$0x1E400] =	vst v63  }
0x93: {  	s28 =	simm.s32 $0xBC00  }
0x94: {  	[tilespmem:s28], [sflag:$0x2] =	stream.indirect_vreg.gather [hbm4b:s9+s4], $0x80, v4, vm0, $0xb8;
	[tilespmem:$0x1E400] =	vst v63  }
0x95: {  	s29 =	simm.s32 $0xC400  }
0x96: {  	[tilespmem:s29], [sflag:$0x2] =	stream.indirect_vreg.gather [hbm4b:s1+s4], $0x80, v3, vm0, $0xb8;
	[tilespmem:$0x1E400] =	vst v63  }
0x97: {  	s30 =	simm.s32 $0xCC00  }
0x98: {  	[tilespmem:s30], [sflag:$0x2] =	stream.indirect_vreg.gather [hbm4b:s6+s4], $0x80, v3, vm0, $0xb8;
	[tilespmem:$0x1E400] =	vst v63  }
0x99: {  	s31 =	simm.s32 $0xD400  }
0x9a: {  	[tilespmem:s31], [sflag:$0x2] =	stream.indirect_vreg.gather [hbm4b:s7+s4], $0x80, v3, vm0, $0xb8;
	[tilespmem:$0x1E400] =	vst v63  }
0x9b: {  	s2 =	simm.s32 $0xDC00  }
0x9c: {  	[tilespmem:s2], [sflag:$0x2] =	stream.indirect_vreg.gather [hbm4b:s9+s4], $0x80, v3, vm0, $0xb8;
	[tilespmem:$0x1E400] =	vst v63  }
0x9d: {  	v3 =	vld [tilespmem:$0x238];
	_ =	sdelay $0x4  }
0x9e: {  	v60 =	vshll.u32 v3, $0x3  }
0x9f: {  	v3 =	vand.u32 $0x7, v3;
	v4 =	vand.u32 $0xFFFFFFC0, v60  }
0xa0: {  	v3 =	vor.u32 v3, v4  }
0xa1: {  	v4 =	vperm.xlane v3, v0;
	_ =	sdelay $0x1  }
0xa2: {  	v4 =	vadd.s32 v1, v4;
	_ =	sdelay $0x3  }
0xa3: {  	s5 =	simm.s32 $0xE400  }
0xa4: {  	[tilespmem:s5], [sflag:$0x2] =	stream.indirect_vreg.gather [hbm4b:s1+s4], $0x80, v4, vm0, $0xb8;
	[tilespmem:$0x1E400] =	vst v63  }
0xa5: {  	s10 =	simm.s32 $0xEC00;
	v3 =	vperm.xlane v3, v2  }
0xa6: {  	[tilespmem:s10], [sflag:$0x2] =	stream.indirect_vreg.gather [hbm4b:s6+s4], $0x80, v4, vm0, $0xb8;
	[tilespmem:$0x1E400] =	vst v63  }
0xa7: {  	s11 =	simm.s32 $0xF400;
	v3 =	vadd.s32 v1, v3  }
0xa8: {  	[tilespmem:s11], [sflag:$0x2] =	stream.indirect_vreg.gather [hbm4b:s7+s4], $0x80, v4, vm0, $0xb8;
	[tilespmem:$0x1E400] =	vst v63  }
0xa9: {  	s12 =	simm.s32 $0xFC00  }
0xaa: {  	[tilespmem:s12], [sflag:$0x2] =	stream.indirect_vreg.gather [hbm4b:s9+s4], $0x80, v4, vm0, $0xb8;
	[tilespmem:$0x1E400] =	vst v63  }
0xab: {  	s13 =	simm.s32 $0x10400  }
0xac: {  	[tilespmem:s13], [sflag:$0x2] =	stream.indirect_vreg.gather [hbm4b:s1+s4], $0x80, v3, vm0, $0xb8;
	[tilespmem:$0x1E400] =	vst v63  }
0xad: {  	s14 =	simm.s32 $0x10C00  }
0xae: {  	[tilespmem:s14], [sflag:$0x2] =	stream.indirect_vreg.gather [hbm4b:s6+s4], $0x80, v3, vm0, $0xb8;
	[tilespmem:$0x1E400] =	vst v63  }
0xaf: {  	s15 =	simm.s32 $0x11400  }
0xb0: {  	[tilespmem:s15], [sflag:$0x2] =	stream.indirect_vreg.gather [hbm4b:s7+s4], $0x80, v3, vm0, $0xb8;
	[tilespmem:$0x1E400] =	vst v63  }
0xb1: {  	s20 =	simm.s32 $0x11C00  }
0xb2: {  	[tilespmem:s20], [sflag:$0x2] =	stream.indirect_vreg.gather [hbm4b:s9+s4], $0x80, v3, vm0, $0xb8;
	[tilespmem:$0x1E400] =	vst v63  }
0xb3: {  	v3 =	vld.msk [tilespmem:$0x248], $0xff;
	_ =	sdelay $0x4  }
0xb4: {  	v61 =	vshll.u32 v3, $0x3  }
0xb5: {  	v3 =	vand.u32 $0x7, v3;
	v4 =	vand.u32 $0xFFFFFFC0, v61  }
0xb6: {  	v3 =	vor.u32 v3, v4  }
0xb7: {  	v3 =	vperm.xlane v3, v0;
	_ =	sdelay $0x1  }
0xb8: {  	v3 =	vadd.s32 v1, v3;
	_ =	sdelay $0x3  }
0xb9: {  	s23 =	simm.s32 $0x12400  }
0xba: {  	[tilespmem:s23], [sflag:$0x2] =	stream.indirect_vreg.gather [hbm4b:s1+s4], $0x80, v3, vm0, $0xb8;
	[tilespmem:$0x1E400] =	vst v63  }
0xbb: {  	s24 =	simm.s32 $0x12C00  }
0xbc: {  	[tilespmem:s24], [sflag:$0x2] =	stream.indirect_vreg.gather [hbm4b:s6+s4], $0x80, v3, vm0, $0xb8;
	[tilespmem:$0x1E400] =	vst v63  }
0xbd: {  	s28 =	simm.s32 $0x13400  }
0xbe: {  	[tilespmem:s28], [sflag:$0x2] =	stream.indirect_vreg.gather [hbm4b:s7+s4], $0x80, v3, vm0, $0xb8;
	[tilespmem:$0x1E400] =	vst v63  }
0xbf: {  	s29 =	simm.s32 $0x13C00  }
0xc0: {  	[tilespmem:s29], [sflag:$0x2] =	stream.indirect_vreg.gather [hbm4b:s9+s4], $0x80, v3, vm0, $0xb8;
	[tilespmem:$0x1E400] =	vst v63  }
0xc1: {  	_ =	swait.ge [sflag:s25], $0xA000  }
0xc2: {  	[sflag:s25] =	ssyncset.done $0x0  }
0xc3: {  	[sflag:s25] =	ssyncadd.s32 $0xFFFF6000  }
0xc4: {  	v3 =	vld [tilespmem:$0x0]  }
0xc5: {  	v62 =	vld [tilespmem:$0x10]  }
0xc6: {  	v63 =	vld [tilespmem:$0x20];
	_ =	sdelay $0x2  }
0xc7: {  	vm1 =	vgt.s32 v3, $0x1869F  }
0xc8: {  	v3 =	vmpcnt.ones.xlane vm1;
	vm1 =	vgt.s32 v62, $0x1869F  }
0xc9: {  	v4 =	vmpcnt.ones.xlane vm1;
	vm1 =	vgt.s32 v63, $0x1869F  }
0xca: {  	(v2sf) =	vpush v3, $0x0;
	v3 =	vmpcnt.ones.xlane vm1  }
0xcb: {  	(v2sf) =	vpush v4, $0x0  }
0xcc: {  	(v2sf) =	vpush v3, $0x0;
	_ =	sdelay $0xc  }
0xcd: {  	s30 =	spop (v2sf)  }
0xce: {  	s28 =	spop (v2sf)  }
0xcf: {  	s0 =	sadd.s32 s30, s28;
	s31 =	spop (v2sf)  }
0xd0: {  	s0 =	sadd.s32 s31, s0  }
0xd1: {  	p0 =	slt.s32 s0, $0x1  }
.Ltmp2:
0xd2: {  	_ = 	snop;
	(pc) =	sbr.rel @p0 .LBB2_5-.Ltmp2, $1  }
0xd3: {  	_ =	sdelay $0x3  }
0xd4: {  	v3 =	vmov s4;
	_ =	sdelay $0x4  }
0xd5: {  	v3 =	vld.idx.msk [tilespmem:v3+s4+$0x0], $0xffff;
	_ =	sdelay $0x4  }
0xd6: {  	(v2sf) =	vpush v3, $0x0;
	_ =	sdelay $0xe  }
0xd7: {  	s0 =	spop (v2sf)  }
0xd8: {  	p0 =	slt.s32 s0, $0x186A0  }
0xd9: {  	s28 =	sshll.u32 @!p0 s0, $0xA;
	s0 =	sshll.u32 @!p0 s0, $0x7  }
0xda: {  	s28 =	sand.u32 @!p0 $0xFFFFE000, s28;
	s0 =	sand.u32 @!p0 $0x380, s0  }
0xdb: {  	s0 =	sor.u32 @!p0 s0, s28  }
0xdc: {  	s29 =	sand.u32 @!p0 $0xE000, s4;
	s28 =	sand.u32 @!p0 $0x380, s4;
	s0 =	sadd.s32 @!p0 $0xF9E58000, s0  }
0xdd: {  	s28 =	sor.u32 @!p0 s28, s29;
	s0 =	sshrl.u32 @!p0 s0, $0x3  }
0xde: {  	s30 =	simm.s32 @!p0 $0x0;
	s29 =	sor.u32 @!p0 $0x400, s28;
	s0 =	sadd.s32 @!p0 s3, s0  }
0xdf: {  	[tilespmem:s29], [sflag:$0x7] =	stream.linear.gather @!p0 [hbm4b:s0+s30], $0x80, $0x38;
	[tilespmem:$0x1E400] =	vst v63  }
0xe0: {  	s29 =	sor.u32 @!p0 $0x800, s28;
	s31 =	sadd.s32 @!p0 $0x80, s0  }
0xe1: {  	[tilespmem:s29], [sflag:$0x7] =	stream.linear.gather @!p0 [hbm4b:s31+s30], $0x80, $0x38;
	[tilespmem:$0x1E400] =	vst v63  }
0xe2: {  	s29 =	sor.u32 @!p0 $0xC00, s28;
	s31 =	sadd.s32 @!p0 $0x100, s0  }
0xe3: {  	[tilespmem:s29], [sflag:$0x7] =	stream.linear.gather @!p0 [hbm4b:s31+s30], $0x80, $0x38;
	[tilespmem:$0x1E400] =	vst v63  }
0xe4: {  	s29 =	sor.u32 @!p0 $0x1000, s28;
	s31 =	sadd.s32 @!p0 $0x180, s0  }
0xe5: {  	[tilespmem:s29], [sflag:$0x7] =	stream.linear.gather @!p0 [hbm4b:s31+s30], $0x80, $0x38;
	[tilespmem:$0x1E400] =	vst v63  }
0xe6: {  	s29 =	sor.u32 @!p0 $0x1400, s28;
	s31 =	sadd.s32 @!p0 $0x200, s0  }
0xe7: {  	[tilespmem:s29], [sflag:$0x7] =	stream.linear.gather @!p0 [hbm4b:s31+s30], $0x80, $0x38;
	[tilespmem:$0x1E400] =	vst v63  }
0xe8: {  	s29 =	sadd.s32 @!p0 $0x280, s0;
	s31 =	sor.u32 @!p0 $0x1800, s28  }
0xe9: {  	[tilespmem:s31], [sflag:$0x7] =	stream.linear.gather @!p0 [hbm4b:s29+s30], $0x80, $0x38;
	[tilespmem:$0x1E400] =	vst v63  }
0xea: {  	s29 =	sadd.s32 @!p0 $0x300, s0;
	s31 =	sor.u32 @!p0 $0x1C00, s28  }
0xeb: {  	[tilespmem:s31], [sflag:$0x7] =	stream.linear.gather @!p0 [hbm4b:s29+s30], $0x80, $0x38;
	[tilespmem:$0x1E400] =	vst v63  }
0xec: {  	s28 =	sadd.s32 @!p0 $0x2000, s28;
	s29 =	sadd.s32 @!p0 $0x380, s0  }
0xed: {  	[tilespmem:s28], [sflag:$0x7] =	stream.linear.gather @!p0 [hbm4b:s29+s30], $0x80, $0x38;
	[tilespmem:$0x1E400] =	vst v63  }
0xee: {  	s0 =	simm.s32 @!p0 $0x7;
	s28 =	simm.s32 $0x1  }
0xef: {  	s30 =	simm.s32 $0x2;
	_ =	swait.ge @!p0 [sflag:s0], $0x400;
	v3 =	vmov s28  }
0xf0: {  	s29 =	simm.s32 $0x0;
	s28 =	simm.s32 $0x400;
	[sflag:s0] =	ssyncset.done @!p0 $0x0  }
.LBB2_3:
0xf1: {  	[sflag:s0] =	ssyncadd.s32 @!p0 $0xFFFFFC00  }
0xf2: {  	s29 =	sadd.s32 $0x80, s29;
	s31 =	smov.u32 s30;
	s30 =	sadd.s32 $0x1, s30  }
0xf3: {  	p1 =	sne.s32 s30, $0x28  }
0xf4: {  	v3 =	vld.idx.msk [tilespmem:v3+s4+$0x0], $0xffff;
	_ =	sdelay $0x5  }
0xf5: {  	(v2sf) =	vpush v3, $0x0;
	_ =	sdelay $0xe  }
0xf6: {  	s0 =	spop (v2sf)  }
0xf7: {  	p0 =	slt.s32 s0, $0x186A0  }
0xf8: {  	s2 =	sshll.u32 @!p0 s0, $0xA;
	s0 =	sshll.u32 @!p0 s0, $0x7;
	s23 =	sand.u32 @!p0 $0x380, s29  }
0xf9: {  	s24 =	sand.u32 @!p0 $0xE000, s28;
	s2 =	sand.u32 @!p0 $0xFFFFE000, s2;
	s0 =	sand.u32 @!p0 $0x380, s0  }
0xfa: {  	s0 =	sor.u32 @!p0 s0, s2;
	s2 =	sor.u32 @!p0 s23, s24  }
0xfb: {  	s0 =	sadd.s32 @!p0 $0xF9E58000, s0;
	s23 =	sor.u32 @!p0 $0x400, s2;
	s24 =	sor.u32 @!p0 $0x800, s2  }
0xfc: {  	s5 =	sor.u32 @!p0 $0xC00, s2;
	s10 =	sor.u32 @!p0 $0x1000, s2;
	s0 =	sshrl.u32 @!p0 s0, $0x3  }
0xfd: {  	s11 =	simm.s32 @!p0 $0x0;
	s12 =	sor.u32 @!p0 $0x1400, s2;
	s0 =	sadd.s32 @!p0 s3, s0  }
0xfe: {  	[tilespmem:s23], [sflag:$0x7] =	stream.linear.gather @!p0 [hbm4b:s0+s11], $0x80, $0x38;
	[tilespmem:$0x1E400] =	vst v63  }
0xff: {  	s23 =	sadd.s32 @!p0 $0x80, s0;
	s13 =	sadd.s32 @!p0 $0x100, s0;
	s14 =	sadd.s32 @!p0 $0x180, s0  }
0x100: {  	[tilespmem:s24], [sflag:$0x7] =	stream.linear.gather @!p0 [hbm4b:s23+s11], $0x80, $0x38;
	[tilespmem:$0x1E400] =	vst v63  }
0x101: {  	s15 =	sadd.s32 @!p0 $0x300, s0;
	s23 =	sadd.s32 @!p0 $0x200, s0;
	s24 =	sadd.s32 @!p0 $0x280, s0  }
0x102: {  	[tilespmem:s5], [sflag:$0x7] =	stream.linear.gather @!p0 [hbm4b:s13+s11], $0x80, $0x38;
	[tilespmem:$0x1E400] =	vst v63  }
0x103: {  	s20 =	sadd.s32 @!p0 $0x380, s0;
	s5 =	sor.u32 @!p0 $0x1800, s2;
	s13 =	sor.u32 @!p0 $0x1C00, s2  }
0x104: {  	[tilespmem:s10], [sflag:$0x7] =	stream.linear.gather @!p0 [hbm4b:s14+s11], $0x80, $0x38;
	[tilespmem:$0x1E400] =	vst v63  }
0x105: {  	s2 =	sadd.s32 @!p0 $0x2000, s2  }
0x106: {  	[tilespmem:s12], [sflag:$0x7] =	stream.linear.gather @!p0 [hbm4b:s23+s11], $0x80, $0x38;
	[tilespmem:$0x1E400] =	vst v63  }
0x107: {  	_ = 	snop  }
0x108: {  	[tilespmem:s5], [sflag:$0x7] =	stream.linear.gather @!p0 [hbm4b:s24+s11], $0x80, $0x38;
	[tilespmem:$0x1E400] =	vst v63  }
0x109: {  	_ = 	snop  }
0x10a: {  	[tilespmem:s13], [sflag:$0x7] =	stream.linear.gather @!p0 [hbm4b:s15+s11], $0x80, $0x38;
	[tilespmem:$0x1E400] =	vst v63  }
.Ltmp3:
0x10b: {  	_ = 	snop;
	(pc) =	sbr.rel @p1 .LBB2_3-.Ltmp3, $4  }
0x10c: {  	s0 =	simm.s32 @!p0 $0x7  }
0x10d: {  	v3 =	vmov s31;
	[tilespmem:s2], [sflag:$0x7] =	stream.linear.gather @!p0 [hbm4b:s20+s11], $0x80, $0x38;
	[tilespmem:$0x1E400] =	vst v63  }
0x10e: {  	_ =	swait.ge @!p0 [sflag:s0], $0x400  }
0x10f: {  	s28 =	sadd.s32 $0x400, s28;
	[sflag:s0] =	ssyncset.done @!p0 $0x0  }
0x110: {  	_ =	sdelay $0x2  }
0x111: {  	[sflag:s0] =	ssyncadd.s32 @!p0 $0xFFFFFC00  }
0x112: {  	v3 =	vld.idx.msk [tilespmem:v3+s4+$0x0], $0xffff;
	_ =	sdelay $0x4  }
0x113: {  	(v2sf) =	vpush v3, $0x0;
	_ =	sdelay $0xe  }
0x114: {  	s0 =	spop (v2sf)  }
0x115: {  	p0 =	slt.s32 s0, $0x186A0  }
0x116: {  	s2 =	sshll.u32 @!p0 s0, $0xA;
	s0 =	sshll.u32 @!p0 s0, $0x7  }
0x117: {  	s2 =	sand.u32 @!p0 $0xFFFFE000, s2;
	s0 =	sand.u32 @!p0 $0x380, s0  }
0x118: {  	s5 =	sadd.s32 $0x80, s29;
	s0 =	sor.u32 @!p0 s0, s2  }
0x119: {  	s2 =	sand.u32 @!p0 $0x380, s5;
	s5 =	sand.u32 @!p0 $0xE000, s28;
	s0 =	sadd.s32 @!p0 $0xF9E58000, s0  }
0x11a: {  	s2 =	sor.u32 @!p0 s2, s5;
	s0 =	sshrl.u32 @!p0 s0, $0x3  }
0x11b: {  	s10 =	simm.s32 @!p0 $0x0;
	s5 =	sor.u32 @!p0 $0x400, s2;
	s0 =	sadd.s32 @!p0 s3, s0  }
0x11c: {  	[tilespmem:s5], [sflag:$0x7] =	stream.linear.gather @!p0 [hbm4b:s0+s10], $0x80, $0x38;
	[tilespmem:$0x1E400] =	vst v63  }
0x11d: {  	s5 =	sor.u32 @!p0 $0x800, s2;
	s11 =	sadd.s32 @!p0 $0x80, s0  }
0x11e: {  	[tilespmem:s5], [sflag:$0x7] =	stream.linear.gather @!p0 [hbm4b:s11+s10], $0x80, $0x38;
	[tilespmem:$0x1E400] =	vst v63  }
0x11f: {  	s5 =	sor.u32 @!p0 $0xC00, s2;
	s11 =	sadd.s32 @!p0 $0x100, s0  }
0x120: {  	[tilespmem:s5], [sflag:$0x7] =	stream.linear.gather @!p0 [hbm4b:s11+s10], $0x80, $0x38;
	[tilespmem:$0x1E400] =	vst v63  }
0x121: {  	s5 =	sor.u32 @!p0 $0x1000, s2;
	s11 =	sadd.s32 @!p0 $0x180, s0  }
0x122: {  	[tilespmem:s5], [sflag:$0x7] =	stream.linear.gather @!p0 [hbm4b:s11+s10], $0x80, $0x38;
	[tilespmem:$0x1E400] =	vst v63  }
0x123: {  	s5 =	sor.u32 @!p0 $0x1400, s2;
	s11 =	sadd.s32 @!p0 $0x200, s0  }
0x124: {  	[tilespmem:s5], [sflag:$0x7] =	stream.linear.gather @!p0 [hbm4b:s11+s10], $0x80, $0x38;
	[tilespmem:$0x1E400] =	vst v63  }
0x125: {  	s5 =	sadd.s32 @!p0 $0x280, s0;
	s11 =	sor.u32 @!p0 $0x1800, s2  }
0x126: {  	[tilespmem:s11], [sflag:$0x7] =	stream.linear.gather @!p0 [hbm4b:s5+s10], $0x80, $0x38;
	[tilespmem:$0x1E400] =	vst v63  }
0x127: {  	s5 =	sadd.s32 @!p0 $0x300, s0;
	s11 =	sor.u32 @!p0 $0x1C00, s2  }
0x128: {  	[tilespmem:s11], [sflag:$0x7] =	stream.linear.gather @!p0 [hbm4b:s5+s10], $0x80, $0x38;
	[tilespmem:$0x1E400] =	vst v63  }
0x129: {  	s0 =	sadd.s32 @!p0 $0x380, s0;
	s2 =	sadd.s32 @!p0 $0x2000, s2;
	s5 =	simm.s32 @!p0 $0x7  }
0x12a: {  	[tilespmem:s2], [sflag:$0x7] =	stream.linear.gather @!p0 [hbm4b:s0+s10], $0x80, $0x38;
	[tilespmem:$0x1E400] =	vst v63  }
0x12b: {  	_ =	swait.ge @!p0 [sflag:s5], $0x400  }
0x12c: {  	[sflag:s5] =	ssyncset.done @!p0 $0x0  }
0x12d: {  	[sflag:s5] =	ssyncadd.s32 @!p0 $0xFFFFFC00  }
.LBB2_5:
0x12e: {  	s28 =	simm.s32 $0x0;
	s0 =	rddreg [dreg:$0x6]  }
0x12f: {  	[hbm4b:s0+s28] =	stream.linear.scatter [tilespmem:s26], [sflag:$0x4], $0xA000, $0x38;
	[tilespmem:$0x1E400] =	vst v63  }
0x130: {  	v3 =	vld [tilespmem:$0x250];
	_ =	sdelay $0x4  }
0x131: {  	v4 =	vshll.u32 v3, $0x3  }
0x132: {  	v3 =	vand.u32 $0x7, v3;
	v4 =	vand.u32 $0xFFFFFFC0, v4  }
0x133: {  	v3 =	vor.u32 v3, v4  }
0x134: {  	v4 =	vperm.xlane v3, v0;
	_ =	sdelay $0x1  }
0x135: {  	v4 =	vadd.s32 v1, v4;
	_ =	sdelay $0x4  }
0x136: {  	[tilespmem:s16], [sflag:$0x3] =	stream.indirect_vreg.gather [hbm4b:s1+s28], $0x80, v4, vm0, $0xb8;
	[tilespmem:$0x1E400] =	vst v63  }
0x137: {  	s15 =	simm.s32 $0x14C00;
	v3 =	vperm.xlane v3, v2  }
0x138: {  	[tilespmem:s15], [sflag:$0x3] =	stream.indirect_vreg.gather [hbm4b:s6+s28], $0x80, v4, vm0, $0xb8;
	[tilespmem:$0x1E400] =	vst v63  }
0x139: {  	s20 =	simm.s32 $0x15400;
	v3 =	vadd.s32 v1, v3  }
0x13a: {  	[tilespmem:s20], [sflag:$0x3] =	stream.indirect_vreg.gather [hbm4b:s7+s28], $0x80, v4, vm0, $0xb8;
	[tilespmem:$0x1E400] =	vst v63  }
0x13b: {  	s23 =	simm.s32 $0x15C00  }
0x13c: {  	[tilespmem:s23], [sflag:$0x3] =	stream.indirect_vreg.gather [hbm4b:s9+s28], $0x80, v4, vm0, $0xb8;
	[tilespmem:$0x1E400] =	vst v63  }
0x13d: {  	s24 =	simm.s32 $0x16400  }
0x13e: {  	[tilespmem:s24], [sflag:$0x3] =	stream.indirect_vreg.gather [hbm4b:s1+s28], $0x80, v3, vm0, $0xb8;
	[tilespmem:$0x1E400] =	vst v63  }
0x13f: {  	s29 =	simm.s32 $0x16C00  }
0x140: {  	[tilespmem:s29], [sflag:$0x3] =	stream.indirect_vreg.gather [hbm4b:s6+s28], $0x80, v3, vm0, $0xb8;
	[tilespmem:$0x1E400] =	vst v63  }
0x141: {  	s30 =	simm.s32 $0x17400  }
0x142: {  	[tilespmem:s30], [sflag:$0x3] =	stream.indirect_vreg.gather [hbm4b:s7+s28], $0x80, v3, vm0, $0xb8;
	[tilespmem:$0x1E400] =	vst v63  }
0x143: {  	s31 =	simm.s32 $0x17C00  }
0x144: {  	[tilespmem:s31], [sflag:$0x3] =	stream.indirect_vreg.gather [hbm4b:s9+s28], $0x80, v3, vm0, $0xb8;
	[tilespmem:$0x1E400] =	vst v63  }
0x145: {  	v3 =	vld [tilespmem:$0x260];
	_ =	sdelay $0x4  }
0x146: {  	v61 =	vshll.u32 v3, $0x3  }
0x147: {  	v3 =	vand.u32 $0x7, v3;
	v4 =	vand.u32 $0xFFFFFFC0, v61  }
0x148: {  	v3 =	vor.u32 v3, v4  }
0x149: {  	v4 =	vperm.xlane v3, v0;
	_ =	sdelay $0x1  }
0x14a: {  	v4 =	vadd.s32 v1, v4;
	_ =	sdelay $0x3  }
0x14b: {  	s2 =	simm.s32 $0x18400  }
0x14c: {  	[tilespmem:s2], [sflag:$0x3] =	stream.indirect_vreg.gather [hbm4b:s1+s28], $0x80, v4, vm0, $0xb8;
	[tilespmem:$0x1E400] =	vst v63  }
0x14d: {  	s5 =	simm.s32 $0x18C00;
	v3 =	vperm.xlane v3, v2  }
0x14e: {  	[tilespmem:s5], [sflag:$0x3] =	stream.indirect_vreg.gather [hbm4b:s6+s28], $0x80, v4, vm0, $0xb8;
	[tilespmem:$0x1E400] =	vst v63  }
0x14f: {  	s10 =	simm.s32 $0x19400;
	v3 =	vadd.s32 v1, v3  }
0x150: {  	[tilespmem:s10], [sflag:$0x3] =	stream.indirect_vreg.gather [hbm4b:s7+s28], $0x80, v4, vm0, $0xb8;
	[tilespmem:$0x1E400] =	vst v63  }
0x151: {  	s11 =	simm.s32 $0x19C00  }
0x152: {  	[tilespmem:s11], [sflag:$0x3] =	stream.indirect_vreg.gather [hbm4b:s9+s28], $0x80, v4, vm0, $0xb8;
	[tilespmem:$0x1E400] =	vst v63  }
0x153: {  	s12 =	simm.s32 $0x1A400  }
0x154: {  	[tilespmem:s12], [sflag:$0x3] =	stream.indirect_vreg.gather [hbm4b:s1+s28], $0x80, v3, vm0, $0xb8;
	[tilespmem:$0x1E400] =	vst v63  }
0x155: {  	s13 =	simm.s32 $0x1AC00  }
0x156: {  	[tilespmem:s13], [sflag:$0x3] =	stream.indirect_vreg.gather [hbm4b:s6+s28], $0x80, v3, vm0, $0xb8;
	[tilespmem:$0x1E400] =	vst v63  }
0x157: {  	s14 =	simm.s32 $0x1B400  }
0x158: {  	[tilespmem:s14], [sflag:$0x3] =	stream.indirect_vreg.gather [hbm4b:s7+s28], $0x80, v3, vm0, $0xb8;
	[tilespmem:$0x1E400] =	vst v63  }
0x159: {  	s15 =	simm.s32 $0x1BC00  }
0x15a: {  	[tilespmem:s15], [sflag:$0x3] =	stream.indirect_vreg.gather [hbm4b:s9+s28], $0x80, v3, vm0, $0xb8;
	[tilespmem:$0x1E400] =	vst v63  }
0x15b: {  	v3 =	vld.msk [tilespmem:$0x270], $0xff;
	_ =	sdelay $0x4  }
0x15c: {  	v62 =	vshll.u32 v3, $0x3  }
0x15d: {  	v3 =	vand.u32 $0x7, v3;
	v4 =	vand.u32 $0xFFFFFFC0, v62  }
0x15e: {  	v3 =	vor.u32 v3, v4  }
0x15f: {  	v3 =	vperm.xlane v3, v0;
	_ =	sdelay $0x1  }
0x160: {  	v3 =	vadd.s32 v1, v3;
	_ =	sdelay $0x3  }
0x161: {  	s20 =	simm.s32 $0x1C400  }
0x162: {  	[tilespmem:s20], [sflag:$0x3] =	stream.indirect_vreg.gather [hbm4b:s1+s28], $0x80, v3, vm0, $0xb8;
	[tilespmem:$0x1E400] =	vst v63  }
0x163: {  	s23 =	simm.s32 $0x1CC00  }
0x164: {  	[tilespmem:s23], [sflag:$0x3] =	stream.indirect_vreg.gather [hbm4b:s6+s28], $0x80, v3, vm0, $0xb8;
	[tilespmem:$0x1E400] =	vst v63  }
0x165: {  	s24 =	simm.s32 $0x1D400  }
0x166: {  	[tilespmem:s24], [sflag:$0x3] =	stream.indirect_vreg.gather [hbm4b:s7+s28], $0x80, v3, vm0, $0xb8;
	[tilespmem:$0x1E400] =	vst v63  }
0x167: {  	s29 =	simm.s32 $0x1DC00  }
0x168: {  	[tilespmem:s29], [sflag:$0x3] =	stream.indirect_vreg.gather [hbm4b:s9+s28], $0x80, v3, vm0, $0xb8;
	[tilespmem:$0x1E400] =	vst v63  }
0x169: {  	_ =	swait.ge [sflag:s18], $0xA000  }
0x16a: {  	[sflag:s18] =	ssyncset.done $0x0  }
0x16b: {  	[sflag:s18] =	ssyncadd.s32 $0xFFFF6000  }
0x16c: {  	v3 =	vld [tilespmem:$0x20]  }
0x16d: {  	v63 =	vld [tilespmem:$0x30]  }
0x16e: {  	v5 =	vld [tilespmem:$0x40];
	_ =	sdelay $0x2  }
0x16f: {  	vm1 =	vgt.s32 v3, $0x1869F  }
0x170: {  	v3 =	vmpcnt.ones.xlane vm1;
	vm1 =	vgt.s32 v63, $0x1869F  }
0x171: {  	v4 =	vmpcnt.ones.xlane vm1;
	vm1 =	vgt.s32 v5, $0x1869F  }
0x172: {  	(v2sf) =	vpush v3, $0x0;
	v3 =	vmpcnt.ones.xlane vm1  }
0x173: {  	(v2sf) =	vpush v4, $0x0  }
0x174: {  	(v2sf) =	vpush v3, $0x0;
	_ =	sdelay $0xc  }
0x175: {  	s30 =	spop (v2sf)  }
0x176: {  	s2 =	spop (v2sf)  }
0x177: {  	s0 =	sadd.s32 s30, s2;
	s31 =	spop (v2sf)  }
0x178: {  	s0 =	sadd.s32 s31, s0  }
0x179: {  	p0 =	slt.s32 s0, $0x1  }
.Ltmp4:
0x17a: {  	_ = 	snop;
	(pc) =	sbr.rel @p0 .LBB2_9-.Ltmp4, $2  }
0x17b: {  	_ =	sdelay $0x2  }
0x17c: {  	s0 =	simm.s32 $0x28  }
0x17d: {  	v3 =	vmov s0;
	_ =	sdelay $0x4  }
0x17e: {  	v3 =	vld.idx.msk [tilespmem:v3+s4+$0x0], $0xffff;
	_ =	sdelay $0x4  }
0x17f: {  	(v2sf) =	vpush v3, $0x0;
	_ =	sdelay $0xe  }
0x180: {  	s0 =	spop (v2sf)  }
0x181: {  	p0 =	slt.s32 s0, $0x186A0  }
0x182: {  	s2 =	sshll.u32 @!p0 s0, $0xA;
	s0 =	sshll.u32 @!p0 s0, $0x7  }
0x183: {  	s2 =	sand.u32 @!p0 $0xFFFFE000, s2;
	s0 =	sand.u32 @!p0 $0x380, s0  }
0x184: {  	s0 =	sor.u32 @!p0 s0, s2  }
0x185: {  	s5 =	sand.u32 @!p0 $0xE000, s28;
	s2 =	sand.u32 @!p0 $0x380, s28;
	s0 =	sadd.s32 @!p0 $0xF9E58000, s0  }
0x186: {  	s2 =	sor.u32 @!p0 s2, s5;
	s0 =	sshrl.u32 @!p0 s0, $0x3  }
0x187: {  	s10 =	simm.s32 @!p0 $0x0;
	s5 =	sadd.s32 @!p0 $0xA400, s2;
	s0 =	sadd.s32 @!p0 s3, s0  }
0x188: {  	[tilespmem:s5], [sflag:$0x7] =	stream.linear.gather @!p0 [hbm4b:s0+s10], $0x80, $0x38;
	[tilespmem:$0x1E400] =	vst v63  }
0x189: {  	s5 =	sadd.s32 @!p0 $0xA800, s2;
	s11 =	sadd.s32 @!p0 $0x80, s0  }
0x18a: {  	[tilespmem:s5], [sflag:$0x7] =	stream.linear.gather @!p0 [hbm4b:s11+s10], $0x80, $0x38;
	[tilespmem:$0x1E400] =	vst v63  }
0x18b: {  	s5 =	sadd.s32 @!p0 $0xAC00, s2;
	s11 =	sadd.s32 @!p0 $0x100, s0  }
0x18c: {  	[tilespmem:s5], [sflag:$0x7] =	stream.linear.gather @!p0 [hbm4b:s11+s10], $0x80, $0x38;
	[tilespmem:$0x1E400] =	vst v63  }
0x18d: {  	s5 =	sadd.s32 @!p0 $0xB000, s2;
	s11 =	sadd.s32 @!p0 $0x180, s0  }
0x18e: {  	[tilespmem:s5], [sflag:$0x7] =	stream.linear.gather @!p0 [hbm4b:s11+s10], $0x80, $0x38;
	[tilespmem:$0x1E400] =	vst v63  }
0x18f: {  	s5 =	sadd.s32 @!p0 $0xB400, s2;
	s11 =	sadd.s32 @!p0 $0x200, s0  }
0x190: {  	[tilespmem:s5], [sflag:$0x7] =	stream.linear.gather @!p0 [hbm4b:s11+s10], $0x80, $0x38;
	[tilespmem:$0x1E400] =	vst v63  }
0x191: {  	s5 =	sadd.s32 @!p0 $0x280, s0;
	s11 =	sadd.s32 @!p0 $0xB800, s2  }
0x192: {  	[tilespmem:s11], [sflag:$0x7] =	stream.linear.gather @!p0 [hbm4b:s5+s10], $0x80, $0x38;
	[tilespmem:$0x1E400] =	vst v63  }
0x193: {  	s31 =	simm.s32 $0x29;
	s5 =	sadd.s32 @!p0 $0x300, s0;
	s11 =	sadd.s32 @!p0 $0xBC00, s2  }
0x194: {  	[tilespmem:s11], [sflag:$0x7] =	stream.linear.gather @!p0 [hbm4b:s5+s10], $0x80, $0x38;
	[tilespmem:$0x1E400] =	vst v63  }
0x195: {  	s2 =	sadd.s32 @!p0 $0xC000, s2;
	s5 =	sadd.s32 @!p0 $0x380, s0;
	s0 =	simm.s32 @!p0 $0x7  }
0x196: {  	[tilespmem:s2], [sflag:$0x7] =	stream.linear.gather @!p0 [hbm4b:s5+s10], $0x80, $0x38;
	[tilespmem:$0x1E400] =	vst v63  }
0x197: {  	v3 =	vmov s31;
	_ =	swait.ge @!p0 [sflag:s0], $0x400  }
0x198: {  	s30 =	simm.s32 $0x2A;
	s29 =	simm.s32 $0x400;
	[sflag:s0] =	ssyncset.done @!p0 $0x0  }
.LBB2_7:
0x199: {  	[sflag:s0] =	ssyncadd.s32 @!p0 $0xFFFFFC00  }
0x19a: {  	s28 =	sadd.s32 $0x80, s28;
	s31 =	smov.u32 s30;
	s30 =	sadd.s32 $0x1, s30  }
0x19b: {  	p1 =	sne.s32 s30, $0x50  }
0x19c: {  	v3 =	vld.idx.msk [tilespmem:v3+s4+$0x0], $0xffff;
	_ =	sdelay $0x5  }
0x19d: {  	(v2sf) =	vpush v3, $0x0;
	_ =	sdelay $0xe  }
0x19e: {  	s0 =	spop (v2sf)  }
0x19f: {  	p0 =	slt.s32 s0, $0x186A0  }
0x1a0: {  	s2 =	sshll.u32 @!p0 s0, $0xA;
	s0 =	sshll.u32 @!p0 s0, $0x7;
	s5 =	sand.u32 @!p0 $0x380, s28  }
0x1a1: {  	s10 =	sand.u32 @!p0 $0xE000, s29;
	s2 =	sand.u32 @!p0 $0xFFFFE000, s2;
	s0 =	sand.u32 @!p0 $0x380, s0  }
0x1a2: {  	s0 =	sor.u32 @!p0 s0, s2;
	s2 =	sor.u32 @!p0 s5, s10  }
0x1a3: {  	s0 =	sadd.s32 @!p0 $0xF9E58000, s0;
	s5 =	sadd.s32 @!p0 $0xA400, s2;
	s10 =	sadd.s32 @!p0 $0xA800, s2  }
0x1a4: {  	s11 =	sadd.s32 @!p0 $0xAC00, s2;
	s12 =	sadd.s32 @!p0 $0xB000, s2;
	s0 =	sshrl.u32 @!p0 s0, $0x3  }
0x1a5: {  	s13 =	simm.s32 @!p0 $0x0;
	s14 =	sadd.s32 @!p0 $0xB400, s2;
	s0 =	sadd.s32 @!p0 s3, s0  }
0x1a6: {  	[tilespmem:s5], [sflag:$0x7] =	stream.linear.gather @!p0 [hbm4b:s0+s13], $0x80, $0x38;
	[tilespmem:$0x1E400] =	vst v63  }
0x1a7: {  	s5 =	sadd.s32 @!p0 $0x80, s0;
	s15 =	sadd.s32 @!p0 $0x100, s0;
	s20 =	sadd.s32 @!p0 $0x180, s0  }
0x1a8: {  	[tilespmem:s10], [sflag:$0x7] =	stream.linear.gather @!p0 [hbm4b:s5+s13], $0x80, $0x38;
	[tilespmem:$0x1E400] =	vst v63  }
0x1a9: {  	s23 =	sadd.s32 @!p0 $0x300, s0;
	s5 =	sadd.s32 @!p0 $0x200, s0;
	s10 =	sadd.s32 @!p0 $0x280, s0  }
0x1aa: {  	[tilespmem:s11], [sflag:$0x7] =	stream.linear.gather @!p0 [hbm4b:s15+s13], $0x80, $0x38;
	[tilespmem:$0x1E400] =	vst v63  }
0x1ab: {  	s24 =	sadd.s32 @!p0 $0x380, s0;
	s11 =	sadd.s32 @!p0 $0xB800, s2;
	s15 =	sadd.s32 @!p0 $0xBC00, s2  }
0x1ac: {  	[tilespmem:s12], [sflag:$0x7] =	stream.linear.gather @!p0 [hbm4b:s20+s13], $0x80, $0x38;
	[tilespmem:$0x1E400] =	vst v63  }
0x1ad: {  	s2 =	sadd.s32 @!p0 $0xC000, s2  }
0x1ae: {  	[tilespmem:s14], [sflag:$0x7] =	stream.linear.gather @!p0 [hbm4b:s5+s13], $0x80, $0x38;
	[tilespmem:$0x1E400] =	vst v63  }
0x1af: {  	_ = 	snop  }
0x1b0: {  	[tilespmem:s11], [sflag:$0x7] =	stream.linear.gather @!p0 [hbm4b:s10+s13], $0x80, $0x38;
	[tilespmem:$0x1E400] =	vst v63  }
0x1b1: {  	_ = 	snop  }
0x1b2: {  	[tilespmem:s15], [sflag:$0x7] =	stream.linear.gather @!p0 [hbm4b:s23+s13], $0x80, $0x38;
	[tilespmem:$0x1E400] =	vst v63  }
.Ltmp5:
0x1b3: {  	_ = 	snop;
	(pc) =	sbr.rel @p1 .LBB2_7-.Ltmp5, $4  }
0x1b4: {  	s0 =	simm.s32 @!p0 $0x7  }
0x1b5: {  	v3 =	vmov s31;
	[tilespmem:s2], [sflag:$0x7] =	stream.linear.gather @!p0 [hbm4b:s24+s13], $0x80, $0x38;
	[tilespmem:$0x1E400] =	vst v63  }
0x1b6: {  	_ =	swait.ge @!p0 [sflag:s0], $0x400  }
0x1b7: {  	s29 =	sadd.s32 $0x400, s29;
	[sflag:s0] =	ssyncset.done @!p0 $0x0  }
0x1b8: {  	_ =	sdelay $0x2  }
0x1b9: {  	[sflag:s0] =	ssyncadd.s32 @!p0 $0xFFFFFC00  }
0x1ba: {  	v3 =	vld.idx.msk [tilespmem:v3+s4+$0x0], $0xffff;
	_ =	sdelay $0x4  }
0x1bb: {  	(v2sf) =	vpush v3, $0x0;
	_ =	sdelay $0xe  }
0x1bc: {  	s0 =	spop (v2sf)  }
0x1bd: {  	p0 =	slt.s32 s0, $0x186A0  }
0x1be: {  	s2 =	sshll.u32 @!p0 s0, $0xA;
	s0 =	sshll.u32 @!p0 s0, $0x7  }
0x1bf: {  	s2 =	sand.u32 @!p0 $0xFFFFE000, s2;
	s0 =	sand.u32 @!p0 $0x380, s0  }
0x1c0: {  	s5 =	sadd.s32 $0x80, s28;
	s0 =	sor.u32 @!p0 s0, s2  }
0x1c1: {  	s2 =	sand.u32 @!p0 $0x380, s5;
	s5 =	sand.u32 @!p0 $0xE000, s29;
	s0 =	sadd.s32 @!p0 $0xF9E58000, s0  }
0x1c2: {  	s2 =	sor.u32 @!p0 s2, s5;
	s0 =	sshrl.u32 @!p0 s0, $0x3  }
0x1c3: {  	s10 =	simm.s32 @!p0 $0x0;
	s5 =	sadd.s32 @!p0 $0xA400, s2;
	s0 =	sadd.s32 @!p0 s3, s0  }
0x1c4: {  	[tilespmem:s5], [sflag:$0x7] =	stream.linear.gather @!p0 [hbm4b:s0+s10], $0x80, $0x38;
	[tilespmem:$0x1E400] =	vst v63  }
0x1c5: {  	s5 =	sadd.s32 @!p0 $0xA800, s2;
	s11 =	sadd.s32 @!p0 $0x80, s0  }
0x1c6: {  	[tilespmem:s5], [sflag:$0x7] =	stream.linear.gather @!p0 [hbm4b:s11+s10], $0x80, $0x38;
	[tilespmem:$0x1E400] =	vst v63  }
0x1c7: {  	s5 =	sadd.s32 @!p0 $0xAC00, s2;
	s11 =	sadd.s32 @!p0 $0x100, s0  }
0x1c8: {  	[tilespmem:s5], [sflag:$0x7] =	stream.linear.gather @!p0 [hbm4b:s11+s10], $0x80, $0x38;
	[tilespmem:$0x1E400] =	vst v63  }
0x1c9: {  	s5 =	sadd.s32 @!p0 $0xB000, s2;
	s11 =	sadd.s32 @!p0 $0x180, s0  }
0x1ca: {  	[tilespmem:s5], [sflag:$0x7] =	stream.linear.gather @!p0 [hbm4b:s11+s10], $0x80, $0x38;
	[tilespmem:$0x1E400] =	vst v63  }
0x1cb: {  	s5 =	sadd.s32 @!p0 $0xB400, s2;
	s11 =	sadd.s32 @!p0 $0x200, s0  }
0x1cc: {  	[tilespmem:s5], [sflag:$0x7] =	stream.linear.gather @!p0 [hbm4b:s11+s10], $0x80, $0x38;
	[tilespmem:$0x1E400] =	vst v63  }
0x1cd: {  	s5 =	sadd.s32 @!p0 $0x280, s0;
	s11 =	sadd.s32 @!p0 $0xB800, s2  }
0x1ce: {  	[tilespmem:s11], [sflag:$0x7] =	stream.linear.gather @!p0 [hbm4b:s5+s10], $0x80, $0x38;
	[tilespmem:$0x1E400] =	vst v63  }
0x1cf: {  	s5 =	sadd.s32 @!p0 $0x300, s0;
	s11 =	sadd.s32 @!p0 $0xBC00, s2  }
0x1d0: {  	[tilespmem:s11], [sflag:$0x7] =	stream.linear.gather @!p0 [hbm4b:s5+s10], $0x80, $0x38;
	[tilespmem:$0x1E400] =	vst v63  }
0x1d1: {  	s0 =	sadd.s32 @!p0 $0x380, s0;
	s2 =	sadd.s32 @!p0 $0xC000, s2;
	s5 =	simm.s32 @!p0 $0x7  }
0x1d2: {  	[tilespmem:s2], [sflag:$0x7] =	stream.linear.gather @!p0 [hbm4b:s0+s10], $0x80, $0x38;
	[tilespmem:$0x1E400] =	vst v63  }
0x1d3: {  	_ =	swait.ge @!p0 [sflag:s5], $0x400  }
0x1d4: {  	[sflag:s5] =	ssyncset.done @!p0 $0x0  }
0x1d5: {  	[sflag:s5] =	ssyncadd.s32 @!p0 $0xFFFFFC00  }
.LBB2_9:
0x1d6: {  	s28 =	simm.s32 $0x0;
	s0 =	rddreg [dreg:$0x7];
	s2 =	simm.s32 $0xA400  }
0x1d7: {  	[hbm4b:s0+s28] =	stream.linear.scatter [tilespmem:s2], [sflag:$0x5], $0xA000, $0x38;
	[tilespmem:$0x1E400] =	vst v63  }
0x1d8: {  	_ =	swait.ge [sflag:s19], $0xA000  }
0x1d9: {  	[sflag:s19] =	ssyncset.done $0x0  }
0x1da: {  	[sflag:s19] =	ssyncadd.s32 $0xFFFF6000  }
0x1db: {  	v3 =	vld [tilespmem:$0x278];
	_ =	sdelay $0x4  }
0x1dc: {  	v4 =	vshll.u32 v3, $0x3  }
0x1dd: {  	v3 =	vand.u32 $0x7, v3;
	v4 =	vand.u32 $0xFFFFFFC0, v4  }
0x1de: {  	v3 =	vor.u32 v3, v4  }
0x1df: {  	v4 =	vperm.xlane v3, v0;
	_ =	sdelay $0x1  }
0x1e0: {  	v4 =	vadd.s32 v1, v4;
	_ =	sdelay $0x4  }
0x1e1: {  	[tilespmem:s26], [sflag:$0x1] =	stream.indirect_vreg.gather [hbm4b:s1+s28], $0x80, v4, vm0, $0xb8;
	[tilespmem:$0x1E400] =	vst v63  }
0x1e2: {  	s14 =	simm.s32 $0xC00;
	v3 =	vperm.xlane v3, v2  }
0x1e3: {  	[tilespmem:s14], [sflag:$0x1] =	stream.indirect_vreg.gather [hbm4b:s6+s28], $0x80, v4, vm0, $0xb8;
	[tilespmem:$0x1E400] =	vst v63  }
0x1e4: {  	s15 =	simm.s32 $0x1400;
	v3 =	vadd.s32 v1, v3  }
0x1e5: {  	[tilespmem:s15], [sflag:$0x1] =	stream.indirect_vreg.gather [hbm4b:s7+s28], $0x80, v4, vm0, $0xb8;
	[tilespmem:$0x1E400] =	vst v63  }
0x1e6: {  	s20 =	simm.s32 $0x1C00  }
0x1e7: {  	[tilespmem:s20], [sflag:$0x1] =	stream.indirect_vreg.gather [hbm4b:s9+s28], $0x80, v4, vm0, $0xb8;
	[tilespmem:$0x1E400] =	vst v63  }
0x1e8: {  	s23 =	simm.s32 $0x2400  }
0x1e9: {  	[tilespmem:s23], [sflag:$0x1] =	stream.indirect_vreg.gather [hbm4b:s1+s28], $0x80, v3, vm0, $0xb8;
	[tilespmem:$0x1E400] =	vst v63  }
0x1ea: {  	s24 =	simm.s32 $0x2C00  }
0x1eb: {  	[tilespmem:s24], [sflag:$0x1] =	stream.indirect_vreg.gather [hbm4b:s6+s28], $0x80, v3, vm0, $0xb8;
	[tilespmem:$0x1E400] =	vst v63  }
0x1ec: {  	s29 =	simm.s32 $0x3400  }
0x1ed: {  	[tilespmem:s29], [sflag:$0x1] =	stream.indirect_vreg.gather [hbm4b:s7+s28], $0x80, v3, vm0, $0xb8;
	[tilespmem:$0x1E400] =	vst v63  }
0x1ee: {  	s30 =	simm.s32 $0x3C00  }
0x1ef: {  	[tilespmem:s30], [sflag:$0x1] =	stream.indirect_vreg.gather [hbm4b:s9+s28], $0x80, v3, vm0, $0xb8;
	[tilespmem:$0x1E400] =	vst v63  }
0x1f0: {  	v3 =	vld [tilespmem:$0x288];
	_ =	sdelay $0x4  }
0x1f1: {  	v61 =	vshll.u32 v3, $0x3  }
0x1f2: {  	v3 =	vand.u32 $0x7, v3;
	v4 =	vand.u32 $0xFFFFFFC0, v61  }
0x1f3: {  	v3 =	vor.u32 v3, v4  }
0x1f4: {  	v4 =	vperm.xlane v3, v0;
	_ =	sdelay $0x1  }
0x1f5: {  	v4 =	vadd.s32 v1, v4;
	_ =	sdelay $0x3  }
0x1f6: {  	s31 =	simm.s32 $0x4400  }
0x1f7: {  	[tilespmem:s31], [sflag:$0x1] =	stream.indirect_vreg.gather [hbm4b:s1+s28], $0x80, v4, vm0, $0xb8;
	[tilespmem:$0x1E400] =	vst v63  }
0x1f8: {  	s2 =	simm.s32 $0x4C00;
	v3 =	vperm.xlane v3, v2  }
0x1f9: {  	[tilespmem:s2], [sflag:$0x1] =	stream.indirect_vreg.gather [hbm4b:s6+s28], $0x80, v4, vm0, $0xb8;
	[tilespmem:$0x1E400] =	vst v63  }
0x1fa: {  	s5 =	simm.s32 $0x5400;
	v3 =	vadd.s32 v1, v3  }
0x1fb: {  	[tilespmem:s5], [sflag:$0x1] =	stream.indirect_vreg.gather [hbm4b:s7+s28], $0x80, v4, vm0, $0xb8;
	[tilespmem:$0x1E400] =	vst v63  }
0x1fc: {  	s10 =	simm.s32 $0x5C00  }
0x1fd: {  	[tilespmem:s10], [sflag:$0x1] =	stream.indirect_vreg.gather [hbm4b:s9+s28], $0x80, v4, vm0, $0xb8;
	[tilespmem:$0x1E400] =	vst v63  }
0x1fe: {  	s11 =	simm.s32 $0x6400  }
0x1ff: {  	[tilespmem:s11], [sflag:$0x1] =	stream.indirect_vreg.gather [hbm4b:s1+s28], $0x80, v3, vm0, $0xb8;
	[tilespmem:$0x1E400] =	vst v63  }
0x200: {  	s12 =	simm.s32 $0x6C00  }
0x201: {  	[tilespmem:s12], [sflag:$0x1] =	stream.indirect_vreg.gather [hbm4b:s6+s28], $0x80, v3, vm0, $0xb8;
	[tilespmem:$0x1E400] =	vst v63  }
0x202: {  	s13 =	simm.s32 $0x7400  }
0x203: {  	[tilespmem:s13], [sflag:$0x1] =	stream.indirect_vreg.gather [hbm4b:s7+s28], $0x80, v3, vm0, $0xb8;
	[tilespmem:$0x1E400] =	vst v63  }
0x204: {  	s14 =	simm.s32 $0x7C00  }
0x205: {  	[tilespmem:s14], [sflag:$0x1] =	stream.indirect_vreg.gather [hbm4b:s9+s28], $0x80, v3, vm0, $0xb8;
	[tilespmem:$0x1E400] =	vst v63  }
0x206: {  	v3 =	vld.msk [tilespmem:$0x298], $0xff;
	_ =	sdelay $0x4  }
0x207: {  	v62 =	vshll.u32 v3, $0x3  }
0x208: {  	v3 =	vand.u32 $0x7, v3;
	v4 =	vand.u32 $0xFFFFFFC0, v62  }
0x209: {  	v3 =	vor.u32 v3, v4  }
0x20a: {  	v3 =	vperm.xlane v3, v0;
	_ =	sdelay $0x1  }
0x20b: {  	v3 =	vadd.s32 v1, v3;
	_ =	sdelay $0x3  }
0x20c: {  	s15 =	simm.s32 $0x8400  }
0x20d: {  	[tilespmem:s15], [sflag:$0x1] =	stream.indirect_vreg.gather [hbm4b:s1+s28], $0x80, v3, vm0, $0xb8;
	[tilespmem:$0x1E400] =	vst v63  }
0x20e: {  	s20 =	simm.s32 $0x8C00  }
0x20f: {  	[tilespmem:s20], [sflag:$0x1] =	stream.indirect_vreg.gather [hbm4b:s6+s28], $0x80, v3, vm0, $0xb8;
	[tilespmem:$0x1E400] =	vst v63  }
0x210: {  	s23 =	simm.s32 $0x9400  }
0x211: {  	[tilespmem:s23], [sflag:$0x1] =	stream.indirect_vreg.gather [hbm4b:s7+s28], $0x80, v3, vm0, $0xb8;
	[tilespmem:$0x1E400] =	vst v63  }
0x212: {  	s24 =	simm.s32 $0x9C00  }
0x213: {  	[tilespmem:s24], [sflag:$0x1] =	stream.indirect_vreg.gather [hbm4b:s9+s28], $0x80, v3, vm0, $0xb8;
	[tilespmem:$0x1E400] =	vst v63  }
0x214: {  	_ =	swait.ge [sflag:s21], $0xA000  }
0x215: {  	[sflag:s21] =	ssyncset.done $0x0  }
0x216: {  	[sflag:s21] =	ssyncadd.s32 $0xFFFF6000  }
0x217: {  	v3 =	vld [tilespmem:$0x50]  }
0x218: {  	v63 =	vld [tilespmem:$0x60]  }
0x219: {  	v5 =	vld [tilespmem:$0x70];
	_ =	sdelay $0x2  }
0x21a: {  	vm1 =	vgt.s32 v3, $0x1869F  }
0x21b: {  	v3 =	vmpcnt.ones.xlane vm1;
	vm1 =	vgt.s32 v63, $0x1869F  }
0x21c: {  	v4 =	vmpcnt.ones.xlane vm1;
	vm1 =	vgt.s32 v5, $0x1869F  }
0x21d: {  	(v2sf) =	vpush v3, $0x0;
	v3 =	vmpcnt.ones.xlane vm1  }
0x21e: {  	(v2sf) =	vpush v4, $0x0  }
0x21f: {  	(v2sf) =	vpush v3, $0x0;
	_ =	sdelay $0xc  }
0x220: {  	s29 =	spop (v2sf)  }
0x221: {  	s30 =	spop (v2sf)  }
0x222: {  	s0 =	sadd.s32 s29, s30;
	s31 =	spop (v2sf)  }
0x223: {  	s0 =	sadd.s32 s31, s0  }
0x224: {  	p0 =	slt.s32 s0, $0x1  }
.Ltmp6:
0x225: {  	_ = 	snop;
	(pc) =	sbr.rel @p0 .LBB2_13-.Ltmp6, $2  }
0x226: {  	_ =	sdelay $0x2  }
0x227: {  	s0 =	simm.s32 $0x50  }
0x228: {  	v3 =	vmov s0;
	_ =	sdelay $0x4  }
0x229: {  	v3 =	vld.idx.msk [tilespmem:v3+s4+$0x0], $0xffff;
	_ =	sdelay $0x4  }
0x22a: {  	(v2sf) =	vpush v3, $0x0;
	_ =	sdelay $0xe  }
0x22b: {  	s0 =	spop (v2sf)  }
0x22c: {  	p0 =	slt.s32 s0, $0x186A0  }
0x22d: {  	s2 =	sshll.u32 @!p0 s0, $0xA;
	s0 =	sshll.u32 @!p0 s0, $0x7  }
0x22e: {  	s2 =	sand.u32 @!p0 $0xFFFFE000, s2;
	s0 =	sand.u32 @!p0 $0x380, s0  }
0x22f: {  	s0 =	sor.u32 @!p0 s0, s2  }
0x230: {  	s5 =	sand.u32 @!p0 $0xE000, s28;
	s2 =	sand.u32 @!p0 $0x380, s28;
	s0 =	sadd.s32 @!p0 $0xF9E58000, s0  }
0x231: {  	s2 =	sor.u32 @!p0 s2, s5;
	s0 =	sshrl.u32 @!p0 s0, $0x3  }
0x232: {  	s5 =	simm.s32 @!p0 $0x0;
	s2 =	sadd.s32 @!p0 $0x14400, s2;
	s0 =	sadd.s32 @!p0 s3, s0  }
0x233: {  	[tilespmem:s2], [sflag:$0x7] =	stream.linear.gather @!p0 [hbm4b:s0+s5], $0x80, $0x38;
	[tilespmem:$0x1E400] =	vst v63  }
0x234: {  	s10 =	sadd.s32 @!p0 $0x400, s2;
	s11 =	sadd.s32 @!p0 $0x80, s0  }
0x235: {  	[tilespmem:s10], [sflag:$0x7] =	stream.linear.gather @!p0 [hbm4b:s11+s5], $0x80, $0x38;
	[tilespmem:$0x1E400] =	vst v63  }
0x236: {  	s10 =	sor.u32 @!p0 $0x800, s2;
	s11 =	sadd.s32 @!p0 $0x100, s0  }
0x237: {  	[tilespmem:s10], [sflag:$0x7] =	stream.linear.gather @!p0 [hbm4b:s11+s5], $0x80, $0x38;
	[tilespmem:$0x1E400] =	vst v63  }
0x238: {  	s10 =	sadd.s32 @!p0 $0xC00, s2;
	s11 =	sadd.s32 @!p0 $0x180, s0  }
0x239: {  	[tilespmem:s10], [sflag:$0x7] =	stream.linear.gather @!p0 [hbm4b:s11+s5], $0x80, $0x38;
	[tilespmem:$0x1E400] =	vst v63  }
0x23a: {  	s10 =	sadd.s32 @!p0 $0x200, s0;
	s11 =	sor.u32 @!p0 $0x1000, s2  }
0x23b: {  	[tilespmem:s11], [sflag:$0x7] =	stream.linear.gather @!p0 [hbm4b:s10+s5], $0x80, $0x38;
	[tilespmem:$0x1E400] =	vst v63  }
0x23c: {  	s10 =	sadd.s32 @!p0 $0x280, s0;
	s11 =	sadd.s32 @!p0 $0x1400, s2  }
0x23d: {  	[tilespmem:s11], [sflag:$0x7] =	stream.linear.gather @!p0 [hbm4b:s10+s5], $0x80, $0x38;
	[tilespmem:$0x1E400] =	vst v63  }
0x23e: {  	s31 =	simm.s32 $0x51;
	s10 =	sadd.s32 @!p0 $0x300, s0;
	s11 =	sor.u32 @!p0 $0x1800, s2  }
0x23f: {  	[tilespmem:s11], [sflag:$0x7] =	stream.linear.gather @!p0 [hbm4b:s10+s5], $0x80, $0x38;
	[tilespmem:$0x1E400] =	vst v63  }
0x240: {  	s2 =	sadd.s32 @!p0 $0x1C00, s2;
	s10 =	sadd.s32 @!p0 $0x380, s0;
	s0 =	simm.s32 @!p0 $0x7  }
0x241: {  	[tilespmem:s2], [sflag:$0x7] =	stream.linear.gather @!p0 [hbm4b:s10+s5], $0x80, $0x38;
	[tilespmem:$0x1E400] =	vst v63  }
0x242: {  	v3 =	vmov s31;
	_ =	swait.ge @!p0 [sflag:s0], $0x400  }
0x243: {  	s30 =	simm.s32 $0x52;
	s29 =	simm.s32 $0x400;
	[sflag:s0] =	ssyncset.done @!p0 $0x0  }
.LBB2_11:
0x244: {  	[sflag:s0] =	ssyncadd.s32 @!p0 $0xFFFFFC00  }
0x245: {  	s28 =	sadd.s32 $0x80, s28;
	s31 =	smov.u32 s30;
	s30 =	sadd.s32 $0x1, s30  }
0x246: {  	p1 =	sne.s32 s30, $0x78  }
0x247: {  	v3 =	vld.idx.msk [tilespmem:v3+s4+$0x0], $0xffff;
	_ =	sdelay $0x5  }
0x248: {  	(v2sf) =	vpush v3, $0x0;
	_ =	sdelay $0xe  }
0x249: {  	s0 =	spop (v2sf)  }
0x24a: {  	p0 =	slt.s32 s0, $0x186A0  }
0x24b: {  	s2 =	sshll.u32 @!p0 s0, $0xA;
	s0 =	sshll.u32 @!p0 s0, $0x7;
	s5 =	sand.u32 @!p0 $0x380, s28  }
0x24c: {  	s10 =	sand.u32 @!p0 $0xE000, s29;
	s2 =	sand.u32 @!p0 $0xFFFFE000, s2;
	s0 =	sand.u32 @!p0 $0x380, s0  }
0x24d: {  	s0 =	sor.u32 @!p0 s0, s2;
	s2 =	sor.u32 @!p0 s5, s10  }
0x24e: {  	s0 =	sadd.s32 @!p0 $0xF9E58000, s0;
	s2 =	sadd.s32 @!p0 $0x14400, s2  }
0x24f: {  	s0 =	sshrl.u32 @!p0 s0, $0x3;
	s5 =	sadd.s32 @!p0 $0x400, s2;
	s10 =	sor.u32 @!p0 $0x800, s2  }
0x250: {  	s11 =	simm.s32 @!p0 $0x0;
	s12 =	sadd.s32 @!p0 $0xC00, s2;
	s0 =	sadd.s32 @!p0 s3, s0  }
0x251: {  	[tilespmem:s2], [sflag:$0x7] =	stream.linear.gather @!p0 [hbm4b:s0+s11], $0x80, $0x38;
	[tilespmem:$0x1E400] =	vst v63  }
0x252: {  	s13 =	sadd.s32 @!p0 $0x80, s0;
	s14 =	sadd.s32 @!p0 $0x100, s0;
	s15 =	sadd.s32 @!p0 $0x180, s0  }
0x253: {  	[tilespmem:s5], [sflag:$0x7] =	stream.linear.gather @!p0 [hbm4b:s13+s11], $0x80, $0x38;
	[tilespmem:$0x1E400] =	vst v63  }
0x254: {  	s20 =	sadd.s32 @!p0 $0x280, s0;
	s5 =	sadd.s32 @!p0 $0x200, s0;
	s13 =	sor.u32 @!p0 $0x1000, s2  }
0x255: {  	[tilespmem:s10], [sflag:$0x7] =	stream.linear.gather @!p0 [hbm4b:s14+s11], $0x80, $0x38;
	[tilespmem:$0x1E400] =	vst v63  }
0x256: {  	s23 =	sor.u32 @!p0 $0x1800, s2;
	s10 =	sadd.s32 @!p0 $0x1400, s2;
	s14 =	sadd.s32 @!p0 $0x300, s0  }
0x257: {  	[tilespmem:s12], [sflag:$0x7] =	stream.linear.gather @!p0 [hbm4b:s15+s11], $0x80, $0x38;
	[tilespmem:$0x1E400] =	vst v63  }
0x258: {  	s2 =	sadd.s32 @!p0 $0x1C00, s2;
	s12 =	sadd.s32 @!p0 $0x380, s0  }
0x259: {  	[tilespmem:s13], [sflag:$0x7] =	stream.linear.gather @!p0 [hbm4b:s5+s11], $0x80, $0x38;
	[tilespmem:$0x1E400] =	vst v63  }
0x25a: {  	_ = 	snop  }
0x25b: {  	[tilespmem:s10], [sflag:$0x7] =	stream.linear.gather @!p0 [hbm4b:s20+s11], $0x80, $0x38;
	[tilespmem:$0x1E400] =	vst v63  }
0x25c: {  	_ = 	snop  }
0x25d: {  	[tilespmem:s23], [sflag:$0x7] =	stream.linear.gather @!p0 [hbm4b:s14+s11], $0x80, $0x38;
	[tilespmem:$0x1E400] =	vst v63  }
.Ltmp7:
0x25e: {  	_ = 	snop;
	(pc) =	sbr.rel @p1 .LBB2_11-.Ltmp7, $4  }
0x25f: {  	s0 =	simm.s32 @!p0 $0x7  }
0x260: {  	v3 =	vmov s31;
	[tilespmem:s2], [sflag:$0x7] =	stream.linear.gather @!p0 [hbm4b:s12+s11], $0x80, $0x38;
	[tilespmem:$0x1E400] =	vst v63  }
0x261: {  	_ =	swait.ge @!p0 [sflag:s0], $0x400  }
0x262: {  	s29 =	sadd.s32 $0x400, s29;
	[sflag:s0] =	ssyncset.done @!p0 $0x0  }
0x263: {  	_ =	sdelay $0x2  }
0x264: {  	[sflag:s0] =	ssyncadd.s32 @!p0 $0xFFFFFC00  }
0x265: {  	v3 =	vld.idx.msk [tilespmem:v3+s4+$0x0], $0xffff;
	_ =	sdelay $0x4  }
0x266: {  	(v2sf) =	vpush v3, $0x0;
	_ =	sdelay $0xe  }
0x267: {  	s0 =	spop (v2sf)  }
0x268: {  	p0 =	slt.s32 s0, $0x186A0  }
0x269: {  	s2 =	sshll.u32 @!p0 s0, $0xA;
	s0 =	sshll.u32 @!p0 s0, $0x7  }
0x26a: {  	s2 =	sand.u32 @!p0 $0xFFFFE000, s2;
	s0 =	sand.u32 @!p0 $0x380, s0  }
0x26b: {  	s5 =	sadd.s32 $0x80, s28;
	s0 =	sor.u32 @!p0 s0, s2  }
0x26c: {  	s2 =	sand.u32 @!p0 $0x380, s5;
	s5 =	sand.u32 @!p0 $0xE000, s29;
	s0 =	sadd.s32 @!p0 $0xF9E58000, s0  }
0x26d: {  	s2 =	sor.u32 @!p0 s2, s5;
	s0 =	sshrl.u32 @!p0 s0, $0x3  }
0x26e: {  	s5 =	simm.s32 @!p0 $0x0;
	s2 =	sadd.s32 @!p0 $0x14400, s2;
	s0 =	sadd.s32 @!p0 s3, s0  }
0x26f: {  	[tilespmem:s2], [sflag:$0x7] =	stream.linear.gather @!p0 [hbm4b:s0+s5], $0x80, $0x38;
	[tilespmem:$0x1E400] =	vst v63  }
0x270: {  	s10 =	sadd.s32 @!p0 $0x400, s2;
	s11 =	sadd.s32 @!p0 $0x80, s0  }
0x271: {  	[tilespmem:s10], [sflag:$0x7] =	stream.linear.gather @!p0 [hbm4b:s11+s5], $0x80, $0x38;
	[tilespmem:$0x1E400] =	vst v63  }
0x272: {  	s10 =	sor.u32 @!p0 $0x800, s2;
	s11 =	sadd.s32 @!p0 $0x100, s0  }
0x273: {  	[tilespmem:s10], [sflag:$0x7] =	stream.linear.gather @!p0 [hbm4b:s11+s5], $0x80, $0x38;
	[tilespmem:$0x1E400] =	vst v63  }
0x274: {  	s10 =	sadd.s32 @!p0 $0xC00, s2;
	s11 =	sadd.s32 @!p0 $0x180, s0  }
0x275: {  	[tilespmem:s10], [sflag:$0x7] =	stream.linear.gather @!p0 [hbm4b:s11+s5], $0x80, $0x38;
	[tilespmem:$0x1E400] =	vst v63  }
0x276: {  	s10 =	sadd.s32 @!p0 $0x200, s0;
	s11 =	sor.u32 @!p0 $0x1000, s2  }
0x277: {  	[tilespmem:s11], [sflag:$0x7] =	stream.linear.gather @!p0 [hbm4b:s10+s5], $0x80, $0x38;
	[tilespmem:$0x1E400] =	vst v63  }
0x278: {  	s10 =	sadd.s32 @!p0 $0x280, s0;
	s11 =	sadd.s32 @!p0 $0x1400, s2  }
0x279: {  	[tilespmem:s11], [sflag:$0x7] =	stream.linear.gather @!p0 [hbm4b:s10+s5], $0x80, $0x38;
	[tilespmem:$0x1E400] =	vst v63  }
0x27a: {  	s10 =	sadd.s32 @!p0 $0x300, s0;
	s11 =	sor.u32 @!p0 $0x1800, s2  }
0x27b: {  	[tilespmem:s11], [sflag:$0x7] =	stream.linear.gather @!p0 [hbm4b:s10+s5], $0x80, $0x38;
	[tilespmem:$0x1E400] =	vst v63  }
0x27c: {  	s0 =	sadd.s32 @!p0 $0x380, s0;
	s2 =	sadd.s32 @!p0 $0x1C00, s2;
	s10 =	simm.s32 @!p0 $0x7  }
0x27d: {  	[tilespmem:s2], [sflag:$0x7] =	stream.linear.gather @!p0 [hbm4b:s0+s5], $0x80, $0x38;
	[tilespmem:$0x1E400] =	vst v63  }
0x27e: {  	_ =	swait.ge @!p0 [sflag:s10], $0x400  }
0x27f: {  	[sflag:s10] =	ssyncset.done @!p0 $0x0  }
0x280: {  	[sflag:s10] =	ssyncadd.s32 @!p0 $0xFFFFFC00  }
.LBB2_13:
0x281: {  	s28 =	simm.s32 $0x0;
	s0 =	rddreg [dreg:$0x8]  }
0x282: {  	[hbm4b:s0+s28] =	stream.linear.scatter [tilespmem:s16], [sflag:$0x6], $0xA000, $0x38;
	[tilespmem:$0x1E400] =	vst v63  }
0x283: {  	_ =	swait.ge [sflag:s22], $0xA000  }
0x284: {  	[sflag:s22] =	ssyncset.done $0x0  }
0x285: {  	[sflag:s22] =	ssyncadd.s32 $0xFFFF6000  }
0x286: {  	v3 =	vld [tilespmem:$0x2A0];
	_ =	sdelay $0x4  }
0x287: {  	v4 =	vshll.u32 v3, $0x3  }
0x288: {  	v3 =	vand.u32 $0x7, v3;
	v4 =	vand.u32 $0xFFFFFFC0, v4  }
0x289: {  	v3 =	vor.u32 v3, v4  }
0x28a: {  	v4 =	vperm.xlane v3, v0;
	_ =	sdelay $0x1  }
0x28b: {  	v4 =	vadd.s32 v1, v4;
	_ =	sdelay $0x3  }
0x28c: {  	s14 =	simm.s32 $0xA400  }
0x28d: {  	[tilespmem:s14], [sflag:$0x2] =	stream.indirect_vreg.gather [hbm4b:s1+s28], $0x80, v4, vm0, $0xb8;
	[tilespmem:$0x1E400] =	vst v63  }
0x28e: {  	s15 =	simm.s32 $0xAC00;
	v3 =	vperm.xlane v3, v2  }
0x28f: {  	[tilespmem:s15], [sflag:$0x2] =	stream.indirect_vreg.gather [hbm4b:s6+s28], $0x80, v4, vm0, $0xb8;
	[tilespmem:$0x1E400] =	vst v63  }
0x290: {  	s20 =	simm.s32 $0xB400;
	v3 =	vadd.s32 v1, v3  }
0x291: {  	[tilespmem:s20], [sflag:$0x2] =	stream.indirect_vreg.gather [hbm4b:s7+s28], $0x80, v4, vm0, $0xb8;
	[tilespmem:$0x1E400] =	vst v63  }
0x292: {  	s23 =	simm.s32 $0xBC00  }
0x293: {  	[tilespmem:s23], [sflag:$0x2] =	stream.indirect_vreg.gather [hbm4b:s9+s28], $0x80, v4, vm0, $0xb8;
	[tilespmem:$0x1E400] =	vst v63  }
0x294: {  	s24 =	simm.s32 $0xC400  }
0x295: {  	[tilespmem:s24], [sflag:$0x2] =	stream.indirect_vreg.gather [hbm4b:s1+s28], $0x80, v3, vm0, $0xb8;
	[tilespmem:$0x1E400] =	vst v63  }
0x296: {  	s29 =	simm.s32 $0xCC00  }
0x297: {  	[tilespmem:s29], [sflag:$0x2] =	stream.indirect_vreg.gather [hbm4b:s6+s28], $0x80, v3, vm0, $0xb8;
	[tilespmem:$0x1E400] =	vst v63  }
0x298: {  	s30 =	simm.s32 $0xD400  }
0x299: {  	[tilespmem:s30], [sflag:$0x2] =	stream.indirect_vreg.gather [hbm4b:s7+s28], $0x80, v3, vm0, $0xb8;
	[tilespmem:$0x1E400] =	vst v63  }
0x29a: {  	s31 =	simm.s32 $0xDC00  }
0x29b: {  	[tilespmem:s31], [sflag:$0x2] =	stream.indirect_vreg.gather [hbm4b:s9+s28], $0x80, v3, vm0, $0xb8;
	[tilespmem:$0x1E400] =	vst v63  }
0x29c: {  	v3 =	vld [tilespmem:$0x2B0];
	_ =	sdelay $0x4  }
0x29d: {  	v61 =	vshll.u32 v3, $0x3  }
0x29e: {  	v3 =	vand.u32 $0x7, v3;
	v4 =	vand.u32 $0xFFFFFFC0, v61  }
0x29f: {  	v3 =	vor.u32 v3, v4  }
0x2a0: {  	v4 =	vperm.xlane v3, v0;
	_ =	sdelay $0x1  }
0x2a1: {  	v4 =	vadd.s32 v1, v4;
	_ =	sdelay $0x3  }
0x2a2: {  	s2 =	simm.s32 $0xE400  }
0x2a3: {  	[tilespmem:s2], [sflag:$0x2] =	stream.indirect_vreg.gather [hbm4b:s1+s28], $0x80, v4, vm0, $0xb8;
	[tilespmem:$0x1E400] =	vst v63  }
0x2a4: {  	s5 =	simm.s32 $0xEC00;
	v3 =	vperm.xlane v3, v2  }
0x2a5: {  	[tilespmem:s5], [sflag:$0x2] =	stream.indirect_vreg.gather [hbm4b:s6+s28], $0x80, v4, vm0, $0xb8;
	[tilespmem:$0x1E400] =	vst v63  }
0x2a6: {  	s10 =	simm.s32 $0xF400;
	v3 =	vadd.s32 v1, v3  }
0x2a7: {  	[tilespmem:s10], [sflag:$0x2] =	stream.indirect_vreg.gather [hbm4b:s7+s28], $0x80, v4, vm0, $0xb8;
	[tilespmem:$0x1E400] =	vst v63  }
0x2a8: {  	s11 =	simm.s32 $0xFC00  }
0x2a9: {  	[tilespmem:s11], [sflag:$0x2] =	stream.indirect_vreg.gather [hbm4b:s9+s28], $0x80, v4, vm0, $0xb8;
	[tilespmem:$0x1E400] =	vst v63  }
0x2aa: {  	s12 =	simm.s32 $0x10400  }
0x2ab: {  	[tilespmem:s12], [sflag:$0x2] =	stream.indirect_vreg.gather [hbm4b:s1+s28], $0x80, v3, vm0, $0xb8;
	[tilespmem:$0x1E400] =	vst v63  }
0x2ac: {  	s13 =	simm.s32 $0x10C00  }
0x2ad: {  	[tilespmem:s13], [sflag:$0x2] =	stream.indirect_vreg.gather [hbm4b:s6+s28], $0x80, v3, vm0, $0xb8;
	[tilespmem:$0x1E400] =	vst v63  }
0x2ae: {  	s14 =	simm.s32 $0x11400  }
0x2af: {  	[tilespmem:s14], [sflag:$0x2] =	stream.indirect_vreg.gather [hbm4b:s7+s28], $0x80, v3, vm0, $0xb8;
	[tilespmem:$0x1E400] =	vst v63  }
0x2b0: {  	s15 =	simm.s32 $0x11C00  }
0x2b1: {  	[tilespmem:s15], [sflag:$0x2] =	stream.indirect_vreg.gather [hbm4b:s9+s28], $0x80, v3, vm0, $0xb8;
	[tilespmem:$0x1E400] =	vst v63  }
0x2b2: {  	v3 =	vld.msk [tilespmem:$0x2C0], $0xff;
	_ =	sdelay $0x4  }
0x2b3: {  	v62 =	vshll.u32 v3, $0x3  }
0x2b4: {  	v3 =	vand.u32 $0x7, v3;
	v4 =	vand.u32 $0xFFFFFFC0, v62  }
0x2b5: {  	v3 =	vor.u32 v3, v4  }
0x2b6: {  	v3 =	vperm.xlane v3, v0;
	_ =	sdelay $0x1  }
0x2b7: {  	v3 =	vadd.s32 v1, v3;
	_ =	sdelay $0x3  }
0x2b8: {  	s20 =	simm.s32 $0x12400  }
0x2b9: {  	[tilespmem:s20], [sflag:$0x2] =	stream.indirect_vreg.gather [hbm4b:s1+s28], $0x80, v3, vm0, $0xb8;
	[tilespmem:$0x1E400] =	vst v63  }
0x2ba: {  	s23 =	simm.s32 $0x12C00  }
0x2bb: {  	[tilespmem:s23], [sflag:$0x2] =	stream.indirect_vreg.gather [hbm4b:s6+s28], $0x80, v3, vm0, $0xb8;
	[tilespmem:$0x1E400] =	vst v63  }
0x2bc: {  	s24 =	simm.s32 $0x13400  }
0x2bd: {  	[tilespmem:s24], [sflag:$0x2] =	stream.indirect_vreg.gather [hbm4b:s7+s28], $0x80, v3, vm0, $0xb8;
	[tilespmem:$0x1E400] =	vst v63  }
0x2be: {  	s29 =	simm.s32 $0x13C00  }
0x2bf: {  	[tilespmem:s29], [sflag:$0x2] =	stream.indirect_vreg.gather [hbm4b:s9+s28], $0x80, v3, vm0, $0xb8;
	[tilespmem:$0x1E400] =	vst v63  }
0x2c0: {  	_ =	swait.ge [sflag:s25], $0xA000  }
0x2c1: {  	[sflag:s25] =	ssyncset.done $0x0  }
0x2c2: {  	[sflag:s25] =	ssyncadd.s32 $0xFFFF6000  }
0x2c3: {  	v3 =	vld [tilespmem:$0x70]  }
0x2c4: {  	v63 =	vld [tilespmem:$0x80]  }
0x2c5: {  	v5 =	vld [tilespmem:$0x90];
	_ =	sdelay $0x2  }
0x2c6: {  	vm1 =	vgt.s32 v3, $0x1869F  }
0x2c7: {  	v3 =	vmpcnt.ones.xlane vm1;
	vm1 =	vgt.s32 v63, $0x1869F  }
0x2c8: {  	v4 =	vmpcnt.ones.xlane vm1;
	vm1 =	vgt.s32 v5, $0x1869F  }
0x2c9: {  	(v2sf) =	vpush v3, $0x0;
	v3 =	vmpcnt.ones.xlane vm1  }
0x2ca: {  	(v2sf) =	vpush v4, $0x0  }
0x2cb: {  	(v2sf) =	vpush v3, $0x0;
	_ =	sdelay $0xc  }
0x2cc: {  	s30 =	spop (v2sf)  }
0x2cd: {  	s2 =	spop (v2sf)  }
0x2ce: {  	s0 =	sadd.s32 s30, s2;
	s31 =	spop (v2sf)  }
0x2cf: {  	s0 =	sadd.s32 s31, s0  }
0x2d0: {  	p0 =	slt.s32 s0, $0x1  }
.Ltmp8:
0x2d1: {  	_ = 	snop;
	(pc) =	sbr.rel @p0 .LBB2_17-.Ltmp8, $2  }
0x2d2: {  	_ =	sdelay $0x2  }
0x2d3: {  	s0 =	simm.s32 $0x78  }
0x2d4: {  	v3 =	vmov s0;
	_ =	sdelay $0x4  }
0x2d5: {  	v3 =	vld.idx.msk [tilespmem:v3+s4+$0x0], $0xffff;
	_ =	sdelay $0x4  }
0x2d6: {  	(v2sf) =	vpush v3, $0x0;
	_ =	sdelay $0xe  }
0x2d7: {  	s0 =	spop (v2sf)  }
0x2d8: {  	p0 =	slt.s32 s0, $0x186A0  }
0x2d9: {  	s2 =	sshll.u32 @!p0 s0, $0xA;
	s0 =	sshll.u32 @!p0 s0, $0x7  }
0x2da: {  	s2 =	sand.u32 @!p0 $0xFFFFE000, s2;
	s0 =	sand.u32 @!p0 $0x380, s0  }
0x2db: {  	s0 =	sor.u32 @!p0 s0, s2  }
0x2dc: {  	s5 =	sand.u32 @!p0 $0xE000, s28;
	s2 =	sand.u32 @!p0 $0x380, s28;
	s0 =	sadd.s32 @!p0 $0xF9E58000, s0  }
0x2dd: {  	s2 =	sor.u32 @!p0 s2, s5;
	s0 =	sshrl.u32 @!p0 s0, $0x3  }
0x2de: {  	s10 =	simm.s32 @!p0 $0x0;
	s5 =	sor.u32 @!p0 $0x400, s2;
	s0 =	sadd.s32 @!p0 s3, s0  }
0x2df: {  	[tilespmem:s5], [sflag:$0x7] =	stream.linear.gather @!p0 [hbm4b:s0+s10], $0x80, $0x38;
	[tilespmem:$0x1E400] =	vst v63  }
0x2e0: {  	s5 =	sor.u32 @!p0 $0x800, s2;
	s11 =	sadd.s32 @!p0 $0x80, s0  }
0x2e1: {  	[tilespmem:s5], [sflag:$0x7] =	stream.linear.gather @!p0 [hbm4b:s11+s10], $0x80, $0x38;
	[tilespmem:$0x1E400] =	vst v63  }
0x2e2: {  	s5 =	sor.u32 @!p0 $0xC00, s2;
	s11 =	sadd.s32 @!p0 $0x100, s0  }
0x2e3: {  	[tilespmem:s5], [sflag:$0x7] =	stream.linear.gather @!p0 [hbm4b:s11+s10], $0x80, $0x38;
	[tilespmem:$0x1E400] =	vst v63  }
0x2e4: {  	s5 =	sor.u32 @!p0 $0x1000, s2;
	s11 =	sadd.s32 @!p0 $0x180, s0  }
0x2e5: {  	[tilespmem:s5], [sflag:$0x7] =	stream.linear.gather @!p0 [hbm4b:s11+s10], $0x80, $0x38;
	[tilespmem:$0x1E400] =	vst v63  }
0x2e6: {  	s5 =	sor.u32 @!p0 $0x1400, s2;
	s11 =	sadd.s32 @!p0 $0x200, s0  }
0x2e7: {  	[tilespmem:s5], [sflag:$0x7] =	stream.linear.gather @!p0 [hbm4b:s11+s10], $0x80, $0x38;
	[tilespmem:$0x1E400] =	vst v63  }
0x2e8: {  	s5 =	sadd.s32 @!p0 $0x280, s0;
	s11 =	sor.u32 @!p0 $0x1800, s2  }
0x2e9: {  	[tilespmem:s11], [sflag:$0x7] =	stream.linear.gather @!p0 [hbm4b:s5+s10], $0x80, $0x38;
	[tilespmem:$0x1E400] =	vst v63  }
0x2ea: {  	s31 =	simm.s32 $0x79;
	s5 =	sadd.s32 @!p0 $0x300, s0;
	s11 =	sor.u32 @!p0 $0x1C00, s2  }
0x2eb: {  	[tilespmem:s11], [sflag:$0x7] =	stream.linear.gather @!p0 [hbm4b:s5+s10], $0x80, $0x38;
	[tilespmem:$0x1E400] =	vst v63  }
0x2ec: {  	s2 =	sadd.s32 @!p0 $0x2000, s2;
	s5 =	sadd.s32 @!p0 $0x380, s0;
	s0 =	simm.s32 @!p0 $0x7  }
0x2ed: {  	[tilespmem:s2], [sflag:$0x7] =	stream.linear.gather @!p0 [hbm4b:s5+s10], $0x80, $0x38;
	[tilespmem:$0x1E400] =	vst v63  }
0x2ee: {  	v3 =	vmov s31;
	_ =	swait.ge @!p0 [sflag:s0], $0x400  }
0x2ef: {  	s30 =	simm.s32 $0x7A;
	s29 =	simm.s32 $0x400;
	[sflag:s0] =	ssyncset.done @!p0 $0x0  }
.LBB2_15:
0x2f0: {  	[sflag:s0] =	ssyncadd.s32 @!p0 $0xFFFFFC00  }
0x2f1: {  	s28 =	sadd.s32 $0x80, s28;
	s31 =	smov.u32 s30;
	s30 =	sadd.s32 $0x1, s30  }
0x2f2: {  	p1 =	sne.s32 s30, $0xA0  }
0x2f3: {  	v3 =	vld.idx.msk [tilespmem:v3+s4+$0x0], $0xffff;
	_ =	sdelay $0x5  }
0x2f4: {  	(v2sf) =	vpush v3, $0x0;
	_ =	sdelay $0xe  }
0x2f5: {  	s0 =	spop (v2sf)  }
0x2f6: {  	p0 =	slt.s32 s0, $0x186A0  }
0x2f7: {  	s2 =	sshll.u32 @!p0 s0, $0xA;
	s0 =	sshll.u32 @!p0 s0, $0x7;
	s5 =	sand.u32 @!p0 $0x380, s28  }
0x2f8: {  	s10 =	sand.u32 @!p0 $0xE000, s29;
	s2 =	sand.u32 @!p0 $0xFFFFE000, s2;
	s0 =	sand.u32 @!p0 $0x380, s0  }
0x2f9: {  	s0 =	sor.u32 @!p0 s0, s2;
	s2 =	sor.u32 @!p0 s5, s10  }
0x2fa: {  	s0 =	sadd.s32 @!p0 $0xF9E58000, s0;
	s5 =	sor.u32 @!p0 $0x400, s2;
	s10 =	sor.u32 @!p0 $0x800, s2  }
0x2fb: {  	s11 =	sor.u32 @!p0 $0xC00, s2;
	s12 =	sor.u32 @!p0 $0x1000, s2;
	s0 =	sshrl.u32 @!p0 s0, $0x3  }
0x2fc: {  	s13 =	simm.s32 @!p0 $0x0;
	s14 =	sor.u32 @!p0 $0x1400, s2;
	s0 =	sadd.s32 @!p0 s3, s0  }
0x2fd: {  	[tilespmem:s5], [sflag:$0x7] =	stream.linear.gather @!p0 [hbm4b:s0+s13], $0x80, $0x38;
	[tilespmem:$0x1E400] =	vst v63  }
0x2fe: {  	s5 =	sadd.s32 @!p0 $0x80, s0;
	s15 =	sadd.s32 @!p0 $0x100, s0;
	s20 =	sadd.s32 @!p0 $0x180, s0  }
0x2ff: {  	[tilespmem:s10], [sflag:$0x7] =	stream.linear.gather @!p0 [hbm4b:s5+s13], $0x80, $0x38;
	[tilespmem:$0x1E400] =	vst v63  }
0x300: {  	s23 =	sadd.s32 @!p0 $0x300, s0;
	s5 =	sadd.s32 @!p0 $0x200, s0;
	s10 =	sadd.s32 @!p0 $0x280, s0  }
0x301: {  	[tilespmem:s11], [sflag:$0x7] =	stream.linear.gather @!p0 [hbm4b:s15+s13], $0x80, $0x38;
	[tilespmem:$0x1E400] =	vst v63  }
0x302: {  	s24 =	sadd.s32 @!p0 $0x380, s0;
	s11 =	sor.u32 @!p0 $0x1800, s2;
	s15 =	sor.u32 @!p0 $0x1C00, s2  }
0x303: {  	[tilespmem:s12], [sflag:$0x7] =	stream.linear.gather @!p0 [hbm4b:s20+s13], $0x80, $0x38;
	[tilespmem:$0x1E400] =	vst v63  }
0x304: {  	s2 =	sadd.s32 @!p0 $0x2000, s2  }
0x305: {  	[tilespmem:s14], [sflag:$0x7] =	stream.linear.gather @!p0 [hbm4b:s5+s13], $0x80, $0x38;
	[tilespmem:$0x1E400] =	vst v63  }
0x306: {  	_ = 	snop  }
0x307: {  	[tilespmem:s11], [sflag:$0x7] =	stream.linear.gather @!p0 [hbm4b:s10+s13], $0x80, $0x38;
	[tilespmem:$0x1E400] =	vst v63  }
0x308: {  	_ = 	snop  }
0x309: {  	[tilespmem:s15], [sflag:$0x7] =	stream.linear.gather @!p0 [hbm4b:s23+s13], $0x80, $0x38;
	[tilespmem:$0x1E400] =	vst v63  }
.Ltmp9:
0x30a: {  	_ = 	snop;
	(pc) =	sbr.rel @p1 .LBB2_15-.Ltmp9, $4  }
0x30b: {  	s0 =	simm.s32 @!p0 $0x7  }
0x30c: {  	v3 =	vmov s31;
	[tilespmem:s2], [sflag:$0x7] =	stream.linear.gather @!p0 [hbm4b:s24+s13], $0x80, $0x38;
	[tilespmem:$0x1E400] =	vst v63  }
0x30d: {  	_ =	swait.ge @!p0 [sflag:s0], $0x400  }
0x30e: {  	s29 =	sadd.s32 $0x400, s29;
	[sflag:s0] =	ssyncset.done @!p0 $0x0  }
0x30f: {  	_ =	sdelay $0x2  }
0x310: {  	[sflag:s0] =	ssyncadd.s32 @!p0 $0xFFFFFC00  }
0x311: {  	v3 =	vld.idx.msk [tilespmem:v3+s4+$0x0], $0xffff;
	_ =	sdelay $0x4  }
0x312: {  	(v2sf) =	vpush v3, $0x0;
	_ =	sdelay $0xe  }
0x313: {  	s0 =	spop (v2sf)  }
0x314: {  	p0 =	slt.s32 s0, $0x186A0  }
0x315: {  	s2 =	sshll.u32 @!p0 s0, $0xA;
	s0 =	sshll.u32 @!p0 s0, $0x7  }
0x316: {  	s2 =	sand.u32 @!p0 $0xFFFFE000, s2;
	s0 =	sand.u32 @!p0 $0x380, s0  }
0x317: {  	s5 =	sadd.s32 $0x80, s28;
	s0 =	sor.u32 @!p0 s0, s2  }
0x318: {  	s2 =	sand.u32 @!p0 $0x380, s5;
	s5 =	sand.u32 @!p0 $0xE000, s29;
	s0 =	sadd.s32 @!p0 $0xF9E58000, s0  }
0x319: {  	s2 =	sor.u32 @!p0 s2, s5;
	s0 =	sshrl.u32 @!p0 s0, $0x3  }
0x31a: {  	s10 =	simm.s32 @!p0 $0x0;
	s5 =	sor.u32 @!p0 $0x400, s2;
	s0 =	sadd.s32 @!p0 s3, s0  }
0x31b: {  	[tilespmem:s5], [sflag:$0x7] =	stream.linear.gather @!p0 [hbm4b:s0+s10], $0x80, $0x38;
	[tilespmem:$0x1E400] =	vst v63  }
0x31c: {  	s5 =	sor.u32 @!p0 $0x800, s2;
	s11 =	sadd.s32 @!p0 $0x80, s0  }
0x31d: {  	[tilespmem:s5], [sflag:$0x7] =	stream.linear.gather @!p0 [hbm4b:s11+s10], $0x80, $0x38;
	[tilespmem:$0x1E400] =	vst v63  }
0x31e: {  	s5 =	sor.u32 @!p0 $0xC00, s2;
	s11 =	sadd.s32 @!p0 $0x100, s0  }
0x31f: {  	[tilespmem:s5], [sflag:$0x7] =	stream.linear.gather @!p0 [hbm4b:s11+s10], $0x80, $0x38;
	[tilespmem:$0x1E400] =	vst v63  }
0x320: {  	s5 =	sor.u32 @!p0 $0x1000, s2;
	s11 =	sadd.s32 @!p0 $0x180, s0  }
0x321: {  	[tilespmem:s5], [sflag:$0x7] =	stream.linear.gather @!p0 [hbm4b:s11+s10], $0x80, $0x38;
	[tilespmem:$0x1E400] =	vst v63  }
0x322: {  	s5 =	sor.u32 @!p0 $0x1400, s2;
	s11 =	sadd.s32 @!p0 $0x200, s0  }
0x323: {  	[tilespmem:s5], [sflag:$0x7] =	stream.linear.gather @!p0 [hbm4b:s11+s10], $0x80, $0x38;
	[tilespmem:$0x1E400] =	vst v63  }
0x324: {  	s5 =	sadd.s32 @!p0 $0x280, s0;
	s11 =	sor.u32 @!p0 $0x1800, s2  }
0x325: {  	[tilespmem:s11], [sflag:$0x7] =	stream.linear.gather @!p0 [hbm4b:s5+s10], $0x80, $0x38;
	[tilespmem:$0x1E400] =	vst v63  }
0x326: {  	s5 =	sadd.s32 @!p0 $0x300, s0;
	s11 =	sor.u32 @!p0 $0x1C00, s2  }
0x327: {  	[tilespmem:s11], [sflag:$0x7] =	stream.linear.gather @!p0 [hbm4b:s5+s10], $0x80, $0x38;
	[tilespmem:$0x1E400] =	vst v63  }
0x328: {  	s0 =	sadd.s32 @!p0 $0x380, s0;
	s2 =	sadd.s32 @!p0 $0x2000, s2;
	s5 =	simm.s32 @!p0 $0x7  }
0x329: {  	[tilespmem:s2], [sflag:$0x7] =	stream.linear.gather @!p0 [hbm4b:s0+s10], $0x80, $0x38;
	[tilespmem:$0x1E400] =	vst v63  }
0x32a: {  	_ =	swait.ge @!p0 [sflag:s5], $0x400  }
0x32b: {  	[sflag:s5] =	ssyncset.done @!p0 $0x0  }
0x32c: {  	[sflag:s5] =	ssyncadd.s32 @!p0 $0xFFFFFC00  }
.LBB2_17:
0x32d: {  	s28 =	simm.s32 $0x0;
	s0 =	rddreg [dreg:$0x9]  }
0x32e: {  	[hbm4b:s0+s28] =	stream.linear.scatter [tilespmem:s26], [sflag:$0x4], $0xA000, $0x38;
	[tilespmem:$0x1E400] =	vst v63  }
0x32f: {  	_ =	swait.ge [sflag:s8], $0xA000  }
0x330: {  	[sflag:s8] =	ssyncset.done $0x0  }
0x331: {  	[sflag:s8] =	ssyncadd.s32 $0xFFFF6000  }
0x332: {  	v3 =	vld [tilespmem:$0x2C8];
	_ =	sdelay $0x4  }
0x333: {  	v4 =	vshll.u32 v3, $0x3  }
0x334: {  	v3 =	vand.u32 $0x7, v3;
	v4 =	vand.u32 $0xFFFFFFC0, v4  }
0x335: {  	v3 =	vor.u32 v3, v4  }
0x336: {  	v4 =	vperm.xlane v3, v0;
	_ =	sdelay $0x1  }
0x337: {  	v4 =	vadd.s32 v1, v4;
	_ =	sdelay $0x4  }
0x338: {  	[tilespmem:s16], [sflag:$0x3] =	stream.indirect_vreg.gather [hbm4b:s1+s28], $0x80, v4, vm0, $0xb8;
	[tilespmem:$0x1E400] =	vst v63  }
0x339: {  	s15 =	simm.s32 $0x14C00;
	v3 =	vperm.xlane v3, v2  }
0x33a: {  	[tilespmem:s15], [sflag:$0x3] =	stream.indirect_vreg.gather [hbm4b:s6+s28], $0x80, v4, vm0, $0xb8;
	[tilespmem:$0x1E400] =	vst v63  }
0x33b: {  	s20 =	simm.s32 $0x15400;
	v3 =	vadd.s32 v1, v3  }
0x33c: {  	[tilespmem:s20], [sflag:$0x3] =	stream.indirect_vreg.gather [hbm4b:s7+s28], $0x80, v4, vm0, $0xb8;
	[tilespmem:$0x1E400] =	vst v63  }
0x33d: {  	s23 =	simm.s32 $0x15C00  }
0x33e: {  	[tilespmem:s23], [sflag:$0x3] =	stream.indirect_vreg.gather [hbm4b:s9+s28], $0x80, v4, vm0, $0xb8;
	[tilespmem:$0x1E400] =	vst v63  }
0x33f: {  	s24 =	simm.s32 $0x16400  }
0x340: {  	[tilespmem:s24], [sflag:$0x3] =	stream.indirect_vreg.gather [hbm4b:s1+s28], $0x80, v3, vm0, $0xb8;
	[tilespmem:$0x1E400] =	vst v63  }
0x341: {  	s29 =	simm.s32 $0x16C00  }
0x342: {  	[tilespmem:s29], [sflag:$0x3] =	stream.indirect_vreg.gather [hbm4b:s6+s28], $0x80, v3, vm0, $0xb8;
	[tilespmem:$0x1E400] =	vst v63  }
0x343: {  	s30 =	simm.s32 $0x17400  }
0x344: {  	[tilespmem:s30], [sflag:$0x3] =	stream.indirect_vreg.gather [hbm4b:s7+s28], $0x80, v3, vm0, $0xb8;
	[tilespmem:$0x1E400] =	vst v63  }
0x345: {  	s31 =	simm.s32 $0x17C00  }
0x346: {  	[tilespmem:s31], [sflag:$0x3] =	stream.indirect_vreg.gather [hbm4b:s9+s28], $0x80, v3, vm0, $0xb8;
	[tilespmem:$0x1E400] =	vst v63  }
0x347: {  	v3 =	vld [tilespmem:$0x2D8];
	_ =	sdelay $0x4  }
0x348: {  	v61 =	vshll.u32 v3, $0x3  }
0x349: {  	v3 =	vand.u32 $0x7, v3;
	v4 =	vand.u32 $0xFFFFFFC0, v61  }
0x34a: {  	v3 =	vor.u32 v3, v4  }
0x34b: {  	v4 =	vperm.xlane v3, v0;
	_ =	sdelay $0x1  }
0x34c: {  	v4 =	vadd.s32 v1, v4;
	_ =	sdelay $0x3  }
0x34d: {  	s2 =	simm.s32 $0x18400  }
0x34e: {  	[tilespmem:s2], [sflag:$0x3] =	stream.indirect_vreg.gather [hbm4b:s1+s28], $0x80, v4, vm0, $0xb8;
	[tilespmem:$0x1E400] =	vst v63  }
0x34f: {  	s5 =	simm.s32 $0x18C00;
	v3 =	vperm.xlane v3, v2  }
0x350: {  	[tilespmem:s5], [sflag:$0x3] =	stream.indirect_vreg.gather [hbm4b:s6+s28], $0x80, v4, vm0, $0xb8;
	[tilespmem:$0x1E400] =	vst v63  }
0x351: {  	s10 =	simm.s32 $0x19400;
	v3 =	vadd.s32 v1, v3  }
0x352: {  	[tilespmem:s10], [sflag:$0x3] =	stream.indirect_vreg.gather [hbm4b:s7+s28], $0x80, v4, vm0, $0xb8;
	[tilespmem:$0x1E400] =	vst v63  }
0x353: {  	s11 =	simm.s32 $0x19C00  }
0x354: {  	[tilespmem:s11], [sflag:$0x3] =	stream.indirect_vreg.gather [hbm4b:s9+s28], $0x80, v4, vm0, $0xb8;
	[tilespmem:$0x1E400] =	vst v63  }
0x355: {  	s12 =	simm.s32 $0x1A400  }
0x356: {  	[tilespmem:s12], [sflag:$0x3] =	stream.indirect_vreg.gather [hbm4b:s1+s28], $0x80, v3, vm0, $0xb8;
	[tilespmem:$0x1E400] =	vst v63  }
0x357: {  	s13 =	simm.s32 $0x1AC00  }
0x358: {  	[tilespmem:s13], [sflag:$0x3] =	stream.indirect_vreg.gather [hbm4b:s6+s28], $0x80, v3, vm0, $0xb8;
	[tilespmem:$0x1E400] =	vst v63  }
0x359: {  	s14 =	simm.s32 $0x1B400  }
0x35a: {  	[tilespmem:s14], [sflag:$0x3] =	stream.indirect_vreg.gather [hbm4b:s7+s28], $0x80, v3, vm0, $0xb8;
	[tilespmem:$0x1E400] =	vst v63  }
0x35b: {  	s15 =	simm.s32 $0x1BC00  }
0x35c: {  	[tilespmem:s15], [sflag:$0x3] =	stream.indirect_vreg.gather [hbm4b:s9+s28], $0x80, v3, vm0, $0xb8;
	[tilespmem:$0x1E400] =	vst v63  }
0x35d: {  	v3 =	vld.msk [tilespmem:$0x2E8], $0xff;
	_ =	sdelay $0x4  }
0x35e: {  	v62 =	vshll.u32 v3, $0x3  }
0x35f: {  	v3 =	vand.u32 $0x7, v3;
	v4 =	vand.u32 $0xFFFFFFC0, v62  }
0x360: {  	v3 =	vor.u32 v3, v4  }
0x361: {  	v3 =	vperm.xlane v3, v0;
	_ =	sdelay $0x1  }
0x362: {  	v3 =	vadd.s32 v1, v3;
	_ =	sdelay $0x3  }
0x363: {  	s20 =	simm.s32 $0x1C400  }
0x364: {  	[tilespmem:s20], [sflag:$0x3] =	stream.indirect_vreg.gather [hbm4b:s1+s28], $0x80, v3, vm0, $0xb8;
	[tilespmem:$0x1E400] =	vst v63  }
0x365: {  	s23 =	simm.s32 $0x1CC00  }
0x366: {  	[tilespmem:s23], [sflag:$0x3] =	stream.indirect_vreg.gather [hbm4b:s6+s28], $0x80, v3, vm0, $0xb8;
	[tilespmem:$0x1E400] =	vst v63  }
0x367: {  	s24 =	simm.s32 $0x1D400  }
0x368: {  	[tilespmem:s24], [sflag:$0x3] =	stream.indirect_vreg.gather [hbm4b:s7+s28], $0x80, v3, vm0, $0xb8;
	[tilespmem:$0x1E400] =	vst v63  }
0x369: {  	s29 =	simm.s32 $0x1DC00  }
0x36a: {  	[tilespmem:s29], [sflag:$0x3] =	stream.indirect_vreg.gather [hbm4b:s9+s28], $0x80, v3, vm0, $0xb8;
	[tilespmem:$0x1E400] =	vst v63  }
0x36b: {  	_ =	swait.ge [sflag:s18], $0xA000  }
0x36c: {  	[sflag:s18] =	ssyncset.done $0x0  }
0x36d: {  	[sflag:s18] =	ssyncadd.s32 $0xFFFF6000  }
0x36e: {  	v3 =	vld [tilespmem:$0xA0]  }
0x36f: {  	v63 =	vld [tilespmem:$0xB0]  }
0x370: {  	v5 =	vld [tilespmem:$0xC0];
	_ =	sdelay $0x2  }
0x371: {  	vm1 =	vgt.s32 v3, $0x1869F  }
0x372: {  	v3 =	vmpcnt.ones.xlane vm1;
	vm1 =	vgt.s32 v63, $0x1869F  }
0x373: {  	v4 =	vmpcnt.ones.xlane vm1;
	vm1 =	vgt.s32 v5, $0x1869F  }
0x374: {  	(v2sf) =	vpush v3, $0x0;
	v3 =	vmpcnt.ones.xlane vm1  }
0x375: {  	(v2sf) =	vpush v4, $0x0  }
0x376: {  	(v2sf) =	vpush v3, $0x0;
	_ =	sdelay $0xc  }
0x377: {  	s30 =	spop (v2sf)  }
0x378: {  	s2 =	spop (v2sf)  }
0x379: {  	s0 =	sadd.s32 s30, s2;
	s31 =	spop (v2sf)  }
0x37a: {  	s0 =	sadd.s32 s31, s0  }
0x37b: {  	p0 =	slt.s32 s0, $0x1  }
.Ltmp10:
0x37c: {  	_ = 	snop;
	(pc) =	sbr.rel @p0 .LBB2_21-.Ltmp10, $2  }
0x37d: {  	_ =	sdelay $0x2  }
0x37e: {  	s0 =	simm.s32 $0xA0  }
0x37f: {  	v3 =	vmov s0;
	_ =	sdelay $0x4  }
0x380: {  	v3 =	vld.idx.msk [tilespmem:v3+s4+$0x0], $0xffff;
	_ =	sdelay $0x4  }
0x381: {  	(v2sf) =	vpush v3, $0x0;
	_ =	sdelay $0xe  }
0x382: {  	s0 =	spop (v2sf)  }
0x383: {  	p0 =	slt.s32 s0, $0x186A0  }
0x384: {  	s2 =	sshll.u32 @!p0 s0, $0xA;
	s0 =	sshll.u32 @!p0 s0, $0x7  }
0x385: {  	s2 =	sand.u32 @!p0 $0xFFFFE000, s2;
	s0 =	sand.u32 @!p0 $0x380, s0  }
0x386: {  	s0 =	sor.u32 @!p0 s0, s2  }
0x387: {  	s5 =	sand.u32 @!p0 $0xE000, s28;
	s2 =	sand.u32 @!p0 $0x380, s28;
	s0 =	sadd.s32 @!p0 $0xF9E58000, s0  }
0x388: {  	s2 =	sor.u32 @!p0 s2, s5;
	s0 =	sshrl.u32 @!p0 s0, $0x3  }
0x389: {  	s10 =	simm.s32 @!p0 $0x0;
	s5 =	sadd.s32 @!p0 $0xA400, s2;
	s0 =	sadd.s32 @!p0 s3, s0  }
0x38a: {  	[tilespmem:s5], [sflag:$0x7] =	stream.linear.gather @!p0 [hbm4b:s0+s10], $0x80, $0x38;
	[tilespmem:$0x1E400] =	vst v63  }
0x38b: {  	s5 =	sadd.s32 @!p0 $0xA800, s2;
	s11 =	sadd.s32 @!p0 $0x80, s0  }
0x38c: {  	[tilespmem:s5], [sflag:$0x7] =	stream.linear.gather @!p0 [hbm4b:s11+s10], $0x80, $0x38;
	[tilespmem:$0x1E400] =	vst v63  }
0x38d: {  	s5 =	sadd.s32 @!p0 $0xAC00, s2;
	s11 =	sadd.s32 @!p0 $0x100, s0  }
0x38e: {  	[tilespmem:s5], [sflag:$0x7] =	stream.linear.gather @!p0 [hbm4b:s11+s10], $0x80, $0x38;
	[tilespmem:$0x1E400] =	vst v63  }
0x38f: {  	s5 =	sadd.s32 @!p0 $0xB000, s2;
	s11 =	sadd.s32 @!p0 $0x180, s0  }
0x390: {  	[tilespmem:s5], [sflag:$0x7] =	stream.linear.gather @!p0 [hbm4b:s11+s10], $0x80, $0x38;
	[tilespmem:$0x1E400] =	vst v63  }
0x391: {  	s5 =	sadd.s32 @!p0 $0xB400, s2;
	s11 =	sadd.s32 @!p0 $0x200, s0  }
0x392: {  	[tilespmem:s5], [sflag:$0x7] =	stream.linear.gather @!p0 [hbm4b:s11+s10], $0x80, $0x38;
	[tilespmem:$0x1E400] =	vst v63  }
0x393: {  	s5 =	sadd.s32 @!p0 $0x280, s0;
	s11 =	sadd.s32 @!p0 $0xB800, s2  }
0x394: {  	[tilespmem:s11], [sflag:$0x7] =	stream.linear.gather @!p0 [hbm4b:s5+s10], $0x80, $0x38;
	[tilespmem:$0x1E400] =	vst v63  }
0x395: {  	s31 =	simm.s32 $0xA1;
	s5 =	sadd.s32 @!p0 $0x300, s0;
	s11 =	sadd.s32 @!p0 $0xBC00, s2  }
0x396: {  	[tilespmem:s11], [sflag:$0x7] =	stream.linear.gather @!p0 [hbm4b:s5+s10], $0x80, $0x38;
	[tilespmem:$0x1E400] =	vst v63  }
0x397: {  	s2 =	sadd.s32 @!p0 $0xC000, s2;
	s5 =	sadd.s32 @!p0 $0x380, s0;
	s0 =	simm.s32 @!p0 $0x7  }
0x398: {  	[tilespmem:s2], [sflag:$0x7] =	stream.linear.gather @!p0 [hbm4b:s5+s10], $0x80, $0x38;
	[tilespmem:$0x1E400] =	vst v63  }
0x399: {  	v3 =	vmov s31;
	_ =	swait.ge @!p0 [sflag:s0], $0x400  }
0x39a: {  	s30 =	simm.s32 $0xA2;
	s29 =	simm.s32 $0x400;
	[sflag:s0] =	ssyncset.done @!p0 $0x0  }
.LBB2_19:
0x39b: {  	[sflag:s0] =	ssyncadd.s32 @!p0 $0xFFFFFC00  }
0x39c: {  	s28 =	sadd.s32 $0x80, s28;
	s31 =	smov.u32 s30;
	s30 =	sadd.s32 $0x1, s30  }
0x39d: {  	p1 =	sne.s32 s30, $0xC8  }
0x39e: {  	v3 =	vld.idx.msk [tilespmem:v3+s4+$0x0], $0xffff;
	_ =	sdelay $0x5  }
0x39f: {  	(v2sf) =	vpush v3, $0x0;
	_ =	sdelay $0xe  }
0x3a0: {  	s0 =	spop (v2sf)  }
0x3a1: {  	p0 =	slt.s32 s0, $0x186A0  }
0x3a2: {  	s2 =	sshll.u32 @!p0 s0, $0xA;
	s0 =	sshll.u32 @!p0 s0, $0x7;
	s5 =	sand.u32 @!p0 $0x380, s28  }
0x3a3: {  	s10 =	sand.u32 @!p0 $0xE000, s29;
	s2 =	sand.u32 @!p0 $0xFFFFE000, s2;
	s0 =	sand.u32 @!p0 $0x380, s0  }
0x3a4: {  	s0 =	sor.u32 @!p0 s0, s2;
	s2 =	sor.u32 @!p0 s5, s10  }
0x3a5: {  	s0 =	sadd.s32 @!p0 $0xF9E58000, s0;
	s5 =	sadd.s32 @!p0 $0xA400, s2;
	s10 =	sadd.s32 @!p0 $0xA800, s2  }
0x3a6: {  	s11 =	sadd.s32 @!p0 $0xAC00, s2;
	s12 =	sadd.s32 @!p0 $0xB000, s2;
	s0 =	sshrl.u32 @!p0 s0, $0x3  }
0x3a7: {  	s13 =	simm.s32 @!p0 $0x0;
	s14 =	sadd.s32 @!p0 $0xB400, s2;
	s0 =	sadd.s32 @!p0 s3, s0  }
0x3a8: {  	[tilespmem:s5], [sflag:$0x7] =	stream.linear.gather @!p0 [hbm4b:s0+s13], $0x80, $0x38;
	[tilespmem:$0x1E400] =	vst v63  }
0x3a9: {  	s5 =	sadd.s32 @!p0 $0x80, s0;
	s15 =	sadd.s32 @!p0 $0x100, s0;
	s20 =	sadd.s32 @!p0 $0x180, s0  }
0x3aa: {  	[tilespmem:s10], [sflag:$0x7] =	stream.linear.gather @!p0 [hbm4b:s5+s13], $0x80, $0x38;
	[tilespmem:$0x1E400] =	vst v63  }
0x3ab: {  	s23 =	sadd.s32 @!p0 $0x300, s0;
	s5 =	sadd.s32 @!p0 $0x200, s0;
	s10 =	sadd.s32 @!p0 $0x280, s0  }
0x3ac: {  	[tilespmem:s11], [sflag:$0x7] =	stream.linear.gather @!p0 [hbm4b:s15+s13], $0x80, $0x38;
	[tilespmem:$0x1E400] =	vst v63  }
0x3ad: {  	s24 =	sadd.s32 @!p0 $0x380, s0;
	s11 =	sadd.s32 @!p0 $0xB800, s2;
	s15 =	sadd.s32 @!p0 $0xBC00, s2  }
0x3ae: {  	[tilespmem:s12], [sflag:$0x7] =	stream.linear.gather @!p0 [hbm4b:s20+s13], $0x80, $0x38;
	[tilespmem:$0x1E400] =	vst v63  }
0x3af: {  	s2 =	sadd.s32 @!p0 $0xC000, s2  }
0x3b0: {  	[tilespmem:s14], [sflag:$0x7] =	stream.linear.gather @!p0 [hbm4b:s5+s13], $0x80, $0x38;
	[tilespmem:$0x1E400] =	vst v63  }
0x3b1: {  	_ = 	snop  }
0x3b2: {  	[tilespmem:s11], [sflag:$0x7] =	stream.linear.gather @!p0 [hbm4b:s10+s13], $0x80, $0x38;
	[tilespmem:$0x1E400] =	vst v63  }
0x3b3: {  	_ = 	snop  }
0x3b4: {  	[tilespmem:s15], [sflag:$0x7] =	stream.linear.gather @!p0 [hbm4b:s23+s13], $0x80, $0x38;
	[tilespmem:$0x1E400] =	vst v63  }
.Ltmp11:
0x3b5: {  	_ = 	snop;
	(pc) =	sbr.rel @p1 .LBB2_19-.Ltmp11, $4  }
0x3b6: {  	s0 =	simm.s32 @!p0 $0x7  }
0x3b7: {  	v3 =	vmov s31;
	[tilespmem:s2], [sflag:$0x7] =	stream.linear.gather @!p0 [hbm4b:s24+s13], $0x80, $0x38;
	[tilespmem:$0x1E400] =	vst v63  }
0x3b8: {  	_ =	swait.ge @!p0 [sflag:s0], $0x400  }
0x3b9: {  	s29 =	sadd.s32 $0x400, s29;
	[sflag:s0] =	ssyncset.done @!p0 $0x0  }
0x3ba: {  	_ =	sdelay $0x2  }
0x3bb: {  	[sflag:s0] =	ssyncadd.s32 @!p0 $0xFFFFFC00  }
0x3bc: {  	v3 =	vld.idx.msk [tilespmem:v3+s4+$0x0], $0xffff;
	_ =	sdelay $0x4  }
0x3bd: {  	(v2sf) =	vpush v3, $0x0;
	_ =	sdelay $0xe  }
0x3be: {  	s0 =	spop (v2sf)  }
0x3bf: {  	p0 =	slt.s32 s0, $0x186A0  }
0x3c0: {  	s2 =	sshll.u32 @!p0 s0, $0xA;
	s0 =	sshll.u32 @!p0 s0, $0x7  }
0x3c1: {  	s2 =	sand.u32 @!p0 $0xFFFFE000, s2;
	s0 =	sand.u32 @!p0 $0x380, s0  }
0x3c2: {  	s5 =	sadd.s32 $0x80, s28;
	s0 =	sor.u32 @!p0 s0, s2  }
0x3c3: {  	s2 =	sand.u32 @!p0 $0x380, s5;
	s5 =	sand.u32 @!p0 $0xE000, s29;
	s0 =	sadd.s32 @!p0 $0xF9E58000, s0  }
0x3c4: {  	s2 =	sor.u32 @!p0 s2, s5;
	s0 =	sshrl.u32 @!p0 s0, $0x3  }
0x3c5: {  	s10 =	simm.s32 @!p0 $0x0;
	s5 =	sadd.s32 @!p0 $0xA400, s2;
	s0 =	sadd.s32 @!p0 s3, s0  }
0x3c6: {  	[tilespmem:s5], [sflag:$0x7] =	stream.linear.gather @!p0 [hbm4b:s0+s10], $0x80, $0x38;
	[tilespmem:$0x1E400] =	vst v63  }
0x3c7: {  	s5 =	sadd.s32 @!p0 $0xA800, s2;
	s11 =	sadd.s32 @!p0 $0x80, s0  }
0x3c8: {  	[tilespmem:s5], [sflag:$0x7] =	stream.linear.gather @!p0 [hbm4b:s11+s10], $0x80, $0x38;
	[tilespmem:$0x1E400] =	vst v63  }
0x3c9: {  	s5 =	sadd.s32 @!p0 $0xAC00, s2;
	s11 =	sadd.s32 @!p0 $0x100, s0  }
0x3ca: {  	[tilespmem:s5], [sflag:$0x7] =	stream.linear.gather @!p0 [hbm4b:s11+s10], $0x80, $0x38;
	[tilespmem:$0x1E400] =	vst v63  }
0x3cb: {  	s5 =	sadd.s32 @!p0 $0xB000, s2;
	s11 =	sadd.s32 @!p0 $0x180, s0  }
0x3cc: {  	[tilespmem:s5], [sflag:$0x7] =	stream.linear.gather @!p0 [hbm4b:s11+s10], $0x80, $0x38;
	[tilespmem:$0x1E400] =	vst v63  }
0x3cd: {  	s5 =	sadd.s32 @!p0 $0xB400, s2;
	s11 =	sadd.s32 @!p0 $0x200, s0  }
0x3ce: {  	[tilespmem:s5], [sflag:$0x7] =	stream.linear.gather @!p0 [hbm4b:s11+s10], $0x80, $0x38;
	[tilespmem:$0x1E400] =	vst v63  }
0x3cf: {  	s5 =	sadd.s32 @!p0 $0x280, s0;
	s11 =	sadd.s32 @!p0 $0xB800, s2  }
0x3d0: {  	[tilespmem:s11], [sflag:$0x7] =	stream.linear.gather @!p0 [hbm4b:s5+s10], $0x80, $0x38;
	[tilespmem:$0x1E400] =	vst v63  }
0x3d1: {  	s5 =	sadd.s32 @!p0 $0x300, s0;
	s11 =	sadd.s32 @!p0 $0xBC00, s2  }
0x3d2: {  	[tilespmem:s11], [sflag:$0x7] =	stream.linear.gather @!p0 [hbm4b:s5+s10], $0x80, $0x38;
	[tilespmem:$0x1E400] =	vst v63  }
0x3d3: {  	s0 =	sadd.s32 @!p0 $0x380, s0;
	s2 =	sadd.s32 @!p0 $0xC000, s2;
	s5 =	simm.s32 @!p0 $0x7  }
0x3d4: {  	[tilespmem:s2], [sflag:$0x7] =	stream.linear.gather @!p0 [hbm4b:s0+s10], $0x80, $0x38;
	[tilespmem:$0x1E400] =	vst v63  }
0x3d5: {  	_ =	swait.ge @!p0 [sflag:s5], $0x400  }
0x3d6: {  	[sflag:s5] =	ssyncset.done @!p0 $0x0  }
0x3d7: {  	[sflag:s5] =	ssyncadd.s32 @!p0 $0xFFFFFC00  }
.LBB2_21:
0x3d8: {  	s28 =	simm.s32 $0x0;
	s0 =	rddreg [dreg:$0xa];
	s2 =	simm.s32 $0xA400  }
0x3d9: {  	[hbm4b:s0+s28] =	stream.linear.scatter [tilespmem:s2], [sflag:$0x5], $0xA000, $0x38;
	[tilespmem:$0x1E400] =	vst v63  }
0x3da: {  	_ =	swait.ge [sflag:s19], $0xA000  }
0x3db: {  	[sflag:s19] =	ssyncset.done $0x0  }
0x3dc: {  	[sflag:s19] =	ssyncadd.s32 $0xFFFF6000  }
0x3dd: {  	v3 =	vld [tilespmem:$0x2F0];
	_ =	sdelay $0x4  }
0x3de: {  	v4 =	vshll.u32 v3, $0x3  }
0x3df: {  	v3 =	vand.u32 $0x7, v3;
	v4 =	vand.u32 $0xFFFFFFC0, v4  }
0x3e0: {  	v3 =	vor.u32 v3, v4  }
0x3e1: {  	v4 =	vperm.xlane v3, v0;
	_ =	sdelay $0x1  }
0x3e2: {  	v4 =	vadd.s32 v1, v4;
	_ =	sdelay $0x4  }
0x3e3: {  	[tilespmem:s26], [sflag:$0x1] =	stream.indirect_vreg.gather [hbm4b:s1+s28], $0x80, v4, vm0, $0xb8;
	[tilespmem:$0x1E400] =	vst v63  }
0x3e4: {  	s14 =	simm.s32 $0xC00;
	v3 =	vperm.xlane v3, v2  }
0x3e5: {  	[tilespmem:s14], [sflag:$0x1] =	stream.indirect_vreg.gather [hbm4b:s6+s28], $0x80, v4, vm0, $0xb8;
	[tilespmem:$0x1E400] =	vst v63  }
0x3e6: {  	s15 =	simm.s32 $0x1400;
	v3 =	vadd.s32 v1, v3  }
0x3e7: {  	[tilespmem:s15], [sflag:$0x1] =	stream.indirect_vreg.gather [hbm4b:s7+s28], $0x80, v4, vm0, $0xb8;
	[tilespmem:$0x1E400] =	vst v63  }
0x3e8: {  	s20 =	simm.s32 $0x1C00  }
0x3e9: {  	[tilespmem:s20], [sflag:$0x1] =	stream.indirect_vreg.gather [hbm4b:s9+s28], $0x80, v4, vm0, $0xb8;
	[tilespmem:$0x1E400] =	vst v63  }
0x3ea: {  	s23 =	simm.s32 $0x2400  }
0x3eb: {  	[tilespmem:s23], [sflag:$0x1] =	stream.indirect_vreg.gather [hbm4b:s1+s28], $0x80, v3, vm0, $0xb8;
	[tilespmem:$0x1E400] =	vst v63  }
0x3ec: {  	s24 =	simm.s32 $0x2C00  }
0x3ed: {  	[tilespmem:s24], [sflag:$0x1] =	stream.indirect_vreg.gather [hbm4b:s6+s28], $0x80, v3, vm0, $0xb8;
	[tilespmem:$0x1E400] =	vst v63  }
0x3ee: {  	s29 =	simm.s32 $0x3400  }
0x3ef: {  	[tilespmem:s29], [sflag:$0x1] =	stream.indirect_vreg.gather [hbm4b:s7+s28], $0x80, v3, vm0, $0xb8;
	[tilespmem:$0x1E400] =	vst v63  }
0x3f0: {  	s30 =	simm.s32 $0x3C00  }
0x3f1: {  	[tilespmem:s30], [sflag:$0x1] =	stream.indirect_vreg.gather [hbm4b:s9+s28], $0x80, v3, vm0, $0xb8;
	[tilespmem:$0x1E400] =	vst v63  }
0x3f2: {  	v3 =	vld [tilespmem:$0x300];
	_ =	sdelay $0x4  }
0x3f3: {  	v61 =	vshll.u32 v3, $0x3  }
0x3f4: {  	v3 =	vand.u32 $0x7, v3;
	v4 =	vand.u32 $0xFFFFFFC0, v61  }
0x3f5: {  	v3 =	vor.u32 v3, v4  }
0x3f6: {  	v4 =	vperm.xlane v3, v0;
	_ =	sdelay $0x1  }
0x3f7: {  	v4 =	vadd.s32 v1, v4;
	_ =	sdelay $0x3  }
0x3f8: {  	s31 =	simm.s32 $0x4400  }
0x3f9: {  	[tilespmem:s31], [sflag:$0x1] =	stream.indirect_vreg.gather [hbm4b:s1+s28], $0x80, v4, vm0, $0xb8;
	[tilespmem:$0x1E400] =	vst v63  }
0x3fa: {  	s2 =	simm.s32 $0x4C00;
	v3 =	vperm.xlane v3, v2  }
0x3fb: {  	[tilespmem:s2], [sflag:$0x1] =	stream.indirect_vreg.gather [hbm4b:s6+s28], $0x80, v4, vm0, $0xb8;
	[tilespmem:$0x1E400] =	vst v63  }
0x3fc: {  	s5 =	simm.s32 $0x5400;
	v3 =	vadd.s32 v1, v3  }
0x3fd: {  	[tilespmem:s5], [sflag:$0x1] =	stream.indirect_vreg.gather [hbm4b:s7+s28], $0x80, v4, vm0, $0xb8;
	[tilespmem:$0x1E400] =	vst v63  }
0x3fe: {  	s10 =	simm.s32 $0x5C00  }
0x3ff: {  	[tilespmem:s10], [sflag:$0x1] =	stream.indirect_vreg.gather [hbm4b:s9+s28], $0x80, v4, vm0, $0xb8;
	[tilespmem:$0x1E400] =	vst v63  }
0x400: {  	s11 =	simm.s32 $0x6400  }
0x401: {  	[tilespmem:s11], [sflag:$0x1] =	stream.indirect_vreg.gather [hbm4b:s1+s28], $0x80, v3, vm0, $0xb8;
	[tilespmem:$0x1E400] =	vst v63  }
0x402: {  	s12 =	simm.s32 $0x6C00  }
0x403: {  	[tilespmem:s12], [sflag:$0x1] =	stream.indirect_vreg.gather [hbm4b:s6+s28], $0x80, v3, vm0, $0xb8;
	[tilespmem:$0x1E400] =	vst v63  }
0x404: {  	s13 =	simm.s32 $0x7400  }
0x405: {  	[tilespmem:s13], [sflag:$0x1] =	stream.indirect_vreg.gather [hbm4b:s7+s28], $0x80, v3, vm0, $0xb8;
	[tilespmem:$0x1E400] =	vst v63  }
0x406: {  	s14 =	simm.s32 $0x7C00  }
0x407: {  	[tilespmem:s14], [sflag:$0x1] =	stream.indirect_vreg.gather [hbm4b:s9+s28], $0x80, v3, vm0, $0xb8;
	[tilespmem:$0x1E400] =	vst v63  }
0x408: {  	v3 =	vld.msk [tilespmem:$0x310], $0xff;
	_ =	sdelay $0x4  }
0x409: {  	v62 =	vshll.u32 v3, $0x3  }
0x40a: {  	v3 =	vand.u32 $0x7, v3;
	v4 =	vand.u32 $0xFFFFFFC0, v62  }
0x40b: {  	v3 =	vor.u32 v3, v4  }
0x40c: {  	v3 =	vperm.xlane v3, v0;
	_ =	sdelay $0x1  }
0x40d: {  	v3 =	vadd.s32 v1, v3;
	_ =	sdelay $0x3  }
0x40e: {  	s15 =	simm.s32 $0x8400  }
0x40f: {  	[tilespmem:s15], [sflag:$0x1] =	stream.indirect_vreg.gather [hbm4b:s1+s28], $0x80, v3, vm0, $0xb8;
	[tilespmem:$0x1E400] =	vst v63  }
0x410: {  	s20 =	simm.s32 $0x8C00  }
0x411: {  	[tilespmem:s20], [sflag:$0x1] =	stream.indirect_vreg.gather [hbm4b:s6+s28], $0x80, v3, vm0, $0xb8;
	[tilespmem:$0x1E400] =	vst v63  }
0x412: {  	s23 =	simm.s32 $0x9400  }
0x413: {  	[tilespmem:s23], [sflag:$0x1] =	stream.indirect_vreg.gather [hbm4b:s7+s28], $0x80, v3, vm0, $0xb8;
	[tilespmem:$0x1E400] =	vst v63  }
0x414: {  	s24 =	simm.s32 $0x9C00  }
0x415: {  	[tilespmem:s24], [sflag:$0x1] =	stream.indirect_vreg.gather [hbm4b:s9+s28], $0x80, v3, vm0, $0xb8;
	[tilespmem:$0x1E400] =	vst v63  }
0x416: {  	_ =	swait.ge [sflag:s21], $0xA000  }
0x417: {  	[sflag:s21] =	ssyncset.done $0x0  }
0x418: {  	[sflag:s21] =	ssyncadd.s32 $0xFFFF6000  }
0x419: {  	v3 =	vld [tilespmem:$0xC0]  }
0x41a: {  	v63 =	vld [tilespmem:$0xD0]  }
0x41b: {  	v5 =	vld [tilespmem:$0xE0];
	_ =	sdelay $0x2  }
0x41c: {  	vm1 =	vgt.s32 v3, $0x1869F  }
0x41d: {  	v3 =	vmpcnt.ones.xlane vm1;
	vm1 =	vgt.s32 v63, $0x1869F  }
0x41e: {  	v4 =	vmpcnt.ones.xlane vm1;
	vm1 =	vgt.s32 v5, $0x1869F  }
0x41f: {  	(v2sf) =	vpush v3, $0x0;
	v3 =	vmpcnt.ones.xlane vm1  }
0x420: {  	(v2sf) =	vpush v4, $0x0  }
0x421: {  	(v2sf) =	vpush v3, $0x0;
	_ =	sdelay $0xc  }
0x422: {  	s29 =	spop (v2sf)  }
0x423: {  	s30 =	spop (v2sf)  }
0x424: {  	s0 =	sadd.s32 s29, s30;
	s31 =	spop (v2sf)  }
0x425: {  	s0 =	sadd.s32 s31, s0  }
0x426: {  	p0 =	slt.s32 s0, $0x1  }
.Ltmp12:
0x427: {  	_ = 	snop;
	(pc) =	sbr.rel @p0 .LBB2_25-.Ltmp12, $2  }
0x428: {  	_ =	sdelay $0x2  }
0x429: {  	s0 =	simm.s32 $0xC8  }
0x42a: {  	v3 =	vmov s0;
	_ =	sdelay $0x4  }
0x42b: {  	v3 =	vld.idx.msk [tilespmem:v3+s4+$0x0], $0xffff;
	_ =	sdelay $0x4  }
0x42c: {  	(v2sf) =	vpush v3, $0x0;
	_ =	sdelay $0xe  }
0x42d: {  	s0 =	spop (v2sf)  }
0x42e: {  	p0 =	slt.s32 s0, $0x186A0  }
0x42f: {  	s2 =	sshll.u32 @!p0 s0, $0xA;
	s0 =	sshll.u32 @!p0 s0, $0x7  }
0x430: {  	s2 =	sand.u32 @!p0 $0xFFFFE000, s2;
	s0 =	sand.u32 @!p0 $0x380, s0  }
0x431: {  	s0 =	sor.u32 @!p0 s0, s2  }
0x432: {  	s5 =	sand.u32 @!p0 $0xE000, s28;
	s2 =	sand.u32 @!p0 $0x380, s28;
	s0 =	sadd.s32 @!p0 $0xF9E58000, s0  }
0x433: {  	s2 =	sor.u32 @!p0 s2, s5;
	s0 =	sshrl.u32 @!p0 s0, $0x3  }
0x434: {  	s5 =	simm.s32 @!p0 $0x0;
	s2 =	sadd.s32 @!p0 $0x14400, s2;
	s0 =	sadd.s32 @!p0 s3, s0  }
0x435: {  	[tilespmem:s2], [sflag:$0x7] =	stream.linear.gather @!p0 [hbm4b:s0+s5], $0x80, $0x38;
	[tilespmem:$0x1E400] =	vst v63  }
0x436: {  	s10 =	sadd.s32 @!p0 $0x400, s2;
	s11 =	sadd.s32 @!p0 $0x80, s0  }
0x437: {  	[tilespmem:s10], [sflag:$0x7] =	stream.linear.gather @!p0 [hbm4b:s11+s5], $0x80, $0x38;
	[tilespmem:$0x1E400] =	vst v63  }
0x438: {  	s10 =	sor.u32 @!p0 $0x800, s2;
	s11 =	sadd.s32 @!p0 $0x100, s0  }
0x439: {  	[tilespmem:s10], [sflag:$0x7] =	stream.linear.gather @!p0 [hbm4b:s11+s5], $0x80, $0x38;
	[tilespmem:$0x1E400] =	vst v63  }
0x43a: {  	s10 =	sadd.s32 @!p0 $0xC00, s2;
	s11 =	sadd.s32 @!p0 $0x180, s0  }
0x43b: {  	[tilespmem:s10], [sflag:$0x7] =	stream.linear.gather @!p0 [hbm4b:s11+s5], $0x80, $0x38;
	[tilespmem:$0x1E400] =	vst v63  }
0x43c: {  	s10 =	sadd.s32 @!p0 $0x200, s0;
	s11 =	sor.u32 @!p0 $0x1000, s2  }
0x43d: {  	[tilespmem:s11], [sflag:$0x7] =	stream.linear.gather @!p0 [hbm4b:s10+s5], $0x80, $0x38;
	[tilespmem:$0x1E400] =	vst v63  }
0x43e: {  	s10 =	sadd.s32 @!p0 $0x280, s0;
	s11 =	sadd.s32 @!p0 $0x1400, s2  }
0x43f: {  	[tilespmem:s11], [sflag:$0x7] =	stream.linear.gather @!p0 [hbm4b:s10+s5], $0x80, $0x38;
	[tilespmem:$0x1E400] =	vst v63  }
0x440: {  	s31 =	simm.s32 $0xC9;
	s10 =	sadd.s32 @!p0 $0x300, s0;
	s11 =	sor.u32 @!p0 $0x1800, s2  }
0x441: {  	[tilespmem:s11], [sflag:$0x7] =	stream.linear.gather @!p0 [hbm4b:s10+s5], $0x80, $0x38;
	[tilespmem:$0x1E400] =	vst v63  }
0x442: {  	s2 =	sadd.s32 @!p0 $0x1C00, s2;
	s10 =	sadd.s32 @!p0 $0x380, s0;
	s0 =	simm.s32 @!p0 $0x7  }
0x443: {  	[tilespmem:s2], [sflag:$0x7] =	stream.linear.gather @!p0 [hbm4b:s10+s5], $0x80, $0x38;
	[tilespmem:$0x1E400] =	vst v63  }
0x444: {  	v3 =	vmov s31;
	_ =	swait.ge @!p0 [sflag:s0], $0x400  }
0x445: {  	s30 =	simm.s32 $0xCA;
	s29 =	simm.s32 $0x400;
	[sflag:s0] =	ssyncset.done @!p0 $0x0  }
.LBB2_23:
0x446: {  	[sflag:s0] =	ssyncadd.s32 @!p0 $0xFFFFFC00  }
0x447: {  	s28 =	sadd.s32 $0x80, s28;
	s31 =	smov.u32 s30;
	s30 =	sadd.s32 $0x1, s30  }
0x448: {  	p1 =	sne.s32 s30, $0xF0  }
0x449: {  	v3 =	vld.idx.msk [tilespmem:v3+s4+$0x0], $0xffff;
	_ =	sdelay $0x5  }
0x44a: {  	(v2sf) =	vpush v3, $0x0;
	_ =	sdelay $0xe  }
0x44b: {  	s0 =	spop (v2sf)  }
0x44c: {  	p0 =	slt.s32 s0, $0x186A0  }
0x44d: {  	s2 =	sshll.u32 @!p0 s0, $0xA;
	s0 =	sshll.u32 @!p0 s0, $0x7;
	s5 =	sand.u32 @!p0 $0x380, s28  }
0x44e: {  	s10 =	sand.u32 @!p0 $0xE000, s29;
	s2 =	sand.u32 @!p0 $0xFFFFE000, s2;
	s0 =	sand.u32 @!p0 $0x380, s0  }
0x44f: {  	s0 =	sor.u32 @!p0 s0, s2;
	s2 =	sor.u32 @!p0 s5, s10  }
0x450: {  	s0 =	sadd.s32 @!p0 $0xF9E58000, s0;
	s2 =	sadd.s32 @!p0 $0x14400, s2  }
0x451: {  	s0 =	sshrl.u32 @!p0 s0, $0x3;
	s5 =	sadd.s32 @!p0 $0x400, s2;
	s10 =	sor.u32 @!p0 $0x800, s2  }
0x452: {  	s11 =	simm.s32 @!p0 $0x0;
	s12 =	sadd.s32 @!p0 $0xC00, s2;
	s0 =	sadd.s32 @!p0 s3, s0  }
0x453: {  	[tilespmem:s2], [sflag:$0x7] =	stream.linear.gather @!p0 [hbm4b:s0+s11], $0x80, $0x38;
	[tilespmem:$0x1E400] =	vst v63  }
0x454: {  	s13 =	sadd.s32 @!p0 $0x80, s0;
	s14 =	sadd.s32 @!p0 $0x100, s0;
	s15 =	sadd.s32 @!p0 $0x180, s0  }
0x455: {  	[tilespmem:s5], [sflag:$0x7] =	stream.linear.gather @!p0 [hbm4b:s13+s11], $0x80, $0x38;
	[tilespmem:$0x1E400] =	vst v63  }
0x456: {  	s20 =	sadd.s32 @!p0 $0x280, s0;
	s5 =	sadd.s32 @!p0 $0x200, s0;
	s13 =	sor.u32 @!p0 $0x1000, s2  }
0x457: {  	[tilespmem:s10], [sflag:$0x7] =	stream.linear.gather @!p0 [hbm4b:s14+s11], $0x80, $0x38;
	[tilespmem:$0x1E400] =	vst v63  }
0x458: {  	s23 =	sor.u32 @!p0 $0x1800, s2;
	s10 =	sadd.s32 @!p0 $0x1400, s2;
	s14 =	sadd.s32 @!p0 $0x300, s0  }
0x459: {  	[tilespmem:s12], [sflag:$0x7] =	stream.linear.gather @!p0 [hbm4b:s15+s11], $0x80, $0x38;
	[tilespmem:$0x1E400] =	vst v63  }
0x45a: {  	s2 =	sadd.s32 @!p0 $0x1C00, s2;
	s12 =	sadd.s32 @!p0 $0x380, s0  }
0x45b: {  	[tilespmem:s13], [sflag:$0x7] =	stream.linear.gather @!p0 [hbm4b:s5+s11], $0x80, $0x38;
	[tilespmem:$0x1E400] =	vst v63  }
0x45c: {  	_ = 	snop  }
0x45d: {  	[tilespmem:s10], [sflag:$0x7] =	stream.linear.gather @!p0 [hbm4b:s20+s11], $0x80, $0x38;
	[tilespmem:$0x1E400] =	vst v63  }
0x45e: {  	_ = 	snop  }
0x45f: {  	[tilespmem:s23], [sflag:$0x7] =	stream.linear.gather @!p0 [hbm4b:s14+s11], $0x80, $0x38;
	[tilespmem:$0x1E400] =	vst v63  }
.Ltmp13:
0x460: {  	_ = 	snop;
	(pc) =	sbr.rel @p1 .LBB2_23-.Ltmp13, $4  }
0x461: {  	s0 =	simm.s32 @!p0 $0x7  }
0x462: {  	v3 =	vmov s31;
	[tilespmem:s2], [sflag:$0x7] =	stream.linear.gather @!p0 [hbm4b:s12+s11], $0x80, $0x38;
	[tilespmem:$0x1E400] =	vst v63  }
0x463: {  	_ =	swait.ge @!p0 [sflag:s0], $0x400  }
0x464: {  	s29 =	sadd.s32 $0x400, s29;
	[sflag:s0] =	ssyncset.done @!p0 $0x0  }
0x465: {  	_ =	sdelay $0x2  }
0x466: {  	[sflag:s0] =	ssyncadd.s32 @!p0 $0xFFFFFC00  }
0x467: {  	v3 =	vld.idx.msk [tilespmem:v3+s4+$0x0], $0xffff;
	_ =	sdelay $0x4  }
0x468: {  	(v2sf) =	vpush v3, $0x0;
	_ =	sdelay $0xe  }
0x469: {  	s0 =	spop (v2sf)  }
0x46a: {  	p0 =	slt.s32 s0, $0x186A0  }
0x46b: {  	s2 =	sshll.u32 @!p0 s0, $0xA;
	s0 =	sshll.u32 @!p0 s0, $0x7  }
0x46c: {  	s2 =	sand.u32 @!p0 $0xFFFFE000, s2;
	s0 =	sand.u32 @!p0 $0x380, s0  }
0x46d: {  	s5 =	sadd.s32 $0x80, s28;
	s0 =	sor.u32 @!p0 s0, s2  }
0x46e: {  	s2 =	sand.u32 @!p0 $0x380, s5;
	s5 =	sand.u32 @!p0 $0xE000, s29;
	s0 =	sadd.s32 @!p0 $0xF9E58000, s0  }
0x46f: {  	s2 =	sor.u32 @!p0 s2, s5;
	s0 =	sshrl.u32 @!p0 s0, $0x3  }
0x470: {  	s5 =	simm.s32 @!p0 $0x0;
	s2 =	sadd.s32 @!p0 $0x14400, s2;
	s0 =	sadd.s32 @!p0 s3, s0  }
0x471: {  	[tilespmem:s2], [sflag:$0x7] =	stream.linear.gather @!p0 [hbm4b:s0+s5], $0x80, $0x38;
	[tilespmem:$0x1E400] =	vst v63  }
0x472: {  	s10 =	sadd.s32 @!p0 $0x400, s2;
	s11 =	sadd.s32 @!p0 $0x80, s0  }
0x473: {  	[tilespmem:s10], [sflag:$0x7] =	stream.linear.gather @!p0 [hbm4b:s11+s5], $0x80, $0x38;
	[tilespmem:$0x1E400] =	vst v63  }
0x474: {  	s10 =	sor.u32 @!p0 $0x800, s2;
	s11 =	sadd.s32 @!p0 $0x100, s0  }
0x475: {  	[tilespmem:s10], [sflag:$0x7] =	stream.linear.gather @!p0 [hbm4b:s11+s5], $0x80, $0x38;
	[tilespmem:$0x1E400] =	vst v63  }
0x476: {  	s10 =	sadd.s32 @!p0 $0xC00, s2;
	s11 =	sadd.s32 @!p0 $0x180, s0  }
0x477: {  	[tilespmem:s10], [sflag:$0x7] =	stream.linear.gather @!p0 [hbm4b:s11+s5], $0x80, $0x38;
	[tilespmem:$0x1E400] =	vst v63  }
0x478: {  	s10 =	sadd.s32 @!p0 $0x200, s0;
	s11 =	sor.u32 @!p0 $0x1000, s2  }
0x479: {  	[tilespmem:s11], [sflag:$0x7] =	stream.linear.gather @!p0 [hbm4b:s10+s5], $0x80, $0x38;
	[tilespmem:$0x1E400] =	vst v63  }
0x47a: {  	s10 =	sadd.s32 @!p0 $0x280, s0;
	s11 =	sadd.s32 @!p0 $0x1400, s2  }
0x47b: {  	[tilespmem:s11], [sflag:$0x7] =	stream.linear.gather @!p0 [hbm4b:s10+s5], $0x80, $0x38;
	[tilespmem:$0x1E400] =	vst v63  }
0x47c: {  	s10 =	sadd.s32 @!p0 $0x300, s0;
	s11 =	sor.u32 @!p0 $0x1800, s2  }
0x47d: {  	[tilespmem:s11], [sflag:$0x7] =	stream.linear.gather @!p0 [hbm4b:s10+s5], $0x80, $0x38;
	[tilespmem:$0x1E400] =	vst v63  }
0x47e: {  	s0 =	sadd.s32 @!p0 $0x380, s0;
	s2 =	sadd.s32 @!p0 $0x1C00, s2;
	s10 =	simm.s32 @!p0 $0x7  }
0x47f: {  	[tilespmem:s2], [sflag:$0x7] =	stream.linear.gather @!p0 [hbm4b:s0+s5], $0x80, $0x38;
	[tilespmem:$0x1E400] =	vst v63  }
0x480: {  	_ =	swait.ge @!p0 [sflag:s10], $0x400  }
0x481: {  	[sflag:s10] =	ssyncset.done @!p0 $0x0  }
0x482: {  	[sflag:s10] =	ssyncadd.s32 @!p0 $0xFFFFFC00  }
.LBB2_25:
0x483: {  	s28 =	simm.s32 $0x0;
	s0 =	rddreg [dreg:$0xb]  }
0x484: {  	[hbm4b:s0+s28] =	stream.linear.scatter [tilespmem:s16], [sflag:$0x6], $0xA000, $0x38;
	[tilespmem:$0x1E400] =	vst v63  }
0x485: {  	_ =	swait.ge [sflag:s22], $0xA000  }
0x486: {  	[sflag:s22] =	ssyncset.done $0x0  }
0x487: {  	[sflag:s22] =	ssyncadd.s32 $0xFFFF6000  }
0x488: {  	v3 =	vld [tilespmem:$0x318];
	_ =	sdelay $0x4  }
0x489: {  	v4 =	vshll.u32 v3, $0x3  }
0x48a: {  	v3 =	vand.u32 $0x7, v3;
	v4 =	vand.u32 $0xFFFFFFC0, v4  }
0x48b: {  	v3 =	vor.u32 v3, v4  }
0x48c: {  	v4 =	vperm.xlane v3, v0;
	_ =	sdelay $0x1  }
0x48d: {  	v4 =	vadd.s32 v1, v4;
	_ =	sdelay $0x3  }
0x48e: {  	s14 =	simm.s32 $0xA400  }
0x48f: {  	[tilespmem:s14], [sflag:$0x2] =	stream.indirect_vreg.gather [hbm4b:s1+s28], $0x80, v4, vm0, $0xb8;
	[tilespmem:$0x1E400] =	vst v63  }
0x490: {  	s15 =	simm.s32 $0xAC00;
	v3 =	vperm.xlane v3, v2  }
0x491: {  	[tilespmem:s15], [sflag:$0x2] =	stream.indirect_vreg.gather [hbm4b:s6+s28], $0x80, v4, vm0, $0xb8;
	[tilespmem:$0x1E400] =	vst v63  }
0x492: {  	s20 =	simm.s32 $0xB400;
	v3 =	vadd.s32 v1, v3  }
0x493: {  	[tilespmem:s20], [sflag:$0x2] =	stream.indirect_vreg.gather [hbm4b:s7+s28], $0x80, v4, vm0, $0xb8;
	[tilespmem:$0x1E400] =	vst v63  }
0x494: {  	s23 =	simm.s32 $0xBC00  }
0x495: {  	[tilespmem:s23], [sflag:$0x2] =	stream.indirect_vreg.gather [hbm4b:s9+s28], $0x80, v4, vm0, $0xb8;
	[tilespmem:$0x1E400] =	vst v63  }
0x496: {  	s24 =	simm.s32 $0xC400  }
0x497: {  	[tilespmem:s24], [sflag:$0x2] =	stream.indirect_vreg.gather [hbm4b:s1+s28], $0x80, v3, vm0, $0xb8;
	[tilespmem:$0x1E400] =	vst v63  }
0x498: {  	s29 =	simm.s32 $0xCC00  }
0x499: {  	[tilespmem:s29], [sflag:$0x2] =	stream.indirect_vreg.gather [hbm4b:s6+s28], $0x80, v3, vm0, $0xb8;
	[tilespmem:$0x1E400] =	vst v63  }
0x49a: {  	s30 =	simm.s32 $0xD400  }
0x49b: {  	[tilespmem:s30], [sflag:$0x2] =	stream.indirect_vreg.gather [hbm4b:s7+s28], $0x80, v3, vm0, $0xb8;
	[tilespmem:$0x1E400] =	vst v63  }
0x49c: {  	s31 =	simm.s32 $0xDC00  }
0x49d: {  	[tilespmem:s31], [sflag:$0x2] =	stream.indirect_vreg.gather [hbm4b:s9+s28], $0x80, v3, vm0, $0xb8;
	[tilespmem:$0x1E400] =	vst v63  }
0x49e: {  	v3 =	vld [tilespmem:$0x328];
	_ =	sdelay $0x4  }
0x49f: {  	v61 =	vshll.u32 v3, $0x3  }
0x4a0: {  	v3 =	vand.u32 $0x7, v3;
	v4 =	vand.u32 $0xFFFFFFC0, v61  }
0x4a1: {  	v3 =	vor.u32 v3, v4  }
0x4a2: {  	v4 =	vperm.xlane v3, v0;
	_ =	sdelay $0x1  }
0x4a3: {  	v4 =	vadd.s32 v1, v4;
	_ =	sdelay $0x3  }
0x4a4: {  	s2 =	simm.s32 $0xE400  }
0x4a5: {  	[tilespmem:s2], [sflag:$0x2] =	stream.indirect_vreg.gather [hbm4b:s1+s28], $0x80, v4, vm0, $0xb8;
	[tilespmem:$0x1E400] =	vst v63  }
0x4a6: {  	s5 =	simm.s32 $0xEC00;
	v3 =	vperm.xlane v3, v2  }
0x4a7: {  	[tilespmem:s5], [sflag:$0x2] =	stream.indirect_vreg.gather [hbm4b:s6+s28], $0x80, v4, vm0, $0xb8;
	[tilespmem:$0x1E400] =	vst v63  }
0x4a8: {  	s10 =	simm.s32 $0xF400;
	v3 =	vadd.s32 v1, v3  }
0x4a9: {  	[tilespmem:s10], [sflag:$0x2] =	stream.indirect_vreg.gather [hbm4b:s7+s28], $0x80, v4, vm0, $0xb8;
	[tilespmem:$0x1E400] =	vst v63  }
0x4aa: {  	s11 =	simm.s32 $0xFC00  }
0x4ab: {  	[tilespmem:s11], [sflag:$0x2] =	stream.indirect_vreg.gather [hbm4b:s9+s28], $0x80, v4, vm0, $0xb8;
	[tilespmem:$0x1E400] =	vst v63  }
0x4ac: {  	s12 =	simm.s32 $0x10400  }
0x4ad: {  	[tilespmem:s12], [sflag:$0x2] =	stream.indirect_vreg.gather [hbm4b:s1+s28], $0x80, v3, vm0, $0xb8;
	[tilespmem:$0x1E400] =	vst v63  }
0x4ae: {  	s13 =	simm.s32 $0x10C00  }
0x4af: {  	[tilespmem:s13], [sflag:$0x2] =	stream.indirect_vreg.gather [hbm4b:s6+s28], $0x80, v3, vm0, $0xb8;
	[tilespmem:$0x1E400] =	vst v63  }
0x4b0: {  	s14 =	simm.s32 $0x11400  }
0x4b1: {  	[tilespmem:s14], [sflag:$0x2] =	stream.indirect_vreg.gather [hbm4b:s7+s28], $0x80, v3, vm0, $0xb8;
	[tilespmem:$0x1E400] =	vst v63  }
0x4b2: {  	s15 =	simm.s32 $0x11C00  }
0x4b3: {  	[tilespmem:s15], [sflag:$0x2] =	stream.indirect_vreg.gather [hbm4b:s9+s28], $0x80, v3, vm0, $0xb8;
	[tilespmem:$0x1E400] =	vst v63  }
0x4b4: {  	v3 =	vld.msk [tilespmem:$0x338], $0xff;
	_ =	sdelay $0x4  }
0x4b5: {  	v62 =	vshll.u32 v3, $0x3  }
0x4b6: {  	v3 =	vand.u32 $0x7, v3;
	v4 =	vand.u32 $0xFFFFFFC0, v62  }
0x4b7: {  	v3 =	vor.u32 v3, v4  }
0x4b8: {  	v3 =	vperm.xlane v3, v0;
	_ =	sdelay $0x1  }
0x4b9: {  	v3 =	vadd.s32 v1, v3;
	_ =	sdelay $0x3  }
0x4ba: {  	s20 =	simm.s32 $0x12400  }
0x4bb: {  	[tilespmem:s20], [sflag:$0x2] =	stream.indirect_vreg.gather [hbm4b:s1+s28], $0x80, v3, vm0, $0xb8;
	[tilespmem:$0x1E400] =	vst v63  }
0x4bc: {  	s23 =	simm.s32 $0x12C00  }
0x4bd: {  	[tilespmem:s23], [sflag:$0x2] =	stream.indirect_vreg.gather [hbm4b:s6+s28], $0x80, v3, vm0, $0xb8;
	[tilespmem:$0x1E400] =	vst v63  }
0x4be: {  	s24 =	simm.s32 $0x13400  }
0x4bf: {  	[tilespmem:s24], [sflag:$0x2] =	stream.indirect_vreg.gather [hbm4b:s7+s28], $0x80, v3, vm0, $0xb8;
	[tilespmem:$0x1E400] =	vst v63  }
0x4c0: {  	s29 =	simm.s32 $0x13C00  }
0x4c1: {  	[tilespmem:s29], [sflag:$0x2] =	stream.indirect_vreg.gather [hbm4b:s9+s28], $0x80, v3, vm0, $0xb8;
	[tilespmem:$0x1E400] =	vst v63  }
0x4c2: {  	_ =	swait.ge [sflag:s25], $0xA000  }
0x4c3: {  	[sflag:s25] =	ssyncset.done $0x0  }
0x4c4: {  	[sflag:s25] =	ssyncadd.s32 $0xFFFF6000  }
0x4c5: {  	v3 =	vld [tilespmem:$0xF0]  }
0x4c6: {  	v63 =	vld [tilespmem:$0x100]  }
0x4c7: {  	v5 =	vld [tilespmem:$0x110];
	_ =	sdelay $0x2  }
0x4c8: {  	vm1 =	vgt.s32 v3, $0x1869F  }
0x4c9: {  	v3 =	vmpcnt.ones.xlane vm1;
	vm1 =	vgt.s32 v63, $0x1869F  }
0x4ca: {  	v4 =	vmpcnt.ones.xlane vm1;
	vm1 =	vgt.s32 v5, $0x1869F  }
0x4cb: {  	(v2sf) =	vpush v3, $0x0;
	v3 =	vmpcnt.ones.xlane vm1  }
0x4cc: {  	(v2sf) =	vpush v4, $0x0  }
0x4cd: {  	(v2sf) =	vpush v3, $0x0;
	_ =	sdelay $0xc  }
0x4ce: {  	s30 =	spop (v2sf)  }
0x4cf: {  	s2 =	spop (v2sf)  }
0x4d0: {  	s0 =	sadd.s32 s30, s2;
	s31 =	spop (v2sf)  }
0x4d1: {  	s0 =	sadd.s32 s31, s0  }
0x4d2: {  	p0 =	slt.s32 s0, $0x1  }
.Ltmp14:
0x4d3: {  	_ = 	snop;
	(pc) =	sbr.rel @p0 .LBB2_29-.Ltmp14, $2  }
0x4d4: {  	_ =	sdelay $0x2  }
0x4d5: {  	s0 =	simm.s32 $0xF0  }
0x4d6: {  	v3 =	vmov s0;
	_ =	sdelay $0x4  }
0x4d7: {  	v3 =	vld.idx.msk [tilespmem:v3+s4+$0x0], $0xffff;
	_ =	sdelay $0x4  }
0x4d8: {  	(v2sf) =	vpush v3, $0x0;
	_ =	sdelay $0xe  }
0x4d9: {  	s0 =	spop (v2sf)  }
0x4da: {  	p0 =	slt.s32 s0, $0x186A0  }
0x4db: {  	s2 =	sshll.u32 @!p0 s0, $0xA;
	s0 =	sshll.u32 @!p0 s0, $0x7  }
0x4dc: {  	s2 =	sand.u32 @!p0 $0xFFFFE000, s2;
	s0 =	sand.u32 @!p0 $0x380, s0  }
0x4dd: {  	s0 =	sor.u32 @!p0 s0, s2  }
0x4de: {  	s5 =	sand.u32 @!p0 $0xE000, s28;
	s2 =	sand.u32 @!p0 $0x380, s28;
	s0 =	sadd.s32 @!p0 $0xF9E58000, s0  }
0x4df: {  	s2 =	sor.u32 @!p0 s2, s5;
	s0 =	sshrl.u32 @!p0 s0, $0x3  }
0x4e0: {  	s10 =	simm.s32 @!p0 $0x0;
	s5 =	sor.u32 @!p0 $0x400, s2;
	s0 =	sadd.s32 @!p0 s3, s0  }
0x4e1: {  	[tilespmem:s5], [sflag:$0x7] =	stream.linear.gather @!p0 [hbm4b:s0+s10], $0x80, $0x38;
	[tilespmem:$0x1E400] =	vst v63  }
0x4e2: {  	s5 =	sor.u32 @!p0 $0x800, s2;
	s11 =	sadd.s32 @!p0 $0x80, s0  }
0x4e3: {  	[tilespmem:s5], [sflag:$0x7] =	stream.linear.gather @!p0 [hbm4b:s11+s10], $0x80, $0x38;
	[tilespmem:$0x1E400] =	vst v63  }
0x4e4: {  	s5 =	sor.u32 @!p0 $0xC00, s2;
	s11 =	sadd.s32 @!p0 $0x100, s0  }
0x4e5: {  	[tilespmem:s5], [sflag:$0x7] =	stream.linear.gather @!p0 [hbm4b:s11+s10], $0x80, $0x38;
	[tilespmem:$0x1E400] =	vst v63  }
0x4e6: {  	s5 =	sor.u32 @!p0 $0x1000, s2;
	s11 =	sadd.s32 @!p0 $0x180, s0  }
0x4e7: {  	[tilespmem:s5], [sflag:$0x7] =	stream.linear.gather @!p0 [hbm4b:s11+s10], $0x80, $0x38;
	[tilespmem:$0x1E400] =	vst v63  }
0x4e8: {  	s5 =	sor.u32 @!p0 $0x1400, s2;
	s11 =	sadd.s32 @!p0 $0x200, s0  }
0x4e9: {  	[tilespmem:s5], [sflag:$0x7] =	stream.linear.gather @!p0 [hbm4b:s11+s10], $0x80, $0x38;
	[tilespmem:$0x1E400] =	vst v63  }
0x4ea: {  	s5 =	sadd.s32 @!p0 $0x280, s0;
	s11 =	sor.u32 @!p0 $0x1800, s2  }
0x4eb: {  	[tilespmem:s11], [sflag:$0x7] =	stream.linear.gather @!p0 [hbm4b:s5+s10], $0x80, $0x38;
	[tilespmem:$0x1E400] =	vst v63  }
0x4ec: {  	s31 =	simm.s32 $0xF1;
	s5 =	sadd.s32 @!p0 $0x300, s0;
	s11 =	sor.u32 @!p0 $0x1C00, s2  }
0x4ed: {  	[tilespmem:s11], [sflag:$0x7] =	stream.linear.gather @!p0 [hbm4b:s5+s10], $0x80, $0x38;
	[tilespmem:$0x1E400] =	vst v63  }
0x4ee: {  	s2 =	sadd.s32 @!p0 $0x2000, s2;
	s5 =	sadd.s32 @!p0 $0x380, s0;
	s0 =	simm.s32 @!p0 $0x7  }
0x4ef: {  	[tilespmem:s2], [sflag:$0x7] =	stream.linear.gather @!p0 [hbm4b:s5+s10], $0x80, $0x38;
	[tilespmem:$0x1E400] =	vst v63  }
0x4f0: {  	v3 =	vmov s31;
	_ =	swait.ge @!p0 [sflag:s0], $0x400  }
0x4f1: {  	s30 =	simm.s32 $0xF2;
	s29 =	simm.s32 $0x400;
	[sflag:s0] =	ssyncset.done @!p0 $0x0  }
.LBB2_27:
0x4f2: {  	[sflag:s0] =	ssyncadd.s32 @!p0 $0xFFFFFC00  }
0x4f3: {  	s28 =	sadd.s32 $0x80, s28;
	s31 =	smov.u32 s30;
	s30 =	sadd.s32 $0x1, s30  }
0x4f4: {  	p1 =	sne.s32 s30, $0x118  }
0x4f5: {  	v3 =	vld.idx.msk [tilespmem:v3+s4+$0x0], $0xffff;
	_ =	sdelay $0x5  }
0x4f6: {  	(v2sf) =	vpush v3, $0x0;
	_ =	sdelay $0xe  }
0x4f7: {  	s0 =	spop (v2sf)  }
0x4f8: {  	p0 =	slt.s32 s0, $0x186A0  }
0x4f9: {  	s2 =	sshll.u32 @!p0 s0, $0xA;
	s0 =	sshll.u32 @!p0 s0, $0x7;
	s5 =	sand.u32 @!p0 $0x380, s28  }
0x4fa: {  	s10 =	sand.u32 @!p0 $0xE000, s29;
	s2 =	sand.u32 @!p0 $0xFFFFE000, s2;
	s0 =	sand.u32 @!p0 $0x380, s0  }
0x4fb: {  	s0 =	sor.u32 @!p0 s0, s2;
	s2 =	sor.u32 @!p0 s5, s10  }
0x4fc: {  	s0 =	sadd.s32 @!p0 $0xF9E58000, s0;
	s5 =	sor.u32 @!p0 $0x400, s2;
	s10 =	sor.u32 @!p0 $0x800, s2  }
0x4fd: {  	s11 =	sor.u32 @!p0 $0xC00, s2;
	s12 =	sor.u32 @!p0 $0x1000, s2;
	s0 =	sshrl.u32 @!p0 s0, $0x3  }
0x4fe: {  	s13 =	simm.s32 @!p0 $0x0;
	s14 =	sor.u32 @!p0 $0x1400, s2;
	s0 =	sadd.s32 @!p0 s3, s0  }
0x4ff: {  	[tilespmem:s5], [sflag:$0x7] =	stream.linear.gather @!p0 [hbm4b:s0+s13], $0x80, $0x38;
	[tilespmem:$0x1E400] =	vst v63  }
0x500: {  	s5 =	sadd.s32 @!p0 $0x80, s0;
	s15 =	sadd.s32 @!p0 $0x100, s0;
	s20 =	sadd.s32 @!p0 $0x180, s0  }
0x501: {  	[tilespmem:s10], [sflag:$0x7] =	stream.linear.gather @!p0 [hbm4b:s5+s13], $0x80, $0x38;
	[tilespmem:$0x1E400] =	vst v63  }
0x502: {  	s23 =	sadd.s32 @!p0 $0x300, s0;
	s5 =	sadd.s32 @!p0 $0x200, s0;
	s10 =	sadd.s32 @!p0 $0x280, s0  }
0x503: {  	[tilespmem:s11], [sflag:$0x7] =	stream.linear.gather @!p0 [hbm4b:s15+s13], $0x80, $0x38;
	[tilespmem:$0x1E400] =	vst v63  }
0x504: {  	s24 =	sadd.s32 @!p0 $0x380, s0;
	s11 =	sor.u32 @!p0 $0x1800, s2;
	s15 =	sor.u32 @!p0 $0x1C00, s2  }
0x505: {  	[tilespmem:s12], [sflag:$0x7] =	stream.linear.gather @!p0 [hbm4b:s20+s13], $0x80, $0x38;
	[tilespmem:$0x1E400] =	vst v63  }
0x506: {  	s2 =	sadd.s32 @!p0 $0x2000, s2  }
0x507: {  	[tilespmem:s14], [sflag:$0x7] =	stream.linear.gather @!p0 [hbm4b:s5+s13], $0x80, $0x38;
	[tilespmem:$0x1E400] =	vst v63  }
0x508: {  	_ = 	snop  }
0x509: {  	[tilespmem:s11], [sflag:$0x7] =	stream.linear.gather @!p0 [hbm4b:s10+s13], $0x80, $0x38;
	[tilespmem:$0x1E400] =	vst v63  }
0x50a: {  	_ = 	snop  }
0x50b: {  	[tilespmem:s15], [sflag:$0x7] =	stream.linear.gather @!p0 [hbm4b:s23+s13], $0x80, $0x38;
	[tilespmem:$0x1E400] =	vst v63  }
.Ltmp15:
0x50c: {  	_ = 	snop;
	(pc) =	sbr.rel @p1 .LBB2_27-.Ltmp15, $4  }
0x50d: {  	s0 =	simm.s32 @!p0 $0x7  }
0x50e: {  	v3 =	vmov s31;
	[tilespmem:s2], [sflag:$0x7] =	stream.linear.gather @!p0 [hbm4b:s24+s13], $0x80, $0x38;
	[tilespmem:$0x1E400] =	vst v63  }
0x50f: {  	_ =	swait.ge @!p0 [sflag:s0], $0x400  }
0x510: {  	s29 =	sadd.s32 $0x400, s29;
	[sflag:s0] =	ssyncset.done @!p0 $0x0  }
0x511: {  	_ =	sdelay $0x2  }
0x512: {  	[sflag:s0] =	ssyncadd.s32 @!p0 $0xFFFFFC00  }
0x513: {  	v3 =	vld.idx.msk [tilespmem:v3+s4+$0x0], $0xffff;
	_ =	sdelay $0x4  }
0x514: {  	(v2sf) =	vpush v3, $0x0;
	_ =	sdelay $0xe  }
0x515: {  	s0 =	spop (v2sf)  }
0x516: {  	p0 =	slt.s32 s0, $0x186A0  }
0x517: {  	s2 =	sshll.u32 @!p0 s0, $0xA;
	s0 =	sshll.u32 @!p0 s0, $0x7  }
0x518: {  	s2 =	sand.u32 @!p0 $0xFFFFE000, s2;
	s0 =	sand.u32 @!p0 $0x380, s0  }
0x519: {  	s5 =	sadd.s32 $0x80, s28;
	s0 =	sor.u32 @!p0 s0, s2  }
0x51a: {  	s2 =	sand.u32 @!p0 $0x380, s5;
	s5 =	sand.u32 @!p0 $0xE000, s29;
	s0 =	sadd.s32 @!p0 $0xF9E58000, s0  }
0x51b: {  	s2 =	sor.u32 @!p0 s2, s5;
	s0 =	sshrl.u32 @!p0 s0, $0x3  }
0x51c: {  	s10 =	simm.s32 @!p0 $0x0;
	s5 =	sor.u32 @!p0 $0x400, s2;
	s0 =	sadd.s32 @!p0 s3, s0  }
0x51d: {  	[tilespmem:s5], [sflag:$0x7] =	stream.linear.gather @!p0 [hbm4b:s0+s10], $0x80, $0x38;
	[tilespmem:$0x1E400] =	vst v63  }
0x51e: {  	s5 =	sor.u32 @!p0 $0x800, s2;
	s11 =	sadd.s32 @!p0 $0x80, s0  }
0x51f: {  	[tilespmem:s5], [sflag:$0x7] =	stream.linear.gather @!p0 [hbm4b:s11+s10], $0x80, $0x38;
	[tilespmem:$0x1E400] =	vst v63  }
0x520: {  	s5 =	sor.u32 @!p0 $0xC00, s2;
	s11 =	sadd.s32 @!p0 $0x100, s0  }
0x521: {  	[tilespmem:s5], [sflag:$0x7] =	stream.linear.gather @!p0 [hbm4b:s11+s10], $0x80, $0x38;
	[tilespmem:$0x1E400] =	vst v63  }
0x522: {  	s5 =	sor.u32 @!p0 $0x1000, s2;
	s11 =	sadd.s32 @!p0 $0x180, s0  }
0x523: {  	[tilespmem:s5], [sflag:$0x7] =	stream.linear.gather @!p0 [hbm4b:s11+s10], $0x80, $0x38;
	[tilespmem:$0x1E400] =	vst v63  }
0x524: {  	s5 =	sor.u32 @!p0 $0x1400, s2;
	s11 =	sadd.s32 @!p0 $0x200, s0  }
0x525: {  	[tilespmem:s5], [sflag:$0x7] =	stream.linear.gather @!p0 [hbm4b:s11+s10], $0x80, $0x38;
	[tilespmem:$0x1E400] =	vst v63  }
0x526: {  	s5 =	sadd.s32 @!p0 $0x280, s0;
	s11 =	sor.u32 @!p0 $0x1800, s2  }
0x527: {  	[tilespmem:s11], [sflag:$0x7] =	stream.linear.gather @!p0 [hbm4b:s5+s10], $0x80, $0x38;
	[tilespmem:$0x1E400] =	vst v63  }
0x528: {  	s5 =	sadd.s32 @!p0 $0x300, s0;
	s11 =	sor.u32 @!p0 $0x1C00, s2  }
0x529: {  	[tilespmem:s11], [sflag:$0x7] =	stream.linear.gather @!p0 [hbm4b:s5+s10], $0x80, $0x38;
	[tilespmem:$0x1E400] =	vst v63  }
0x52a: {  	s0 =	sadd.s32 @!p0 $0x380, s0;
	s2 =	sadd.s32 @!p0 $0x2000, s2;
	s5 =	simm.s32 @!p0 $0x7  }
0x52b: {  	[tilespmem:s2], [sflag:$0x7] =	stream.linear.gather @!p0 [hbm4b:s0+s10], $0x80, $0x38;
	[tilespmem:$0x1E400] =	vst v63  }
0x52c: {  	_ =	swait.ge @!p0 [sflag:s5], $0x400  }
0x52d: {  	[sflag:s5] =	ssyncset.done @!p0 $0x0  }
0x52e: {  	[sflag:s5] =	ssyncadd.s32 @!p0 $0xFFFFFC00  }
.LBB2_29:
0x52f: {  	s28 =	simm.s32 $0x0;
	s0 =	rddreg [dreg:$0xc]  }
0x530: {  	[hbm4b:s0+s28] =	stream.linear.scatter [tilespmem:s26], [sflag:$0x4], $0xA000, $0x38;
	[tilespmem:$0x1E400] =	vst v63  }
0x531: {  	_ =	swait.ge [sflag:s8], $0xA000  }
0x532: {  	[sflag:s8] =	ssyncset.done $0x0  }
0x533: {  	[sflag:s8] =	ssyncadd.s32 $0xFFFF6000  }
0x534: {  	v3 =	vld [tilespmem:$0x340];
	_ =	sdelay $0x4  }
0x535: {  	v4 =	vshll.u32 v3, $0x3  }
0x536: {  	v3 =	vand.u32 $0x7, v3;
	v4 =	vand.u32 $0xFFFFFFC0, v4  }
0x537: {  	v3 =	vor.u32 v3, v4  }
0x538: {  	v4 =	vperm.xlane v3, v0;
	_ =	sdelay $0x1  }
0x539: {  	v4 =	vadd.s32 v1, v4;
	_ =	sdelay $0x4  }
0x53a: {  	[tilespmem:s16], [sflag:$0x3] =	stream.indirect_vreg.gather [hbm4b:s1+s28], $0x80, v4, vm0, $0xb8;
	[tilespmem:$0x1E400] =	vst v63  }
0x53b: {  	s15 =	simm.s32 $0x14C00;
	v3 =	vperm.xlane v3, v2  }
0x53c: {  	[tilespmem:s15], [sflag:$0x3] =	stream.indirect_vreg.gather [hbm4b:s6+s28], $0x80, v4, vm0, $0xb8;
	[tilespmem:$0x1E400] =	vst v63  }
0x53d: {  	s20 =	simm.s32 $0x15400;
	v3 =	vadd.s32 v1, v3  }
0x53e: {  	[tilespmem:s20], [sflag:$0x3] =	stream.indirect_vreg.gather [hbm4b:s7+s28], $0x80, v4, vm0, $0xb8;
	[tilespmem:$0x1E400] =	vst v63  }
0x53f: {  	s23 =	simm.s32 $0x15C00  }
0x540: {  	[tilespmem:s23], [sflag:$0x3] =	stream.indirect_vreg.gather [hbm4b:s9+s28], $0x80, v4, vm0, $0xb8;
	[tilespmem:$0x1E400] =	vst v63  }
0x541: {  	s24 =	simm.s32 $0x16400  }
0x542: {  	[tilespmem:s24], [sflag:$0x3] =	stream.indirect_vreg.gather [hbm4b:s1+s28], $0x80, v3, vm0, $0xb8;
	[tilespmem:$0x1E400] =	vst v63  }
0x543: {  	s29 =	simm.s32 $0x16C00  }
0x544: {  	[tilespmem:s29], [sflag:$0x3] =	stream.indirect_vreg.gather [hbm4b:s6+s28], $0x80, v3, vm0, $0xb8;
	[tilespmem:$0x1E400] =	vst v63  }
0x545: {  	s30 =	simm.s32 $0x17400  }
0x546: {  	[tilespmem:s30], [sflag:$0x3] =	stream.indirect_vreg.gather [hbm4b:s7+s28], $0x80, v3, vm0, $0xb8;
	[tilespmem:$0x1E400] =	vst v63  }
0x547: {  	s31 =	simm.s32 $0x17C00  }
0x548: {  	[tilespmem:s31], [sflag:$0x3] =	stream.indirect_vreg.gather [hbm4b:s9+s28], $0x80, v3, vm0, $0xb8;
	[tilespmem:$0x1E400] =	vst v63  }
0x549: {  	v3 =	vld [tilespmem:$0x350];
	_ =	sdelay $0x4  }
0x54a: {  	v61 =	vshll.u32 v3, $0x3  }
0x54b: {  	v3 =	vand.u32 $0x7, v3;
	v4 =	vand.u32 $0xFFFFFFC0, v61  }
0x54c: {  	v3 =	vor.u32 v3, v4  }
0x54d: {  	v4 =	vperm.xlane v3, v0;
	_ =	sdelay $0x1  }
0x54e: {  	v4 =	vadd.s32 v1, v4;
	_ =	sdelay $0x3  }
0x54f: {  	s2 =	simm.s32 $0x18400  }
0x550: {  	[tilespmem:s2], [sflag:$0x3] =	stream.indirect_vreg.gather [hbm4b:s1+s28], $0x80, v4, vm0, $0xb8;
	[tilespmem:$0x1E400] =	vst v63  }
0x551: {  	s5 =	simm.s32 $0x18C00;
	v3 =	vperm.xlane v3, v2  }
0x552: {  	[tilespmem:s5], [sflag:$0x3] =	stream.indirect_vreg.gather [hbm4b:s6+s28], $0x80, v4, vm0, $0xb8;
	[tilespmem:$0x1E400] =	vst v63  }
0x553: {  	s10 =	simm.s32 $0x19400;
	v3 =	vadd.s32 v1, v3  }
0x554: {  	[tilespmem:s10], [sflag:$0x3] =	stream.indirect_vreg.gather [hbm4b:s7+s28], $0x80, v4, vm0, $0xb8;
	[tilespmem:$0x1E400] =	vst v63  }
0x555: {  	s11 =	simm.s32 $0x19C00  }
0x556: {  	[tilespmem:s11], [sflag:$0x3] =	stream.indirect_vreg.gather [hbm4b:s9+s28], $0x80, v4, vm0, $0xb8;
	[tilespmem:$0x1E400] =	vst v63  }
0x557: {  	s12 =	simm.s32 $0x1A400  }
0x558: {  	[tilespmem:s12], [sflag:$0x3] =	stream.indirect_vreg.gather [hbm4b:s1+s28], $0x80, v3, vm0, $0xb8;
	[tilespmem:$0x1E400] =	vst v63  }
0x559: {  	s13 =	simm.s32 $0x1AC00  }
0x55a: {  	[tilespmem:s13], [sflag:$0x3] =	stream.indirect_vreg.gather [hbm4b:s6+s28], $0x80, v3, vm0, $0xb8;
	[tilespmem:$0x1E400] =	vst v63  }
0x55b: {  	s14 =	simm.s32 $0x1B400  }
0x55c: {  	[tilespmem:s14], [sflag:$0x3] =	stream.indirect_vreg.gather [hbm4b:s7+s28], $0x80, v3, vm0, $0xb8;
	[tilespmem:$0x1E400] =	vst v63  }
0x55d: {  	s15 =	simm.s32 $0x1BC00  }
0x55e: {  	[tilespmem:s15], [sflag:$0x3] =	stream.indirect_vreg.gather [hbm4b:s9+s28], $0x80, v3, vm0, $0xb8;
	[tilespmem:$0x1E400] =	vst v63  }
0x55f: {  	v3 =	vld.msk [tilespmem:$0x360], $0xff;
	_ =	sdelay $0x4  }
0x560: {  	v62 =	vshll.u32 v3, $0x3  }
0x561: {  	v3 =	vand.u32 $0x7, v3;
	v4 =	vand.u32 $0xFFFFFFC0, v62  }
0x562: {  	v3 =	vor.u32 v3, v4  }
0x563: {  	v3 =	vperm.xlane v3, v0;
	_ =	sdelay $0x1  }
0x564: {  	v3 =	vadd.s32 v1, v3;
	_ =	sdelay $0x3  }
0x565: {  	s20 =	simm.s32 $0x1C400  }
0x566: {  	[tilespmem:s20], [sflag:$0x3] =	stream.indirect_vreg.gather [hbm4b:s1+s28], $0x80, v3, vm0, $0xb8;
	[tilespmem:$0x1E400] =	vst v63  }
0x567: {  	s23 =	simm.s32 $0x1CC00  }
0x568: {  	[tilespmem:s23], [sflag:$0x3] =	stream.indirect_vreg.gather [hbm4b:s6+s28], $0x80, v3, vm0, $0xb8;
	[tilespmem:$0x1E400] =	vst v63  }
0x569: {  	s24 =	simm.s32 $0x1D400  }
0x56a: {  	[tilespmem:s24], [sflag:$0x3] =	stream.indirect_vreg.gather [hbm4b:s7+s28], $0x80, v3, vm0, $0xb8;
	[tilespmem:$0x1E400] =	vst v63  }
0x56b: {  	s29 =	simm.s32 $0x1DC00  }
0x56c: {  	[tilespmem:s29], [sflag:$0x3] =	stream.indirect_vreg.gather [hbm4b:s9+s28], $0x80, v3, vm0, $0xb8;
	[tilespmem:$0x1E400] =	vst v63  }
0x56d: {  	_ =	swait.ge [sflag:s18], $0xA000  }
0x56e: {  	[sflag:s18] =	ssyncset.done $0x0  }
0x56f: {  	[sflag:s18] =	ssyncadd.s32 $0xFFFF6000  }
0x570: {  	v3 =	vld [tilespmem:$0x110]  }
0x571: {  	v63 =	vld [tilespmem:$0x120]  }
0x572: {  	v5 =	vld [tilespmem:$0x130];
	_ =	sdelay $0x2  }
0x573: {  	vm1 =	vgt.s32 v3, $0x1869F  }
0x574: {  	v3 =	vmpcnt.ones.xlane vm1;
	vm1 =	vgt.s32 v63, $0x1869F  }
0x575: {  	v4 =	vmpcnt.ones.xlane vm1;
	vm1 =	vgt.s32 v5, $0x1869F  }
0x576: {  	(v2sf) =	vpush v3, $0x0;
	v3 =	vmpcnt.ones.xlane vm1  }
0x577: {  	(v2sf) =	vpush v4, $0x0  }
0x578: {  	(v2sf) =	vpush v3, $0x0;
	_ =	sdelay $0xc  }
0x579: {  	s30 =	spop (v2sf)  }
0x57a: {  	s2 =	spop (v2sf)  }
0x57b: {  	s0 =	sadd.s32 s30, s2;
	s31 =	spop (v2sf)  }
0x57c: {  	s0 =	sadd.s32 s31, s0  }
0x57d: {  	p0 =	slt.s32 s0, $0x1  }
.Ltmp16:
0x57e: {  	_ = 	snop;
	(pc) =	sbr.rel @p0 .LBB2_33-.Ltmp16, $2  }
0x57f: {  	_ =	sdelay $0x2  }
0x580: {  	s0 =	simm.s32 $0x118  }
0x581: {  	v3 =	vmov s0;
	_ =	sdelay $0x4  }
0x582: {  	v3 =	vld.idx.msk [tilespmem:v3+s4+$0x0], $0xffff;
	_ =	sdelay $0x4  }
0x583: {  	(v2sf) =	vpush v3, $0x0;
	_ =	sdelay $0xe  }
0x584: {  	s0 =	spop (v2sf)  }
0x585: {  	p0 =	slt.s32 s0, $0x186A0  }
0x586: {  	s2 =	sshll.u32 @!p0 s0, $0xA;
	s0 =	sshll.u32 @!p0 s0, $0x7  }
0x587: {  	s2 =	sand.u32 @!p0 $0xFFFFE000, s2;
	s0 =	sand.u32 @!p0 $0x380, s0  }
0x588: {  	s0 =	sor.u32 @!p0 s0, s2  }
0x589: {  	s5 =	sand.u32 @!p0 $0xE000, s28;
	s2 =	sand.u32 @!p0 $0x380, s28;
	s0 =	sadd.s32 @!p0 $0xF9E58000, s0  }
0x58a: {  	s2 =	sor.u32 @!p0 s2, s5;
	s0 =	sshrl.u32 @!p0 s0, $0x3  }
0x58b: {  	s10 =	simm.s32 @!p0 $0x0;
	s5 =	sadd.s32 @!p0 $0xA400, s2;
	s0 =	sadd.s32 @!p0 s3, s0  }
0x58c: {  	[tilespmem:s5], [sflag:$0x7] =	stream.linear.gather @!p0 [hbm4b:s0+s10], $0x80, $0x38;
	[tilespmem:$0x1E400] =	vst v63  }
0x58d: {  	s5 =	sadd.s32 @!p0 $0xA800, s2;
	s11 =	sadd.s32 @!p0 $0x80, s0  }
0x58e: {  	[tilespmem:s5], [sflag:$0x7] =	stream.linear.gather @!p0 [hbm4b:s11+s10], $0x80, $0x38;
	[tilespmem:$0x1E400] =	vst v63  }
0x58f: {  	s5 =	sadd.s32 @!p0 $0xAC00, s2;
	s11 =	sadd.s32 @!p0 $0x100, s0  }
0x590: {  	[tilespmem:s5], [sflag:$0x7] =	stream.linear.gather @!p0 [hbm4b:s11+s10], $0x80, $0x38;
	[tilespmem:$0x1E400] =	vst v63  }
0x591: {  	s5 =	sadd.s32 @!p0 $0xB000, s2;
	s11 =	sadd.s32 @!p0 $0x180, s0  }
0x592: {  	[tilespmem:s5], [sflag:$0x7] =	stream.linear.gather @!p0 [hbm4b:s11+s10], $0x80, $0x38;
	[tilespmem:$0x1E400] =	vst v63  }
0x593: {  	s5 =	sadd.s32 @!p0 $0xB400, s2;
	s11 =	sadd.s32 @!p0 $0x200, s0  }
0x594: {  	[tilespmem:s5], [sflag:$0x7] =	stream.linear.gather @!p0 [hbm4b:s11+s10], $0x80, $0x38;
	[tilespmem:$0x1E400] =	vst v63  }
0x595: {  	s5 =	sadd.s32 @!p0 $0x280, s0;
	s11 =	sadd.s32 @!p0 $0xB800, s2  }
0x596: {  	[tilespmem:s11], [sflag:$0x7] =	stream.linear.gather @!p0 [hbm4b:s5+s10], $0x80, $0x38;
	[tilespmem:$0x1E400] =	vst v63  }
0x597: {  	s31 =	simm.s32 $0x119;
	s5 =	sadd.s32 @!p0 $0x300, s0;
	s11 =	sadd.s32 @!p0 $0xBC00, s2  }
0x598: {  	[tilespmem:s11], [sflag:$0x7] =	stream.linear.gather @!p0 [hbm4b:s5+s10], $0x80, $0x38;
	[tilespmem:$0x1E400] =	vst v63  }
0x599: {  	s2 =	sadd.s32 @!p0 $0xC000, s2;
	s5 =	sadd.s32 @!p0 $0x380, s0;
	s0 =	simm.s32 @!p0 $0x7  }
0x59a: {  	[tilespmem:s2], [sflag:$0x7] =	stream.linear.gather @!p0 [hbm4b:s5+s10], $0x80, $0x38;
	[tilespmem:$0x1E400] =	vst v63  }
0x59b: {  	v3 =	vmov s31;
	_ =	swait.ge @!p0 [sflag:s0], $0x400  }
0x59c: {  	s30 =	simm.s32 $0x11A;
	s29 =	simm.s32 $0x400;
	[sflag:s0] =	ssyncset.done @!p0 $0x0  }
.LBB2_31:
0x59d: {  	[sflag:s0] =	ssyncadd.s32 @!p0 $0xFFFFFC00  }
0x59e: {  	s28 =	sadd.s32 $0x80, s28;
	s31 =	smov.u32 s30;
	s30 =	sadd.s32 $0x1, s30  }
0x59f: {  	p1 =	sne.s32 s30, $0x140  }
0x5a0: {  	v3 =	vld.idx.msk [tilespmem:v3+s4+$0x0], $0xffff;
	_ =	sdelay $0x5  }
0x5a1: {  	(v2sf) =	vpush v3, $0x0;
	_ =	sdelay $0xe  }
0x5a2: {  	s0 =	spop (v2sf)  }
0x5a3: {  	p0 =	slt.s32 s0, $0x186A0  }
0x5a4: {  	s2 =	sshll.u32 @!p0 s0, $0xA;
	s0 =	sshll.u32 @!p0 s0, $0x7;
	s5 =	sand.u32 @!p0 $0x380, s28  }
0x5a5: {  	s10 =	sand.u32 @!p0 $0xE000, s29;
	s2 =	sand.u32 @!p0 $0xFFFFE000, s2;
	s0 =	sand.u32 @!p0 $0x380, s0  }
0x5a6: {  	s0 =	sor.u32 @!p0 s0, s2;
	s2 =	sor.u32 @!p0 s5, s10  }
0x5a7: {  	s0 =	sadd.s32 @!p0 $0xF9E58000, s0;
	s5 =	sadd.s32 @!p0 $0xA400, s2;
	s10 =	sadd.s32 @!p0 $0xA800, s2  }
0x5a8: {  	s11 =	sadd.s32 @!p0 $0xAC00, s2;
	s12 =	sadd.s32 @!p0 $0xB000, s2;
	s0 =	sshrl.u32 @!p0 s0, $0x3  }
0x5a9: {  	s13 =	simm.s32 @!p0 $0x0;
	s14 =	sadd.s32 @!p0 $0xB400, s2;
	s0 =	sadd.s32 @!p0 s3, s0  }
0x5aa: {  	[tilespmem:s5], [sflag:$0x7] =	stream.linear.gather @!p0 [hbm4b:s0+s13], $0x80, $0x38;
	[tilespmem:$0x1E400] =	vst v63  }
0x5ab: {  	s5 =	sadd.s32 @!p0 $0x80, s0;
	s15 =	sadd.s32 @!p0 $0x100, s0;
	s20 =	sadd.s32 @!p0 $0x180, s0  }
0x5ac: {  	[tilespmem:s10], [sflag:$0x7] =	stream.linear.gather @!p0 [hbm4b:s5+s13], $0x80, $0x38;
	[tilespmem:$0x1E400] =	vst v63  }
0x5ad: {  	s23 =	sadd.s32 @!p0 $0x300, s0;
	s5 =	sadd.s32 @!p0 $0x200, s0;
	s10 =	sadd.s32 @!p0 $0x280, s0  }
0x5ae: {  	[tilespmem:s11], [sflag:$0x7] =	stream.linear.gather @!p0 [hbm4b:s15+s13], $0x80, $0x38;
	[tilespmem:$0x1E400] =	vst v63  }
0x5af: {  	s24 =	sadd.s32 @!p0 $0x380, s0;
	s11 =	sadd.s32 @!p0 $0xB800, s2;
	s15 =	sadd.s32 @!p0 $0xBC00, s2  }
0x5b0: {  	[tilespmem:s12], [sflag:$0x7] =	stream.linear.gather @!p0 [hbm4b:s20+s13], $0x80, $0x38;
	[tilespmem:$0x1E400] =	vst v63  }
0x5b1: {  	s2 =	sadd.s32 @!p0 $0xC000, s2  }
0x5b2: {  	[tilespmem:s14], [sflag:$0x7] =	stream.linear.gather @!p0 [hbm4b:s5+s13], $0x80, $0x38;
	[tilespmem:$0x1E400] =	vst v63  }
0x5b3: {  	_ = 	snop  }
0x5b4: {  	[tilespmem:s11], [sflag:$0x7] =	stream.linear.gather @!p0 [hbm4b:s10+s13], $0x80, $0x38;
	[tilespmem:$0x1E400] =	vst v63  }
0x5b5: {  	_ = 	snop  }
0x5b6: {  	[tilespmem:s15], [sflag:$0x7] =	stream.linear.gather @!p0 [hbm4b:s23+s13], $0x80, $0x38;
	[tilespmem:$0x1E400] =	vst v63  }
.Ltmp17:
0x5b7: {  	_ = 	snop;
	(pc) =	sbr.rel @p1 .LBB2_31-.Ltmp17, $4  }
0x5b8: {  	s0 =	simm.s32 @!p0 $0x7  }
0x5b9: {  	v3 =	vmov s31;
	[tilespmem:s2], [sflag:$0x7] =	stream.linear.gather @!p0 [hbm4b:s24+s13], $0x80, $0x38;
	[tilespmem:$0x1E400] =	vst v63  }
0x5ba: {  	_ =	swait.ge @!p0 [sflag:s0], $0x400  }
0x5bb: {  	s29 =	sadd.s32 $0x400, s29;
	[sflag:s0] =	ssyncset.done @!p0 $0x0  }
0x5bc: {  	_ =	sdelay $0x2  }
0x5bd: {  	[sflag:s0] =	ssyncadd.s32 @!p0 $0xFFFFFC00  }
0x5be: {  	v3 =	vld.idx.msk [tilespmem:v3+s4+$0x0], $0xffff;
	_ =	sdelay $0x4  }
0x5bf: {  	(v2sf) =	vpush v3, $0x0;
	_ =	sdelay $0xe  }
0x5c0: {  	s0 =	spop (v2sf)  }
0x5c1: {  	p0 =	slt.s32 s0, $0x186A0  }
0x5c2: {  	s2 =	sshll.u32 @!p0 s0, $0xA;
	s0 =	sshll.u32 @!p0 s0, $0x7  }
0x5c3: {  	s2 =	sand.u32 @!p0 $0xFFFFE000, s2;
	s0 =	sand.u32 @!p0 $0x380, s0  }
0x5c4: {  	s5 =	sadd.s32 $0x80, s28;
	s0 =	sor.u32 @!p0 s0, s2  }
0x5c5: {  	s2 =	sand.u32 @!p0 $0x380, s5;
	s5 =	sand.u32 @!p0 $0xE000, s29;
	s0 =	sadd.s32 @!p0 $0xF9E58000, s0  }
0x5c6: {  	s2 =	sor.u32 @!p0 s2, s5;
	s0 =	sshrl.u32 @!p0 s0, $0x3  }
0x5c7: {  	s10 =	simm.s32 @!p0 $0x0;
	s5 =	sadd.s32 @!p0 $0xA400, s2;
	s0 =	sadd.s32 @!p0 s3, s0  }
0x5c8: {  	[tilespmem:s5], [sflag:$0x7] =	stream.linear.gather @!p0 [hbm4b:s0+s10], $0x80, $0x38;
	[tilespmem:$0x1E400] =	vst v63  }
0x5c9: {  	s5 =	sadd.s32 @!p0 $0xA800, s2;
	s11 =	sadd.s32 @!p0 $0x80, s0  }
0x5ca: {  	[tilespmem:s5], [sflag:$0x7] =	stream.linear.gather @!p0 [hbm4b:s11+s10], $0x80, $0x38;
	[tilespmem:$0x1E400] =	vst v63  }
0x5cb: {  	s5 =	sadd.s32 @!p0 $0xAC00, s2;
	s11 =	sadd.s32 @!p0 $0x100, s0  }
0x5cc: {  	[tilespmem:s5], [sflag:$0x7] =	stream.linear.gather @!p0 [hbm4b:s11+s10], $0x80, $0x38;
	[tilespmem:$0x1E400] =	vst v63  }
0x5cd: {  	s5 =	sadd.s32 @!p0 $0xB000, s2;
	s11 =	sadd.s32 @!p0 $0x180, s0  }
0x5ce: {  	[tilespmem:s5], [sflag:$0x7] =	stream.linear.gather @!p0 [hbm4b:s11+s10], $0x80, $0x38;
	[tilespmem:$0x1E400] =	vst v63  }
0x5cf: {  	s5 =	sadd.s32 @!p0 $0xB400, s2;
	s11 =	sadd.s32 @!p0 $0x200, s0  }
0x5d0: {  	[tilespmem:s5], [sflag:$0x7] =	stream.linear.gather @!p0 [hbm4b:s11+s10], $0x80, $0x38;
	[tilespmem:$0x1E400] =	vst v63  }
0x5d1: {  	s5 =	sadd.s32 @!p0 $0x280, s0;
	s11 =	sadd.s32 @!p0 $0xB800, s2  }
0x5d2: {  	[tilespmem:s11], [sflag:$0x7] =	stream.linear.gather @!p0 [hbm4b:s5+s10], $0x80, $0x38;
	[tilespmem:$0x1E400] =	vst v63  }
0x5d3: {  	s5 =	sadd.s32 @!p0 $0x300, s0;
	s11 =	sadd.s32 @!p0 $0xBC00, s2  }
0x5d4: {  	[tilespmem:s11], [sflag:$0x7] =	stream.linear.gather @!p0 [hbm4b:s5+s10], $0x80, $0x38;
	[tilespmem:$0x1E400] =	vst v63  }
0x5d5: {  	s0 =	sadd.s32 @!p0 $0x380, s0;
	s2 =	sadd.s32 @!p0 $0xC000, s2;
	s5 =	simm.s32 @!p0 $0x7  }
0x5d6: {  	[tilespmem:s2], [sflag:$0x7] =	stream.linear.gather @!p0 [hbm4b:s0+s10], $0x80, $0x38;
	[tilespmem:$0x1E400] =	vst v63  }
0x5d7: {  	_ =	swait.ge @!p0 [sflag:s5], $0x400  }
0x5d8: {  	[sflag:s5] =	ssyncset.done @!p0 $0x0  }
0x5d9: {  	[sflag:s5] =	ssyncadd.s32 @!p0 $0xFFFFFC00  }
.LBB2_33:
0x5da: {  	s28 =	simm.s32 $0x0;
	s0 =	rddreg [dreg:$0xd];
	s2 =	simm.s32 $0xA400  }
0x5db: {  	[hbm4b:s0+s28] =	stream.linear.scatter [tilespmem:s2], [sflag:$0x5], $0xA000, $0x38;
	[tilespmem:$0x1E400] =	vst v63  }
0x5dc: {  	_ =	swait.ge [sflag:s19], $0xA000  }
0x5dd: {  	[sflag:s19] =	ssyncset.done $0x0  }
0x5de: {  	[sflag:s19] =	ssyncadd.s32 $0xFFFF6000  }
0x5df: {  	v3 =	vld [tilespmem:$0x368];
	_ =	sdelay $0x4  }
0x5e0: {  	v4 =	vshll.u32 v3, $0x3  }
0x5e1: {  	v3 =	vand.u32 $0x7, v3;
	v4 =	vand.u32 $0xFFFFFFC0, v4  }
0x5e2: {  	v3 =	vor.u32 v3, v4  }
0x5e3: {  	v4 =	vperm.xlane v3, v0;
	_ =	sdelay $0x1  }
0x5e4: {  	v4 =	vadd.s32 v1, v4;
	_ =	sdelay $0x4  }
0x5e5: {  	[tilespmem:s26], [sflag:$0x1] =	stream.indirect_vreg.gather [hbm4b:s1+s28], $0x80, v4, vm0, $0xb8;
	[tilespmem:$0x1E400] =	vst v63  }
0x5e6: {  	s14 =	simm.s32 $0xC00;
	v3 =	vperm.xlane v3, v2  }
0x5e7: {  	[tilespmem:s14], [sflag:$0x1] =	stream.indirect_vreg.gather [hbm4b:s6+s28], $0x80, v4, vm0, $0xb8;
	[tilespmem:$0x1E400] =	vst v63  }
0x5e8: {  	s15 =	simm.s32 $0x1400;
	v3 =	vadd.s32 v1, v3  }
0x5e9: {  	[tilespmem:s15], [sflag:$0x1] =	stream.indirect_vreg.gather [hbm4b:s7+s28], $0x80, v4, vm0, $0xb8;
	[tilespmem:$0x1E400] =	vst v63  }
0x5ea: {  	s20 =	simm.s32 $0x1C00  }
0x5eb: {  	[tilespmem:s20], [sflag:$0x1] =	stream.indirect_vreg.gather [hbm4b:s9+s28], $0x80, v4, vm0, $0xb8;
	[tilespmem:$0x1E400] =	vst v63  }
0x5ec: {  	s23 =	simm.s32 $0x2400  }
0x5ed: {  	[tilespmem:s23], [sflag:$0x1] =	stream.indirect_vreg.gather [hbm4b:s1+s28], $0x80, v3, vm0, $0xb8;
	[tilespmem:$0x1E400] =	vst v63  }
0x5ee: {  	s24 =	simm.s32 $0x2C00  }
0x5ef: {  	[tilespmem:s24], [sflag:$0x1] =	stream.indirect_vreg.gather [hbm4b:s6+s28], $0x80, v3, vm0, $0xb8;
	[tilespmem:$0x1E400] =	vst v63  }
0x5f0: {  	s29 =	simm.s32 $0x3400  }
0x5f1: {  	[tilespmem:s29], [sflag:$0x1] =	stream.indirect_vreg.gather [hbm4b:s7+s28], $0x80, v3, vm0, $0xb8;
	[tilespmem:$0x1E400] =	vst v63  }
0x5f2: {  	s30 =	simm.s32 $0x3C00  }
0x5f3: {  	[tilespmem:s30], [sflag:$0x1] =	stream.indirect_vreg.gather [hbm4b:s9+s28], $0x80, v3, vm0, $0xb8;
	[tilespmem:$0x1E400] =	vst v63  }
0x5f4: {  	v3 =	vld [tilespmem:$0x378];
	_ =	sdelay $0x4  }
0x5f5: {  	v61 =	vshll.u32 v3, $0x3  }
0x5f6: {  	v3 =	vand.u32 $0x7, v3;
	v4 =	vand.u32 $0xFFFFFFC0, v61  }
0x5f7: {  	v3 =	vor.u32 v3, v4  }
0x5f8: {  	v4 =	vperm.xlane v3, v0;
	_ =	sdelay $0x1  }
0x5f9: {  	v4 =	vadd.s32 v1, v4;
	_ =	sdelay $0x3  }
0x5fa: {  	s31 =	simm.s32 $0x4400  }
0x5fb: {  	[tilespmem:s31], [sflag:$0x1] =	stream.indirect_vreg.gather [hbm4b:s1+s28], $0x80, v4, vm0, $0xb8;
	[tilespmem:$0x1E400] =	vst v63  }
0x5fc: {  	s2 =	simm.s32 $0x4C00;
	v3 =	vperm.xlane v3, v2  }
0x5fd: {  	[tilespmem:s2], [sflag:$0x1] =	stream.indirect_vreg.gather [hbm4b:s6+s28], $0x80, v4, vm0, $0xb8;
	[tilespmem:$0x1E400] =	vst v63  }
0x5fe: {  	s5 =	simm.s32 $0x5400;
	v3 =	vadd.s32 v1, v3  }
0x5ff: {  	[tilespmem:s5], [sflag:$0x1] =	stream.indirect_vreg.gather [hbm4b:s7+s28], $0x80, v4, vm0, $0xb8;
	[tilespmem:$0x1E400] =	vst v63  }
0x600: {  	s10 =	simm.s32 $0x5C00  }
0x601: {  	[tilespmem:s10], [sflag:$0x1] =	stream.indirect_vreg.gather [hbm4b:s9+s28], $0x80, v4, vm0, $0xb8;
	[tilespmem:$0x1E400] =	vst v63  }
0x602: {  	s11 =	simm.s32 $0x6400  }
0x603: {  	[tilespmem:s11], [sflag:$0x1] =	stream.indirect_vreg.gather [hbm4b:s1+s28], $0x80, v3, vm0, $0xb8;
	[tilespmem:$0x1E400] =	vst v63  }
0x604: {  	s12 =	simm.s32 $0x6C00  }
0x605: {  	[tilespmem:s12], [sflag:$0x1] =	stream.indirect_vreg.gather [hbm4b:s6+s28], $0x80, v3, vm0, $0xb8;
	[tilespmem:$0x1E400] =	vst v63  }
0x606: {  	s13 =	simm.s32 $0x7400  }
0x607: {  	[tilespmem:s13], [sflag:$0x1] =	stream.indirect_vreg.gather [hbm4b:s7+s28], $0x80, v3, vm0, $0xb8;
	[tilespmem:$0x1E400] =	vst v63  }
0x608: {  	s14 =	simm.s32 $0x7C00  }
0x609: {  	[tilespmem:s14], [sflag:$0x1] =	stream.indirect_vreg.gather [hbm4b:s9+s28], $0x80, v3, vm0, $0xb8;
	[tilespmem:$0x1E400] =	vst v63  }
0x60a: {  	v3 =	vld.msk [tilespmem:$0x388], $0xff;
	_ =	sdelay $0x4  }
0x60b: {  	v62 =	vshll.u32 v3, $0x3  }
0x60c: {  	v3 =	vand.u32 $0x7, v3;
	v4 =	vand.u32 $0xFFFFFFC0, v62  }
0x60d: {  	v3 =	vor.u32 v3, v4  }
0x60e: {  	v3 =	vperm.xlane v3, v0;
	_ =	sdelay $0x1  }
0x60f: {  	v3 =	vadd.s32 v1, v3;
	_ =	sdelay $0x3  }
0x610: {  	s15 =	simm.s32 $0x8400  }
0x611: {  	[tilespmem:s15], [sflag:$0x1] =	stream.indirect_vreg.gather [hbm4b:s1+s28], $0x80, v3, vm0, $0xb8;
	[tilespmem:$0x1E400] =	vst v63  }
0x612: {  	s20 =	simm.s32 $0x8C00  }
0x613: {  	[tilespmem:s20], [sflag:$0x1] =	stream.indirect_vreg.gather [hbm4b:s6+s28], $0x80, v3, vm0, $0xb8;
	[tilespmem:$0x1E400] =	vst v63  }
0x614: {  	s23 =	simm.s32 $0x9400  }
0x615: {  	[tilespmem:s23], [sflag:$0x1] =	stream.indirect_vreg.gather [hbm4b:s7+s28], $0x80, v3, vm0, $0xb8;
	[tilespmem:$0x1E400] =	vst v63  }
0x616: {  	s24 =	simm.s32 $0x9C00  }
0x617: {  	[tilespmem:s24], [sflag:$0x1] =	stream.indirect_vreg.gather [hbm4b:s9+s28], $0x80, v3, vm0, $0xb8;
	[tilespmem:$0x1E400] =	vst v63  }
0x618: {  	_ =	swait.ge [sflag:s21], $0xA000  }
0x619: {  	[sflag:s21] =	ssyncset.done $0x0  }
0x61a: {  	[sflag:s21] =	ssyncadd.s32 $0xFFFF6000  }
0x61b: {  	v3 =	vld [tilespmem:$0x140]  }
0x61c: {  	v63 =	vld [tilespmem:$0x150]  }
0x61d: {  	v5 =	vld [tilespmem:$0x160];
	_ =	sdelay $0x2  }
0x61e: {  	vm1 =	vgt.s32 v3, $0x1869F  }
0x61f: {  	v3 =	vmpcnt.ones.xlane vm1;
	vm1 =	vgt.s32 v63, $0x1869F  }
0x620: {  	v4 =	vmpcnt.ones.xlane vm1;
	vm1 =	vgt.s32 v5, $0x1869F  }
0x621: {  	(v2sf) =	vpush v3, $0x0;
	v3 =	vmpcnt.ones.xlane vm1  }
0x622: {  	(v2sf) =	vpush v4, $0x0  }
0x623: {  	(v2sf) =	vpush v3, $0x0;
	_ =	sdelay $0xc  }
0x624: {  	s29 =	spop (v2sf)  }
0x625: {  	s30 =	spop (v2sf)  }
0x626: {  	s0 =	sadd.s32 s29, s30;
	s31 =	spop (v2sf)  }
0x627: {  	s0 =	sadd.s32 s31, s0  }
0x628: {  	p0 =	slt.s32 s0, $0x1  }
.Ltmp18:
0x629: {  	_ = 	snop;
	(pc) =	sbr.rel @p0 .LBB2_37-.Ltmp18, $2  }
0x62a: {  	_ =	sdelay $0x2  }
0x62b: {  	s0 =	simm.s32 $0x140  }
0x62c: {  	v3 =	vmov s0;
	_ =	sdelay $0x4  }
0x62d: {  	v3 =	vld.idx.msk [tilespmem:v3+s4+$0x0], $0xffff;
	_ =	sdelay $0x4  }
0x62e: {  	(v2sf) =	vpush v3, $0x0;
	_ =	sdelay $0xe  }
0x62f: {  	s0 =	spop (v2sf)  }
0x630: {  	p0 =	slt.s32 s0, $0x186A0  }
0x631: {  	s2 =	sshll.u32 @!p0 s0, $0xA;
	s0 =	sshll.u32 @!p0 s0, $0x7  }
0x632: {  	s2 =	sand.u32 @!p0 $0xFFFFE000, s2;
	s0 =	sand.u32 @!p0 $0x380, s0  }
0x633: {  	s0 =	sor.u32 @!p0 s0, s2  }
0x634: {  	s5 =	sand.u32 @!p0 $0xE000, s28;
	s2 =	sand.u32 @!p0 $0x380, s28;
	s0 =	sadd.s32 @!p0 $0xF9E58000, s0  }
0x635: {  	s2 =	sor.u32 @!p0 s2, s5;
	s0 =	sshrl.u32 @!p0 s0, $0x3  }
0x636: {  	s5 =	simm.s32 @!p0 $0x0;
	s2 =	sadd.s32 @!p0 $0x14400, s2;
	s0 =	sadd.s32 @!p0 s3, s0  }
0x637: {  	[tilespmem:s2], [sflag:$0x7] =	stream.linear.gather @!p0 [hbm4b:s0+s5], $0x80, $0x38;
	[tilespmem:$0x1E400] =	vst v63  }
0x638: {  	s10 =	sadd.s32 @!p0 $0x400, s2;
	s11 =	sadd.s32 @!p0 $0x80, s0  }
0x639: {  	[tilespmem:s10], [sflag:$0x7] =	stream.linear.gather @!p0 [hbm4b:s11+s5], $0x80, $0x38;
	[tilespmem:$0x1E400] =	vst v63  }
0x63a: {  	s10 =	sor.u32 @!p0 $0x800, s2;
	s11 =	sadd.s32 @!p0 $0x100, s0  }
0x63b: {  	[tilespmem:s10], [sflag:$0x7] =	stream.linear.gather @!p0 [hbm4b:s11+s5], $0x80, $0x38;
	[tilespmem:$0x1E400] =	vst v63  }
0x63c: {  	s10 =	sadd.s32 @!p0 $0xC00, s2;
	s11 =	sadd.s32 @!p0 $0x180, s0  }
0x63d: {  	[tilespmem:s10], [sflag:$0x7] =	stream.linear.gather @!p0 [hbm4b:s11+s5], $0x80, $0x38;
	[tilespmem:$0x1E400] =	vst v63  }
0x63e: {  	s10 =	sadd.s32 @!p0 $0x200, s0;
	s11 =	sor.u32 @!p0 $0x1000, s2  }
0x63f: {  	[tilespmem:s11], [sflag:$0x7] =	stream.linear.gather @!p0 [hbm4b:s10+s5], $0x80, $0x38;
	[tilespmem:$0x1E400] =	vst v63  }
0x640: {  	s10 =	sadd.s32 @!p0 $0x280, s0;
	s11 =	sadd.s32 @!p0 $0x1400, s2  }
0x641: {  	[tilespmem:s11], [sflag:$0x7] =	stream.linear.gather @!p0 [hbm4b:s10+s5], $0x80, $0x38;
	[tilespmem:$0x1E400] =	vst v63  }
0x642: {  	s31 =	simm.s32 $0x141;
	s10 =	sadd.s32 @!p0 $0x300, s0;
	s11 =	sor.u32 @!p0 $0x1800, s2  }
0x643: {  	[tilespmem:s11], [sflag:$0x7] =	stream.linear.gather @!p0 [hbm4b:s10+s5], $0x80, $0x38;
	[tilespmem:$0x1E400] =	vst v63  }
0x644: {  	s2 =	sadd.s32 @!p0 $0x1C00, s2;
	s10 =	sadd.s32 @!p0 $0x380, s0;
	s0 =	simm.s32 @!p0 $0x7  }
0x645: {  	[tilespmem:s2], [sflag:$0x7] =	stream.linear.gather @!p0 [hbm4b:s10+s5], $0x80, $0x38;
	[tilespmem:$0x1E400] =	vst v63  }
0x646: {  	v3 =	vmov s31;
	_ =	swait.ge @!p0 [sflag:s0], $0x400  }
0x647: {  	s30 =	simm.s32 $0x142;
	s29 =	simm.s32 $0x400;
	[sflag:s0] =	ssyncset.done @!p0 $0x0  }
.LBB2_35:
0x648: {  	[sflag:s0] =	ssyncadd.s32 @!p0 $0xFFFFFC00  }
0x649: {  	s28 =	sadd.s32 $0x80, s28;
	s31 =	smov.u32 s30;
	s30 =	sadd.s32 $0x1, s30  }
0x64a: {  	p1 =	sne.s32 s30, $0x168  }
0x64b: {  	v3 =	vld.idx.msk [tilespmem:v3+s4+$0x0], $0xffff;
	_ =	sdelay $0x5  }
0x64c: {  	(v2sf) =	vpush v3, $0x0;
	_ =	sdelay $0xe  }
0x64d: {  	s0 =	spop (v2sf)  }
0x64e: {  	p0 =	slt.s32 s0, $0x186A0  }
0x64f: {  	s2 =	sshll.u32 @!p0 s0, $0xA;
	s0 =	sshll.u32 @!p0 s0, $0x7;
	s5 =	sand.u32 @!p0 $0x380, s28  }
0x650: {  	s10 =	sand.u32 @!p0 $0xE000, s29;
	s2 =	sand.u32 @!p0 $0xFFFFE000, s2;
	s0 =	sand.u32 @!p0 $0x380, s0  }
0x651: {  	s0 =	sor.u32 @!p0 s0, s2;
	s2 =	sor.u32 @!p0 s5, s10  }
0x652: {  	s0 =	sadd.s32 @!p0 $0xF9E58000, s0;
	s2 =	sadd.s32 @!p0 $0x14400, s2  }
0x653: {  	s0 =	sshrl.u32 @!p0 s0, $0x3;
	s5 =	sadd.s32 @!p0 $0x400, s2;
	s10 =	sor.u32 @!p0 $0x800, s2  }
0x654: {  	s11 =	simm.s32 @!p0 $0x0;
	s12 =	sadd.s32 @!p0 $0xC00, s2;
	s0 =	sadd.s32 @!p0 s3, s0  }
0x655: {  	[tilespmem:s2], [sflag:$0x7] =	stream.linear.gather @!p0 [hbm4b:s0+s11], $0x80, $0x38;
	[tilespmem:$0x1E400] =	vst v63  }
0x656: {  	s13 =	sadd.s32 @!p0 $0x80, s0;
	s14 =	sadd.s32 @!p0 $0x100, s0;
	s15 =	sadd.s32 @!p0 $0x180, s0  }
0x657: {  	[tilespmem:s5], [sflag:$0x7] =	stream.linear.gather @!p0 [hbm4b:s13+s11], $0x80, $0x38;
	[tilespmem:$0x1E400] =	vst v63  }
0x658: {  	s20 =	sadd.s32 @!p0 $0x280, s0;
	s5 =	sadd.s32 @!p0 $0x200, s0;
	s13 =	sor.u32 @!p0 $0x1000, s2  }
0x659: {  	[tilespmem:s10], [sflag:$0x7] =	stream.linear.gather @!p0 [hbm4b:s14+s11], $0x80, $0x38;
	[tilespmem:$0x1E400] =	vst v63  }
0x65a: {  	s23 =	sor.u32 @!p0 $0x1800, s2;
	s10 =	sadd.s32 @!p0 $0x1400, s2;
	s14 =	sadd.s32 @!p0 $0x300, s0  }
0x65b: {  	[tilespmem:s12], [sflag:$0x7] =	stream.linear.gather @!p0 [hbm4b:s15+s11], $0x80, $0x38;
	[tilespmem:$0x1E400] =	vst v63  }
0x65c: {  	s2 =	sadd.s32 @!p0 $0x1C00, s2;
	s12 =	sadd.s32 @!p0 $0x380, s0  }
0x65d: {  	[tilespmem:s13], [sflag:$0x7] =	stream.linear.gather @!p0 [hbm4b:s5+s11], $0x80, $0x38;
	[tilespmem:$0x1E400] =	vst v63  }
0x65e: {  	_ = 	snop  }
0x65f: {  	[tilespmem:s10], [sflag:$0x7] =	stream.linear.gather @!p0 [hbm4b:s20+s11], $0x80, $0x38;
	[tilespmem:$0x1E400] =	vst v63  }
0x660: {  	_ = 	snop  }
0x661: {  	[tilespmem:s23], [sflag:$0x7] =	stream.linear.gather @!p0 [hbm4b:s14+s11], $0x80, $0x38;
	[tilespmem:$0x1E400] =	vst v63  }
.Ltmp19:
0x662: {  	_ = 	snop;
	(pc) =	sbr.rel @p1 .LBB2_35-.Ltmp19, $4  }
0x663: {  	s0 =	simm.s32 @!p0 $0x7  }
0x664: {  	v3 =	vmov s31;
	[tilespmem:s2], [sflag:$0x7] =	stream.linear.gather @!p0 [hbm4b:s12+s11], $0x80, $0x38;
	[tilespmem:$0x1E400] =	vst v63  }
0x665: {  	_ =	swait.ge @!p0 [sflag:s0], $0x400  }
0x666: {  	s29 =	sadd.s32 $0x400, s29;
	[sflag:s0] =	ssyncset.done @!p0 $0x0  }
0x667: {  	_ =	sdelay $0x2  }
0x668: {  	[sflag:s0] =	ssyncadd.s32 @!p0 $0xFFFFFC00  }
0x669: {  	v3 =	vld.idx.msk [tilespmem:v3+s4+$0x0], $0xffff;
	_ =	sdelay $0x4  }
0x66a: {  	(v2sf) =	vpush v3, $0x0;
	_ =	sdelay $0xe  }
0x66b: {  	s0 =	spop (v2sf)  }
0x66c: {  	p0 =	slt.s32 s0, $0x186A0  }
0x66d: {  	s2 =	sshll.u32 @!p0 s0, $0xA;
	s0 =	sshll.u32 @!p0 s0, $0x7  }
0x66e: {  	s2 =	sand.u32 @!p0 $0xFFFFE000, s2;
	s0 =	sand.u32 @!p0 $0x380, s0  }
0x66f: {  	s5 =	sadd.s32 $0x80, s28;
	s0 =	sor.u32 @!p0 s0, s2  }
0x670: {  	s2 =	sand.u32 @!p0 $0x380, s5;
	s5 =	sand.u32 @!p0 $0xE000, s29;
	s0 =	sadd.s32 @!p0 $0xF9E58000, s0  }
0x671: {  	s2 =	sor.u32 @!p0 s2, s5;
	s0 =	sshrl.u32 @!p0 s0, $0x3  }
0x672: {  	s5 =	simm.s32 @!p0 $0x0;
	s2 =	sadd.s32 @!p0 $0x14400, s2;
	s0 =	sadd.s32 @!p0 s3, s0  }
0x673: {  	[tilespmem:s2], [sflag:$0x7] =	stream.linear.gather @!p0 [hbm4b:s0+s5], $0x80, $0x38;
	[tilespmem:$0x1E400] =	vst v63  }
0x674: {  	s10 =	sadd.s32 @!p0 $0x400, s2;
	s11 =	sadd.s32 @!p0 $0x80, s0  }
0x675: {  	[tilespmem:s10], [sflag:$0x7] =	stream.linear.gather @!p0 [hbm4b:s11+s5], $0x80, $0x38;
	[tilespmem:$0x1E400] =	vst v63  }
0x676: {  	s10 =	sor.u32 @!p0 $0x800, s2;
	s11 =	sadd.s32 @!p0 $0x100, s0  }
0x677: {  	[tilespmem:s10], [sflag:$0x7] =	stream.linear.gather @!p0 [hbm4b:s11+s5], $0x80, $0x38;
	[tilespmem:$0x1E400] =	vst v63  }
0x678: {  	s10 =	sadd.s32 @!p0 $0xC00, s2;
	s11 =	sadd.s32 @!p0 $0x180, s0  }
0x679: {  	[tilespmem:s10], [sflag:$0x7] =	stream.linear.gather @!p0 [hbm4b:s11+s5], $0x80, $0x38;
	[tilespmem:$0x1E400] =	vst v63  }
0x67a: {  	s10 =	sadd.s32 @!p0 $0x200, s0;
	s11 =	sor.u32 @!p0 $0x1000, s2  }
0x67b: {  	[tilespmem:s11], [sflag:$0x7] =	stream.linear.gather @!p0 [hbm4b:s10+s5], $0x80, $0x38;
	[tilespmem:$0x1E400] =	vst v63  }
0x67c: {  	s10 =	sadd.s32 @!p0 $0x280, s0;
	s11 =	sadd.s32 @!p0 $0x1400, s2  }
0x67d: {  	[tilespmem:s11], [sflag:$0x7] =	stream.linear.gather @!p0 [hbm4b:s10+s5], $0x80, $0x38;
	[tilespmem:$0x1E400] =	vst v63  }
0x67e: {  	s10 =	sadd.s32 @!p0 $0x300, s0;
	s11 =	sor.u32 @!p0 $0x1800, s2  }
0x67f: {  	[tilespmem:s11], [sflag:$0x7] =	stream.linear.gather @!p0 [hbm4b:s10+s5], $0x80, $0x38;
	[tilespmem:$0x1E400] =	vst v63  }
0x680: {  	s0 =	sadd.s32 @!p0 $0x380, s0;
	s2 =	sadd.s32 @!p0 $0x1C00, s2;
	s10 =	simm.s32 @!p0 $0x7  }
0x681: {  	[tilespmem:s2], [sflag:$0x7] =	stream.linear.gather @!p0 [hbm4b:s0+s5], $0x80, $0x38;
	[tilespmem:$0x1E400] =	vst v63  }
0x682: {  	_ =	swait.ge @!p0 [sflag:s10], $0x400  }
0x683: {  	[sflag:s10] =	ssyncset.done @!p0 $0x0  }
0x684: {  	[sflag:s10] =	ssyncadd.s32 @!p0 $0xFFFFFC00  }
.LBB2_37:
0x685: {  	s28 =	simm.s32 $0x0;
	s0 =	rddreg [dreg:$0xe]  }
0x686: {  	[hbm4b:s0+s28] =	stream.linear.scatter [tilespmem:s16], [sflag:$0x6], $0xA000, $0x38;
	[tilespmem:$0x1E400] =	vst v63  }
0x687: {  	_ =	swait.ge [sflag:s22], $0xA000  }
0x688: {  	[sflag:s22] =	ssyncset.done $0x0  }
0x689: {  	[sflag:s22] =	ssyncadd.s32 $0xFFFF6000  }
0x68a: {  	v3 =	vld [tilespmem:$0x390];
	_ =	sdelay $0x4  }
0x68b: {  	v4 =	vshll.u32 v3, $0x3  }
0x68c: {  	v3 =	vand.u32 $0x7, v3;
	v4 =	vand.u32 $0xFFFFFFC0, v4  }
0x68d: {  	v3 =	vor.u32 v3, v4  }
0x68e: {  	v4 =	vperm.xlane v3, v0;
	_ =	sdelay $0x1  }
0x68f: {  	v4 =	vadd.s32 v1, v4;
	_ =	sdelay $0x3  }
0x690: {  	s14 =	simm.s32 $0xA400  }
0x691: {  	[tilespmem:s14], [sflag:$0x2] =	stream.indirect_vreg.gather [hbm4b:s1+s28], $0x80, v4, vm0, $0xb8;
	[tilespmem:$0x1E400] =	vst v63  }
0x692: {  	s15 =	simm.s32 $0xAC00;
	v3 =	vperm.xlane v3, v2  }
0x693: {  	[tilespmem:s15], [sflag:$0x2] =	stream.indirect_vreg.gather [hbm4b:s6+s28], $0x80, v4, vm0, $0xb8;
	[tilespmem:$0x1E400] =	vst v63  }
0x694: {  	s20 =	simm.s32 $0xB400;
	v3 =	vadd.s32 v1, v3  }
0x695: {  	[tilespmem:s20], [sflag:$0x2] =	stream.indirect_vreg.gather [hbm4b:s7+s28], $0x80, v4, vm0, $0xb8;
	[tilespmem:$0x1E400] =	vst v63  }
0x696: {  	s23 =	simm.s32 $0xBC00  }
0x697: {  	[tilespmem:s23], [sflag:$0x2] =	stream.indirect_vreg.gather [hbm4b:s9+s28], $0x80, v4, vm0, $0xb8;
	[tilespmem:$0x1E400] =	vst v63  }
0x698: {  	s24 =	simm.s32 $0xC400  }
0x699: {  	[tilespmem:s24], [sflag:$0x2] =	stream.indirect_vreg.gather [hbm4b:s1+s28], $0x80, v3, vm0, $0xb8;
	[tilespmem:$0x1E400] =	vst v63  }
0x69a: {  	s29 =	simm.s32 $0xCC00  }
0x69b: {  	[tilespmem:s29], [sflag:$0x2] =	stream.indirect_vreg.gather [hbm4b:s6+s28], $0x80, v3, vm0, $0xb8;
	[tilespmem:$0x1E400] =	vst v63  }
0x69c: {  	s30 =	simm.s32 $0xD400  }
0x69d: {  	[tilespmem:s30], [sflag:$0x2] =	stream.indirect_vreg.gather [hbm4b:s7+s28], $0x80, v3, vm0, $0xb8;
	[tilespmem:$0x1E400] =	vst v63  }
0x69e: {  	s31 =	simm.s32 $0xDC00  }
0x69f: {  	[tilespmem:s31], [sflag:$0x2] =	stream.indirect_vreg.gather [hbm4b:s9+s28], $0x80, v3, vm0, $0xb8;
	[tilespmem:$0x1E400] =	vst v63  }
0x6a0: {  	v3 =	vld [tilespmem:$0x3A0];
	_ =	sdelay $0x4  }
0x6a1: {  	v61 =	vshll.u32 v3, $0x3  }
0x6a2: {  	v3 =	vand.u32 $0x7, v3;
	v4 =	vand.u32 $0xFFFFFFC0, v61  }
0x6a3: {  	v3 =	vor.u32 v3, v4  }
0x6a4: {  	v4 =	vperm.xlane v3, v0;
	_ =	sdelay $0x1  }
0x6a5: {  	v4 =	vadd.s32 v1, v4;
	_ =	sdelay $0x3  }
0x6a6: {  	s2 =	simm.s32 $0xE400  }
0x6a7: {  	[tilespmem:s2], [sflag:$0x2] =	stream.indirect_vreg.gather [hbm4b:s1+s28], $0x80, v4, vm0, $0xb8;
	[tilespmem:$0x1E400] =	vst v63  }
0x6a8: {  	s5 =	simm.s32 $0xEC00;
	v3 =	vperm.xlane v3, v2  }
0x6a9: {  	[tilespmem:s5], [sflag:$0x2] =	stream.indirect_vreg.gather [hbm4b:s6+s28], $0x80, v4, vm0, $0xb8;
	[tilespmem:$0x1E400] =	vst v63  }
0x6aa: {  	s10 =	simm.s32 $0xF400;
	v3 =	vadd.s32 v1, v3  }
0x6ab: {  	[tilespmem:s10], [sflag:$0x2] =	stream.indirect_vreg.gather [hbm4b:s7+s28], $0x80, v4, vm0, $0xb8;
	[tilespmem:$0x1E400] =	vst v63  }
0x6ac: {  	s11 =	simm.s32 $0xFC00  }
0x6ad: {  	[tilespmem:s11], [sflag:$0x2] =	stream.indirect_vreg.gather [hbm4b:s9+s28], $0x80, v4, vm0, $0xb8;
	[tilespmem:$0x1E400] =	vst v63  }
0x6ae: {  	s12 =	simm.s32 $0x10400  }
0x6af: {  	[tilespmem:s12], [sflag:$0x2] =	stream.indirect_vreg.gather [hbm4b:s1+s28], $0x80, v3, vm0, $0xb8;
	[tilespmem:$0x1E400] =	vst v63  }
0x6b0: {  	s13 =	simm.s32 $0x10C00  }
0x6b1: {  	[tilespmem:s13], [sflag:$0x2] =	stream.indirect_vreg.gather [hbm4b:s6+s28], $0x80, v3, vm0, $0xb8;
	[tilespmem:$0x1E400] =	vst v63  }
0x6b2: {  	s14 =	simm.s32 $0x11400  }
0x6b3: {  	[tilespmem:s14], [sflag:$0x2] =	stream.indirect_vreg.gather [hbm4b:s7+s28], $0x80, v3, vm0, $0xb8;
	[tilespmem:$0x1E400] =	vst v63  }
0x6b4: {  	s15 =	simm.s32 $0x11C00  }
0x6b5: {  	[tilespmem:s15], [sflag:$0x2] =	stream.indirect_vreg.gather [hbm4b:s9+s28], $0x80, v3, vm0, $0xb8;
	[tilespmem:$0x1E400] =	vst v63  }
0x6b6: {  	v3 =	vld.msk [tilespmem:$0x3B0], $0xff;
	_ =	sdelay $0x4  }
0x6b7: {  	v62 =	vshll.u32 v3, $0x3  }
0x6b8: {  	v3 =	vand.u32 $0x7, v3;
	v4 =	vand.u32 $0xFFFFFFC0, v62  }
0x6b9: {  	v3 =	vor.u32 v3, v4  }
0x6ba: {  	v3 =	vperm.xlane v3, v0;
	_ =	sdelay $0x1  }
0x6bb: {  	v3 =	vadd.s32 v1, v3;
	_ =	sdelay $0x3  }
0x6bc: {  	s20 =	simm.s32 $0x12400  }
0x6bd: {  	[tilespmem:s20], [sflag:$0x2] =	stream.indirect_vreg.gather [hbm4b:s1+s28], $0x80, v3, vm0, $0xb8;
	[tilespmem:$0x1E400] =	vst v63  }
0x6be: {  	s23 =	simm.s32 $0x12C00  }
0x6bf: {  	[tilespmem:s23], [sflag:$0x2] =	stream.indirect_vreg.gather [hbm4b:s6+s28], $0x80, v3, vm0, $0xb8;
	[tilespmem:$0x1E400] =	vst v63  }
0x6c0: {  	s24 =	simm.s32 $0x13400  }
0x6c1: {  	[tilespmem:s24], [sflag:$0x2] =	stream.indirect_vreg.gather [hbm4b:s7+s28], $0x80, v3, vm0, $0xb8;
	[tilespmem:$0x1E400] =	vst v63  }
0x6c2: {  	s29 =	simm.s32 $0x13C00  }
0x6c3: {  	[tilespmem:s29], [sflag:$0x2] =	stream.indirect_vreg.gather [hbm4b:s9+s28], $0x80, v3, vm0, $0xb8;
	[tilespmem:$0x1E400] =	vst v63  }
0x6c4: {  	_ =	swait.ge [sflag:s25], $0xA000  }
0x6c5: {  	[sflag:s25] =	ssyncset.done $0x0  }
0x6c6: {  	[sflag:s25] =	ssyncadd.s32 $0xFFFF6000  }
0x6c7: {  	v3 =	vld [tilespmem:$0x160]  }
0x6c8: {  	v63 =	vld [tilespmem:$0x170]  }
0x6c9: {  	v5 =	vld [tilespmem:$0x180];
	_ =	sdelay $0x2  }
0x6ca: {  	vm1 =	vgt.s32 v3, $0x1869F  }
0x6cb: {  	v3 =	vmpcnt.ones.xlane vm1;
	vm1 =	vgt.s32 v63, $0x1869F  }
0x6cc: {  	v4 =	vmpcnt.ones.xlane vm1;
	vm1 =	vgt.s32 v5, $0x1869F  }
0x6cd: {  	(v2sf) =	vpush v3, $0x0;
	v3 =	vmpcnt.ones.xlane vm1  }
0x6ce: {  	(v2sf) =	vpush v4, $0x0  }
0x6cf: {  	(v2sf) =	vpush v3, $0x0;
	_ =	sdelay $0xc  }
0x6d0: {  	s30 =	spop (v2sf)  }
0x6d1: {  	s2 =	spop (v2sf)  }
0x6d2: {  	s0 =	sadd.s32 s30, s2;
	s31 =	spop (v2sf)  }
0x6d3: {  	s0 =	sadd.s32 s31, s0  }
0x6d4: {  	p0 =	slt.s32 s0, $0x1  }
.Ltmp20:
0x6d5: {  	_ = 	snop;
	(pc) =	sbr.rel @p0 .LBB2_41-.Ltmp20, $2  }
0x6d6: {  	_ =	sdelay $0x2  }
0x6d7: {  	s0 =	simm.s32 $0x168  }
0x6d8: {  	v3 =	vmov s0;
	_ =	sdelay $0x4  }
0x6d9: {  	v3 =	vld.idx.msk [tilespmem:v3+s4+$0x0], $0xffff;
	_ =	sdelay $0x4  }
0x6da: {  	(v2sf) =	vpush v3, $0x0;
	_ =	sdelay $0xe  }
0x6db: {  	s0 =	spop (v2sf)  }
0x6dc: {  	p0 =	slt.s32 s0, $0x186A0  }
0x6dd: {  	s2 =	sshll.u32 @!p0 s0, $0xA;
	s0 =	sshll.u32 @!p0 s0, $0x7  }
0x6de: {  	s2 =	sand.u32 @!p0 $0xFFFFE000, s2;
	s0 =	sand.u32 @!p0 $0x380, s0  }
0x6df: {  	s0 =	sor.u32 @!p0 s0, s2  }
0x6e0: {  	s5 =	sand.u32 @!p0 $0xE000, s28;
	s2 =	sand.u32 @!p0 $0x380, s28;
	s0 =	sadd.s32 @!p0 $0xF9E58000, s0  }
0x6e1: {  	s2 =	sor.u32 @!p0 s2, s5;
	s0 =	sshrl.u32 @!p0 s0, $0x3  }
0x6e2: {  	s10 =	simm.s32 @!p0 $0x0;
	s5 =	sor.u32 @!p0 $0x400, s2;
	s0 =	sadd.s32 @!p0 s3, s0  }
0x6e3: {  	[tilespmem:s5], [sflag:$0x7] =	stream.linear.gather @!p0 [hbm4b:s0+s10], $0x80, $0x38;
	[tilespmem:$0x1E400] =	vst v63  }
0x6e4: {  	s5 =	sor.u32 @!p0 $0x800, s2;
	s11 =	sadd.s32 @!p0 $0x80, s0  }
0x6e5: {  	[tilespmem:s5], [sflag:$0x7] =	stream.linear.gather @!p0 [hbm4b:s11+s10], $0x80, $0x38;
	[tilespmem:$0x1E400] =	vst v63  }
0x6e6: {  	s5 =	sor.u32 @!p0 $0xC00, s2;
	s11 =	sadd.s32 @!p0 $0x100, s0  }
0x6e7: {  	[tilespmem:s5], [sflag:$0x7] =	stream.linear.gather @!p0 [hbm4b:s11+s10], $0x80, $0x38;
	[tilespmem:$0x1E400] =	vst v63  }
0x6e8: {  	s5 =	sor.u32 @!p0 $0x1000, s2;
	s11 =	sadd.s32 @!p0 $0x180, s0  }
0x6e9: {  	[tilespmem:s5], [sflag:$0x7] =	stream.linear.gather @!p0 [hbm4b:s11+s10], $0x80, $0x38;
	[tilespmem:$0x1E400] =	vst v63  }
0x6ea: {  	s5 =	sor.u32 @!p0 $0x1400, s2;
	s11 =	sadd.s32 @!p0 $0x200, s0  }
0x6eb: {  	[tilespmem:s5], [sflag:$0x7] =	stream.linear.gather @!p0 [hbm4b:s11+s10], $0x80, $0x38;
	[tilespmem:$0x1E400] =	vst v63  }
0x6ec: {  	s5 =	sadd.s32 @!p0 $0x280, s0;
	s11 =	sor.u32 @!p0 $0x1800, s2  }
0x6ed: {  	[tilespmem:s11], [sflag:$0x7] =	stream.linear.gather @!p0 [hbm4b:s5+s10], $0x80, $0x38;
	[tilespmem:$0x1E400] =	vst v63  }
0x6ee: {  	s31 =	simm.s32 $0x169;
	s5 =	sadd.s32 @!p0 $0x300, s0;
	s11 =	sor.u32 @!p0 $0x1C00, s2  }
0x6ef: {  	[tilespmem:s11], [sflag:$0x7] =	stream.linear.gather @!p0 [hbm4b:s5+s10], $0x80, $0x38;
	[tilespmem:$0x1E400] =	vst v63  }
0x6f0: {  	s2 =	sadd.s32 @!p0 $0x2000, s2;
	s5 =	sadd.s32 @!p0 $0x380, s0;
	s0 =	simm.s32 @!p0 $0x7  }
0x6f1: {  	[tilespmem:s2], [sflag:$0x7] =	stream.linear.gather @!p0 [hbm4b:s5+s10], $0x80, $0x38;
	[tilespmem:$0x1E400] =	vst v63  }
0x6f2: {  	v3 =	vmov s31;
	_ =	swait.ge @!p0 [sflag:s0], $0x400  }
0x6f3: {  	s30 =	simm.s32 $0x16A;
	s29 =	simm.s32 $0x400;
	[sflag:s0] =	ssyncset.done @!p0 $0x0  }
.LBB2_39:
0x6f4: {  	[sflag:s0] =	ssyncadd.s32 @!p0 $0xFFFFFC00  }
0x6f5: {  	s28 =	sadd.s32 $0x80, s28;
	s31 =	smov.u32 s30;
	s30 =	sadd.s32 $0x1, s30  }
0x6f6: {  	p1 =	sne.s32 s30, $0x190  }
0x6f7: {  	v3 =	vld.idx.msk [tilespmem:v3+s4+$0x0], $0xffff;
	_ =	sdelay $0x5  }
0x6f8: {  	(v2sf) =	vpush v3, $0x0;
	_ =	sdelay $0xe  }
0x6f9: {  	s0 =	spop (v2sf)  }
0x6fa: {  	p0 =	slt.s32 s0, $0x186A0  }
0x6fb: {  	s2 =	sshll.u32 @!p0 s0, $0xA;
	s0 =	sshll.u32 @!p0 s0, $0x7;
	s5 =	sand.u32 @!p0 $0x380, s28  }
0x6fc: {  	s10 =	sand.u32 @!p0 $0xE000, s29;
	s2 =	sand.u32 @!p0 $0xFFFFE000, s2;
	s0 =	sand.u32 @!p0 $0x380, s0  }
0x6fd: {  	s0 =	sor.u32 @!p0 s0, s2;
	s2 =	sor.u32 @!p0 s5, s10  }
0x6fe: {  	s0 =	sadd.s32 @!p0 $0xF9E58000, s0;
	s5 =	sor.u32 @!p0 $0x400, s2;
	s10 =	sor.u32 @!p0 $0x800, s2  }
0x6ff: {  	s11 =	sor.u32 @!p0 $0xC00, s2;
	s12 =	sor.u32 @!p0 $0x1000, s2;
	s0 =	sshrl.u32 @!p0 s0, $0x3  }
0x700: {  	s13 =	simm.s32 @!p0 $0x0;
	s14 =	sor.u32 @!p0 $0x1400, s2;
	s0 =	sadd.s32 @!p0 s3, s0  }
0x701: {  	[tilespmem:s5], [sflag:$0x7] =	stream.linear.gather @!p0 [hbm4b:s0+s13], $0x80, $0x38;
	[tilespmem:$0x1E400] =	vst v63  }
0x702: {  	s5 =	sadd.s32 @!p0 $0x80, s0;
	s15 =	sadd.s32 @!p0 $0x100, s0;
	s20 =	sadd.s32 @!p0 $0x180, s0  }
0x703: {  	[tilespmem:s10], [sflag:$0x7] =	stream.linear.gather @!p0 [hbm4b:s5+s13], $0x80, $0x38;
	[tilespmem:$0x1E400] =	vst v63  }
0x704: {  	s23 =	sadd.s32 @!p0 $0x300, s0;
	s5 =	sadd.s32 @!p0 $0x200, s0;
	s10 =	sadd.s32 @!p0 $0x280, s0  }
0x705: {  	[tilespmem:s11], [sflag:$0x7] =	stream.linear.gather @!p0 [hbm4b:s15+s13], $0x80, $0x38;
	[tilespmem:$0x1E400] =	vst v63  }
0x706: {  	s24 =	sadd.s32 @!p0 $0x380, s0;
	s11 =	sor.u32 @!p0 $0x1800, s2;
	s15 =	sor.u32 @!p0 $0x1C00, s2  }
0x707: {  	[tilespmem:s12], [sflag:$0x7] =	stream.linear.gather @!p0 [hbm4b:s20+s13], $0x80, $0x38;
	[tilespmem:$0x1E400] =	vst v63  }
0x708: {  	s2 =	sadd.s32 @!p0 $0x2000, s2  }
0x709: {  	[tilespmem:s14], [sflag:$0x7] =	stream.linear.gather @!p0 [hbm4b:s5+s13], $0x80, $0x38;
	[tilespmem:$0x1E400] =	vst v63  }
0x70a: {  	_ = 	snop  }
0x70b: {  	[tilespmem:s11], [sflag:$0x7] =	stream.linear.gather @!p0 [hbm4b:s10+s13], $0x80, $0x38;
	[tilespmem:$0x1E400] =	vst v63  }
0x70c: {  	_ = 	snop  }
0x70d: {  	[tilespmem:s15], [sflag:$0x7] =	stream.linear.gather @!p0 [hbm4b:s23+s13], $0x80, $0x38;
	[tilespmem:$0x1E400] =	vst v63  }
.Ltmp21:
0x70e: {  	_ = 	snop;
	(pc) =	sbr.rel @p1 .LBB2_39-.Ltmp21, $4  }
0x70f: {  	s0 =	simm.s32 @!p0 $0x7  }
0x710: {  	v3 =	vmov s31;
	[tilespmem:s2], [sflag:$0x7] =	stream.linear.gather @!p0 [hbm4b:s24+s13], $0x80, $0x38;
	[tilespmem:$0x1E400] =	vst v63  }
0x711: {  	_ =	swait.ge @!p0 [sflag:s0], $0x400  }
0x712: {  	s29 =	sadd.s32 $0x400, s29;
	[sflag:s0] =	ssyncset.done @!p0 $0x0  }
0x713: {  	_ =	sdelay $0x2  }
0x714: {  	[sflag:s0] =	ssyncadd.s32 @!p0 $0xFFFFFC00  }
0x715: {  	v3 =	vld.idx.msk [tilespmem:v3+s4+$0x0], $0xffff;
	_ =	sdelay $0x4  }
0x716: {  	(v2sf) =	vpush v3, $0x0;
	_ =	sdelay $0xe  }
0x717: {  	s0 =	spop (v2sf)  }
0x718: {  	p0 =	slt.s32 s0, $0x186A0  }
0x719: {  	s2 =	sshll.u32 @!p0 s0, $0xA;
	s0 =	sshll.u32 @!p0 s0, $0x7  }
0x71a: {  	s2 =	sand.u32 @!p0 $0xFFFFE000, s2;
	s0 =	sand.u32 @!p0 $0x380, s0  }
0x71b: {  	s5 =	sadd.s32 $0x80, s28;
	s0 =	sor.u32 @!p0 s0, s2  }
0x71c: {  	s2 =	sand.u32 @!p0 $0x380, s5;
	s5 =	sand.u32 @!p0 $0xE000, s29;
	s0 =	sadd.s32 @!p0 $0xF9E58000, s0  }
0x71d: {  	s2 =	sor.u32 @!p0 s2, s5;
	s0 =	sshrl.u32 @!p0 s0, $0x3  }
0x71e: {  	s10 =	simm.s32 @!p0 $0x0;
	s5 =	sor.u32 @!p0 $0x400, s2;
	s0 =	sadd.s32 @!p0 s3, s0  }
0x71f: {  	[tilespmem:s5], [sflag:$0x7] =	stream.linear.gather @!p0 [hbm4b:s0+s10], $0x80, $0x38;
	[tilespmem:$0x1E400] =	vst v63  }
0x720: {  	s5 =	sor.u32 @!p0 $0x800, s2;
	s11 =	sadd.s32 @!p0 $0x80, s0  }
0x721: {  	[tilespmem:s5], [sflag:$0x7] =	stream.linear.gather @!p0 [hbm4b:s11+s10], $0x80, $0x38;
	[tilespmem:$0x1E400] =	vst v63  }
0x722: {  	s5 =	sor.u32 @!p0 $0xC00, s2;
	s11 =	sadd.s32 @!p0 $0x100, s0  }
0x723: {  	[tilespmem:s5], [sflag:$0x7] =	stream.linear.gather @!p0 [hbm4b:s11+s10], $0x80, $0x38;
	[tilespmem:$0x1E400] =	vst v63  }
0x724: {  	s5 =	sor.u32 @!p0 $0x1000, s2;
	s11 =	sadd.s32 @!p0 $0x180, s0  }
0x725: {  	[tilespmem:s5], [sflag:$0x7] =	stream.linear.gather @!p0 [hbm4b:s11+s10], $0x80, $0x38;
	[tilespmem:$0x1E400] =	vst v63  }
0x726: {  	s5 =	sor.u32 @!p0 $0x1400, s2;
	s11 =	sadd.s32 @!p0 $0x200, s0  }
0x727: {  	[tilespmem:s5], [sflag:$0x7] =	stream.linear.gather @!p0 [hbm4b:s11+s10], $0x80, $0x38;
	[tilespmem:$0x1E400] =	vst v63  }
0x728: {  	s5 =	sadd.s32 @!p0 $0x280, s0;
	s11 =	sor.u32 @!p0 $0x1800, s2  }
0x729: {  	[tilespmem:s11], [sflag:$0x7] =	stream.linear.gather @!p0 [hbm4b:s5+s10], $0x80, $0x38;
	[tilespmem:$0x1E400] =	vst v63  }
0x72a: {  	s5 =	sadd.s32 @!p0 $0x300, s0;
	s11 =	sor.u32 @!p0 $0x1C00, s2  }
0x72b: {  	[tilespmem:s11], [sflag:$0x7] =	stream.linear.gather @!p0 [hbm4b:s5+s10], $0x80, $0x38;
	[tilespmem:$0x1E400] =	vst v63  }
0x72c: {  	s0 =	sadd.s32 @!p0 $0x380, s0;
	s2 =	sadd.s32 @!p0 $0x2000, s2;
	s5 =	simm.s32 @!p0 $0x7  }
0x72d: {  	[tilespmem:s2], [sflag:$0x7] =	stream.linear.gather @!p0 [hbm4b:s0+s10], $0x80, $0x38;
	[tilespmem:$0x1E400] =	vst v63  }
0x72e: {  	_ =	swait.ge @!p0 [sflag:s5], $0x400  }
0x72f: {  	[sflag:s5] =	ssyncset.done @!p0 $0x0  }
0x730: {  	[sflag:s5] =	ssyncadd.s32 @!p0 $0xFFFFFC00  }
.LBB2_41:
0x731: {  	s28 =	simm.s32 $0x0;
	s0 =	rddreg [dreg:$0xf]  }
0x732: {  	[hbm4b:s0+s28] =	stream.linear.scatter [tilespmem:s26], [sflag:$0x4], $0xA000, $0x38;
	[tilespmem:$0x1E400] =	vst v63  }
0x733: {  	_ =	swait.ge [sflag:s8], $0xA000  }
0x734: {  	[sflag:s8] =	ssyncset.done $0x0  }
0x735: {  	[sflag:s8] =	ssyncadd.s32 $0xFFFF6000  }
0x736: {  	v3 =	vld [tilespmem:$0x3B8];
	_ =	sdelay $0x4  }
0x737: {  	v4 =	vshll.u32 v3, $0x3  }
0x738: {  	v3 =	vand.u32 $0x7, v3;
	v4 =	vand.u32 $0xFFFFFFC0, v4  }
0x739: {  	v3 =	vor.u32 v3, v4  }
0x73a: {  	v4 =	vperm.xlane v3, v0;
	_ =	sdelay $0x1  }
0x73b: {  	v4 =	vadd.s32 v1, v4;
	_ =	sdelay $0x4  }
0x73c: {  	[tilespmem:s16], [sflag:$0x3] =	stream.indirect_vreg.gather [hbm4b:s1+s28], $0x80, v4, vm0, $0xb8;
	[tilespmem:$0x1E400] =	vst v63  }
0x73d: {  	s15 =	simm.s32 $0x14C00;
	v3 =	vperm.xlane v3, v2  }
0x73e: {  	[tilespmem:s15], [sflag:$0x3] =	stream.indirect_vreg.gather [hbm4b:s6+s28], $0x80, v4, vm0, $0xb8;
	[tilespmem:$0x1E400] =	vst v63  }
0x73f: {  	s20 =	simm.s32 $0x15400;
	v3 =	vadd.s32 v1, v3  }
0x740: {  	[tilespmem:s20], [sflag:$0x3] =	stream.indirect_vreg.gather [hbm4b:s7+s28], $0x80, v4, vm0, $0xb8;
	[tilespmem:$0x1E400] =	vst v63  }
0x741: {  	s23 =	simm.s32 $0x15C00  }
0x742: {  	[tilespmem:s23], [sflag:$0x3] =	stream.indirect_vreg.gather [hbm4b:s9+s28], $0x80, v4, vm0, $0xb8;
	[tilespmem:$0x1E400] =	vst v63  }
0x743: {  	s24 =	simm.s32 $0x16400  }
0x744: {  	[tilespmem:s24], [sflag:$0x3] =	stream.indirect_vreg.gather [hbm4b:s1+s28], $0x80, v3, vm0, $0xb8;
	[tilespmem:$0x1E400] =	vst v63  }
0x745: {  	s29 =	simm.s32 $0x16C00  }
0x746: {  	[tilespmem:s29], [sflag:$0x3] =	stream.indirect_vreg.gather [hbm4b:s6+s28], $0x80, v3, vm0, $0xb8;
	[tilespmem:$0x1E400] =	vst v63  }
0x747: {  	s30 =	simm.s32 $0x17400  }
0x748: {  	[tilespmem:s30], [sflag:$0x3] =	stream.indirect_vreg.gather [hbm4b:s7+s28], $0x80, v3, vm0, $0xb8;
	[tilespmem:$0x1E400] =	vst v63  }
0x749: {  	s31 =	simm.s32 $0x17C00  }
0x74a: {  	[tilespmem:s31], [sflag:$0x3] =	stream.indirect_vreg.gather [hbm4b:s9+s28], $0x80, v3, vm0, $0xb8;
	[tilespmem:$0x1E400] =	vst v63  }
0x74b: {  	v3 =	vld [tilespmem:$0x3C8];
	_ =	sdelay $0x4  }
0x74c: {  	v61 =	vshll.u32 v3, $0x3  }
0x74d: {  	v3 =	vand.u32 $0x7, v3;
	v4 =	vand.u32 $0xFFFFFFC0, v61  }
0x74e: {  	v3 =	vor.u32 v3, v4  }
0x74f: {  	v4 =	vperm.xlane v3, v0;
	_ =	sdelay $0x1  }
0x750: {  	v4 =	vadd.s32 v1, v4;
	_ =	sdelay $0x3  }
0x751: {  	s2 =	simm.s32 $0x18400  }
0x752: {  	[tilespmem:s2], [sflag:$0x3] =	stream.indirect_vreg.gather [hbm4b:s1+s28], $0x80, v4, vm0, $0xb8;
	[tilespmem:$0x1E400] =	vst v63  }
0x753: {  	s5 =	simm.s32 $0x18C00;
	v3 =	vperm.xlane v3, v2  }
0x754: {  	[tilespmem:s5], [sflag:$0x3] =	stream.indirect_vreg.gather [hbm4b:s6+s28], $0x80, v4, vm0, $0xb8;
	[tilespmem:$0x1E400] =	vst v63  }
0x755: {  	s10 =	simm.s32 $0x19400;
	v3 =	vadd.s32 v1, v3  }
0x756: {  	[tilespmem:s10], [sflag:$0x3] =	stream.indirect_vreg.gather [hbm4b:s7+s28], $0x80, v4, vm0, $0xb8;
	[tilespmem:$0x1E400] =	vst v63  }
0x757: {  	s11 =	simm.s32 $0x19C00  }
0x758: {  	[tilespmem:s11], [sflag:$0x3] =	stream.indirect_vreg.gather [hbm4b:s9+s28], $0x80, v4, vm0, $0xb8;
	[tilespmem:$0x1E400] =	vst v63  }
0x759: {  	s12 =	simm.s32 $0x1A400  }
0x75a: {  	[tilespmem:s12], [sflag:$0x3] =	stream.indirect_vreg.gather [hbm4b:s1+s28], $0x80, v3, vm0, $0xb8;
	[tilespmem:$0x1E400] =	vst v63  }
0x75b: {  	s13 =	simm.s32 $0x1AC00  }
0x75c: {  	[tilespmem:s13], [sflag:$0x3] =	stream.indirect_vreg.gather [hbm4b:s6+s28], $0x80, v3, vm0, $0xb8;
	[tilespmem:$0x1E400] =	vst v63  }
0x75d: {  	s14 =	simm.s32 $0x1B400  }
0x75e: {  	[tilespmem:s14], [sflag:$0x3] =	stream.indirect_vreg.gather [hbm4b:s7+s28], $0x80, v3, vm0, $0xb8;
	[tilespmem:$0x1E400] =	vst v63  }
0x75f: {  	s15 =	simm.s32 $0x1BC00  }
0x760: {  	[tilespmem:s15], [sflag:$0x3] =	stream.indirect_vreg.gather [hbm4b:s9+s28], $0x80, v3, vm0, $0xb8;
	[tilespmem:$0x1E400] =	vst v63  }
0x761: {  	v3 =	vld.msk [tilespmem:$0x3D8], $0xff;
	_ =	sdelay $0x4  }
0x762: {  	v62 =	vshll.u32 v3, $0x3  }
0x763: {  	v3 =	vand.u32 $0x7, v3;
	v4 =	vand.u32 $0xFFFFFFC0, v62  }
0x764: {  	v3 =	vor.u32 v3, v4  }
0x765: {  	v3 =	vperm.xlane v3, v0;
	_ =	sdelay $0x1  }
0x766: {  	v3 =	vadd.s32 v1, v3;
	_ =	sdelay $0x3  }
0x767: {  	s20 =	simm.s32 $0x1C400  }
0x768: {  	[tilespmem:s20], [sflag:$0x3] =	stream.indirect_vreg.gather [hbm4b:s1+s28], $0x80, v3, vm0, $0xb8;
	[tilespmem:$0x1E400] =	vst v63  }
0x769: {  	s23 =	simm.s32 $0x1CC00  }
0x76a: {  	[tilespmem:s23], [sflag:$0x3] =	stream.indirect_vreg.gather [hbm4b:s6+s28], $0x80, v3, vm0, $0xb8;
	[tilespmem:$0x1E400] =	vst v63  }
0x76b: {  	s24 =	simm.s32 $0x1D400  }
0x76c: {  	[tilespmem:s24], [sflag:$0x3] =	stream.indirect_vreg.gather [hbm4b:s7+s28], $0x80, v3, vm0, $0xb8;
	[tilespmem:$0x1E400] =	vst v63  }
0x76d: {  	s29 =	simm.s32 $0x1DC00  }
0x76e: {  	[tilespmem:s29], [sflag:$0x3] =	stream.indirect_vreg.gather [hbm4b:s9+s28], $0x80, v3, vm0, $0xb8;
	[tilespmem:$0x1E400] =	vst v63  }
0x76f: {  	_ =	swait.ge [sflag:s18], $0xA000  }
0x770: {  	[sflag:s18] =	ssyncset.done $0x0  }
0x771: {  	[sflag:s18] =	ssyncadd.s32 $0xFFFF6000  }
0x772: {  	v3 =	vld [tilespmem:$0x190]  }
0x773: {  	v63 =	vld [tilespmem:$0x1A0]  }
0x774: {  	v5 =	vld [tilespmem:$0x1B0];
	_ =	sdelay $0x2  }
0x775: {  	vm1 =	vgt.s32 v3, $0x1869F  }
0x776: {  	v3 =	vmpcnt.ones.xlane vm1;
	vm1 =	vgt.s32 v63, $0x1869F  }
0x777: {  	v4 =	vmpcnt.ones.xlane vm1;
	vm1 =	vgt.s32 v5, $0x1869F  }
0x778: {  	(v2sf) =	vpush v3, $0x0;
	v3 =	vmpcnt.ones.xlane vm1  }
0x779: {  	(v2sf) =	vpush v4, $0x0  }
0x77a: {  	(v2sf) =	vpush v3, $0x0;
	_ =	sdelay $0xc  }
0x77b: {  	s30 =	spop (v2sf)  }
0x77c: {  	s2 =	spop (v2sf)  }
0x77d: {  	s0 =	sadd.s32 s30, s2;
	s31 =	spop (v2sf)  }
0x77e: {  	s0 =	sadd.s32 s31, s0  }
0x77f: {  	p0 =	slt.s32 s0, $0x1  }
.Ltmp22:
0x780: {  	_ = 	snop;
	(pc) =	sbr.rel @p0 .LBB2_45-.Ltmp22, $2  }
0x781: {  	_ =	sdelay $0x2  }
0x782: {  	s0 =	simm.s32 $0x190  }
0x783: {  	v3 =	vmov s0;
	_ =	sdelay $0x4  }
0x784: {  	v3 =	vld.idx.msk [tilespmem:v3+s4+$0x0], $0xffff;
	_ =	sdelay $0x4  }
0x785: {  	(v2sf) =	vpush v3, $0x0;
	_ =	sdelay $0xe  }
0x786: {  	s0 =	spop (v2sf)  }
0x787: {  	p0 =	slt.s32 s0, $0x186A0  }
0x788: {  	s2 =	sshll.u32 @!p0 s0, $0xA;
	s0 =	sshll.u32 @!p0 s0, $0x7  }
0x789: {  	s2 =	sand.u32 @!p0 $0xFFFFE000, s2;
	s0 =	sand.u32 @!p0 $0x380, s0  }
0x78a: {  	s0 =	sor.u32 @!p0 s0, s2  }
0x78b: {  	s5 =	sand.u32 @!p0 $0xE000, s28;
	s2 =	sand.u32 @!p0 $0x380, s28;
	s0 =	sadd.s32 @!p0 $0xF9E58000, s0  }
0x78c: {  	s2 =	sor.u32 @!p0 s2, s5;
	s0 =	sshrl.u32 @!p0 s0, $0x3  }
0x78d: {  	s10 =	simm.s32 @!p0 $0x0;
	s5 =	sadd.s32 @!p0 $0xA400, s2;
	s0 =	sadd.s32 @!p0 s3, s0  }
0x78e: {  	[tilespmem:s5], [sflag:$0x7] =	stream.linear.gather @!p0 [hbm4b:s0+s10], $0x80, $0x38;
	[tilespmem:$0x1E400] =	vst v63  }
0x78f: {  	s5 =	sadd.s32 @!p0 $0xA800, s2;
	s11 =	sadd.s32 @!p0 $0x80, s0  }
0x790: {  	[tilespmem:s5], [sflag:$0x7] =	stream.linear.gather @!p0 [hbm4b:s11+s10], $0x80, $0x38;
	[tilespmem:$0x1E400] =	vst v63  }
0x791: {  	s5 =	sadd.s32 @!p0 $0xAC00, s2;
	s11 =	sadd.s32 @!p0 $0x100, s0  }
0x792: {  	[tilespmem:s5], [sflag:$0x7] =	stream.linear.gather @!p0 [hbm4b:s11+s10], $0x80, $0x38;
	[tilespmem:$0x1E400] =	vst v63  }
0x793: {  	s5 =	sadd.s32 @!p0 $0xB000, s2;
	s11 =	sadd.s32 @!p0 $0x180, s0  }
0x794: {  	[tilespmem:s5], [sflag:$0x7] =	stream.linear.gather @!p0 [hbm4b:s11+s10], $0x80, $0x38;
	[tilespmem:$0x1E400] =	vst v63  }
0x795: {  	s5 =	sadd.s32 @!p0 $0xB400, s2;
	s11 =	sadd.s32 @!p0 $0x200, s0  }
0x796: {  	[tilespmem:s5], [sflag:$0x7] =	stream.linear.gather @!p0 [hbm4b:s11+s10], $0x80, $0x38;
	[tilespmem:$0x1E400] =	vst v63  }
0x797: {  	s5 =	sadd.s32 @!p0 $0x280, s0;
	s11 =	sadd.s32 @!p0 $0xB800, s2  }
0x798: {  	[tilespmem:s11], [sflag:$0x7] =	stream.linear.gather @!p0 [hbm4b:s5+s10], $0x80, $0x38;
	[tilespmem:$0x1E400] =	vst v63  }
0x799: {  	s31 =	simm.s32 $0x191;
	s5 =	sadd.s32 @!p0 $0x300, s0;
	s11 =	sadd.s32 @!p0 $0xBC00, s2  }
0x79a: {  	[tilespmem:s11], [sflag:$0x7] =	stream.linear.gather @!p0 [hbm4b:s5+s10], $0x80, $0x38;
	[tilespmem:$0x1E400] =	vst v63  }
0x79b: {  	s2 =	sadd.s32 @!p0 $0xC000, s2;
	s5 =	sadd.s32 @!p0 $0x380, s0;
	s0 =	simm.s32 @!p0 $0x7  }
0x79c: {  	[tilespmem:s2], [sflag:$0x7] =	stream.linear.gather @!p0 [hbm4b:s5+s10], $0x80, $0x38;
	[tilespmem:$0x1E400] =	vst v63  }
0x79d: {  	v3 =	vmov s31;
	_ =	swait.ge @!p0 [sflag:s0], $0x400  }
0x79e: {  	s30 =	simm.s32 $0x192;
	s29 =	simm.s32 $0x400;
	[sflag:s0] =	ssyncset.done @!p0 $0x0  }
.LBB2_43:
0x79f: {  	[sflag:s0] =	ssyncadd.s32 @!p0 $0xFFFFFC00  }
0x7a0: {  	s28 =	sadd.s32 $0x80, s28;
	s31 =	smov.u32 s30;
	s30 =	sadd.s32 $0x1, s30  }
0x7a1: {  	p1 =	sne.s32 s30, $0x1B8  }
0x7a2: {  	v3 =	vld.idx.msk [tilespmem:v3+s4+$0x0], $0xffff;
	_ =	sdelay $0x5  }
0x7a3: {  	(v2sf) =	vpush v3, $0x0;
	_ =	sdelay $0xe  }
0x7a4: {  	s0 =	spop (v2sf)  }
0x7a5: {  	p0 =	slt.s32 s0, $0x186A0  }
0x7a6: {  	s2 =	sshll.u32 @!p0 s0, $0xA;
	s0 =	sshll.u32 @!p0 s0, $0x7;
	s5 =	sand.u32 @!p0 $0x380, s28  }
0x7a7: {  	s10 =	sand.u32 @!p0 $0xE000, s29;
	s2 =	sand.u32 @!p0 $0xFFFFE000, s2;
	s0 =	sand.u32 @!p0 $0x380, s0  }
0x7a8: {  	s0 =	sor.u32 @!p0 s0, s2;
	s2 =	sor.u32 @!p0 s5, s10  }
0x7a9: {  	s0 =	sadd.s32 @!p0 $0xF9E58000, s0;
	s5 =	sadd.s32 @!p0 $0xA400, s2;
	s10 =	sadd.s32 @!p0 $0xA800, s2  }
0x7aa: {  	s11 =	sadd.s32 @!p0 $0xAC00, s2;
	s12 =	sadd.s32 @!p0 $0xB000, s2;
	s0 =	sshrl.u32 @!p0 s0, $0x3  }
0x7ab: {  	s13 =	simm.s32 @!p0 $0x0;
	s14 =	sadd.s32 @!p0 $0xB400, s2;
	s0 =	sadd.s32 @!p0 s3, s0  }
0x7ac: {  	[tilespmem:s5], [sflag:$0x7] =	stream.linear.gather @!p0 [hbm4b:s0+s13], $0x80, $0x38;
	[tilespmem:$0x1E400] =	vst v63  }
0x7ad: {  	s5 =	sadd.s32 @!p0 $0x80, s0;
	s15 =	sadd.s32 @!p0 $0x100, s0;
	s20 =	sadd.s32 @!p0 $0x180, s0  }
0x7ae: {  	[tilespmem:s10], [sflag:$0x7] =	stream.linear.gather @!p0 [hbm4b:s5+s13], $0x80, $0x38;
	[tilespmem:$0x1E400] =	vst v63  }
0x7af: {  	s23 =	sadd.s32 @!p0 $0x300, s0;
	s5 =	sadd.s32 @!p0 $0x200, s0;
	s10 =	sadd.s32 @!p0 $0x280, s0  }
0x7b0: {  	[tilespmem:s11], [sflag:$0x7] =	stream.linear.gather @!p0 [hbm4b:s15+s13], $0x80, $0x38;
	[tilespmem:$0x1E400] =	vst v63  }
0x7b1: {  	s24 =	sadd.s32 @!p0 $0x380, s0;
	s11 =	sadd.s32 @!p0 $0xB800, s2;
	s15 =	sadd.s32 @!p0 $0xBC00, s2  }
0x7b2: {  	[tilespmem:s12], [sflag:$0x7] =	stream.linear.gather @!p0 [hbm4b:s20+s13], $0x80, $0x38;
	[tilespmem:$0x1E400] =	vst v63  }
0x7b3: {  	s2 =	sadd.s32 @!p0 $0xC000, s2  }
0x7b4: {  	[tilespmem:s14], [sflag:$0x7] =	stream.linear.gather @!p0 [hbm4b:s5+s13], $0x80, $0x38;
	[tilespmem:$0x1E400] =	vst v63  }
0x7b5: {  	_ = 	snop  }
0x7b6: {  	[tilespmem:s11], [sflag:$0x7] =	stream.linear.gather @!p0 [hbm4b:s10+s13], $0x80, $0x38;
	[tilespmem:$0x1E400] =	vst v63  }
0x7b7: {  	_ = 	snop  }
0x7b8: {  	[tilespmem:s15], [sflag:$0x7] =	stream.linear.gather @!p0 [hbm4b:s23+s13], $0x80, $0x38;
	[tilespmem:$0x1E400] =	vst v63  }
.Ltmp23:
0x7b9: {  	_ = 	snop;
	(pc) =	sbr.rel @p1 .LBB2_43-.Ltmp23, $4  }
0x7ba: {  	s0 =	simm.s32 @!p0 $0x7  }
0x7bb: {  	v3 =	vmov s31;
	[tilespmem:s2], [sflag:$0x7] =	stream.linear.gather @!p0 [hbm4b:s24+s13], $0x80, $0x38;
	[tilespmem:$0x1E400] =	vst v63  }
0x7bc: {  	_ =	swait.ge @!p0 [sflag:s0], $0x400  }
0x7bd: {  	s29 =	sadd.s32 $0x400, s29;
	[sflag:s0] =	ssyncset.done @!p0 $0x0  }
0x7be: {  	_ =	sdelay $0x2  }
0x7bf: {  	[sflag:s0] =	ssyncadd.s32 @!p0 $0xFFFFFC00  }
0x7c0: {  	v3 =	vld.idx.msk [tilespmem:v3+s4+$0x0], $0xffff;
	_ =	sdelay $0x4  }
0x7c1: {  	(v2sf) =	vpush v3, $0x0;
	_ =	sdelay $0xe  }
0x7c2: {  	s0 =	spop (v2sf)  }
0x7c3: {  	p0 =	slt.s32 s0, $0x186A0  }
0x7c4: {  	s2 =	sshll.u32 @!p0 s0, $0xA;
	s0 =	sshll.u32 @!p0 s0, $0x7  }
0x7c5: {  	s2 =	sand.u32 @!p0 $0xFFFFE000, s2;
	s0 =	sand.u32 @!p0 $0x380, s0  }
0x7c6: {  	s5 =	sadd.s32 $0x80, s28;
	s0 =	sor.u32 @!p0 s0, s2  }
0x7c7: {  	s2 =	sand.u32 @!p0 $0x380, s5;
	s5 =	sand.u32 @!p0 $0xE000, s29;
	s0 =	sadd.s32 @!p0 $0xF9E58000, s0  }
0x7c8: {  	s2 =	sor.u32 @!p0 s2, s5;
	s0 =	sshrl.u32 @!p0 s0, $0x3  }
0x7c9: {  	s10 =	simm.s32 @!p0 $0x0;
	s5 =	sadd.s32 @!p0 $0xA400, s2;
	s0 =	sadd.s32 @!p0 s3, s0  }
0x7ca: {  	[tilespmem:s5], [sflag:$0x7] =	stream.linear.gather @!p0 [hbm4b:s0+s10], $0x80, $0x38;
	[tilespmem:$0x1E400] =	vst v63  }
0x7cb: {  	s5 =	sadd.s32 @!p0 $0xA800, s2;
	s11 =	sadd.s32 @!p0 $0x80, s0  }
0x7cc: {  	[tilespmem:s5], [sflag:$0x7] =	stream.linear.gather @!p0 [hbm4b:s11+s10], $0x80, $0x38;
	[tilespmem:$0x1E400] =	vst v63  }
0x7cd: {  	s5 =	sadd.s32 @!p0 $0xAC00, s2;
	s11 =	sadd.s32 @!p0 $0x100, s0  }
0x7ce: {  	[tilespmem:s5], [sflag:$0x7] =	stream.linear.gather @!p0 [hbm4b:s11+s10], $0x80, $0x38;
	[tilespmem:$0x1E400] =	vst v63  }
0x7cf: {  	s5 =	sadd.s32 @!p0 $0xB000, s2;
	s11 =	sadd.s32 @!p0 $0x180, s0  }
0x7d0: {  	[tilespmem:s5], [sflag:$0x7] =	stream.linear.gather @!p0 [hbm4b:s11+s10], $0x80, $0x38;
	[tilespmem:$0x1E400] =	vst v63  }
0x7d1: {  	s5 =	sadd.s32 @!p0 $0xB400, s2;
	s11 =	sadd.s32 @!p0 $0x200, s0  }
0x7d2: {  	[tilespmem:s5], [sflag:$0x7] =	stream.linear.gather @!p0 [hbm4b:s11+s10], $0x80, $0x38;
	[tilespmem:$0x1E400] =	vst v63  }
0x7d3: {  	s5 =	sadd.s32 @!p0 $0x280, s0;
	s11 =	sadd.s32 @!p0 $0xB800, s2  }
0x7d4: {  	[tilespmem:s11], [sflag:$0x7] =	stream.linear.gather @!p0 [hbm4b:s5+s10], $0x80, $0x38;
	[tilespmem:$0x1E400] =	vst v63  }
0x7d5: {  	s5 =	sadd.s32 @!p0 $0x300, s0;
	s11 =	sadd.s32 @!p0 $0xBC00, s2  }
0x7d6: {  	[tilespmem:s11], [sflag:$0x7] =	stream.linear.gather @!p0 [hbm4b:s5+s10], $0x80, $0x38;
	[tilespmem:$0x1E400] =	vst v63  }
0x7d7: {  	s0 =	sadd.s32 @!p0 $0x380, s0;
	s2 =	sadd.s32 @!p0 $0xC000, s2;
	s5 =	simm.s32 @!p0 $0x7  }
0x7d8: {  	[tilespmem:s2], [sflag:$0x7] =	stream.linear.gather @!p0 [hbm4b:s0+s10], $0x80, $0x38;
	[tilespmem:$0x1E400] =	vst v63  }
0x7d9: {  	_ =	swait.ge @!p0 [sflag:s5], $0x400  }
0x7da: {  	[sflag:s5] =	ssyncset.done @!p0 $0x0  }
0x7db: {  	[sflag:s5] =	ssyncadd.s32 @!p0 $0xFFFFFC00  }
.LBB2_45:
0x7dc: {  	s28 =	simm.s32 $0x0;
	s0 =	rddreg [dreg:$0x10];
	s2 =	simm.s32 $0xA400  }
0x7dd: {  	[hbm4b:s0+s28] =	stream.linear.scatter [tilespmem:s2], [sflag:$0x5], $0xA000, $0x38;
	[tilespmem:$0x1E400] =	vst v63  }
0x7de: {  	_ =	swait.ge [sflag:s19], $0xA000  }
0x7df: {  	[sflag:s19] =	ssyncset.done $0x0  }
0x7e0: {  	[sflag:s19] =	ssyncadd.s32 $0xFFFF6000  }
0x7e1: {  	v3 =	vld [tilespmem:$0x3E0];
	_ =	sdelay $0x4  }
0x7e2: {  	v4 =	vshll.u32 v3, $0x3  }
0x7e3: {  	v3 =	vand.u32 $0x7, v3;
	v4 =	vand.u32 $0xFFFFFFC0, v4  }
0x7e4: {  	v3 =	vor.u32 v3, v4  }
0x7e5: {  	v4 =	vperm.xlane v3, v0;
	_ =	sdelay $0x1  }
0x7e6: {  	v4 =	vadd.s32 v1, v4;
	_ =	sdelay $0x4  }
0x7e7: {  	[tilespmem:s26], [sflag:$0x1] =	stream.indirect_vreg.gather [hbm4b:s1+s28], $0x80, v4, vm0, $0xb8;
	[tilespmem:$0x1E400] =	vst v63  }
0x7e8: {  	s24 =	simm.s32 $0xC00;
	v3 =	vperm.xlane v3, v2  }
0x7e9: {  	[tilespmem:s24], [sflag:$0x1] =	stream.indirect_vreg.gather [hbm4b:s6+s28], $0x80, v4, vm0, $0xb8;
	[tilespmem:$0x1E400] =	vst v63  }
0x7ea: {  	s29 =	simm.s32 $0x1400;
	v3 =	vadd.s32 v1, v3  }
0x7eb: {  	[tilespmem:s29], [sflag:$0x1] =	stream.indirect_vreg.gather [hbm4b:s7+s28], $0x80, v4, vm0, $0xb8;
	[tilespmem:$0x1E400] =	vst v63  }
0x7ec: {  	s30 =	simm.s32 $0x1C00  }
0x7ed: {  	[tilespmem:s30], [sflag:$0x1] =	stream.indirect_vreg.gather [hbm4b:s9+s28], $0x80, v4, vm0, $0xb8;
	[tilespmem:$0x1E400] =	vst v63  }
0x7ee: {  	s31 =	simm.s32 $0x2400  }
0x7ef: {  	[tilespmem:s31], [sflag:$0x1] =	stream.indirect_vreg.gather [hbm4b:s1+s28], $0x80, v3, vm0, $0xb8;
	[tilespmem:$0x1E400] =	vst v63  }
0x7f0: {  	s2 =	simm.s32 $0x2C00  }
0x7f1: {  	[tilespmem:s2], [sflag:$0x1] =	stream.indirect_vreg.gather [hbm4b:s6+s28], $0x80, v3, vm0, $0xb8;
	[tilespmem:$0x1E400] =	vst v63  }
0x7f2: {  	s5 =	simm.s32 $0x3400  }
0x7f3: {  	[tilespmem:s5], [sflag:$0x1] =	stream.indirect_vreg.gather [hbm4b:s7+s28], $0x80, v3, vm0, $0xb8;
	[tilespmem:$0x1E400] =	vst v63  }
0x7f4: {  	s10 =	simm.s32 $0x3C00  }
0x7f5: {  	[tilespmem:s10], [sflag:$0x1] =	stream.indirect_vreg.gather [hbm4b:s9+s28], $0x80, v3, vm0, $0xb8;
	[tilespmem:$0x1E400] =	vst v63  }
0x7f6: {  	v3 =	vld [tilespmem:$0x3F0];
	_ =	sdelay $0x4  }
0x7f7: {  	v62 =	vshll.u32 v3, $0x3  }
0x7f8: {  	v3 =	vand.u32 $0x7, v3;
	v4 =	vand.u32 $0xFFFFFFC0, v62  }
0x7f9: {  	v3 =	vor.u32 v3, v4  }
0x7fa: {  	v4 =	vperm.xlane v3, v0;
	_ =	sdelay $0x1  }
0x7fb: {  	v4 =	vadd.s32 v1, v4;
	_ =	sdelay $0x3  }
0x7fc: {  	s11 =	simm.s32 $0x4400  }
0x7fd: {  	[tilespmem:s11], [sflag:$0x1] =	stream.indirect_vreg.gather [hbm4b:s1+s28], $0x80, v4, vm0, $0xb8;
	[tilespmem:$0x1E400] =	vst v63  }
0x7fe: {  	s12 =	simm.s32 $0x4C00;
	v3 =	vperm.xlane v3, v2  }
0x7ff: {  	[tilespmem:s12], [sflag:$0x1] =	stream.indirect_vreg.gather [hbm4b:s6+s28], $0x80, v4, vm0, $0xb8;
	[tilespmem:$0x1E400] =	vst v63  }
0x800: {  	s13 =	simm.s32 $0x5400;
	v3 =	vadd.s32 v1, v3  }
0x801: {  	[tilespmem:s13], [sflag:$0x1] =	stream.indirect_vreg.gather [hbm4b:s7+s28], $0x80, v4, vm0, $0xb8;
	[tilespmem:$0x1E400] =	vst v63  }
0x802: {  	s14 =	simm.s32 $0x5C00  }
0x803: {  	[tilespmem:s14], [sflag:$0x1] =	stream.indirect_vreg.gather [hbm4b:s9+s28], $0x80, v4, vm0, $0xb8;
	[tilespmem:$0x1E400] =	vst v63  }
0x804: {  	s15 =	simm.s32 $0x6400  }
0x805: {  	[tilespmem:s15], [sflag:$0x1] =	stream.indirect_vreg.gather [hbm4b:s1+s28], $0x80, v3, vm0, $0xb8;
	[tilespmem:$0x1E400] =	vst v63  }
0x806: {  	s20 =	simm.s32 $0x6C00  }
0x807: {  	[tilespmem:s20], [sflag:$0x1] =	stream.indirect_vreg.gather [hbm4b:s6+s28], $0x80, v3, vm0, $0xb8;
	[tilespmem:$0x1E400] =	vst v63  }
0x808: {  	s23 =	simm.s32 $0x7400  }
0x809: {  	[tilespmem:s23], [sflag:$0x1] =	stream.indirect_vreg.gather [hbm4b:s7+s28], $0x80, v3, vm0, $0xb8;
	[tilespmem:$0x1E400] =	vst v63  }
0x80a: {  	s24 =	simm.s32 $0x7C00  }
0x80b: {  	[tilespmem:s24], [sflag:$0x1] =	stream.indirect_vreg.gather [hbm4b:s9+s28], $0x80, v3, vm0, $0xb8;
	[tilespmem:$0x1E400] =	vst v63  }
0x80c: {  	_ =	swait.ge [sflag:s21], $0xA000  }
0x80d: {  	[sflag:s21] =	ssyncset.done $0x0  }
0x80e: {  	[sflag:s21] =	ssyncadd.s32 $0xFFFF6000  }
0x80f: {  	v3 =	vld [tilespmem:$0x1B0]  }
0x810: {  	v63 =	vld [tilespmem:$0x1C0]  }
0x811: {  	v5 =	vld [tilespmem:$0x1D0];
	_ =	sdelay $0x2  }
0x812: {  	vm1 =	vgt.s32 v3, $0x1869F  }
0x813: {  	v3 =	vmpcnt.ones.xlane vm1;
	vm1 =	vgt.s32 v63, $0x1869F  }
0x814: {  	v4 =	vmpcnt.ones.xlane vm1;
	vm1 =	vgt.s32 v5, $0x1869F  }
0x815: {  	(v2sf) =	vpush v3, $0x0;
	v3 =	vmpcnt.ones.xlane vm1  }
0x816: {  	(v2sf) =	vpush v4, $0x0  }
0x817: {  	(v2sf) =	vpush v3, $0x0;
	_ =	sdelay $0xc  }
0x818: {  	s29 =	spop (v2sf)  }
0x819: {  	s30 =	spop (v2sf)  }
0x81a: {  	s0 =	sadd.s32 s29, s30;
	s31 =	spop (v2sf)  }
0x81b: {  	s0 =	sadd.s32 s31, s0  }
0x81c: {  	p0 =	slt.s32 s0, $0x1  }
.Ltmp24:
0x81d: {  	_ = 	snop;
	(pc) =	sbr.rel @p0 .LBB2_49-.Ltmp24, $2  }
0x81e: {  	_ =	sdelay $0x2  }
0x81f: {  	s0 =	simm.s32 $0x1B8  }
0x820: {  	v3 =	vmov s0;
	_ =	sdelay $0x4  }
0x821: {  	v3 =	vld.idx.msk [tilespmem:v3+s4+$0x0], $0xffff;
	_ =	sdelay $0x4  }
0x822: {  	(v2sf) =	vpush v3, $0x0;
	_ =	sdelay $0xe  }
0x823: {  	s0 =	spop (v2sf)  }
0x824: {  	p0 =	slt.s32 s0, $0x186A0  }
0x825: {  	s2 =	sshll.u32 @!p0 s0, $0xA;
	s0 =	sshll.u32 @!p0 s0, $0x7  }
0x826: {  	s2 =	sand.u32 @!p0 $0xFFFFE000, s2;
	s0 =	sand.u32 @!p0 $0x380, s0  }
0x827: {  	s0 =	sor.u32 @!p0 s0, s2  }
0x828: {  	s5 =	sand.u32 @!p0 $0xE000, s28;
	s2 =	sand.u32 @!p0 $0x380, s28;
	s0 =	sadd.s32 @!p0 $0xF9E58000, s0  }
0x829: {  	s2 =	sor.u32 @!p0 s2, s5;
	s0 =	sshrl.u32 @!p0 s0, $0x3  }
0x82a: {  	s5 =	simm.s32 @!p0 $0x0;
	s2 =	sadd.s32 @!p0 $0x14400, s2;
	s0 =	sadd.s32 @!p0 s3, s0  }
0x82b: {  	[tilespmem:s2], [sflag:$0x7] =	stream.linear.gather @!p0 [hbm4b:s0+s5], $0x80, $0x38;
	[tilespmem:$0x1E400] =	vst v63  }
0x82c: {  	s10 =	sadd.s32 @!p0 $0x400, s2;
	s11 =	sadd.s32 @!p0 $0x80, s0  }
0x82d: {  	[tilespmem:s10], [sflag:$0x7] =	stream.linear.gather @!p0 [hbm4b:s11+s5], $0x80, $0x38;
	[tilespmem:$0x1E400] =	vst v63  }
0x82e: {  	s10 =	sor.u32 @!p0 $0x800, s2;
	s11 =	sadd.s32 @!p0 $0x100, s0  }
0x82f: {  	[tilespmem:s10], [sflag:$0x7] =	stream.linear.gather @!p0 [hbm4b:s11+s5], $0x80, $0x38;
	[tilespmem:$0x1E400] =	vst v63  }
0x830: {  	s10 =	sadd.s32 @!p0 $0xC00, s2;
	s11 =	sadd.s32 @!p0 $0x180, s0  }
0x831: {  	[tilespmem:s10], [sflag:$0x7] =	stream.linear.gather @!p0 [hbm4b:s11+s5], $0x80, $0x38;
	[tilespmem:$0x1E400] =	vst v63  }
0x832: {  	s10 =	sadd.s32 @!p0 $0x200, s0;
	s11 =	sor.u32 @!p0 $0x1000, s2  }
0x833: {  	[tilespmem:s11], [sflag:$0x7] =	stream.linear.gather @!p0 [hbm4b:s10+s5], $0x80, $0x38;
	[tilespmem:$0x1E400] =	vst v63  }
0x834: {  	s10 =	sadd.s32 @!p0 $0x280, s0;
	s11 =	sadd.s32 @!p0 $0x1400, s2  }
0x835: {  	[tilespmem:s11], [sflag:$0x7] =	stream.linear.gather @!p0 [hbm4b:s10+s5], $0x80, $0x38;
	[tilespmem:$0x1E400] =	vst v63  }
0x836: {  	s31 =	simm.s32 $0x1B9;
	s10 =	sadd.s32 @!p0 $0x300, s0;
	s11 =	sor.u32 @!p0 $0x1800, s2  }
0x837: {  	[tilespmem:s11], [sflag:$0x7] =	stream.linear.gather @!p0 [hbm4b:s10+s5], $0x80, $0x38;
	[tilespmem:$0x1E400] =	vst v63  }
0x838: {  	s2 =	sadd.s32 @!p0 $0x1C00, s2;
	s10 =	sadd.s32 @!p0 $0x380, s0;
	s0 =	simm.s32 @!p0 $0x7  }
0x839: {  	[tilespmem:s2], [sflag:$0x7] =	stream.linear.gather @!p0 [hbm4b:s10+s5], $0x80, $0x38;
	[tilespmem:$0x1E400] =	vst v63  }
0x83a: {  	v3 =	vmov s31;
	_ =	swait.ge @!p0 [sflag:s0], $0x400  }
0x83b: {  	s30 =	simm.s32 $0x1BA;
	s29 =	simm.s32 $0x400;
	[sflag:s0] =	ssyncset.done @!p0 $0x0  }
.LBB2_47:
0x83c: {  	[sflag:s0] =	ssyncadd.s32 @!p0 $0xFFFFFC00  }
0x83d: {  	s28 =	sadd.s32 $0x80, s28;
	s31 =	smov.u32 s30;
	s30 =	sadd.s32 $0x1, s30  }
0x83e: {  	p1 =	sne.s32 s30, $0x1E0  }
0x83f: {  	v3 =	vld.idx.msk [tilespmem:v3+s4+$0x0], $0xffff;
	_ =	sdelay $0x5  }
0x840: {  	(v2sf) =	vpush v3, $0x0;
	_ =	sdelay $0xe  }
0x841: {  	s0 =	spop (v2sf)  }
0x842: {  	p0 =	slt.s32 s0, $0x186A0  }
0x843: {  	s2 =	sshll.u32 @!p0 s0, $0xA;
	s0 =	sshll.u32 @!p0 s0, $0x7;
	s5 =	sand.u32 @!p0 $0x380, s28  }
0x844: {  	s10 =	sand.u32 @!p0 $0xE000, s29;
	s2 =	sand.u32 @!p0 $0xFFFFE000, s2;
	s0 =	sand.u32 @!p0 $0x380, s0  }
0x845: {  	s0 =	sor.u32 @!p0 s0, s2;
	s2 =	sor.u32 @!p0 s5, s10  }
0x846: {  	s0 =	sadd.s32 @!p0 $0xF9E58000, s0;
	s2 =	sadd.s32 @!p0 $0x14400, s2  }
0x847: {  	s0 =	sshrl.u32 @!p0 s0, $0x3;
	s5 =	sadd.s32 @!p0 $0x400, s2;
	s10 =	sor.u32 @!p0 $0x800, s2  }
0x848: {  	s11 =	simm.s32 @!p0 $0x0;
	s12 =	sadd.s32 @!p0 $0xC00, s2;
	s0 =	sadd.s32 @!p0 s3, s0  }
0x849: {  	[tilespmem:s2], [sflag:$0x7] =	stream.linear.gather @!p0 [hbm4b:s0+s11], $0x80, $0x38;
	[tilespmem:$0x1E400] =	vst v63  }
0x84a: {  	s13 =	sadd.s32 @!p0 $0x80, s0;
	s14 =	sadd.s32 @!p0 $0x100, s0;
	s15 =	sadd.s32 @!p0 $0x180, s0  }
0x84b: {  	[tilespmem:s5], [sflag:$0x7] =	stream.linear.gather @!p0 [hbm4b:s13+s11], $0x80, $0x38;
	[tilespmem:$0x1E400] =	vst v63  }
0x84c: {  	s20 =	sadd.s32 @!p0 $0x280, s0;
	s5 =	sadd.s32 @!p0 $0x200, s0;
	s13 =	sor.u32 @!p0 $0x1000, s2  }
0x84d: {  	[tilespmem:s10], [sflag:$0x7] =	stream.linear.gather @!p0 [hbm4b:s14+s11], $0x80, $0x38;
	[tilespmem:$0x1E400] =	vst v63  }
0x84e: {  	s23 =	sor.u32 @!p0 $0x1800, s2;
	s10 =	sadd.s32 @!p0 $0x1400, s2;
	s14 =	sadd.s32 @!p0 $0x300, s0  }
0x84f: {  	[tilespmem:s12], [sflag:$0x7] =	stream.linear.gather @!p0 [hbm4b:s15+s11], $0x80, $0x38;
	[tilespmem:$0x1E400] =	vst v63  }
0x850: {  	s2 =	sadd.s32 @!p0 $0x1C00, s2;
	s12 =	sadd.s32 @!p0 $0x380, s0  }
0x851: {  	[tilespmem:s13], [sflag:$0x7] =	stream.linear.gather @!p0 [hbm4b:s5+s11], $0x80, $0x38;
	[tilespmem:$0x1E400] =	vst v63  }
0x852: {  	_ = 	snop  }
0x853: {  	[tilespmem:s10], [sflag:$0x7] =	stream.linear.gather @!p0 [hbm4b:s20+s11], $0x80, $0x38;
	[tilespmem:$0x1E400] =	vst v63  }
0x854: {  	_ = 	snop  }
0x855: {  	[tilespmem:s23], [sflag:$0x7] =	stream.linear.gather @!p0 [hbm4b:s14+s11], $0x80, $0x38;
	[tilespmem:$0x1E400] =	vst v63  }
.Ltmp25:
0x856: {  	_ = 	snop;
	(pc) =	sbr.rel @p1 .LBB2_47-.Ltmp25, $4  }
0x857: {  	s0 =	simm.s32 @!p0 $0x7  }
0x858: {  	v3 =	vmov s31;
	[tilespmem:s2], [sflag:$0x7] =	stream.linear.gather @!p0 [hbm4b:s12+s11], $0x80, $0x38;
	[tilespmem:$0x1E400] =	vst v63  }
0x859: {  	_ =	swait.ge @!p0 [sflag:s0], $0x400  }
0x85a: {  	s29 =	sadd.s32 $0x400, s29;
	[sflag:s0] =	ssyncset.done @!p0 $0x0  }
0x85b: {  	_ =	sdelay $0x2  }
0x85c: {  	[sflag:s0] =	ssyncadd.s32 @!p0 $0xFFFFFC00  }
0x85d: {  	v3 =	vld.idx.msk [tilespmem:v3+s4+$0x0], $0xffff;
	_ =	sdelay $0x4  }
0x85e: {  	(v2sf) =	vpush v3, $0x0;
	_ =	sdelay $0xe  }
0x85f: {  	s0 =	spop (v2sf)  }
0x860: {  	p0 =	slt.s32 s0, $0x186A0  }
0x861: {  	s2 =	sshll.u32 @!p0 s0, $0xA;
	s0 =	sshll.u32 @!p0 s0, $0x7  }
0x862: {  	s2 =	sand.u32 @!p0 $0xFFFFE000, s2;
	s0 =	sand.u32 @!p0 $0x380, s0  }
0x863: {  	s5 =	sadd.s32 $0x80, s28;
	s0 =	sor.u32 @!p0 s0, s2  }
0x864: {  	s2 =	sand.u32 @!p0 $0x380, s5;
	s5 =	sand.u32 @!p0 $0xE000, s29;
	s0 =	sadd.s32 @!p0 $0xF9E58000, s0  }
0x865: {  	s2 =	sor.u32 @!p0 s2, s5;
	s0 =	sshrl.u32 @!p0 s0, $0x3  }
0x866: {  	s5 =	simm.s32 @!p0 $0x0;
	s2 =	sadd.s32 @!p0 $0x14400, s2;
	s0 =	sadd.s32 @!p0 s3, s0  }
0x867: {  	[tilespmem:s2], [sflag:$0x7] =	stream.linear.gather @!p0 [hbm4b:s0+s5], $0x80, $0x38;
	[tilespmem:$0x1E400] =	vst v63  }
0x868: {  	s10 =	sadd.s32 @!p0 $0x400, s2;
	s11 =	sadd.s32 @!p0 $0x80, s0  }
0x869: {  	[tilespmem:s10], [sflag:$0x7] =	stream.linear.gather @!p0 [hbm4b:s11+s5], $0x80, $0x38;
	[tilespmem:$0x1E400] =	vst v63  }
0x86a: {  	s10 =	sor.u32 @!p0 $0x800, s2;
	s11 =	sadd.s32 @!p0 $0x100, s0  }
0x86b: {  	[tilespmem:s10], [sflag:$0x7] =	stream.linear.gather @!p0 [hbm4b:s11+s5], $0x80, $0x38;
	[tilespmem:$0x1E400] =	vst v63  }
0x86c: {  	s10 =	sadd.s32 @!p0 $0xC00, s2;
	s11 =	sadd.s32 @!p0 $0x180, s0  }
0x86d: {  	[tilespmem:s10], [sflag:$0x7] =	stream.linear.gather @!p0 [hbm4b:s11+s5], $0x80, $0x38;
	[tilespmem:$0x1E400] =	vst v63  }
0x86e: {  	s10 =	sadd.s32 @!p0 $0x200, s0;
	s11 =	sor.u32 @!p0 $0x1000, s2  }
0x86f: {  	[tilespmem:s11], [sflag:$0x7] =	stream.linear.gather @!p0 [hbm4b:s10+s5], $0x80, $0x38;
	[tilespmem:$0x1E400] =	vst v63  }
0x870: {  	s10 =	sadd.s32 @!p0 $0x280, s0;
	s11 =	sadd.s32 @!p0 $0x1400, s2  }
0x871: {  	[tilespmem:s11], [sflag:$0x7] =	stream.linear.gather @!p0 [hbm4b:s10+s5], $0x80, $0x38;
	[tilespmem:$0x1E400] =	vst v63  }
0x872: {  	s10 =	sadd.s32 @!p0 $0x300, s0;
	s11 =	sor.u32 @!p0 $0x1800, s2  }
0x873: {  	[tilespmem:s11], [sflag:$0x7] =	stream.linear.gather @!p0 [hbm4b:s10+s5], $0x80, $0x38;
	[tilespmem:$0x1E400] =	vst v63  }
0x874: {  	s0 =	sadd.s32 @!p0 $0x380, s0;
	s2 =	sadd.s32 @!p0 $0x1C00, s2;
	s10 =	simm.s32 @!p0 $0x7  }
0x875: {  	[tilespmem:s2], [sflag:$0x7] =	stream.linear.gather @!p0 [hbm4b:s0+s5], $0x80, $0x38;
	[tilespmem:$0x1E400] =	vst v63  }
0x876: {  	_ =	swait.ge @!p0 [sflag:s10], $0x400  }
0x877: {  	[sflag:s10] =	ssyncset.done @!p0 $0x0  }
0x878: {  	[sflag:s10] =	ssyncadd.s32 @!p0 $0xFFFFFC00  }
.LBB2_49:
0x879: {  	s28 =	simm.s32 $0x0;
	s0 =	rddreg [dreg:$0x11]  }
0x87a: {  	[hbm4b:s0+s28] =	stream.linear.scatter [tilespmem:s16], [sflag:$0x6], $0xA000, $0x38;
	[tilespmem:$0x1E400] =	vst v63  }
0x87b: {  	_ =	swait.ge [sflag:s25], $0x8000  }
0x87c: {  	[sflag:s25] =	ssyncset.done $0x0  }
0x87d: {  	[sflag:s25] =	ssyncadd.s32 $0xFFFF8000  }
0x87e: {  	v3 =	vld [tilespmem:$0x1E0]  }
0x87f: {  	v4 =	vld [tilespmem:$0x1F0];
	_ =	sdelay $0x3  }
0x880: {  	vm1 =	vgt.s32 v3, $0x1869F  }
0x881: {  	v3 =	vmpcnt.ones.xlane vm1;
	vm1 =	vgt.s32 v4, $0x1869F  }
0x882: {  	v4 =	vmpcnt.ones.xlane vm1  }
0x883: {  	(v2sf) =	vpush v3, $0x0  }
0x884: {  	(v2sf) =	vpush v4, $0x0;
	_ =	sdelay $0xd  }
0x885: {  	s31 =	spop (v2sf)  }
0x886: {  	s2 =	spop (v2sf)  }
0x887: {  	s0 =	sadd.s32 s31, s2  }
0x888: {  	p0 =	slt.s32 s0, $0x1  }
.Ltmp26:
0x889: {  	_ = 	snop;
	(pc) =	sbr.rel @p0 .LBB2_53-.Ltmp26, $2  }
0x88a: {  	_ =	sdelay $0x2  }
0x88b: {  	s0 =	simm.s32 $0x1E0  }
0x88c: {  	v3 =	vmov s0;
	_ =	sdelay $0x4  }
0x88d: {  	v3 =	vld.idx.msk [tilespmem:v3+s4+$0x0], $0xffff;
	_ =	sdelay $0x4  }
0x88e: {  	(v2sf) =	vpush v3, $0x0;
	_ =	sdelay $0xe  }
0x88f: {  	s0 =	spop (v2sf)  }
0x890: {  	p0 =	slt.s32 s0, $0x186A0  }
0x891: {  	s2 =	sshll.u32 @!p0 s0, $0xA;
	s0 =	sshll.u32 @!p0 s0, $0x7  }
0x892: {  	s2 =	sand.u32 @!p0 $0xFFFFE000, s2;
	s0 =	sand.u32 @!p0 $0x380, s0  }
0x893: {  	s0 =	sor.u32 @!p0 s0, s2  }
0x894: {  	s5 =	sand.u32 @!p0 $0x6000, s28;
	s2 =	sand.u32 @!p0 $0x380, s28;
	s0 =	sadd.s32 @!p0 $0xF9E58000, s0  }
0x895: {  	s2 =	sor.u32 @!p0 s2, s5;
	s0 =	sshrl.u32 @!p0 s0, $0x3  }
0x896: {  	s10 =	simm.s32 @!p0 $0x0;
	s5 =	sor.u32 @!p0 $0x400, s2;
	s0 =	sadd.s32 @!p0 s3, s0  }
0x897: {  	[tilespmem:s5], [sflag:$0x7] =	stream.linear.gather @!p0 [hbm4b:s0+s10], $0x80, $0x38;
	[tilespmem:$0x1E400] =	vst v63  }
0x898: {  	s5 =	sor.u32 @!p0 $0x800, s2;
	s11 =	sadd.s32 @!p0 $0x80, s0  }
0x899: {  	[tilespmem:s5], [sflag:$0x7] =	stream.linear.gather @!p0 [hbm4b:s11+s10], $0x80, $0x38;
	[tilespmem:$0x1E400] =	vst v63  }
0x89a: {  	s5 =	sor.u32 @!p0 $0xC00, s2;
	s11 =	sadd.s32 @!p0 $0x100, s0  }
0x89b: {  	[tilespmem:s5], [sflag:$0x7] =	stream.linear.gather @!p0 [hbm4b:s11+s10], $0x80, $0x38;
	[tilespmem:$0x1E400] =	vst v63  }
0x89c: {  	s5 =	sor.u32 @!p0 $0x1000, s2;
	s11 =	sadd.s32 @!p0 $0x180, s0  }
0x89d: {  	[tilespmem:s5], [sflag:$0x7] =	stream.linear.gather @!p0 [hbm4b:s11+s10], $0x80, $0x38;
	[tilespmem:$0x1E400] =	vst v63  }
0x89e: {  	s5 =	sor.u32 @!p0 $0x1400, s2;
	s11 =	sadd.s32 @!p0 $0x200, s0  }
0x89f: {  	[tilespmem:s5], [sflag:$0x7] =	stream.linear.gather @!p0 [hbm4b:s11+s10], $0x80, $0x38;
	[tilespmem:$0x1E400] =	vst v63  }
0x8a0: {  	s5 =	sadd.s32 @!p0 $0x280, s0;
	s11 =	sor.u32 @!p0 $0x1800, s2  }
0x8a1: {  	[tilespmem:s11], [sflag:$0x7] =	stream.linear.gather @!p0 [hbm4b:s5+s10], $0x80, $0x38;
	[tilespmem:$0x1E400] =	vst v63  }
0x8a2: {  	s31 =	simm.s32 $0x1E1;
	s5 =	sadd.s32 @!p0 $0x300, s0;
	s11 =	sor.u32 @!p0 $0x1C00, s2  }
0x8a3: {  	[tilespmem:s11], [sflag:$0x7] =	stream.linear.gather @!p0 [hbm4b:s5+s10], $0x80, $0x38;
	[tilespmem:$0x1E400] =	vst v63  }
0x8a4: {  	s2 =	sadd.s32 @!p0 $0x2000, s2;
	s5 =	sadd.s32 @!p0 $0x380, s0;
	s0 =	simm.s32 @!p0 $0x7  }
0x8a5: {  	[tilespmem:s2], [sflag:$0x7] =	stream.linear.gather @!p0 [hbm4b:s5+s10], $0x80, $0x38;
	[tilespmem:$0x1E400] =	vst v63  }
0x8a6: {  	v3 =	vmov s31;
	_ =	swait.ge @!p0 [sflag:s0], $0x400  }
0x8a7: {  	s30 =	simm.s32 $0x1E2;
	s29 =	simm.s32 $0x400;
	[sflag:s0] =	ssyncset.done @!p0 $0x0  }
.LBB2_51:
0x8a8: {  	[sflag:s0] =	ssyncadd.s32 @!p0 $0xFFFFFC00  }
0x8a9: {  	s28 =	sadd.s32 $0x80, s28;
	s31 =	smov.u32 s30;
	s30 =	sadd.s32 $0x1, s30  }
0x8aa: {  	p1 =	sne.s32 s30, $0x200  }
0x8ab: {  	v3 =	vld.idx.msk [tilespmem:v3+s4+$0x0], $0xffff;
	_ =	sdelay $0x5  }
0x8ac: {  	(v2sf) =	vpush v3, $0x0;
	_ =	sdelay $0xe  }
0x8ad: {  	s0 =	spop (v2sf)  }
0x8ae: {  	p0 =	slt.s32 s0, $0x186A0  }
0x8af: {  	s2 =	sshll.u32 @!p0 s0, $0xA;
	s0 =	sshll.u32 @!p0 s0, $0x7;
	s5 =	sand.u32 @!p0 $0x380, s28  }
0x8b0: {  	s10 =	sand.u32 @!p0 $0x6000, s29;
	s2 =	sand.u32 @!p0 $0xFFFFE000, s2;
	s0 =	sand.u32 @!p0 $0x380, s0  }
0x8b1: {  	s0 =	sor.u32 @!p0 s0, s2;
	s2 =	sor.u32 @!p0 s5, s10  }
0x8b2: {  	s0 =	sadd.s32 @!p0 $0xF9E58000, s0;
	s5 =	sor.u32 @!p0 $0x400, s2;
	s10 =	sor.u32 @!p0 $0x800, s2  }
0x8b3: {  	s11 =	sor.u32 @!p0 $0xC00, s2;
	s12 =	sor.u32 @!p0 $0x1000, s2;
	s0 =	sshrl.u32 @!p0 s0, $0x3  }
0x8b4: {  	s13 =	simm.s32 @!p0 $0x0;
	s14 =	sor.u32 @!p0 $0x1400, s2;
	s0 =	sadd.s32 @!p0 s3, s0  }
0x8b5: {  	[tilespmem:s5], [sflag:$0x7] =	stream.linear.gather @!p0 [hbm4b:s0+s13], $0x80, $0x38;
	[tilespmem:$0x1E400] =	vst v63  }
0x8b6: {  	s5 =	sadd.s32 @!p0 $0x80, s0;
	s15 =	sadd.s32 @!p0 $0x100, s0;
	s20 =	sadd.s32 @!p0 $0x180, s0  }
0x8b7: {  	[tilespmem:s10], [sflag:$0x7] =	stream.linear.gather @!p0 [hbm4b:s5+s13], $0x80, $0x38;
	[tilespmem:$0x1E400] =	vst v63  }
0x8b8: {  	s23 =	sadd.s32 @!p0 $0x300, s0;
	s5 =	sadd.s32 @!p0 $0x200, s0;
	s10 =	sadd.s32 @!p0 $0x280, s0  }
0x8b9: {  	[tilespmem:s11], [sflag:$0x7] =	stream.linear.gather @!p0 [hbm4b:s15+s13], $0x80, $0x38;
	[tilespmem:$0x1E400] =	vst v63  }
0x8ba: {  	s24 =	sadd.s32 @!p0 $0x380, s0;
	s11 =	sor.u32 @!p0 $0x1800, s2;
	s15 =	sor.u32 @!p0 $0x1C00, s2  }
0x8bb: {  	[tilespmem:s12], [sflag:$0x7] =	stream.linear.gather @!p0 [hbm4b:s20+s13], $0x80, $0x38;
	[tilespmem:$0x1E400] =	vst v63  }
0x8bc: {  	s2 =	sadd.s32 @!p0 $0x2000, s2  }
0x8bd: {  	[tilespmem:s14], [sflag:$0x7] =	stream.linear.gather @!p0 [hbm4b:s5+s13], $0x80, $0x38;
	[tilespmem:$0x1E400] =	vst v63  }
0x8be: {  	_ = 	snop  }
0x8bf: {  	[tilespmem:s11], [sflag:$0x7] =	stream.linear.gather @!p0 [hbm4b:s10+s13], $0x80, $0x38;
	[tilespmem:$0x1E400] =	vst v63  }
0x8c0: {  	_ = 	snop  }
0x8c1: {  	[tilespmem:s15], [sflag:$0x7] =	stream.linear.gather @!p0 [hbm4b:s23+s13], $0x80, $0x38;
	[tilespmem:$0x1E400] =	vst v63  }
.Ltmp27:
0x8c2: {  	_ = 	snop;
	(pc) =	sbr.rel @p1 .LBB2_51-.Ltmp27, $4  }
0x8c3: {  	s0 =	simm.s32 @!p0 $0x7  }
0x8c4: {  	v3 =	vmov s31;
	[tilespmem:s2], [sflag:$0x7] =	stream.linear.gather @!p0 [hbm4b:s24+s13], $0x80, $0x38;
	[tilespmem:$0x1E400] =	vst v63  }
0x8c5: {  	_ =	swait.ge @!p0 [sflag:s0], $0x400  }
0x8c6: {  	s29 =	sadd.s32 $0x400, s29;
	[sflag:s0] =	ssyncset.done @!p0 $0x0  }
0x8c7: {  	_ =	sdelay $0x2  }
0x8c8: {  	[sflag:s0] =	ssyncadd.s32 @!p0 $0xFFFFFC00  }
0x8c9: {  	v3 =	vld.idx.msk [tilespmem:v3+s4+$0x0], $0xffff;
	_ =	sdelay $0x4  }
0x8ca: {  	(v2sf) =	vpush v3, $0x0;
	_ =	sdelay $0xe  }
0x8cb: {  	s0 =	spop (v2sf)  }
0x8cc: {  	p0 =	slt.s32 s0, $0x186A0  }
0x8cd: {  	s2 =	sshll.u32 @!p0 s0, $0xA;
	s0 =	sshll.u32 @!p0 s0, $0x7  }
0x8ce: {  	s2 =	sand.u32 @!p0 $0xFFFFE000, s2;
	s0 =	sand.u32 @!p0 $0x380, s0  }
0x8cf: {  	s5 =	sadd.s32 $0x80, s28;
	s0 =	sor.u32 @!p0 s0, s2  }
0x8d0: {  	s2 =	sand.u32 @!p0 $0x380, s5;
	s5 =	sand.u32 @!p0 $0x6000, s29;
	s0 =	sadd.s32 @!p0 $0xF9E58000, s0  }
0x8d1: {  	s2 =	sor.u32 @!p0 s2, s5;
	s0 =	sshrl.u32 @!p0 s0, $0x3  }
0x8d2: {  	s10 =	simm.s32 @!p0 $0x0;
	s5 =	sor.u32 @!p0 $0x400, s2;
	s0 =	sadd.s32 @!p0 s3, s0  }
0x8d3: {  	[tilespmem:s5], [sflag:$0x7] =	stream.linear.gather @!p0 [hbm4b:s0+s10], $0x80, $0x38;
	[tilespmem:$0x1E400] =	vst v63  }
0x8d4: {  	s5 =	sor.u32 @!p0 $0x800, s2;
	s11 =	sadd.s32 @!p0 $0x80, s0  }
0x8d5: {  	[tilespmem:s5], [sflag:$0x7] =	stream.linear.gather @!p0 [hbm4b:s11+s10], $0x80, $0x38;
	[tilespmem:$0x1E400] =	vst v63  }
0x8d6: {  	s5 =	sor.u32 @!p0 $0xC00, s2;
	s11 =	sadd.s32 @!p0 $0x100, s0  }
0x8d7: {  	[tilespmem:s5], [sflag:$0x7] =	stream.linear.gather @!p0 [hbm4b:s11+s10], $0x80, $0x38;
	[tilespmem:$0x1E400] =	vst v63  }
0x8d8: {  	s5 =	sor.u32 @!p0 $0x1000, s2;
	s11 =	sadd.s32 @!p0 $0x180, s0  }
0x8d9: {  	[tilespmem:s5], [sflag:$0x7] =	stream.linear.gather @!p0 [hbm4b:s11+s10], $0x80, $0x38;
	[tilespmem:$0x1E400] =	vst v63  }
0x8da: {  	s5 =	sor.u32 @!p0 $0x1400, s2;
	s11 =	sadd.s32 @!p0 $0x200, s0  }
0x8db: {  	[tilespmem:s5], [sflag:$0x7] =	stream.linear.gather @!p0 [hbm4b:s11+s10], $0x80, $0x38;
	[tilespmem:$0x1E400] =	vst v63  }
0x8dc: {  	s5 =	sadd.s32 @!p0 $0x280, s0;
	s11 =	sor.u32 @!p0 $0x1800, s2  }
0x8dd: {  	[tilespmem:s11], [sflag:$0x7] =	stream.linear.gather @!p0 [hbm4b:s5+s10], $0x80, $0x38;
	[tilespmem:$0x1E400] =	vst v63  }
0x8de: {  	s5 =	sadd.s32 @!p0 $0x300, s0;
	s11 =	sor.u32 @!p0 $0x1C00, s2;
	s0 =	sadd.s32 @!p0 $0x380, s0  }
0x8df: {  	[tilespmem:s11], [sflag:$0x7] =	stream.linear.gather @!p0 [hbm4b:s5+s10], $0x80, $0x38;
	[tilespmem:$0x1E400] =	vst v63  }
.Ltmp28:
0x8e0: {  	s2 =	sadd.s32 @!p0 $0x2000, s2;
	s5 =	simm.s32 @!p0 $0x7;
	(pc) =	sbr.rel .LBB2_53-.Ltmp28, $4  }
0x8e1: {  	[tilespmem:s2], [sflag:$0x7] =	stream.linear.gather @!p0 [hbm4b:s0+s10], $0x80, $0x38;
	[tilespmem:$0x1E400] =	vst v63  }
0x8e2: {  	_ =	swait.ge @!p0 [sflag:s5], $0x400  }
0x8e3: {  	[sflag:s5] =	ssyncset.done @!p0 $0x0  }
0x8e4: {  	[sflag:s5] =	ssyncadd.s32 @!p0 $0xFFFFFC00  }
.LBB2_54:
0x8e5: {  	_ =	sfence.sel $0x180000  }
0x8e6: {  	[bflag:$0x0] =	sbarrier.arrive $0xFFFF  }
0x8e7: {  	_ =	strace $0x90000047  }
0x8e8: {  	s0 =	stileid.u32;
	[bflag:$0x2] =	sbarrier.arrive $0xFFFF  }
0x8e9: {  	p0 =	sne.s32 s0, $0x0;
	s0 =	rddreg [dreg:$0x4]  }
0x8ea: {  	s0 =	sadd.s32 @!p0 $0x100000, s0  }
0x8eb: {  	[sflag:s0] =	ssyncadd.tile.s32 @!p0 $0x1;
	_ =	shalt  }
.Lfunc_end2:
_tile_overlayer_lowered:
.L_overlay_start_2:
0x8ec: {  	(tag) =	ssettag $0x2  }
0x8ed: {  	s0 =	rddreg [dreg:$0x0];
	s2 =	stileid.u32  }
0x8ee: {  	s1 =	rddreg [dreg:$0x1];
	p0 =	sne.s32 s2, $0x0  }
0x8ef: {  	s3 =	rddreg [dreg:$0x2];
	[bflag:$0x3] =	sbarrier.arrive $0xFFFF;
	s2 =	simm.s32 @!p0 $0x1C07  }
0x8f0: {  	[timem:s3], [sflag:s2] =	dma.local @!p0 [hbm:s0], s1  }
0x8f1: {  	s0 =	simm.s32 @!p0 $0x7  }
0x8f2: {  	_ =	swait.ge @!p0 [sflag:s0], s1  }
0x8f3: {  	s1 =	ssub.s32 @!p0 $0x0, s1;
	[sflag:s0] =	ssyncset.done @!p0 $0x0  }
0x8f4: {  	[sflag:s0] =	ssyncadd.s32 @!p0 s1  }
0x8f5: {  	[bflag:$0x3] =	sbarrier.arrive $0xFFFF  }
0x8f6: {  	_ =	shalt  }

</sc_bundles>
